<compile_context>
chip_gen: v7x
topology: tpu7x:2x2x1
jax: 0.10.2.dev20260603
libtpu: 0.0.44.dev20260713+nightly
codegen_flags: <defaults>
</compile_context>

<pallas_src>
import functools

import jax
import jax.numpy as jnp
from jax import lax
from jax.experimental import pallas as pl
from jax.experimental.pallas import tpu as pltpu
from jax.experimental.pallas import tpu_sc as plsc

NC = 2
NS = 16
NW = NC * NS
L = 16

F = 60
D = 32
MB = 16
CH = 120
IPM = MB * F
NCH = IPM // CH


@functools.partial(jax.jit, static_argnums=(4, 5))
def _fm_sc(xflat, embed_table, wflat, bias16, B, RPW):
  NMB = RPW // MB

  mesh = plsc.VectorSubcoreMesh(core_axis_name="c", subcore_axis_name="s")

  @functools.partial(
      pl.kernel,
      out_type=jax.ShapeDtypeStruct((B,), jnp.float32),
      mesh=mesh,
      scratch_types=[
          pltpu.VMEM((RPW * F,), jnp.int32),
          pltpu.VMEM((IPM, D), jnp.float32),
          pltpu.VMEM((IPM, D), jnp.float32),
          pltpu.VMEM((IPM + L,), jnp.float32),
          pltpu.VMEM((IPM + L,), jnp.float32),
          pltpu.VMEM((RPW,), jnp.float32),
          pltpu.VMEM((L,), jnp.float32),
          pltpu.SemaphoreType.DMA,
          pltpu.SemaphoreType.DMA,
      ],
      compiler_params=pltpu.CompilerParams(use_tc_tiling_on_sc=False),
  )
  def body(x_hbm, tab_hbm, w_hbm, bias_hbm, out_hbm,
           idx_v, ebuf0, ebuf1, wbuf0, wbuf1, obuf, bias_v, sem0, sem1):
    wid = lax.axis_index("s") * NC + lax.axis_index("c")
    base = wid * RPW
    pltpu.sync_copy(x_hbm.at[pl.ds(base * F, RPW * F)], idx_v)
    pltpu.sync_copy(bias_hbm, bias_v)

    lane = lax.iota(jnp.int32, L)
    tailmask = lane < (F - 3 * L)
    zero16 = jnp.zeros((L,), jnp.float32)

    def issue(m, ebuf, wbuf, sem):
      off = m * IPM
      for c in range(NCH):
        ii = idx_v.at[pl.ds(off + c * CH, CH)]
        pltpu.async_copy(tab_hbm.at[ii], ebuf.at[pl.ds(c * CH, CH)], sem)
        pltpu.async_copy(w_hbm.at[ii], wbuf.at[pl.ds(c * CH, CH)], sem)

    def drain(ebuf, wbuf, sem):
      pltpu.make_async_copy(tab_hbm.at[pl.ds(0, IPM)], ebuf, sem).wait()
      pltpu.make_async_copy(w_hbm.at[pl.ds(0, IPM)], wbuf.at[pl.ds(0, IPM)], sem).wait()

    def compute(m, ebuf, wbuf):
      def row_body(r, y):
        s0 = zero16
        s1 = zero16
        q0 = zero16
        q1 = zero16
        rb = r * F
        for j in range(F):
          x0 = ebuf[rb + j, pl.ds(0, L)]
          x1 = ebuf[rb + j, pl.ds(L, L)]
          s0 = s0 + x0
          s1 = s1 + x1
          q0 = q0 + x0 * x0
          q1 = q1 + x1 * x1
        wv = (wbuf[pl.ds(rb, L)] + wbuf[pl.ds(rb + L, L)]
              + wbuf[pl.ds(rb + 2 * L, L)]
              + jnp.where(tailmask, wbuf[pl.ds(rb + 3 * L, L)], 0.0))
        u = wv + 0.5 * (s0 * s0 - q0 + s1 * s1 - q1)
        z = u[0]
        for i in range(1, L):
          z = z + u[i]
        return jnp.where(lane == r, z, y)

      y = lax.fori_loop(0, MB, row_body, zero16) + bias_v[...]
      y = 1.0 / (1.0 + jnp.exp(-y))
      obuf[pl.ds(m * MB, MB)] = y

    issue(0, ebuf0, wbuf0, sem0)

    def mb_pair(k, carry):
      m0 = 2 * k
      m1 = 2 * k + 1
      issue(m1, ebuf1, wbuf1, sem1)
      drain(ebuf0, wbuf0, sem0)
      compute(m0, ebuf0, wbuf0)

      @pl.when(m1 + 1 < NMB)
      def _():
        issue(m1 + 1, ebuf0, wbuf0, sem0)

      drain(ebuf1, wbuf1, sem1)
      compute(m1, ebuf1, wbuf1)
      return carry

    lax.fori_loop(0, NMB // 2, mb_pair, 0)
    pltpu.sync_copy(obuf, out_hbm.at[pl.ds(base, RPW)])

  return body(xflat, embed_table, wflat, bias16)


def kernel(item_tag1, item_tag2, item_tag3, embed_table, w_table, bias):
  B = item_tag1.shape[0]
  X = jnp.concatenate([item_tag1, item_tag2, item_tag3], axis=1)
  xflat = X.reshape(-1).astype(jnp.int32)
  wflat = w_table.reshape(-1).astype(jnp.float32)
  bias16 = jnp.broadcast_to(bias.astype(jnp.float32), (L,))
  out = _fm_sc(xflat, embed_table, wflat, bias16, B, B // NW)
  return out.reshape(B, 1)

# --- scband reference (transcript-rebuilt; emitter-appended) ---
"""Pipeline reference for scband-fmranking-layer-26508538150921 (READ-ONLY COPY).

The authoritative reference and input builder live on the scoring server;
editing this copy changes nothing except your own understanding.
"""

import jax, jax.numpy as jnp
import numpy as np

VOCAB = 1000000
EMBED_DIM = 32
BATCH = 16384
HIST = 20

def setup_inputs(seed: int = 0) -> dict:
    key = jax.random.key(seed)
    k1, k2, k3, k4, k5, k6 = jax.random.split(key, 6)
    item_tag1 = jax.random.randint(k1, (BATCH, HIST), 0, VOCAB, dtype=jnp.int64 if jax.config.jax_enable_x64 else jnp.int32).astype(jnp.int32)
    item_tag2 = jax.random.randint(k2, (BATCH, HIST), 0, VOCAB, dtype=jnp.int32)
    item_tag3 = jax.random.randint(k3, (BATCH, HIST), 0, VOCAB, dtype=jnp.int32)
    embed_table = jax.random.normal(k4, (VOCAB, EMBED_DIM), dtype=jnp.float32) * 0.05
    w_table = jax.random.normal(k5, (VOCAB, 1), dtype=jnp.float32) * 0.05
    bias = jax.random.normal(k6, (1,), dtype=jnp.float32) * 0.05
    return {"item_tag1": item_tag1, "item_tag2": item_tag2, "item_tag3": item_tag3,
            "embed_table": embed_table, "w_table": w_table, "bias": bias}

def reference(item_tag1, item_tag2, item_tag3, embed_table, w_table, bias):
    # concat features along axis=1 -> [B, 60]
    X = jnp.concatenate([item_tag1, item_tag2, item_tag3], axis=1)
    # linear term embedding lookup -> [B, 60, 1]
    w_output = jnp.take(w_table, X, axis=0)
    # second-order embedding lookup -> [B, 60, EMBED_DIM]
    emb_output = jnp.take(embed_table, X, axis=0)
    # first order: sum over field axis -> [B, 1]
    first_order = jnp.sum(w_output, axis=1)
    # FM second order
    sum_of_square = jnp.sum(jnp.square(emb_output), axis=1)          # [B, EMBED_DIM]
    square_of_sum = jnp.square(jnp.sum(emb_output, axis=1))          # [B, EMBED_DIM]
    second_order = 0.5 * jnp.sum(square_of_sum - sum_of_square, axis=1, keepdims=True)  # [B, 1]
    output = jax.nn.sigmoid(bias + first_order + second_order)       # [B, 1]
    return output

if __name__ == "__main__":
    import jax
    _d = setup_inputs()
    print(jax.jit(kernel)(*tuple(_d.values())))

</pallas_src>

<mosaic_0001>
#map = affine_map<(d0, d1) -> (0)>
#map1 = affine_map<(d0, d1) -> (0, 0)>
module attributes {stable_mosaic.version = 14 : i64} {
  func.func @body(%arg0: i32, %arg1: i32, %arg2: memref<983040xi32, #tpu.memory_space<hbm>>, %arg3: memref<1000000x32xf32, #tpu.memory_space<hbm>>, %arg4: memref<1000000xf32, #tpu.memory_space<hbm>>, %arg5: memref<16xf32, #tpu.memory_space<hbm>>, %arg6: memref<16384xf32, #tpu.memory_space<hbm>>, %arg7: memref<30720xi32, #tpu.memory_space<vmem>>, %arg8: memref<960x32xf32, #tpu.memory_space<vmem>>, %arg9: memref<960x32xf32, #tpu.memory_space<vmem>>, %arg10: memref<976xf32, #tpu.memory_space<vmem>>, %arg11: memref<976xf32, #tpu.memory_space<vmem>>, %arg12: memref<512xf32, #tpu.memory_space<vmem>>, %arg13: memref<16xf32, #tpu.memory_space<vmem>>, %arg14: memref<!tpu.dma_semaphore, #tpu.memory_space<semaphore_mem>>, %arg15: memref<!tpu.dma_semaphore, #tpu.memory_space<semaphore_mem>>) attributes {dimension_semantics = [#tpu.dimension_semantics<core_parallel>, #tpu.dimension_semantics<subcore_parallel>], iteration_bounds = array<i64: 2, 16>, scalar_prefetch = 0 : i64, scratch_operands = 9 : i64, tpu.core_type = #tpu.core_type<sc_vector_subcore>, window_params = [{transform_indices = #map}, {transform_indices = #map1}, {transform_indices = #map}, {transform_indices = #map}, {transform_indices = #map}]} {
    %mul3A = arith.constant 2 : i32
    %mul3A_0 = arith.muli %arg1, %mul3A : i32
    %add3A = arith.addi %mul3A_0, %arg0 : i32
    %mul3A_1 = arith.constant 512 : i32
    %mul3A_2 = arith.muli %add3A, %mul3A_1 : i32
    %mul3A_3 = arith.constant 60 : i32
    %mul3A_4 = arith.muli %mul3A_2, %mul3A_3 : i32
    "tpu.region"() ({
      %run_scoped3A = tpu.sem_alloc : memref<!tpu.dma_semaphore, #tpu.memory_space<semaphore_mem>>
      %dma_start3A_124 = tpu.memref_slice %arg2[%mul3A_4] : memref<983040xi32, #tpu.memory_space<hbm>> -> memref<30720xi32, #tpu.memory_space<hbm>>
      %dma_start3A_125 = tpu.memref_slice %arg2[%mul3A_4] : memref<983040xi32, #tpu.memory_space<hbm>> -> memref<30720xi32, #tpu.memory_space<hbm>>
      tpu.enqueue_dma source(%dma_start3A_125 : memref<30720xi32, #tpu.memory_space<hbm>>) target(%arg7 : memref<30720xi32, #tpu.memory_space<vmem>>) target_semaphore(%run_scoped3A : memref<!tpu.dma_semaphore, #tpu.memory_space<semaphore_mem>>)
      %dma_wait3A = tpu.memref_slice %arg2[%mul3A_4] : memref<983040xi32, #tpu.memory_space<hbm>> -> memref<30720xi32, #tpu.memory_space<hbm>>
      %dma_wait3A_126 = tpu.memref_slice %arg2[%mul3A_4] : memref<983040xi32, #tpu.memory_space<hbm>> -> memref<30720xi32, #tpu.memory_space<hbm>>
      tpu.wait_dma2 semaphore(%run_scoped3A : memref<!tpu.dma_semaphore, #tpu.memory_space<semaphore_mem>>) src(%dma_wait3A_126 : memref<30720xi32, #tpu.memory_space<hbm>>) dst(%arg7 : memref<30720xi32, #tpu.memory_space<vmem>>)
      tpu.yield
    }) : () -> ()
    "tpu.region"() ({
      %run_scoped3A = tpu.sem_alloc : memref<!tpu.dma_semaphore, #tpu.memory_space<semaphore_mem>>
      tpu.enqueue_dma source(%arg5 : memref<16xf32, #tpu.memory_space<hbm>>) target(%arg13 : memref<16xf32, #tpu.memory_space<vmem>>) target_semaphore(%run_scoped3A : memref<!tpu.dma_semaphore, #tpu.memory_space<semaphore_mem>>)
      tpu.wait_dma2 semaphore(%run_scoped3A : memref<!tpu.dma_semaphore, #tpu.memory_space<semaphore_mem>>) src(%arg5 : memref<16xf32, #tpu.memory_space<hbm>>) dst(%arg13 : memref<16xf32, #tpu.memory_space<vmem>>)
      tpu.yield
    }) : () -> ()
    %iota3A = tpu.iota {dimensions = array<i32: 0>} : vector<16xi32>
    %lt3A = arith.constant 12 : i32
    %lt3A_5 = vector.broadcast %lt3A : i32 to vector<16xi32>
    %lt3A_6 = arith.cmpi slt, %iota3A, %lt3A_5 : vector<16xi32>
    %broadcast_in_dim3A = arith.constant 0.000000e+00 : f32
    %broadcast_in_dim3A_7 = vector.broadcast %broadcast_in_dim3A : f32 to vector<16xf32>
    %dma_start3A = arith.constant 0 : i32
    %dma_start3A_8 = arith.constant 0 : i32
    %dma_start3A_9 = tpu.memref_slice %arg8[%dma_start3A, %dma_start3A_8] : memref<960x32xf32, #tpu.memory_space<vmem>> -> memref<120x32xf32, #tpu.memory_space<vmem>>
    %dma_start3A_10 = arith.constant 0 : i32
    %dma_start3A_11 = tpu.memref_slice %arg7[%dma_start3A_10] : memref<30720xi32, #tpu.memory_space<vmem>> -> memref<120xi32, #tpu.memory_space<vmem>>
    %dma_start3A_12 = arith.constant 0 : i32
    %dma_start3A_13 = arith.constant 0 : i32
    %dma_start3A_14 = tpu.memref_slice %arg3[%dma_start3A_12, %dma_start3A_13] : memref<1000000x32xf32, #tpu.memory_space<hbm>> -> memref<1000000x32xf32, #tpu.memory_space<hbm>>
    tpu.enqueue_indirect_dma source(%dma_start3A_14 : memref<1000000x32xf32, #tpu.memory_space<hbm>>) target(%dma_start3A_9 : memref<120x32xf32, #tpu.memory_space<vmem>>) offsets(%dma_start3A_11 : memref<120xi32, #tpu.memory_space<vmem>>) semaphore(%arg14 : memref<!tpu.dma_semaphore, #tpu.memory_space<semaphore_mem>>)
    %dma_start3A_15 = arith.constant 0 : i32
    %dma_start3A_16 = tpu.memref_slice %arg10[%dma_start3A_15] : memref<976xf32, #tpu.memory_space<vmem>> -> memref<120xf32, #tpu.memory_space<vmem>>
    %dma_start3A_17 = arith.constant 0 : i32
    %dma_start3A_18 = tpu.memref_slice %arg7[%dma_start3A_17] : memref<30720xi32, #tpu.memory_space<vmem>> -> memref<120xi32, #tpu.memory_space<vmem>>
    %dma_start3A_19 = arith.constant 0 : i32
    %dma_start3A_20 = tpu.memref_slice %arg4[%dma_start3A_19] : memref<1000000xf32, #tpu.memory_space<hbm>> -> memref<1000000xf32, #tpu.memory_space<hbm>>
    tpu.enqueue_indirect_dma source(%dma_start3A_20 : memref<1000000xf32, #tpu.memory_space<hbm>>) target(%dma_start3A_16 : memref<120xf32, #tpu.memory_space<vmem>>) offsets(%dma_start3A_18 : memref<120xi32, #tpu.memory_space<vmem>>) semaphore(%arg14 : memref<!tpu.dma_semaphore, #tpu.memory_space<semaphore_mem>>)
    %dma_start3A_21 = arith.constant 120 : i32
    %dma_start3A_22 = arith.constant 0 : i32
    %dma_start3A_23 = tpu.memref_slice %arg8[%dma_start3A_21, %dma_start3A_22] : memref<960x32xf32, #tpu.memory_space<vmem>> -> memref<120x32xf32, #tpu.memory_space<vmem>>
    %dma_start3A_24 = arith.constant 120 : i32
    %dma_start3A_25 = tpu.memref_slice %arg7[%dma_start3A_24] : memref<30720xi32, #tpu.memory_space<vmem>> -> memref<120xi32, #tpu.memory_space<vmem>>
    %dma_start3A_26 = arith.constant 0 : i32
    %dma_start3A_27 = arith.constant 0 : i32
    %dma_start3A_28 = tpu.memref_slice %arg3[%dma_start3A_26, %dma_start3A_27] : memref<1000000x32xf32, #tpu.memory_space<hbm>> -> memref<1000000x32xf32, #tpu.memory_space<hbm>>
    tpu.enqueue_indirect_dma source(%dma_start3A_28 : memref<1000000x32xf32, #tpu.memory_space<hbm>>) target(%dma_start3A_23 : memref<120x32xf32, #tpu.memory_space<vmem>>) offsets(%dma_start3A_25 : memref<120xi32, #tpu.memory_space<vmem>>) semaphore(%arg14 : memref<!tpu.dma_semaphore, #tpu.memory_space<semaphore_mem>>)
    %dma_start3A_29 = arith.constant 120 : i32
    %dma_start3A_30 = tpu.memref_slice %arg10[%dma_start3A_29] : memref<976xf32, #tpu.memory_space<vmem>> -> memref<120xf32, #tpu.memory_space<vmem>>
    %dma_start3A_31 = arith.constant 120 : i32
    %dma_start3A_32 = tpu.memref_slice %arg7[%dma_start3A_31] : memref<30720xi32, #tpu.memory_space<vmem>> -> memref<120xi32, #tpu.memory_space<vmem>>
    %dma_start3A_33 = arith.constant 0 : i32
    %dma_start3A_34 = tpu.memref_slice %arg4[%dma_start3A_33] : memref<1000000xf32, #tpu.memory_space<hbm>> -> memref<1000000xf32, #tpu.memory_space<hbm>>
    tpu.enqueue_indirect_dma source(%dma_start3A_34 : memref<1000000xf32, #tpu.memory_space<hbm>>) target(%dma_start3A_30 : memref<120xf32, #tpu.memory_space<vmem>>) offsets(%dma_start3A_32 : memref<120xi32, #tpu.memory_space<vmem>>) semaphore(%arg14 : memref<!tpu.dma_semaphore, #tpu.memory_space<semaphore_mem>>)
    %dma_start3A_35 = arith.constant 240 : i32
    %dma_start3A_36 = arith.constant 0 : i32
    %dma_start3A_37 = tpu.memref_slice %arg8[%dma_start3A_35, %dma_start3A_36] : memref<960x32xf32, #tpu.memory_space<vmem>> -> memref<120x32xf32, #tpu.memory_space<vmem>>
    %dma_start3A_38 = arith.constant 240 : i32
    %dma_start3A_39 = tpu.memref_slice %arg7[%dma_start3A_38] : memref<30720xi32, #tpu.memory_space<vmem>> -> memref<120xi32, #tpu.memory_space<vmem>>
    %dma_start3A_40 = arith.constant 0 : i32
    %dma_start3A_41 = arith.constant 0 : i32
    %dma_start3A_42 = tpu.memref_slice %arg3[%dma_start3A_40, %dma_start3A_41] : memref<1000000x32xf32, #tpu.memory_space<hbm>> -> memref<1000000x32xf32, #tpu.memory_space<hbm>>
    tpu.enqueue_indirect_dma source(%dma_start3A_42 : memref<1000000x32xf32, #tpu.memory_space<hbm>>) target(%dma_start3A_37 : memref<120x32xf32, #tpu.memory_space<vmem>>) offsets(%dma_start3A_39 : memref<120xi32, #tpu.memory_space<vmem>>) semaphore(%arg14 : memref<!tpu.dma_semaphore, #tpu.memory_space<semaphore_mem>>)
    %dma_start3A_43 = arith.constant 240 : i32
    %dma_start3A_44 = tpu.memref_slice %arg10[%dma_start3A_43] : memref<976xf32, #tpu.memory_space<vmem>> -> memref<120xf32, #tpu.memory_space<vmem>>
    %dma_start3A_45 = arith.constant 240 : i32
    %dma_start3A_46 = tpu.memref_slice %arg7[%dma_start3A_45] : memref<30720xi32, #tpu.memory_space<vmem>> -> memref<120xi32, #tpu.memory_space<vmem>>
    %dma_start3A_47 = arith.constant 0 : i32
    %dma_start3A_48 = tpu.memref_slice %arg4[%dma_start3A_47] : memref<1000000xf32, #tpu.memory_space<hbm>> -> memref<1000000xf32, #tpu.memory_space<hbm>>
    tpu.enqueue_indirect_dma source(%dma_start3A_48 : memref<1000000xf32, #tpu.memory_space<hbm>>) target(%dma_start3A_44 : memref<120xf32, #tpu.memory_space<vmem>>) offsets(%dma_start3A_46 : memref<120xi32, #tpu.memory_space<vmem>>) semaphore(%arg14 : memref<!tpu.dma_semaphore, #tpu.memory_space<semaphore_mem>>)
    %dma_start3A_49 = arith.constant 360 : i32
    %dma_start3A_50 = arith.constant 0 : i32
    %dma_start3A_51 = tpu.memref_slice %arg8[%dma_start3A_49, %dma_start3A_50] : memref<960x32xf32, #tpu.memory_space<vmem>> -> memref<120x32xf32, #tpu.memory_space<vmem>>
    %dma_start3A_52 = arith.constant 360 : i32
    %dma_start3A_53 = tpu.memref_slice %arg7[%dma_start3A_52] : memref<30720xi32, #tpu.memory_space<vmem>> -> memref<120xi32, #tpu.memory_space<vmem>>
    %dma_start3A_54 = arith.constant 0 : i32
    %dma_start3A_55 = arith.constant 0 : i32
    %dma_start3A_56 = tpu.memref_slice %arg3[%dma_start3A_54, %dma_start3A_55] : memref<1000000x32xf32, #tpu.memory_space<hbm>> -> memref<1000000x32xf32, #tpu.memory_space<hbm>>
    tpu.enqueue_indirect_dma source(%dma_start3A_56 : memref<1000000x32xf32, #tpu.memory_space<hbm>>) target(%dma_start3A_51 : memref<120x32xf32, #tpu.memory_space<vmem>>) offsets(%dma_start3A_53 : memref<120xi32, #tpu.memory_space<vmem>>) semaphore(%arg14 : memref<!tpu.dma_semaphore, #tpu.memory_space<semaphore_mem>>)
    %dma_start3A_57 = arith.constant 360 : i32
    %dma_start3A_58 = tpu.memref_slice %arg10[%dma_start3A_57] : memref<976xf32, #tpu.memory_space<vmem>> -> memref<120xf32, #tpu.memory_space<vmem>>
    %dma_start3A_59 = arith.constant 360 : i32
    %dma_start3A_60 = tpu.memref_slice %arg7[%dma_start3A_59] : memref<30720xi32, #tpu.memory_space<vmem>> -> memref<120xi32, #tpu.memory_space<vmem>>
    %dma_start3A_61 = arith.constant 0 : i32
    %dma_start3A_62 = tpu.memref_slice %arg4[%dma_start3A_61] : memref<1000000xf32, #tpu.memory_space<hbm>> -> memref<1000000xf32, #tpu.memory_space<hbm>>
    tpu.enqueue_indirect_dma source(%dma_start3A_62 : memref<1000000xf32, #tpu.memory_space<hbm>>) target(%dma_start3A_58 : memref<120xf32, #tpu.memory_space<vmem>>) offsets(%dma_start3A_60 : memref<120xi32, #tpu.memory_space<vmem>>) semaphore(%arg14 : memref<!tpu.dma_semaphore, #tpu.memory_space<semaphore_mem>>)
    %dma_start3A_63 = arith.constant 480 : i32
    %dma_start3A_64 = arith.constant 0 : i32
    %dma_start3A_65 = tpu.memref_slice %arg8[%dma_start3A_63, %dma_start3A_64] : memref<960x32xf32, #tpu.memory_space<vmem>> -> memref<120x32xf32, #tpu.memory_space<vmem>>
    %dma_start3A_66 = arith.constant 480 : i32
    %dma_start3A_67 = tpu.memref_slice %arg7[%dma_start3A_66] : memref<30720xi32, #tpu.memory_space<vmem>> -> memref<120xi32, #tpu.memory_space<vmem>>
    %dma_start3A_68 = arith.constant 0 : i32
    %dma_start3A_69 = arith.constant 0 : i32
    %dma_start3A_70 = tpu.memref_slice %arg3[%dma_start3A_68, %dma_start3A_69] : memref<1000000x32xf32, #tpu.memory_space<hbm>> -> memref<1000000x32xf32, #tpu.memory_space<hbm>>
    tpu.enqueue_indirect_dma source(%dma_start3A_70 : memref<1000000x32xf32, #tpu.memory_space<hbm>>) target(%dma_start3A_65 : memref<120x32xf32, #tpu.memory_space<vmem>>) offsets(%dma_start3A_67 : memref<120xi32, #tpu.memory_space<vmem>>) semaphore(%arg14 : memref<!tpu.dma_semaphore, #tpu.memory_space<semaphore_mem>>)
    %dma_start3A_71 = arith.constant 480 : i32
    %dma_start3A_72 = tpu.memref_slice %arg10[%dma_start3A_71] : memref<976xf32, #tpu.memory_space<vmem>> -> memref<120xf32, #tpu.memory_space<vmem>>
    %dma_start3A_73 = arith.constant 480 : i32
    %dma_start3A_74 = tpu.memref_slice %arg7[%dma_start3A_73] : memref<30720xi32, #tpu.memory_space<vmem>> -> memref<120xi32, #tpu.memory_space<vmem>>
    %dma_start3A_75 = arith.constant 0 : i32
    %dma_start3A_76 = tpu.memref_slice %arg4[%dma_start3A_75] : memref<1000000xf32, #tpu.memory_space<hbm>> -> memref<1000000xf32, #tpu.memory_space<hbm>>
    tpu.enqueue_indirect_dma source(%dma_start3A_76 : memref<1000000xf32, #tpu.memory_space<hbm>>) target(%dma_start3A_72 : memref<120xf32, #tpu.memory_space<vmem>>) offsets(%dma_start3A_74 : memref<120xi32, #tpu.memory_space<vmem>>) semaphore(%arg14 : memref<!tpu.dma_semaphore, #tpu.memory_space<semaphore_mem>>)
    %dma_start3A_77 = arith.constant 600 : i32
    %dma_start3A_78 = arith.constant 0 : i32
    %dma_start3A_79 = tpu.memref_slice %arg8[%dma_start3A_77, %dma_start3A_78] : memref<960x32xf32, #tpu.memory_space<vmem>> -> memref<120x32xf32, #tpu.memory_space<vmem>>
    %dma_start3A_80 = arith.constant 600 : i32
    %dma_start3A_81 = tpu.memref_slice %arg7[%dma_start3A_80] : memref<30720xi32, #tpu.memory_space<vmem>> -> memref<120xi32, #tpu.memory_space<vmem>>
    %dma_start3A_82 = arith.constant 0 : i32
    %dma_start3A_83 = arith.constant 0 : i32
    %dma_start3A_84 = tpu.memref_slice %arg3[%dma_start3A_82, %dma_start3A_83] : memref<1000000x32xf32, #tpu.memory_space<hbm>> -> memref<1000000x32xf32, #tpu.memory_space<hbm>>
    tpu.enqueue_indirect_dma source(%dma_start3A_84 : memref<1000000x32xf32, #tpu.memory_space<hbm>>) target(%dma_start3A_79 : memref<120x32xf32, #tpu.memory_space<vmem>>) offsets(%dma_start3A_81 : memref<120xi32, #tpu.memory_space<vmem>>) semaphore(%arg14 : memref<!tpu.dma_semaphore, #tpu.memory_space<semaphore_mem>>)
    %dma_start3A_85 = arith.constant 600 : i32
    %dma_start3A_86 = tpu.memref_slice %arg10[%dma_start3A_85] : memref<976xf32, #tpu.memory_space<vmem>> -> memref<120xf32, #tpu.memory_space<vmem>>
    %dma_start3A_87 = arith.constant 600 : i32
    %dma_start3A_88 = tpu.memref_slice %arg7[%dma_start3A_87] : memref<30720xi32, #tpu.memory_space<vmem>> -> memref<120xi32, #tpu.memory_space<vmem>>
    %dma_start3A_89 = arith.constant 0 : i32
    %dma_start3A_90 = tpu.memref_slice %arg4[%dma_start3A_89] : memref<1000000xf32, #tpu.memory_space<hbm>> -> memref<1000000xf32, #tpu.memory_space<hbm>>
    tpu.enqueue_indirect_dma source(%dma_start3A_90 : memref<1000000xf32, #tpu.memory_space<hbm>>) target(%dma_start3A_86 : memref<120xf32, #tpu.memory_space<vmem>>) offsets(%dma_start3A_88 : memref<120xi32, #tpu.memory_space<vmem>>) semaphore(%arg14 : memref<!tpu.dma_semaphore, #tpu.memory_space<semaphore_mem>>)
    %dma_start3A_91 = arith.constant 720 : i32
    %dma_start3A_92 = arith.constant 0 : i32
    %dma_start3A_93 = tpu.memref_slice %arg8[%dma_start3A_91, %dma_start3A_92] : memref<960x32xf32, #tpu.memory_space<vmem>> -> memref<120x32xf32, #tpu.memory_space<vmem>>
    %dma_start3A_94 = arith.constant 720 : i32
    %dma_start3A_95 = tpu.memref_slice %arg7[%dma_start3A_94] : memref<30720xi32, #tpu.memory_space<vmem>> -> memref<120xi32, #tpu.memory_space<vmem>>
    %dma_start3A_96 = arith.constant 0 : i32
    %dma_start3A_97 = arith.constant 0 : i32
    %dma_start3A_98 = tpu.memref_slice %arg3[%dma_start3A_96, %dma_start3A_97] : memref<1000000x32xf32, #tpu.memory_space<hbm>> -> memref<1000000x32xf32, #tpu.memory_space<hbm>>
    tpu.enqueue_indirect_dma source(%dma_start3A_98 : memref<1000000x32xf32, #tpu.memory_space<hbm>>) target(%dma_start3A_93 : memref<120x32xf32, #tpu.memory_space<vmem>>) offsets(%dma_start3A_95 : memref<120xi32, #tpu.memory_space<vmem>>) semaphore(%arg14 : memref<!tpu.dma_semaphore, #tpu.memory_space<semaphore_mem>>)
    %dma_start3A_99 = arith.constant 720 : i32
    %dma_start3A_100 = tpu.memref_slice %arg10[%dma_start3A_99] : memref<976xf32, #tpu.memory_space<vmem>> -> memref<120xf32, #tpu.memory_space<vmem>>
    %dma_start3A_101 = arith.constant 720 : i32
    %dma_start3A_102 = tpu.memref_slice %arg7[%dma_start3A_101] : memref<30720xi32, #tpu.memory_space<vmem>> -> memref<120xi32, #tpu.memory_space<vmem>>
    %dma_start3A_103 = arith.constant 0 : i32
    %dma_start3A_104 = tpu.memref_slice %arg4[%dma_start3A_103] : memref<1000000xf32, #tpu.memory_space<hbm>> -> memref<1000000xf32, #tpu.memory_space<hbm>>
    tpu.enqueue_indirect_dma source(%dma_start3A_104 : memref<1000000xf32, #tpu.memory_space<hbm>>) target(%dma_start3A_100 : memref<120xf32, #tpu.memory_space<vmem>>) offsets(%dma_start3A_102 : memref<120xi32, #tpu.memory_space<vmem>>) semaphore(%arg14 : memref<!tpu.dma_semaphore, #tpu.memory_space<semaphore_mem>>)
    %dma_start3A_105 = arith.constant 840 : i32
    %dma_start3A_106 = arith.constant 0 : i32
    %dma_start3A_107 = tpu.memref_slice %arg8[%dma_start3A_105, %dma_start3A_106] : memref<960x32xf32, #tpu.memory_space<vmem>> -> memref<120x32xf32, #tpu.memory_space<vmem>>
    %dma_start3A_108 = arith.constant 840 : i32
    %dma_start3A_109 = tpu.memref_slice %arg7[%dma_start3A_108] : memref<30720xi32, #tpu.memory_space<vmem>> -> memref<120xi32, #tpu.memory_space<vmem>>
    %dma_start3A_110 = arith.constant 0 : i32
    %dma_start3A_111 = arith.constant 0 : i32
    %dma_start3A_112 = tpu.memref_slice %arg3[%dma_start3A_110, %dma_start3A_111] : memref<1000000x32xf32, #tpu.memory_space<hbm>> -> memref<1000000x32xf32, #tpu.memory_space<hbm>>
    tpu.enqueue_indirect_dma source(%dma_start3A_112 : memref<1000000x32xf32, #tpu.memory_space<hbm>>) target(%dma_start3A_107 : memref<120x32xf32, #tpu.memory_space<vmem>>) offsets(%dma_start3A_109 : memref<120xi32, #tpu.memory_space<vmem>>) semaphore(%arg14 : memref<!tpu.dma_semaphore, #tpu.memory_space<semaphore_mem>>)
    %dma_start3A_113 = arith.constant 840 : i32
    %dma_start3A_114 = tpu.memref_slice %arg10[%dma_start3A_113] : memref<976xf32, #tpu.memory_space<vmem>> -> memref<120xf32, #tpu.memory_space<vmem>>
    %dma_start3A_115 = arith.constant 840 : i32
    %dma_start3A_116 = tpu.memref_slice %arg7[%dma_start3A_115] : memref<30720xi32, #tpu.memory_space<vmem>> -> memref<120xi32, #tpu.memory_space<vmem>>
    %dma_start3A_117 = arith.constant 0 : i32
    %dma_start3A_118 = tpu.memref_slice %arg4[%dma_start3A_117] : memref<1000000xf32, #tpu.memory_space<hbm>> -> memref<1000000xf32, #tpu.memory_space<hbm>>
    tpu.enqueue_indirect_dma source(%dma_start3A_118 : memref<1000000xf32, #tpu.memory_space<hbm>>) target(%dma_start3A_114 : memref<120xf32, #tpu.memory_space<vmem>>) offsets(%dma_start3A_116 : memref<120xi32, #tpu.memory_space<vmem>>) semaphore(%arg14 : memref<!tpu.dma_semaphore, #tpu.memory_space<semaphore_mem>>)
    %scan3A = arith.constant 0 : i32
    %scan3A_119 = arith.constant 0 : i32
    %scan3A_120 = arith.constant 16 : i32
    %scan3A_121 = arith.addi %scan3A_119, %scan3A_120 : i32
    %scan3A_122 = arith.constant 1 : i32
    scf.for %scan3A_124 = %scan3A_119 to %scan3A_121 step %scan3A_122  : i32 {
      %mul3A_125 = arith.constant 2 : i32
      %mul3A_126 = arith.muli %mul3A_125, %scan3A_124 : i32
      %mul3A_127 = arith.constant 2 : i32
      %mul3A_128 = arith.muli %mul3A_127, %scan3A_124 : i32
      %add3A_129 = arith.constant 1 : i32
      %add3A_130 = arith.addi %mul3A_128, %add3A_129 : i32
      %mul3A_131 = arith.constant 960 : i32
      %mul3A_132 = arith.muli %add3A_130, %mul3A_131 : i32
      %add3A_133 = arith.constant 0 : i32
      %add3A_134 = arith.addi %mul3A_132, %add3A_133 : i32
      %dma_start3A_135 = arith.constant 0 : i32
      %dma_start3A_136 = arith.constant 0 : i32
      %dma_start3A_137 = tpu.memref_slice %arg9[%dma_start3A_135, %dma_start3A_136] : memref<960x32xf32, #tpu.memory_space<vmem>> -> memref<120x32xf32, #tpu.memory_space<vmem>>
      %dma_start3A_138 = tpu.memref_slice %arg7[%add3A_134] : memref<30720xi32, #tpu.memory_space<vmem>> -> memref<120xi32, #tpu.memory_space<vmem>>
      %dma_start3A_139 = arith.constant 0 : i32
      %dma_start3A_140 = arith.constant 0 : i32
      %dma_start3A_141 = tpu.memref_slice %arg3[%dma_start3A_139, %dma_start3A_140] : memref<1000000x32xf32, #tpu.memory_space<hbm>> -> memref<1000000x32xf32, #tpu.memory_space<hbm>>
      tpu.enqueue_indirect_dma source(%dma_start3A_141 : memref<1000000x32xf32, #tpu.memory_space<hbm>>) target(%dma_start3A_137 : memref<120x32xf32, #tpu.memory_space<vmem>>) offsets(%dma_start3A_138 : memref<120xi32, #tpu.memory_space<vmem>>) semaphore(%arg15 : memref<!tpu.dma_semaphore, #tpu.memory_space<semaphore_mem>>)
      %dma_start3A_142 = arith.constant 0 : i32
      %dma_start3A_143 = tpu.memref_slice %arg11[%dma_start3A_142] : memref<976xf32, #tpu.memory_space<vmem>> -> memref<120xf32, #tpu.memory_space<vmem>>
      %dma_start3A_144 = tpu.memref_slice %arg7[%add3A_134] : memref<30720xi32, #tpu.memory_space<vmem>> -> memref<120xi32, #tpu.memory_space<vmem>>
      %dma_start3A_145 = arith.constant 0 : i32
      %dma_start3A_146 = tpu.memref_slice %arg4[%dma_start3A_145] : memref<1000000xf32, #tpu.memory_space<hbm>> -> memref<1000000xf32, #tpu.memory_space<hbm>>
      tpu.enqueue_indirect_dma source(%dma_start3A_146 : memref<1000000xf32, #tpu.memory_space<hbm>>) target(%dma_start3A_143 : memref<120xf32, #tpu.memory_space<vmem>>) offsets(%dma_start3A_144 : memref<120xi32, #tpu.memory_space<vmem>>) semaphore(%arg15 : memref<!tpu.dma_semaphore, #tpu.memory_space<semaphore_mem>>)
      %add3A_147 = arith.constant 120 : i32
      %add3A_148 = arith.addi %mul3A_132, %add3A_147 : i32
      %dma_start3A_149 = arith.constant 120 : i32
      %dma_start3A_150 = arith.constant 0 : i32
      %dma_start3A_151 = tpu.memref_slice %arg9[%dma_start3A_149, %dma_start3A_150] : memref<960x32xf32, #tpu.memory_space<vmem>> -> memref<120x32xf32, #tpu.memory_space<vmem>>
      %dma_start3A_152 = tpu.memref_slice %arg7[%add3A_148] : memref<30720xi32, #tpu.memory_space<vmem>> -> memref<120xi32, #tpu.memory_space<vmem>>
      %dma_start3A_153 = arith.constant 0 : i32
      %dma_start3A_154 = arith.constant 0 : i32
      %dma_start3A_155 = tpu.memref_slice %arg3[%dma_start3A_153, %dma_start3A_154] : memref<1000000x32xf32, #tpu.memory_space<hbm>> -> memref<1000000x32xf32, #tpu.memory_space<hbm>>
      tpu.enqueue_indirect_dma source(%dma_start3A_155 : memref<1000000x32xf32, #tpu.memory_space<hbm>>) target(%dma_start3A_151 : memref<120x32xf32, #tpu.memory_space<vmem>>) offsets(%dma_start3A_152 : memref<120xi32, #tpu.memory_space<vmem>>) semaphore(%arg15 : memref<!tpu.dma_semaphore, #tpu.memory_space<semaphore_mem>>)
      %dma_start3A_156 = arith.constant 120 : i32
      %dma_start3A_157 = tpu.memref_slice %arg11[%dma_start3A_156] : memref<976xf32, #tpu.memory_space<vmem>> -> memref<120xf32, #tpu.memory_space<vmem>>
      %dma_start3A_158 = tpu.memref_slice %arg7[%add3A_148] : memref<30720xi32, #tpu.memory_space<vmem>> -> memref<120xi32, #tpu.memory_space<vmem>>
      %dma_start3A_159 = arith.constant 0 : i32
      %dma_start3A_160 = tpu.memref_slice %arg4[%dma_start3A_159] : memref<1000000xf32, #tpu.memory_space<hbm>> -> memref<1000000xf32, #tpu.memory_space<hbm>>
      tpu.enqueue_indirect_dma source(%dma_start3A_160 : memref<1000000xf32, #tpu.memory_space<hbm>>) target(%dma_start3A_157 : memref<120xf32, #tpu.memory_space<vmem>>) offsets(%dma_start3A_158 : memref<120xi32, #tpu.memory_space<vmem>>) semaphore(%arg15 : memref<!tpu.dma_semaphore, #tpu.memory_space<semaphore_mem>>)
      %add3A_161 = arith.constant 240 : i32
      %add3A_162 = arith.addi %mul3A_132, %add3A_161 : i32
      %dma_start3A_163 = arith.constant 240 : i32
      %dma_start3A_164 = arith.constant 0 : i32
      %dma_start3A_165 = tpu.memref_slice %arg9[%dma_start3A_163, %dma_start3A_164] : memref<960x32xf32, #tpu.memory_space<vmem>> -> memref<120x32xf32, #tpu.memory_space<vmem>>
      %dma_start3A_166 = tpu.memref_slice %arg7[%add3A_162] : memref<30720xi32, #tpu.memory_space<vmem>> -> memref<120xi32, #tpu.memory_space<vmem>>
      %dma_start3A_167 = arith.constant 0 : i32
      %dma_start3A_168 = arith.constant 0 : i32
      %dma_start3A_169 = tpu.memref_slice %arg3[%dma_start3A_167, %dma_start3A_168] : memref<1000000x32xf32, #tpu.memory_space<hbm>> -> memref<1000000x32xf32, #tpu.memory_space<hbm>>
      tpu.enqueue_indirect_dma source(%dma_start3A_169 : memref<1000000x32xf32, #tpu.memory_space<hbm>>) target(%dma_start3A_165 : memref<120x32xf32, #tpu.memory_space<vmem>>) offsets(%dma_start3A_166 : memref<120xi32, #tpu.memory_space<vmem>>) semaphore(%arg15 : memref<!tpu.dma_semaphore, #tpu.memory_space<semaphore_mem>>)
      %dma_start3A_170 = arith.constant 240 : i32
      %dma_start3A_171 = tpu.memref_slice %arg11[%dma_start3A_170] : memref<976xf32, #tpu.memory_space<vmem>> -> memref<120xf32, #tpu.memory_space<vmem>>
      %dma_start3A_172 = tpu.memref_slice %arg7[%add3A_162] : memref<30720xi32, #tpu.memory_space<vmem>> -> memref<120xi32, #tpu.memory_space<vmem>>
      %dma_start3A_173 = arith.constant 0 : i32
      %dma_start3A_174 = tpu.memref_slice %arg4[%dma_start3A_173] : memref<1000000xf32, #tpu.memory_space<hbm>> -> memref<1000000xf32, #tpu.memory_space<hbm>>
      tpu.enqueue_indirect_dma source(%dma_start3A_174 : memref<1000000xf32, #tpu.memory_space<hbm>>) target(%dma_start3A_171 : memref<120xf32, #tpu.memory_space<vmem>>) offsets(%dma_start3A_172 : memref<120xi32, #tpu.memory_space<vmem>>) semaphore(%arg15 : memref<!tpu.dma_semaphore, #tpu.memory_space<semaphore_mem>>)
      %add3A_175 = arith.constant 360 : i32
      %add3A_176 = arith.addi %mul3A_132, %add3A_175 : i32
      %dma_start3A_177 = arith.constant 360 : i32
      %dma_start3A_178 = arith.constant 0 : i32
      %dma_start3A_179 = tpu.memref_slice %arg9[%dma_start3A_177, %dma_start3A_178] : memref<960x32xf32, #tpu.memory_space<vmem>> -> memref<120x32xf32, #tpu.memory_space<vmem>>
      %dma_start3A_180 = tpu.memref_slice %arg7[%add3A_176] : memref<30720xi32, #tpu.memory_space<vmem>> -> memref<120xi32, #tpu.memory_space<vmem>>
      %dma_start3A_181 = arith.constant 0 : i32
      %dma_start3A_182 = arith.constant 0 : i32
      %dma_start3A_183 = tpu.memref_slice %arg3[%dma_start3A_181, %dma_start3A_182] : memref<1000000x32xf32, #tpu.memory_space<hbm>> -> memref<1000000x32xf32, #tpu.memory_space<hbm>>
      tpu.enqueue_indirect_dma source(%dma_start3A_183 : memref<1000000x32xf32, #tpu.memory_space<hbm>>) target(%dma_start3A_179 : memref<120x32xf32, #tpu.memory_space<vmem>>) offsets(%dma_start3A_180 : memref<120xi32, #tpu.memory_space<vmem>>) semaphore(%arg15 : memref<!tpu.dma_semaphore, #tpu.memory_space<semaphore_mem>>)
      %dma_start3A_184 = arith.constant 360 : i32
      %dma_start3A_185 = tpu.memref_slice %arg11[%dma_start3A_184] : memref<976xf32, #tpu.memory_space<vmem>> -> memref<120xf32, #tpu.memory_space<vmem>>
      %dma_start3A_186 = tpu.memref_slice %arg7[%add3A_176] : memref<30720xi32, #tpu.memory_space<vmem>> -> memref<120xi32, #tpu.memory_space<vmem>>
      %dma_start3A_187 = arith.constant 0 : i32
      %dma_start3A_188 = tpu.memref_slice %arg4[%dma_start3A_187] : memref<1000000xf32, #tpu.memory_space<hbm>> -> memref<1000000xf32, #tpu.memory_space<hbm>>
      tpu.enqueue_indirect_dma source(%dma_start3A_188 : memref<1000000xf32, #tpu.memory_space<hbm>>) target(%dma_start3A_185 : memref<120xf32, #tpu.memory_space<vmem>>) offsets(%dma_start3A_186 : memref<120xi32, #tpu.memory_space<vmem>>) semaphore(%arg15 : memref<!tpu.dma_semaphore, #tpu.memory_space<semaphore_mem>>)
      %add3A_189 = arith.constant 480 : i32
      %add3A_190 = arith.addi %mul3A_132, %add3A_189 : i32
      %dma_start3A_191 = arith.constant 480 : i32
      %dma_start3A_192 = arith.constant 0 : i32
      %dma_start3A_193 = tpu.memref_slice %arg9[%dma_start3A_191, %dma_start3A_192] : memref<960x32xf32, #tpu.memory_space<vmem>> -> memref<120x32xf32, #tpu.memory_space<vmem>>
      %dma_start3A_194 = tpu.memref_slice %arg7[%add3A_190] : memref<30720xi32, #tpu.memory_space<vmem>> -> memref<120xi32, #tpu.memory_space<vmem>>
      %dma_start3A_195 = arith.constant 0 : i32
      %dma_start3A_196 = arith.constant 0 : i32
      %dma_start3A_197 = tpu.memref_slice %arg3[%dma_start3A_195, %dma_start3A_196] : memref<1000000x32xf32, #tpu.memory_space<hbm>> -> memref<1000000x32xf32, #tpu.memory_space<hbm>>
      tpu.enqueue_indirect_dma source(%dma_start3A_197 : memref<1000000x32xf32, #tpu.memory_space<hbm>>) target(%dma_start3A_193 : memref<120x32xf32, #tpu.memory_space<vmem>>) offsets(%dma_start3A_194 : memref<120xi32, #tpu.memory_space<vmem>>) semaphore(%arg15 : memref<!tpu.dma_semaphore, #tpu.memory_space<semaphore_mem>>)
      %dma_start3A_198 = arith.constant 480 : i32
      %dma_start3A_199 = tpu.memref_slice %arg11[%dma_start3A_198] : memref<976xf32, #tpu.memory_space<vmem>> -> memref<120xf32, #tpu.memory_space<vmem>>
      %dma_start3A_200 = tpu.memref_slice %arg7[%add3A_190] : memref<30720xi32, #tpu.memory_space<vmem>> -> memref<120xi32, #tpu.memory_space<vmem>>
      %dma_start3A_201 = arith.constant 0 : i32
      %dma_start3A_202 = tpu.memref_slice %arg4[%dma_start3A_201] : memref<1000000xf32, #tpu.memory_space<hbm>> -> memref<1000000xf32, #tpu.memory_space<hbm>>
      tpu.enqueue_indirect_dma source(%dma_start3A_202 : memref<1000000xf32, #tpu.memory_space<hbm>>) target(%dma_start3A_199 : memref<120xf32, #tpu.memory_space<vmem>>) offsets(%dma_start3A_200 : memref<120xi32, #tpu.memory_space<vmem>>) semaphore(%arg15 : memref<!tpu.dma_semaphore, #tpu.memory_space<semaphore_mem>>)
      %add3A_203 = arith.constant 600 : i32
      %add3A_204 = arith.addi %mul3A_132, %add3A_203 : i32
      %dma_start3A_205 = arith.constant 600 : i32
      %dma_start3A_206 = arith.constant 0 : i32
      %dma_start3A_207 = tpu.memref_slice %arg9[%dma_start3A_205, %dma_start3A_206] : memref<960x32xf32, #tpu.memory_space<vmem>> -> memref<120x32xf32, #tpu.memory_space<vmem>>
      %dma_start3A_208 = tpu.memref_slice %arg7[%add3A_204] : memref<30720xi32, #tpu.memory_space<vmem>> -> memref<120xi32, #tpu.memory_space<vmem>>
      %dma_start3A_209 = arith.constant 0 : i32
      %dma_start3A_210 = arith.constant 0 : i32
      %dma_start3A_211 = tpu.memref_slice %arg3[%dma_start3A_209, %dma_start3A_210] : memref<1000000x32xf32, #tpu.memory_space<hbm>> -> memref<1000000x32xf32, #tpu.memory_space<hbm>>
      tpu.enqueue_indirect_dma source(%dma_start3A_211 : memref<1000000x32xf32, #tpu.memory_space<hbm>>) target(%dma_start3A_207 : memref<120x32xf32, #tpu.memory_space<vmem>>) offsets(%dma_start3A_208 : memref<120xi32, #tpu.memory_space<vmem>>) semaphore(%arg15 : memref<!tpu.dma_semaphore, #tpu.memory_space<semaphore_mem>>)
      %dma_start3A_212 = arith.constant 600 : i32
      %dma_start3A_213 = tpu.memref_slice %arg11[%dma_start3A_212] : memref<976xf32, #tpu.memory_space<vmem>> -> memref<120xf32, #tpu.memory_space<vmem>>
      %dma_start3A_214 = tpu.memref_slice %arg7[%add3A_204] : memref<30720xi32, #tpu.memory_space<vmem>> -> memref<120xi32, #tpu.memory_space<vmem>>
      %dma_start3A_215 = arith.constant 0 : i32
      %dma_start3A_216 = tpu.memref_slice %arg4[%dma_start3A_215] : memref<1000000xf32, #tpu.memory_space<hbm>> -> memref<1000000xf32, #tpu.memory_space<hbm>>
      tpu.enqueue_indirect_dma source(%dma_start3A_216 : memref<1000000xf32, #tpu.memory_space<hbm>>) target(%dma_start3A_213 : memref<120xf32, #tpu.memory_space<vmem>>) offsets(%dma_start3A_214 : memref<120xi32, #tpu.memory_space<vmem>>) semaphore(%arg15 : memref<!tpu.dma_semaphore, #tpu.memory_space<semaphore_mem>>)
      %add3A_217 = arith.constant 720 : i32
      %add3A_218 = arith.addi %mul3A_132, %add3A_217 : i32
      %dma_start3A_219 = arith.constant 720 : i32
      %dma_start3A_220 = arith.constant 0 : i32
      %dma_start3A_221 = tpu.memref_slice %arg9[%dma_start3A_219, %dma_start3A_220] : memref<960x32xf32, #tpu.memory_space<vmem>> -> memref<120x32xf32, #tpu.memory_space<vmem>>
      %dma_start3A_222 = tpu.memref_slice %arg7[%add3A_218] : memref<30720xi32, #tpu.memory_space<vmem>> -> memref<120xi32, #tpu.memory_space<vmem>>
      %dma_start3A_223 = arith.constant 0 : i32
      %dma_start3A_224 = arith.constant 0 : i32
      %dma_start3A_225 = tpu.memref_slice %arg3[%dma_start3A_223, %dma_start3A_224] : memref<1000000x32xf32, #tpu.memory_space<hbm>> -> memref<1000000x32xf32, #tpu.memory_space<hbm>>
      tpu.enqueue_indirect_dma source(%dma_start3A_225 : memref<1000000x32xf32, #tpu.memory_space<hbm>>) target(%dma_start3A_221 : memref<120x32xf32, #tpu.memory_space<vmem>>) offsets(%dma_start3A_222 : memref<120xi32, #tpu.memory_space<vmem>>) semaphore(%arg15 : memref<!tpu.dma_semaphore, #tpu.memory_space<semaphore_mem>>)
      %dma_start3A_226 = arith.constant 720 : i32
      %dma_start3A_227 = tpu.memref_slice %arg11[%dma_start3A_226] : memref<976xf32, #tpu.memory_space<vmem>> -> memref<120xf32, #tpu.memory_space<vmem>>
      %dma_start3A_228 = tpu.memref_slice %arg7[%add3A_218] : memref<30720xi32, #tpu.memory_space<vmem>> -> memref<120xi32, #tpu.memory_space<vmem>>
      %dma_start3A_229 = arith.constant 0 : i32
      %dma_start3A_230 = tpu.memref_slice %arg4[%dma_start3A_229] : memref<1000000xf32, #tpu.memory_space<hbm>> -> memref<1000000xf32, #tpu.memory_space<hbm>>
      tpu.enqueue_indirect_dma source(%dma_start3A_230 : memref<1000000xf32, #tpu.memory_space<hbm>>) target(%dma_start3A_227 : memref<120xf32, #tpu.memory_space<vmem>>) offsets(%dma_start3A_228 : memref<120xi32, #tpu.memory_space<vmem>>) semaphore(%arg15 : memref<!tpu.dma_semaphore, #tpu.memory_space<semaphore_mem>>)
      %add3A_231 = arith.constant 840 : i32
      %add3A_232 = arith.addi %mul3A_132, %add3A_231 : i32
      %dma_start3A_233 = arith.constant 840 : i32
      %dma_start3A_234 = arith.constant 0 : i32
      %dma_start3A_235 = tpu.memref_slice %arg9[%dma_start3A_233, %dma_start3A_234] : memref<960x32xf32, #tpu.memory_space<vmem>> -> memref<120x32xf32, #tpu.memory_space<vmem>>
      %dma_start3A_236 = tpu.memref_slice %arg7[%add3A_232] : memref<30720xi32, #tpu.memory_space<vmem>> -> memref<120xi32, #tpu.memory_space<vmem>>
      %dma_start3A_237 = arith.constant 0 : i32
      %dma_start3A_238 = arith.constant 0 : i32
      %dma_start3A_239 = tpu.memref_slice %arg3[%dma_start3A_237, %dma_start3A_238] : memref<1000000x32xf32, #tpu.memory_space<hbm>> -> memref<1000000x32xf32, #tpu.memory_space<hbm>>
      tpu.enqueue_indirect_dma source(%dma_start3A_239 : memref<1000000x32xf32, #tpu.memory_space<hbm>>) target(%dma_start3A_235 : memref<120x32xf32, #tpu.memory_space<vmem>>) offsets(%dma_start3A_236 : memref<120xi32, #tpu.memory_space<vmem>>) semaphore(%arg15 : memref<!tpu.dma_semaphore, #tpu.memory_space<semaphore_mem>>)
      %dma_start3A_240 = arith.constant 840 : i32
      %dma_start3A_241 = tpu.memref_slice %arg11[%dma_start3A_240] : memref<976xf32, #tpu.memory_space<vmem>> -> memref<120xf32, #tpu.memory_space<vmem>>
      %dma_start3A_242 = tpu.memref_slice %arg7[%add3A_232] : memref<30720xi32, #tpu.memory_space<vmem>> -> memref<120xi32, #tpu.memory_space<vmem>>
      %dma_start3A_243 = arith.constant 0 : i32
      %dma_start3A_244 = tpu.memref_slice %arg4[%dma_start3A_243] : memref<1000000xf32, #tpu.memory_space<hbm>> -> memref<1000000xf32, #tpu.memory_space<hbm>>
      tpu.enqueue_indirect_dma source(%dma_start3A_244 : memref<1000000xf32, #tpu.memory_space<hbm>>) target(%dma_start3A_241 : memref<120xf32, #tpu.memory_space<vmem>>) offsets(%dma_start3A_242 : memref<120xi32, #tpu.memory_space<vmem>>) semaphore(%arg15 : memref<!tpu.dma_semaphore, #tpu.memory_space<semaphore_mem>>)
      %dma_wait3A = arith.constant 0 : i32
      %dma_wait3A_245 = arith.constant 0 : i32
      %dma_wait3A_246 = tpu.memref_slice %arg3[%dma_wait3A, %dma_wait3A_245] : memref<1000000x32xf32, #tpu.memory_space<hbm>> -> memref<960x32xf32, #tpu.memory_space<hbm>>
      %dma_wait3A_247 = arith.constant 0 : i32
      %dma_wait3A_248 = arith.constant 0 : i32
      %dma_wait3A_249 = tpu.memref_slice %arg3[%dma_wait3A_247, %dma_wait3A_248] : memref<1000000x32xf32, #tpu.memory_space<hbm>> -> memref<960x32xf32, #tpu.memory_space<hbm>>
      tpu.wait_dma2 semaphore(%arg14 : memref<!tpu.dma_semaphore, #tpu.memory_space<semaphore_mem>>) src(%dma_wait3A_249 : memref<960x32xf32, #tpu.memory_space<hbm>>) dst(%arg8 : memref<960x32xf32, #tpu.memory_space<vmem>>)
      %dma_wait3A_250 = arith.constant 0 : i32
      %dma_wait3A_251 = tpu.memref_slice %arg10[%dma_wait3A_250] : memref<976xf32, #tpu.memory_space<vmem>> -> memref<960xf32, #tpu.memory_space<vmem>>
      %dma_wait3A_252 = arith.constant 0 : i32
      %dma_wait3A_253 = tpu.memref_slice %arg4[%dma_wait3A_252] : memref<1000000xf32, #tpu.memory_space<hbm>> -> memref<960xf32, #tpu.memory_space<hbm>>
      %dma_wait3A_254 = arith.constant 0 : i32
      %dma_wait3A_255 = tpu.memref_slice %arg10[%dma_wait3A_254] : memref<976xf32, #tpu.memory_space<vmem>> -> memref<960xf32, #tpu.memory_space<vmem>>
      %dma_wait3A_256 = arith.constant 0 : i32
      %dma_wait3A_257 = tpu.memref_slice %arg4[%dma_wait3A_256] : memref<1000000xf32, #tpu.memory_space<hbm>> -> memref<960xf32, #tpu.memory_space<hbm>>
      tpu.wait_dma2 semaphore(%arg14 : memref<!tpu.dma_semaphore, #tpu.memory_space<semaphore_mem>>) src(%dma_wait3A_257 : memref<960xf32, #tpu.memory_space<hbm>>) dst(%dma_wait3A_255 : memref<960xf32, #tpu.memory_space<vmem>>)
      %scan3A_258 = arith.constant 0 : i32
      %scan3A_259 = arith.constant 16 : i32
      %scan3A_260 = arith.addi %scan3A_258, %scan3A_259 : i32
      %scan3A_261 = arith.constant 1 : i32
      %scan3A_262 = scf.for %scan3A_324 = %scan3A_258 to %scan3A_260 step %scan3A_261 iter_args(%scan3A_325 = %broadcast_in_dim3A_7) -> (vector<16xf32>)  : i32 {
        %mul3A_326 = arith.constant 60 : i32
        %mul3A_327 = arith.muli %scan3A_324, %mul3A_326 : i32
        %add3A_328 = arith.constant 0 : i32
        %add3A_329 = arith.addi %mul3A_327, %add3A_328 : i32
        %get3A_330 = arith.index_cast %add3A_329 : i32 to index
        %get3A_331 = arith.constant 0 : index
        %get3A_332 = tpu.vector_load %arg8[%get3A_330, %get3A_331] {strides = array<i32>} : memref<960x32xf32, #tpu.memory_space<vmem>>, vector<1x16xf32>,
        %get3A_333 = vector.shape_cast %get3A_332 : vector<1x16xf32> to vector<16xf32>
        %add3A_334 = arith.constant 0 : i32
        %add3A_335 = arith.addi %mul3A_327, %add3A_334 : i32
        %get3A_336 = arith.index_cast %add3A_335 : i32 to index
        %get3A_337 = arith.constant 16 : index
        %get3A_338 = tpu.vector_load %arg8[%get3A_336, %get3A_337] {strides = array<i32>} : memref<960x32xf32, #tpu.memory_space<vmem>>, vector<1x16xf32>,
        %get3A_339 = vector.shape_cast %get3A_338 : vector<1x16xf32> to vector<16xf32>
        %add3A_340 = arith.addf %broadcast_in_dim3A_7, %get3A_333 : vector<16xf32>
        %add3A_341 = arith.addf %broadcast_in_dim3A_7, %get3A_339 : vector<16xf32>
        %mul3A_342 = arith.mulf %get3A_333, %get3A_333 : vector<16xf32>
        %add3A_343 = arith.addf %broadcast_in_dim3A_7, %mul3A_342 : vector<16xf32>
        %mul3A_344 = arith.mulf %get3A_339, %get3A_339 : vector<16xf32>
        %add3A_345 = arith.addf %broadcast_in_dim3A_7, %mul3A_344 : vector<16xf32>
        %add3A_346 = arith.constant 1 : i32
        %add3A_347 = arith.addi %mul3A_327, %add3A_346 : i32
        %get3A_348 = arith.index_cast %add3A_347 : i32 to index
        %get3A_349 = arith.constant 0 : index
        %get3A_350 = tpu.vector_load %arg8[%get3A_348, %get3A_349] {strides = array<i32>} : memref<960x32xf32, #tpu.memory_space<vmem>>, vector<1x16xf32>,
        %get3A_351 = vector.shape_cast %get3A_350 : vector<1x16xf32> to vector<16xf32>
        %add3A_352 = arith.constant 1 : i32
        %add3A_353 = arith.addi %mul3A_327, %add3A_352 : i32
        %get3A_354 = arith.index_cast %add3A_353 : i32 to index
        %get3A_355 = arith.constant 16 : index
        %get3A_356 = tpu.vector_load %arg8[%get3A_354, %get3A_355] {strides = array<i32>} : memref<960x32xf32, #tpu.memory_space<vmem>>, vector<1x16xf32>,
        %get3A_357 = vector.shape_cast %get3A_356 : vector<1x16xf32> to vector<16xf32>
        %add3A_358 = arith.addf %add3A_340, %get3A_351 : vector<16xf32>
        %add3A_359 = arith.addf %add3A_341, %get3A_357 : vector<16xf32>
        %mul3A_360 = arith.mulf %get3A_351, %get3A_351 : vector<16xf32>
        %add3A_361 = arith.addf %add3A_343, %mul3A_360 : vector<16xf32>
        %mul3A_362 = arith.mulf %get3A_357, %get3A_357 : vector<16xf32>
        %add3A_363 = arith.addf %add3A_345, %mul3A_362 : vector<16xf32>
        %add3A_364 = arith.constant 2 : i32
        %add3A_365 = arith.addi %mul3A_327, %add3A_364 : i32
        %get3A_366 = arith.index_cast %add3A_365 : i32 to index
        %get3A_367 = arith.constant 0 : index
        %get3A_368 = tpu.vector_load %arg8[%get3A_366, %get3A_367] {strides = array<i32>} : memref<960x32xf32, #tpu.memory_space<vmem>>, vector<1x16xf32>,
        %get3A_369 = vector.shape_cast %get3A_368 : vector<1x16xf32> to vector<16xf32>
        %add3A_370 = arith.constant 2 : i32
        %add3A_371 = arith.addi %mul3A_327, %add3A_370 : i32
        %get3A_372 = arith.index_cast %add3A_371 : i32 to index
        %get3A_373 = arith.constant 16 : index
        %get3A_374 = tpu.vector_load %arg8[%get3A_372, %get3A_373] {strides = array<i32>} : memref<960x32xf32, #tpu.memory_space<vmem>>, vector<1x16xf32>,
        %get3A_375 = vector.shape_cast %get3A_374 : vector<1x16xf32> to vector<16xf32>
        %add3A_376 = arith.addf %add3A_358, %get3A_369 : vector<16xf32>
        %add3A_377 = arith.addf %add3A_359, %get3A_375 : vector<16xf32>
        %mul3A_378 = arith.mulf %get3A_369, %get3A_369 : vector<16xf32>
        %add3A_379 = arith.addf %add3A_361, %mul3A_378 : vector<16xf32>
        %mul3A_380 = arith.mulf %get3A_375, %get3A_375 : vector<16xf32>
        %add3A_381 = arith.addf %add3A_363, %mul3A_380 : vector<16xf32>
        %add3A_382 = arith.constant 3 : i32
        %add3A_383 = arith.addi %mul3A_327, %add3A_382 : i32
        %get3A_384 = arith.index_cast %add3A_383 : i32 to index
        %get3A_385 = arith.constant 0 : index
        %get3A_386 = tpu.vector_load %arg8[%get3A_384, %get3A_385] {strides = array<i32>} : memref<960x32xf32, #tpu.memory_space<vmem>>, vector<1x16xf32>,
        %get3A_387 = vector.shape_cast %get3A_386 : vector<1x16xf32> to vector<16xf32>
        %add3A_388 = arith.constant 3 : i32
        %add3A_389 = arith.addi %mul3A_327, %add3A_388 : i32
        %get3A_390 = arith.index_cast %add3A_389 : i32 to index
        %get3A_391 = arith.constant 16 : index
        %get3A_392 = tpu.vector_load %arg8[%get3A_390, %get3A_391] {strides = array<i32>} : memref<960x32xf32, #tpu.memory_space<vmem>>, vector<1x16xf32>,
        %get3A_393 = vector.shape_cast %get3A_392 : vector<1x16xf32> to vector<16xf32>
        %add3A_394 = arith.addf %add3A_376, %get3A_387 : vector<16xf32>
        %add3A_395 = arith.addf %add3A_377, %get3A_393 : vector<16xf32>
        %mul3A_396 = arith.mulf %get3A_387, %get3A_387 : vector<16xf32>
        %add3A_397 = arith.addf %add3A_379, %mul3A_396 : vector<16xf32>
        %mul3A_398 = arith.mulf %get3A_393, %get3A_393 : vector<16xf32>
        %add3A_399 = arith.addf %add3A_381, %mul3A_398 : vector<16xf32>
        %add3A_400 = arith.constant 4 : i32
        %add3A_401 = arith.addi %mul3A_327, %add3A_400 : i32
        %get3A_402 = arith.index_cast %add3A_401 : i32 to index
        %get3A_403 = arith.constant 0 : index
        %get3A_404 = tpu.vector_load %arg8[%get3A_402, %get3A_403] {strides = array<i32>} : memref<960x32xf32, #tpu.memory_space<vmem>>, vector<1x16xf32>,
        %get3A_405 = vector.shape_cast %get3A_404 : vector<1x16xf32> to vector<16xf32>
        %add3A_406 = arith.constant 4 : i32
        %add3A_407 = arith.addi %mul3A_327, %add3A_406 : i32
        %get3A_408 = arith.index_cast %add3A_407 : i32 to index
        %get3A_409 = arith.constant 16 : index
        %get3A_410 = tpu.vector_load %arg8[%get3A_408, %get3A_409] {strides = array<i32>} : memref<960x32xf32, #tpu.memory_space<vmem>>, vector<1x16xf32>,
        %get3A_411 = vector.shape_cast %get3A_410 : vector<1x16xf32> to vector<16xf32>
        %add3A_412 = arith.addf %add3A_394, %get3A_405 : vector<16xf32>
        %add3A_413 = arith.addf %add3A_395, %get3A_411 : vector<16xf32>
        %mul3A_414 = arith.mulf %get3A_405, %get3A_405 : vector<16xf32>
        %add3A_415 = arith.addf %add3A_397, %mul3A_414 : vector<16xf32>
        %mul3A_416 = arith.mulf %get3A_411, %get3A_411 : vector<16xf32>
        %add3A_417 = arith.addf %add3A_399, %mul3A_416 : vector<16xf32>
        %add3A_418 = arith.constant 5 : i32
        %add3A_419 = arith.addi %mul3A_327, %add3A_418 : i32
        %get3A_420 = arith.index_cast %add3A_419 : i32 to index
        %get3A_421 = arith.constant 0 : index
        %get3A_422 = tpu.vector_load %arg8[%get3A_420, %get3A_421] {strides = array<i32>} : memref<960x32xf32, #tpu.memory_space<vmem>>, vector<1x16xf32>,
        %get3A_423 = vector.shape_cast %get3A_422 : vector<1x16xf32> to vector<16xf32>
        %add3A_424 = arith.constant 5 : i32
        %add3A_425 = arith.addi %mul3A_327, %add3A_424 : i32
        %get3A_426 = arith.index_cast %add3A_425 : i32 to index
        %get3A_427 = arith.constant 16 : index
        %get3A_428 = tpu.vector_load %arg8[%get3A_426, %get3A_427] {strides = array<i32>} : memref<960x32xf32, #tpu.memory_space<vmem>>, vector<1x16xf32>,
        %get3A_429 = vector.shape_cast %get3A_428 : vector<1x16xf32> to vector<16xf32>
        %add3A_430 = arith.addf %add3A_412, %get3A_423 : vector<16xf32>
        %add3A_431 = arith.addf %add3A_413, %get3A_429 : vector<16xf32>
        %mul3A_432 = arith.mulf %get3A_423, %get3A_423 : vector<16xf32>
        %add3A_433 = arith.addf %add3A_415, %mul3A_432 : vector<16xf32>
        %mul3A_434 = arith.mulf %get3A_429, %get3A_429 : vector<16xf32>
        %add3A_435 = arith.addf %add3A_417, %mul3A_434 : vector<16xf32>
        %add3A_436 = arith.constant 6 : i32
        %add3A_437 = arith.addi %mul3A_327, %add3A_436 : i32
        %get3A_438 = arith.index_cast %add3A_437 : i32 to index
        %get3A_439 = arith.constant 0 : index
        %get3A_440 = tpu.vector_load %arg8[%get3A_438, %get3A_439] {strides = array<i32>} : memref<960x32xf32, #tpu.memory_space<vmem>>, vector<1x16xf32>,
        %get3A_441 = vector.shape_cast %get3A_440 : vector<1x16xf32> to vector<16xf32>
        %add3A_442 = arith.constant 6 : i32
        %add3A_443 = arith.addi %mul3A_327, %add3A_442 : i32
        %get3A_444 = arith.index_cast %add3A_443 : i32 to index
        %get3A_445 = arith.constant 16 : index
        %get3A_446 = tpu.vector_load %arg8[%get3A_444, %get3A_445] {strides = array<i32>} : memref<960x32xf32, #tpu.memory_space<vmem>>, vector<1x16xf32>,
        %get3A_447 = vector.shape_cast %get3A_446 : vector<1x16xf32> to vector<16xf32>
        %add3A_448 = arith.addf %add3A_430, %get3A_441 : vector<16xf32>
        %add3A_449 = arith.addf %add3A_431, %get3A_447 : vector<16xf32>
        %mul3A_450 = arith.mulf %get3A_441, %get3A_441 : vector<16xf32>
        %add3A_451 = arith.addf %add3A_433, %mul3A_450 : vector<16xf32>
        %mul3A_452 = arith.mulf %get3A_447, %get3A_447 : vector<16xf32>
        %add3A_453 = arith.addf %add3A_435, %mul3A_452 : vector<16xf32>
        %add3A_454 = arith.constant 7 : i32
        %add3A_455 = arith.addi %mul3A_327, %add3A_454 : i32
        %get3A_456 = arith.index_cast %add3A_455 : i32 to index
        %get3A_457 = arith.constant 0 : index
        %get3A_458 = tpu.vector_load %arg8[%get3A_456, %get3A_457] {strides = array<i32>} : memref<960x32xf32, #tpu.memory_space<vmem>>, vector<1x16xf32>,
        %get3A_459 = vector.shape_cast %get3A_458 : vector<1x16xf32> to vector<16xf32>
        %add3A_460 = arith.constant 7 : i32
        %add3A_461 = arith.addi %mul3A_327, %add3A_460 : i32
        %get3A_462 = arith.index_cast %add3A_461 : i32 to index
        %get3A_463 = arith.constant 16 : index
        %get3A_464 = tpu.vector_load %arg8[%get3A_462, %get3A_463] {strides = array<i32>} : memref<960x32xf32, #tpu.memory_space<vmem>>, vector<1x16xf32>,
        %get3A_465 = vector.shape_cast %get3A_464 : vector<1x16xf32> to vector<16xf32>
        %add3A_466 = arith.addf %add3A_448, %get3A_459 : vector<16xf32>
        %add3A_467 = arith.addf %add3A_449, %get3A_465 : vector<16xf32>
        %mul3A_468 = arith.mulf %get3A_459, %get3A_459 : vector<16xf32>
        %add3A_469 = arith.addf %add3A_451, %mul3A_468 : vector<16xf32>
        %mul3A_470 = arith.mulf %get3A_465, %get3A_465 : vector<16xf32>
        %add3A_471 = arith.addf %add3A_453, %mul3A_470 : vector<16xf32>
        %add3A_472 = arith.constant 8 : i32
        %add3A_473 = arith.addi %mul3A_327, %add3A_472 : i32
        %get3A_474 = arith.index_cast %add3A_473 : i32 to index
        %get3A_475 = arith.constant 0 : index
        %get3A_476 = tpu.vector_load %arg8[%get3A_474, %get3A_475] {strides = array<i32>} : memref<960x32xf32, #tpu.memory_space<vmem>>, vector<1x16xf32>,
        %get3A_477 = vector.shape_cast %get3A_476 : vector<1x16xf32> to vector<16xf32>
        %add3A_478 = arith.constant 8 : i32
        %add3A_479 = arith.addi %mul3A_327, %add3A_478 : i32
        %get3A_480 = arith.index_cast %add3A_479 : i32 to index
        %get3A_481 = arith.constant 16 : index
        %get3A_482 = tpu.vector_load %arg8[%get3A_480, %get3A_481] {strides = array<i32>} : memref<960x32xf32, #tpu.memory_space<vmem>>, vector<1x16xf32>,
        %get3A_483 = vector.shape_cast %get3A_482 : vector<1x16xf32> to vector<16xf32>
        %add3A_484 = arith.addf %add3A_466, %get3A_477 : vector<16xf32>
        %add3A_485 = arith.addf %add3A_467, %get3A_483 : vector<16xf32>
        %mul3A_486 = arith.mulf %get3A_477, %get3A_477 : vector<16xf32>
        %add3A_487 = arith.addf %add3A_469, %mul3A_486 : vector<16xf32>
        %mul3A_488 = arith.mulf %get3A_483, %get3A_483 : vector<16xf32>
        %add3A_489 = arith.addf %add3A_471, %mul3A_488 : vector<16xf32>
        %add3A_490 = arith.constant 9 : i32
        %add3A_491 = arith.addi %mul3A_327, %add3A_490 : i32
        %get3A_492 = arith.index_cast %add3A_491 : i32 to index
        %get3A_493 = arith.constant 0 : index
        %get3A_494 = tpu.vector_load %arg8[%get3A_492, %get3A_493] {strides = array<i32>} : memref<960x32xf32, #tpu.memory_space<vmem>>, vector<1x16xf32>,
        %get3A_495 = vector.shape_cast %get3A_494 : vector<1x16xf32> to vector<16xf32>
        %add3A_496 = arith.constant 9 : i32
        %add3A_497 = arith.addi %mul3A_327, %add3A_496 : i32
        %get3A_498 = arith.index_cast %add3A_497 : i32 to index
        %get3A_499 = arith.constant 16 : index
        %get3A_500 = tpu.vector_load %arg8[%get3A_498, %get3A_499] {strides = array<i32>} : memref<960x32xf32, #tpu.memory_space<vmem>>, vector<1x16xf32>,
        %get3A_501 = vector.shape_cast %get3A_500 : vector<1x16xf32> to vector<16xf32>
        %add3A_502 = arith.addf %add3A_484, %get3A_495 : vector<16xf32>
        %add3A_503 = arith.addf %add3A_485, %get3A_501 : vector<16xf32>
        %mul3A_504 = arith.mulf %get3A_495, %get3A_495 : vector<16xf32>
        %add3A_505 = arith.addf %add3A_487, %mul3A_504 : vector<16xf32>
        %mul3A_506 = arith.mulf %get3A_501, %get3A_501 : vector<16xf32>
        %add3A_507 = arith.addf %add3A_489, %mul3A_506 : vector<16xf32>
        %add3A_508 = arith.constant 10 : i32
        %add3A_509 = arith.addi %mul3A_327, %add3A_508 : i32
        %get3A_510 = arith.index_cast %add3A_509 : i32 to index
        %get3A_511 = arith.constant 0 : index
        %get3A_512 = tpu.vector_load %arg8[%get3A_510, %get3A_511] {strides = array<i32>} : memref<960x32xf32, #tpu.memory_space<vmem>>, vector<1x16xf32>,
        %get3A_513 = vector.shape_cast %get3A_512 : vector<1x16xf32> to vector<16xf32>
        %add3A_514 = arith.constant 10 : i32
        %add3A_515 = arith.addi %mul3A_327, %add3A_514 : i32
        %get3A_516 = arith.index_cast %add3A_515 : i32 to index
        %get3A_517 = arith.constant 16 : index
        %get3A_518 = tpu.vector_load %arg8[%get3A_516, %get3A_517] {strides = array<i32>} : memref<960x32xf32, #tpu.memory_space<vmem>>, vector<1x16xf32>,
        %get3A_519 = vector.shape_cast %get3A_518 : vector<1x16xf32> to vector<16xf32>
        %add3A_520 = arith.addf %add3A_502, %get3A_513 : vector<16xf32>
        %add3A_521 = arith.addf %add3A_503, %get3A_519 : vector<16xf32>
        %mul3A_522 = arith.mulf %get3A_513, %get3A_513 : vector<16xf32>
        %add3A_523 = arith.addf %add3A_505, %mul3A_522 : vector<16xf32>
        %mul3A_524 = arith.mulf %get3A_519, %get3A_519 : vector<16xf32>
        %add3A_525 = arith.addf %add3A_507, %mul3A_524 : vector<16xf32>
        %add3A_526 = arith.constant 11 : i32
        %add3A_527 = arith.addi %mul3A_327, %add3A_526 : i32
        %get3A_528 = arith.index_cast %add3A_527 : i32 to index
        %get3A_529 = arith.constant 0 : index
        %get3A_530 = tpu.vector_load %arg8[%get3A_528, %get3A_529] {strides = array<i32>} : memref<960x32xf32, #tpu.memory_space<vmem>>, vector<1x16xf32>,
        %get3A_531 = vector.shape_cast %get3A_530 : vector<1x16xf32> to vector<16xf32>
        %add3A_532 = arith.constant 11 : i32
        %add3A_533 = arith.addi %mul3A_327, %add3A_532 : i32
        %get3A_534 = arith.index_cast %add3A_533 : i32 to index
        %get3A_535 = arith.constant 16 : index
        %get3A_536 = tpu.vector_load %arg8[%get3A_534, %get3A_535] {strides = array<i32>} : memref<960x32xf32, #tpu.memory_space<vmem>>, vector<1x16xf32>,
        %get3A_537 = vector.shape_cast %get3A_536 : vector<1x16xf32> to vector<16xf32>
        %add3A_538 = arith.addf %add3A_520, %get3A_531 : vector<16xf32>
        %add3A_539 = arith.addf %add3A_521, %get3A_537 : vector<16xf32>
        %mul3A_540 = arith.mulf %get3A_531, %get3A_531 : vector<16xf32>
        %add3A_541 = arith.addf %add3A_523, %mul3A_540 : vector<16xf32>
        %mul3A_542 = arith.mulf %get3A_537, %get3A_537 : vector<16xf32>
        %add3A_543 = arith.addf %add3A_525, %mul3A_542 : vector<16xf32>
        %add3A_544 = arith.constant 12 : i32
        %add3A_545 = arith.addi %mul3A_327, %add3A_544 : i32
        %get3A_546 = arith.index_cast %add3A_545 : i32 to index
        %get3A_547 = arith.constant 0 : index
        %get3A_548 = tpu.vector_load %arg8[%get3A_546, %get3A_547] {strides = array<i32>} : memref<960x32xf32, #tpu.memory_space<vmem>>, vector<1x16xf32>,
        %get3A_549 = vector.shape_cast %get3A_548 : vector<1x16xf32> to vector<16xf32>
        %add3A_550 = arith.constant 12 : i32
        %add3A_551 = arith.addi %mul3A_327, %add3A_550 : i32
        %get3A_552 = arith.index_cast %add3A_551 : i32 to index
        %get3A_553 = arith.constant 16 : index
        %get3A_554 = tpu.vector_load %arg8[%get3A_552, %get3A_553] {strides = array<i32>} : memref<960x32xf32, #tpu.memory_space<vmem>>, vector<1x16xf32>,
        %get3A_555 = vector.shape_cast %get3A_554 : vector<1x16xf32> to vector<16xf32>
        %add3A_556 = arith.addf %add3A_538, %get3A_549 : vector<16xf32>
        %add3A_557 = arith.addf %add3A_539, %get3A_555 : vector<16xf32>
        %mul3A_558 = arith.mulf %get3A_549, %get3A_549 : vector<16xf32>
        %add3A_559 = arith.addf %add3A_541, %mul3A_558 : vector<16xf32>
        %mul3A_560 = arith.mulf %get3A_555, %get3A_555 : vector<16xf32>
        %add3A_561 = arith.addf %add3A_543, %mul3A_560 : vector<16xf32>
        %add3A_562 = arith.constant 13 : i32
        %add3A_563 = arith.addi %mul3A_327, %add3A_562 : i32
        %get3A_564 = arith.index_cast %add3A_563 : i32 to index
        %get3A_565 = arith.constant 0 : index
        %get3A_566 = tpu.vector_load %arg8[%get3A_564, %get3A_565] {strides = array<i32>} : memref<960x32xf32, #tpu.memory_space<vmem>>, vector<1x16xf32>,
        %get3A_567 = vector.shape_cast %get3A_566 : vector<1x16xf32> to vector<16xf32>
        %add3A_568 = arith.constant 13 : i32
        %add3A_569 = arith.addi %mul3A_327, %add3A_568 : i32
        %get3A_570 = arith.index_cast %add3A_569 : i32 to index
        %get3A_571 = arith.constant 16 : index
        %get3A_572 = tpu.vector_load %arg8[%get3A_570, %get3A_571] {strides = array<i32>} : memref<960x32xf32, #tpu.memory_space<vmem>>, vector<1x16xf32>,
        %get3A_573 = vector.shape_cast %get3A_572 : vector<1x16xf32> to vector<16xf32>
        %add3A_574 = arith.addf %add3A_556, %get3A_567 : vector<16xf32>
        %add3A_575 = arith.addf %add3A_557, %get3A_573 : vector<16xf32>
        %mul3A_576 = arith.mulf %get3A_567, %get3A_567 : vector<16xf32>
        %add3A_577 = arith.addf %add3A_559, %mul3A_576 : vector<16xf32>
        %mul3A_578 = arith.mulf %get3A_573, %get3A_573 : vector<16xf32>
        %add3A_579 = arith.addf %add3A_561, %mul3A_578 : vector<16xf32>
        %add3A_580 = arith.constant 14 : i32
        %add3A_581 = arith.addi %mul3A_327, %add3A_580 : i32
        %get3A_582 = arith.index_cast %add3A_581 : i32 to index
        %get3A_583 = arith.constant 0 : index
        %get3A_584 = tpu.vector_load %arg8[%get3A_582, %get3A_583] {strides = array<i32>} : memref<960x32xf32, #tpu.memory_space<vmem>>, vector<1x16xf32>,
        %get3A_585 = vector.shape_cast %get3A_584 : vector<1x16xf32> to vector<16xf32>
        %add3A_586 = arith.constant 14 : i32
        %add3A_587 = arith.addi %mul3A_327, %add3A_586 : i32
        %get3A_588 = arith.index_cast %add3A_587 : i32 to index
        %get3A_589 = arith.constant 16 : index
        %get3A_590 = tpu.vector_load %arg8[%get3A_588, %get3A_589] {strides = array<i32>} : memref<960x32xf32, #tpu.memory_space<vmem>>, vector<1x16xf32>,
        %get3A_591 = vector.shape_cast %get3A_590 : vector<1x16xf32> to vector<16xf32>
        %add3A_592 = arith.addf %add3A_574, %get3A_585 : vector<16xf32>
        %add3A_593 = arith.addf %add3A_575, %get3A_591 : vector<16xf32>
        %mul3A_594 = arith.mulf %get3A_585, %get3A_585 : vector<16xf32>
        %add3A_595 = arith.addf %add3A_577, %mul3A_594 : vector<16xf32>
        %mul3A_596 = arith.mulf %get3A_591, %get3A_591 : vector<16xf32>
        %add3A_597 = arith.addf %add3A_579, %mul3A_596 : vector<16xf32>
        %add3A_598 = arith.constant 15 : i32
        %add3A_599 = arith.addi %mul3A_327, %add3A_598 : i32
        %get3A_600 = arith.index_cast %add3A_599 : i32 to index
        %get3A_601 = arith.constant 0 : index
        %get3A_602 = tpu.vector_load %arg8[%get3A_600, %get3A_601] {strides = array<i32>} : memref<960x32xf32, #tpu.memory_space<vmem>>, vector<1x16xf32>,
        %get3A_603 = vector.shape_cast %get3A_602 : vector<1x16xf32> to vector<16xf32>
        %add3A_604 = arith.constant 15 : i32
        %add3A_605 = arith.addi %mul3A_327, %add3A_604 : i32
        %get3A_606 = arith.index_cast %add3A_605 : i32 to index
        %get3A_607 = arith.constant 16 : index
        %get3A_608 = tpu.vector_load %arg8[%get3A_606, %get3A_607] {strides = array<i32>} : memref<960x32xf32, #tpu.memory_space<vmem>>, vector<1x16xf32>,
        %get3A_609 = vector.shape_cast %get3A_608 : vector<1x16xf32> to vector<16xf32>
        %add3A_610 = arith.addf %add3A_592, %get3A_603 : vector<16xf32>
        %add3A_611 = arith.addf %add3A_593, %get3A_609 : vector<16xf32>
        %mul3A_612 = arith.mulf %get3A_603, %get3A_603 : vector<16xf32>
        %add3A_613 = arith.addf %add3A_595, %mul3A_612 : vector<16xf32>
        %mul3A_614 = arith.mulf %get3A_609, %get3A_609 : vector<16xf32>
        %add3A_615 = arith.addf %add3A_597, %mul3A_614 : vector<16xf32>
        %add3A_616 = arith.constant 16 : i32
        %add3A_617 = arith.addi %mul3A_327, %add3A_616 : i32
        %get3A_618 = arith.index_cast %add3A_617 : i32 to index
        %get3A_619 = arith.constant 0 : index
        %get3A_620 = tpu.vector_load %arg8[%get3A_618, %get3A_619] {strides = array<i32>} : memref<960x32xf32, #tpu.memory_space<vmem>>, vector<1x16xf32>,
        %get3A_621 = vector.shape_cast %get3A_620 : vector<1x16xf32> to vector<16xf32>
        %add3A_622 = arith.constant 16 : i32
        %add3A_623 = arith.addi %mul3A_327, %add3A_622 : i32
        %get3A_624 = arith.index_cast %add3A_623 : i32 to index
        %get3A_625 = arith.constant 16 : index
        %get3A_626 = tpu.vector_load %arg8[%get3A_624, %get3A_625] {strides = array<i32>} : memref<960x32xf32, #tpu.memory_space<vmem>>, vector<1x16xf32>,
        %get3A_627 = vector.shape_cast %get3A_626 : vector<1x16xf32> to vector<16xf32>
        %add3A_628 = arith.addf %add3A_610, %get3A_621 : vector<16xf32>
        %add3A_629 = arith.addf %add3A_611, %get3A_627 : vector<16xf32>
        %mul3A_630 = arith.mulf %get3A_621, %get3A_621 : vector<16xf32>
        %add3A_631 = arith.addf %add3A_613, %mul3A_630 : vector<16xf32>
        %mul3A_632 = arith.mulf %get3A_627, %get3A_627 : vector<16xf32>
        %add3A_633 = arith.addf %add3A_615, %mul3A_632 : vector<16xf32>
        %add3A_634 = arith.constant 17 : i32
        %add3A_635 = arith.addi %mul3A_327, %add3A_634 : i32
        %get3A_636 = arith.index_cast %add3A_635 : i32 to index
        %get3A_637 = arith.constant 0 : index
        %get3A_638 = tpu.vector_load %arg8[%get3A_636, %get3A_637] {strides = array<i32>} : memref<960x32xf32, #tpu.memory_space<vmem>>, vector<1x16xf32>,
        %get3A_639 = vector.shape_cast %get3A_638 : vector<1x16xf32> to vector<16xf32>
        %add3A_640 = arith.constant 17 : i32
        %add3A_641 = arith.addi %mul3A_327, %add3A_640 : i32
        %get3A_642 = arith.index_cast %add3A_641 : i32 to index
        %get3A_643 = arith.constant 16 : index
        %get3A_644 = tpu.vector_load %arg8[%get3A_642, %get3A_643] {strides = array<i32>} : memref<960x32xf32, #tpu.memory_space<vmem>>, vector<1x16xf32>,
        %get3A_645 = vector.shape_cast %get3A_644 : vector<1x16xf32> to vector<16xf32>
        %add3A_646 = arith.addf %add3A_628, %get3A_639 : vector<16xf32>
        %add3A_647 = arith.addf %add3A_629, %get3A_645 : vector<16xf32>
        %mul3A_648 = arith.mulf %get3A_639, %get3A_639 : vector<16xf32>
        %add3A_649 = arith.addf %add3A_631, %mul3A_648 : vector<16xf32>
        %mul3A_650 = arith.mulf %get3A_645, %get3A_645 : vector<16xf32>
        %add3A_651 = arith.addf %add3A_633, %mul3A_650 : vector<16xf32>
        %add3A_652 = arith.constant 18 : i32
        %add3A_653 = arith.addi %mul3A_327, %add3A_652 : i32
        %get3A_654 = arith.index_cast %add3A_653 : i32 to index
        %get3A_655 = arith.constant 0 : index
        %get3A_656 = tpu.vector_load %arg8[%get3A_654, %get3A_655] {strides = array<i32>} : memref<960x32xf32, #tpu.memory_space<vmem>>, vector<1x16xf32>,
        %get3A_657 = vector.shape_cast %get3A_656 : vector<1x16xf32> to vector<16xf32>
        %add3A_658 = arith.constant 18 : i32
        %add3A_659 = arith.addi %mul3A_327, %add3A_658 : i32
        %get3A_660 = arith.index_cast %add3A_659 : i32 to index
        %get3A_661 = arith.constant 16 : index
        %get3A_662 = tpu.vector_load %arg8[%get3A_660, %get3A_661] {strides = array<i32>} : memref<960x32xf32, #tpu.memory_space<vmem>>, vector<1x16xf32>,
        %get3A_663 = vector.shape_cast %get3A_662 : vector<1x16xf32> to vector<16xf32>
        %add3A_664 = arith.addf %add3A_646, %get3A_657 : vector<16xf32>
        %add3A_665 = arith.addf %add3A_647, %get3A_663 : vector<16xf32>
        %mul3A_666 = arith.mulf %get3A_657, %get3A_657 : vector<16xf32>
        %add3A_667 = arith.addf %add3A_649, %mul3A_666 : vector<16xf32>
        %mul3A_668 = arith.mulf %get3A_663, %get3A_663 : vector<16xf32>
        %add3A_669 = arith.addf %add3A_651, %mul3A_668 : vector<16xf32>
        %add3A_670 = arith.constant 19 : i32
        %add3A_671 = arith.addi %mul3A_327, %add3A_670 : i32
        %get3A_672 = arith.index_cast %add3A_671 : i32 to index
        %get3A_673 = arith.constant 0 : index
        %get3A_674 = tpu.vector_load %arg8[%get3A_672, %get3A_673] {strides = array<i32>} : memref<960x32xf32, #tpu.memory_space<vmem>>, vector<1x16xf32>,
        %get3A_675 = vector.shape_cast %get3A_674 : vector<1x16xf32> to vector<16xf32>
        %add3A_676 = arith.constant 19 : i32
        %add3A_677 = arith.addi %mul3A_327, %add3A_676 : i32
        %get3A_678 = arith.index_cast %add3A_677 : i32 to index
        %get3A_679 = arith.constant 16 : index
        %get3A_680 = tpu.vector_load %arg8[%get3A_678, %get3A_679] {strides = array<i32>} : memref<960x32xf32, #tpu.memory_space<vmem>>, vector<1x16xf32>,
        %get3A_681 = vector.shape_cast %get3A_680 : vector<1x16xf32> to vector<16xf32>
        %add3A_682 = arith.addf %add3A_664, %get3A_675 : vector<16xf32>
        %add3A_683 = arith.addf %add3A_665, %get3A_681 : vector<16xf32>
        %mul3A_684 = arith.mulf %get3A_675, %get3A_675 : vector<16xf32>
        %add3A_685 = arith.addf %add3A_667, %mul3A_684 : vector<16xf32>
        %mul3A_686 = arith.mulf %get3A_681, %get3A_681 : vector<16xf32>
        %add3A_687 = arith.addf %add3A_669, %mul3A_686 : vector<16xf32>
        %add3A_688 = arith.constant 20 : i32
        %add3A_689 = arith.addi %mul3A_327, %add3A_688 : i32
        %get3A_690 = arith.index_cast %add3A_689 : i32 to index
        %get3A_691 = arith.constant 0 : index
        %get3A_692 = tpu.vector_load %arg8[%get3A_690, %get3A_691] {strides = array<i32>} : memref<960x32xf32, #tpu.memory_space<vmem>>, vector<1x16xf32>,
        %get3A_693 = vector.shape_cast %get3A_692 : vector<1x16xf32> to vector<16xf32>
        %add3A_694 = arith.constant 20 : i32
        %add3A_695 = arith.addi %mul3A_327, %add3A_694 : i32
        %get3A_696 = arith.index_cast %add3A_695 : i32 to index
        %get3A_697 = arith.constant 16 : index
        %get3A_698 = tpu.vector_load %arg8[%get3A_696, %get3A_697] {strides = array<i32>} : memref<960x32xf32, #tpu.memory_space<vmem>>, vector<1x16xf32>,
        %get3A_699 = vector.shape_cast %get3A_698 : vector<1x16xf32> to vector<16xf32>
        %add3A_700 = arith.addf %add3A_682, %get3A_693 : vector<16xf32>
        %add3A_701 = arith.addf %add3A_683, %get3A_699 : vector<16xf32>
        %mul3A_702 = arith.mulf %get3A_693, %get3A_693 : vector<16xf32>
        %add3A_703 = arith.addf %add3A_685, %mul3A_702 : vector<16xf32>
        %mul3A_704 = arith.mulf %get3A_699, %get3A_699 : vector<16xf32>
        %add3A_705 = arith.addf %add3A_687, %mul3A_704 : vector<16xf32>
        %add3A_706 = arith.constant 21 : i32
        %add3A_707 = arith.addi %mul3A_327, %add3A_706 : i32
        %get3A_708 = arith.index_cast %add3A_707 : i32 to index
        %get3A_709 = arith.constant 0 : index
        %get3A_710 = tpu.vector_load %arg8[%get3A_708, %get3A_709] {strides = array<i32>} : memref<960x32xf32, #tpu.memory_space<vmem>>, vector<1x16xf32>,
        %get3A_711 = vector.shape_cast %get3A_710 : vector<1x16xf32> to vector<16xf32>
        %add3A_712 = arith.constant 21 : i32
        %add3A_713 = arith.addi %mul3A_327, %add3A_712 : i32
        %get3A_714 = arith.index_cast %add3A_713 : i32 to index
        %get3A_715 = arith.constant 16 : index
        %get3A_716 = tpu.vector_load %arg8[%get3A_714, %get3A_715] {strides = array<i32>} : memref<960x32xf32, #tpu.memory_space<vmem>>, vector<1x16xf32>,
        %get3A_717 = vector.shape_cast %get3A_716 : vector<1x16xf32> to vector<16xf32>
        %add3A_718 = arith.addf %add3A_700, %get3A_711 : vector<16xf32>
        %add3A_719 = arith.addf %add3A_701, %get3A_717 : vector<16xf32>
        %mul3A_720 = arith.mulf %get3A_711, %get3A_711 : vector<16xf32>
        %add3A_721 = arith.addf %add3A_703, %mul3A_720 : vector<16xf32>
        %mul3A_722 = arith.mulf %get3A_717, %get3A_717 : vector<16xf32>
        %add3A_723 = arith.addf %add3A_705, %mul3A_722 : vector<16xf32>
        %add3A_724 = arith.constant 22 : i32
        %add3A_725 = arith.addi %mul3A_327, %add3A_724 : i32
        %get3A_726 = arith.index_cast %add3A_725 : i32 to index
        %get3A_727 = arith.constant 0 : index
        %get3A_728 = tpu.vector_load %arg8[%get3A_726, %get3A_727] {strides = array<i32>} : memref<960x32xf32, #tpu.memory_space<vmem>>, vector<1x16xf32>,
        %get3A_729 = vector.shape_cast %get3A_728 : vector<1x16xf32> to vector<16xf32>
        %add3A_730 = arith.constant 22 : i32
        %add3A_731 = arith.addi %mul3A_327, %add3A_730 : i32
        %get3A_732 = arith.index_cast %add3A_731 : i32 to index
        %get3A_733 = arith.constant 16 : index
        %get3A_734 = tpu.vector_load %arg8[%get3A_732, %get3A_733] {strides = array<i32>} : memref<960x32xf32, #tpu.memory_space<vmem>>, vector<1x16xf32>,
        %get3A_735 = vector.shape_cast %get3A_734 : vector<1x16xf32> to vector<16xf32>
        %add3A_736 = arith.addf %add3A_718, %get3A_729 : vector<16xf32>
        %add3A_737 = arith.addf %add3A_719, %get3A_735 : vector<16xf32>
        %mul3A_738 = arith.mulf %get3A_729, %get3A_729 : vector<16xf32>
        %add3A_739 = arith.addf %add3A_721, %mul3A_738 : vector<16xf32>
        %mul3A_740 = arith.mulf %get3A_735, %get3A_735 : vector<16xf32>
        %add3A_741 = arith.addf %add3A_723, %mul3A_740 : vector<16xf32>
        %add3A_742 = arith.constant 23 : i32
        %add3A_743 = arith.addi %mul3A_327, %add3A_742 : i32
        %get3A_744 = arith.index_cast %add3A_743 : i32 to index
        %get3A_745 = arith.constant 0 : index
        %get3A_746 = tpu.vector_load %arg8[%get3A_744, %get3A_745] {strides = array<i32>} : memref<960x32xf32, #tpu.memory_space<vmem>>, vector<1x16xf32>,
        %get3A_747 = vector.shape_cast %get3A_746 : vector<1x16xf32> to vector<16xf32>
        %add3A_748 = arith.constant 23 : i32
        %add3A_749 = arith.addi %mul3A_327, %add3A_748 : i32
        %get3A_750 = arith.index_cast %add3A_749 : i32 to index
        %get3A_751 = arith.constant 16 : index
        %get3A_752 = tpu.vector_load %arg8[%get3A_750, %get3A_751] {strides = array<i32>} : memref<960x32xf32, #tpu.memory_space<vmem>>, vector<1x16xf32>,
        %get3A_753 = vector.shape_cast %get3A_752 : vector<1x16xf32> to vector<16xf32>
        %add3A_754 = arith.addf %add3A_736, %get3A_747 : vector<16xf32>
        %add3A_755 = arith.addf %add3A_737, %get3A_753 : vector<16xf32>
        %mul3A_756 = arith.mulf %get3A_747, %get3A_747 : vector<16xf32>
        %add3A_757 = arith.addf %add3A_739, %mul3A_756 : vector<16xf32>
        %mul3A_758 = arith.mulf %get3A_753, %get3A_753 : vector<16xf32>
        %add3A_759 = arith.addf %add3A_741, %mul3A_758 : vector<16xf32>
        %add3A_760 = arith.constant 24 : i32
        %add3A_761 = arith.addi %mul3A_327, %add3A_760 : i32
        %get3A_762 = arith.index_cast %add3A_761 : i32 to index
        %get3A_763 = arith.constant 0 : index
        %get3A_764 = tpu.vector_load %arg8[%get3A_762, %get3A_763] {strides = array<i32>} : memref<960x32xf32, #tpu.memory_space<vmem>>, vector<1x16xf32>,
        %get3A_765 = vector.shape_cast %get3A_764 : vector<1x16xf32> to vector<16xf32>
        %add3A_766 = arith.constant 24 : i32
        %add3A_767 = arith.addi %mul3A_327, %add3A_766 : i32
        %get3A_768 = arith.index_cast %add3A_767 : i32 to index
        %get3A_769 = arith.constant 16 : index
        %get3A_770 = tpu.vector_load %arg8[%get3A_768, %get3A_769] {strides = array<i32>} : memref<960x32xf32, #tpu.memory_space<vmem>>, vector<1x16xf32>,
        %get3A_771 = vector.shape_cast %get3A_770 : vector<1x16xf32> to vector<16xf32>
        %add3A_772 = arith.addf %add3A_754, %get3A_765 : vector<16xf32>
        %add3A_773 = arith.addf %add3A_755, %get3A_771 : vector<16xf32>
        %mul3A_774 = arith.mulf %get3A_765, %get3A_765 : vector<16xf32>
        %add3A_775 = arith.addf %add3A_757, %mul3A_774 : vector<16xf32>
        %mul3A_776 = arith.mulf %get3A_771, %get3A_771 : vector<16xf32>
        %add3A_777 = arith.addf %add3A_759, %mul3A_776 : vector<16xf32>
        %add3A_778 = arith.constant 25 : i32
        %add3A_779 = arith.addi %mul3A_327, %add3A_778 : i32
        %get3A_780 = arith.index_cast %add3A_779 : i32 to index
        %get3A_781 = arith.constant 0 : index
        %get3A_782 = tpu.vector_load %arg8[%get3A_780, %get3A_781] {strides = array<i32>} : memref<960x32xf32, #tpu.memory_space<vmem>>, vector<1x16xf32>,
        %get3A_783 = vector.shape_cast %get3A_782 : vector<1x16xf32> to vector<16xf32>
        %add3A_784 = arith.constant 25 : i32
        %add3A_785 = arith.addi %mul3A_327, %add3A_784 : i32
        %get3A_786 = arith.index_cast %add3A_785 : i32 to index
        %get3A_787 = arith.constant 16 : index
        %get3A_788 = tpu.vector_load %arg8[%get3A_786, %get3A_787] {strides = array<i32>} : memref<960x32xf32, #tpu.memory_space<vmem>>, vector<1x16xf32>,
        %get3A_789 = vector.shape_cast %get3A_788 : vector<1x16xf32> to vector<16xf32>
        %add3A_790 = arith.addf %add3A_772, %get3A_783 : vector<16xf32>
        %add3A_791 = arith.addf %add3A_773, %get3A_789 : vector<16xf32>
        %mul3A_792 = arith.mulf %get3A_783, %get3A_783 : vector<16xf32>
        %add3A_793 = arith.addf %add3A_775, %mul3A_792 : vector<16xf32>
        %mul3A_794 = arith.mulf %get3A_789, %get3A_789 : vector<16xf32>
        %add3A_795 = arith.addf %add3A_777, %mul3A_794 : vector<16xf32>
        %add3A_796 = arith.constant 26 : i32
        %add3A_797 = arith.addi %mul3A_327, %add3A_796 : i32
        %get3A_798 = arith.index_cast %add3A_797 : i32 to index
        %get3A_799 = arith.constant 0 : index
        %get3A_800 = tpu.vector_load %arg8[%get3A_798, %get3A_799] {strides = array<i32>} : memref<960x32xf32, #tpu.memory_space<vmem>>, vector<1x16xf32>,
        %get3A_801 = vector.shape_cast %get3A_800 : vector<1x16xf32> to vector<16xf32>
        %add3A_802 = arith.constant 26 : i32
        %add3A_803 = arith.addi %mul3A_327, %add3A_802 : i32
        %get3A_804 = arith.index_cast %add3A_803 : i32 to index
        %get3A_805 = arith.constant 16 : index
        %get3A_806 = tpu.vector_load %arg8[%get3A_804, %get3A_805] {strides = array<i32>} : memref<960x32xf32, #tpu.memory_space<vmem>>, vector<1x16xf32>,
        %get3A_807 = vector.shape_cast %get3A_806 : vector<1x16xf32> to vector<16xf32>
        %add3A_808 = arith.addf %add3A_790, %get3A_801 : vector<16xf32>
        %add3A_809 = arith.addf %add3A_791, %get3A_807 : vector<16xf32>
        %mul3A_810 = arith.mulf %get3A_801, %get3A_801 : vector<16xf32>
        %add3A_811 = arith.addf %add3A_793, %mul3A_810 : vector<16xf32>
        %mul3A_812 = arith.mulf %get3A_807, %get3A_807 : vector<16xf32>
        %add3A_813 = arith.addf %add3A_795, %mul3A_812 : vector<16xf32>
        %add3A_814 = arith.constant 27 : i32
        %add3A_815 = arith.addi %mul3A_327, %add3A_814 : i32
        %get3A_816 = arith.index_cast %add3A_815 : i32 to index
        %get3A_817 = arith.constant 0 : index
        %get3A_818 = tpu.vector_load %arg8[%get3A_816, %get3A_817] {strides = array<i32>} : memref<960x32xf32, #tpu.memory_space<vmem>>, vector<1x16xf32>,
        %get3A_819 = vector.shape_cast %get3A_818 : vector<1x16xf32> to vector<16xf32>
        %add3A_820 = arith.constant 27 : i32
        %add3A_821 = arith.addi %mul3A_327, %add3A_820 : i32
        %get3A_822 = arith.index_cast %add3A_821 : i32 to index
        %get3A_823 = arith.constant 16 : index
        %get3A_824 = tpu.vector_load %arg8[%get3A_822, %get3A_823] {strides = array<i32>} : memref<960x32xf32, #tpu.memory_space<vmem>>, vector<1x16xf32>,
        %get3A_825 = vector.shape_cast %get3A_824 : vector<1x16xf32> to vector<16xf32>
        %add3A_826 = arith.addf %add3A_808, %get3A_819 : vector<16xf32>
        %add3A_827 = arith.addf %add3A_809, %get3A_825 : vector<16xf32>
        %mul3A_828 = arith.mulf %get3A_819, %get3A_819 : vector<16xf32>
        %add3A_829 = arith.addf %add3A_811, %mul3A_828 : vector<16xf32>
        %mul3A_830 = arith.mulf %get3A_825, %get3A_825 : vector<16xf32>
        %add3A_831 = arith.addf %add3A_813, %mul3A_830 : vector<16xf32>
        %add3A_832 = arith.constant 28 : i32
        %add3A_833 = arith.addi %mul3A_327, %add3A_832 : i32
        %get3A_834 = arith.index_cast %add3A_833 : i32 to index
        %get3A_835 = arith.constant 0 : index
        %get3A_836 = tpu.vector_load %arg8[%get3A_834, %get3A_835] {strides = array<i32>} : memref<960x32xf32, #tpu.memory_space<vmem>>, vector<1x16xf32>,
        %get3A_837 = vector.shape_cast %get3A_836 : vector<1x16xf32> to vector<16xf32>
        %add3A_838 = arith.constant 28 : i32
        %add3A_839 = arith.addi %mul3A_327, %add3A_838 : i32
        %get3A_840 = arith.index_cast %add3A_839 : i32 to index
        %get3A_841 = arith.constant 16 : index
        %get3A_842 = tpu.vector_load %arg8[%get3A_840, %get3A_841] {strides = array<i32>} : memref<960x32xf32, #tpu.memory_space<vmem>>, vector<1x16xf32>,
        %get3A_843 = vector.shape_cast %get3A_842 : vector<1x16xf32> to vector<16xf32>
        %add3A_844 = arith.addf %add3A_826, %get3A_837 : vector<16xf32>
        %add3A_845 = arith.addf %add3A_827, %get3A_843 : vector<16xf32>
        %mul3A_846 = arith.mulf %get3A_837, %get3A_837 : vector<16xf32>
        %add3A_847 = arith.addf %add3A_829, %mul3A_846 : vector<16xf32>
        %mul3A_848 = arith.mulf %get3A_843, %get3A_843 : vector<16xf32>
        %add3A_849 = arith.addf %add3A_831, %mul3A_848 : vector<16xf32>
        %add3A_850 = arith.constant 29 : i32
        %add3A_851 = arith.addi %mul3A_327, %add3A_850 : i32
        %get3A_852 = arith.index_cast %add3A_851 : i32 to index
        %get3A_853 = arith.constant 0 : index
        %get3A_854 = tpu.vector_load %arg8[%get3A_852, %get3A_853] {strides = array<i32>} : memref<960x32xf32, #tpu.memory_space<vmem>>, vector<1x16xf32>,
        %get3A_855 = vector.shape_cast %get3A_854 : vector<1x16xf32> to vector<16xf32>
        %add3A_856 = arith.constant 29 : i32
        %add3A_857 = arith.addi %mul3A_327, %add3A_856 : i32
        %get3A_858 = arith.index_cast %add3A_857 : i32 to index
        %get3A_859 = arith.constant 16 : index
        %get3A_860 = tpu.vector_load %arg8[%get3A_858, %get3A_859] {strides = array<i32>} : memref<960x32xf32, #tpu.memory_space<vmem>>, vector<1x16xf32>,
        %get3A_861 = vector.shape_cast %get3A_860 : vector<1x16xf32> to vector<16xf32>
        %add3A_862 = arith.addf %add3A_844, %get3A_855 : vector<16xf32>
        %add3A_863 = arith.addf %add3A_845, %get3A_861 : vector<16xf32>
        %mul3A_864 = arith.mulf %get3A_855, %get3A_855 : vector<16xf32>
        %add3A_865 = arith.addf %add3A_847, %mul3A_864 : vector<16xf32>
        %mul3A_866 = arith.mulf %get3A_861, %get3A_861 : vector<16xf32>
        %add3A_867 = arith.addf %add3A_849, %mul3A_866 : vector<16xf32>
        %add3A_868 = arith.constant 30 : i32
        %add3A_869 = arith.addi %mul3A_327, %add3A_868 : i32
        %get3A_870 = arith.index_cast %add3A_869 : i32 to index
        %get3A_871 = arith.constant 0 : index
        %get3A_872 = tpu.vector_load %arg8[%get3A_870, %get3A_871] {strides = array<i32>} : memref<960x32xf32, #tpu.memory_space<vmem>>, vector<1x16xf32>,
        %get3A_873 = vector.shape_cast %get3A_872 : vector<1x16xf32> to vector<16xf32>
        %add3A_874 = arith.constant 30 : i32
        %add3A_875 = arith.addi %mul3A_327, %add3A_874 : i32
        %get3A_876 = arith.index_cast %add3A_875 : i32 to index
        %get3A_877 = arith.constant 16 : index
        %get3A_878 = tpu.vector_load %arg8[%get3A_876, %get3A_877] {strides = array<i32>} : memref<960x32xf32, #tpu.memory_space<vmem>>, vector<1x16xf32>,
        %get3A_879 = vector.shape_cast %get3A_878 : vector<1x16xf32> to vector<16xf32>
        %add3A_880 = arith.addf %add3A_862, %get3A_873 : vector<16xf32>
        %add3A_881 = arith.addf %add3A_863, %get3A_879 : vector<16xf32>
        %mul3A_882 = arith.mulf %get3A_873, %get3A_873 : vector<16xf32>
        %add3A_883 = arith.addf %add3A_865, %mul3A_882 : vector<16xf32>
        %mul3A_884 = arith.mulf %get3A_879, %get3A_879 : vector<16xf32>
        %add3A_885 = arith.addf %add3A_867, %mul3A_884 : vector<16xf32>
        %add3A_886 = arith.constant 31 : i32
        %add3A_887 = arith.addi %mul3A_327, %add3A_886 : i32
        %get3A_888 = arith.index_cast %add3A_887 : i32 to index
        %get3A_889 = arith.constant 0 : index
        %get3A_890 = tpu.vector_load %arg8[%get3A_888, %get3A_889] {strides = array<i32>} : memref<960x32xf32, #tpu.memory_space<vmem>>, vector<1x16xf32>,
        %get3A_891 = vector.shape_cast %get3A_890 : vector<1x16xf32> to vector<16xf32>
        %add3A_892 = arith.constant 31 : i32
        %add3A_893 = arith.addi %mul3A_327, %add3A_892 : i32
        %get3A_894 = arith.index_cast %add3A_893 : i32 to index
        %get3A_895 = arith.constant 16 : index
        %get3A_896 = tpu.vector_load %arg8[%get3A_894, %get3A_895] {strides = array<i32>} : memref<960x32xf32, #tpu.memory_space<vmem>>, vector<1x16xf32>,
        %get3A_897 = vector.shape_cast %get3A_896 : vector<1x16xf32> to vector<16xf32>
        %add3A_898 = arith.addf %add3A_880, %get3A_891 : vector<16xf32>
        %add3A_899 = arith.addf %add3A_881, %get3A_897 : vector<16xf32>
        %mul3A_900 = arith.mulf %get3A_891, %get3A_891 : vector<16xf32>
        %add3A_901 = arith.addf %add3A_883, %mul3A_900 : vector<16xf32>
        %mul3A_902 = arith.mulf %get3A_897, %get3A_897 : vector<16xf32>
        %add3A_903 = arith.addf %add3A_885, %mul3A_902 : vector<16xf32>
        %add3A_904 = arith.constant 32 : i32
        %add3A_905 = arith.addi %mul3A_327, %add3A_904 : i32
        %get3A_906 = arith.index_cast %add3A_905 : i32 to index
        %get3A_907 = arith.constant 0 : index
        %get3A_908 = tpu.vector_load %arg8[%get3A_906, %get3A_907] {strides = array<i32>} : memref<960x32xf32, #tpu.memory_space<vmem>>, vector<1x16xf32>,
        %get3A_909 = vector.shape_cast %get3A_908 : vector<1x16xf32> to vector<16xf32>
        %add3A_910 = arith.constant 32 : i32
        %add3A_911 = arith.addi %mul3A_327, %add3A_910 : i32
        %get3A_912 = arith.index_cast %add3A_911 : i32 to index
        %get3A_913 = arith.constant 16 : index
        %get3A_914 = tpu.vector_load %arg8[%get3A_912, %get3A_913] {strides = array<i32>} : memref<960x32xf32, #tpu.memory_space<vmem>>, vector<1x16xf32>,
        %get3A_915 = vector.shape_cast %get3A_914 : vector<1x16xf32> to vector<16xf32>
        %add3A_916 = arith.addf %add3A_898, %get3A_909 : vector<16xf32>
        %add3A_917 = arith.addf %add3A_899, %get3A_915 : vector<16xf32>
        %mul3A_918 = arith.mulf %get3A_909, %get3A_909 : vector<16xf32>
        %add3A_919 = arith.addf %add3A_901, %mul3A_918 : vector<16xf32>
        %mul3A_920 = arith.mulf %get3A_915, %get3A_915 : vector<16xf32>
        %add3A_921 = arith.addf %add3A_903, %mul3A_920 : vector<16xf32>
        %add3A_922 = arith.constant 33 : i32
        %add3A_923 = arith.addi %mul3A_327, %add3A_922 : i32
        %get3A_924 = arith.index_cast %add3A_923 : i32 to index
        %get3A_925 = arith.constant 0 : index
        %get3A_926 = tpu.vector_load %arg8[%get3A_924, %get3A_925] {strides = array<i32>} : memref<960x32xf32, #tpu.memory_space<vmem>>, vector<1x16xf32>,
        %get3A_927 = vector.shape_cast %get3A_926 : vector<1x16xf32> to vector<16xf32>
        %add3A_928 = arith.constant 33 : i32
        %add3A_929 = arith.addi %mul3A_327, %add3A_928 : i32
        %get3A_930 = arith.index_cast %add3A_929 : i32 to index
        %get3A_931 = arith.constant 16 : index
        %get3A_932 = tpu.vector_load %arg8[%get3A_930, %get3A_931] {strides = array<i32>} : memref<960x32xf32, #tpu.memory_space<vmem>>, vector<1x16xf32>,
        %get3A_933 = vector.shape_cast %get3A_932 : vector<1x16xf32> to vector<16xf32>
        %add3A_934 = arith.addf %add3A_916, %get3A_927 : vector<16xf32>
        %add3A_935 = arith.addf %add3A_917, %get3A_933 : vector<16xf32>
        %mul3A_936 = arith.mulf %get3A_927, %get3A_927 : vector<16xf32>
        %add3A_937 = arith.addf %add3A_919, %mul3A_936 : vector<16xf32>
        %mul3A_938 = arith.mulf %get3A_933, %get3A_933 : vector<16xf32>
        %add3A_939 = arith.addf %add3A_921, %mul3A_938 : vector<16xf32>
        %add3A_940 = arith.constant 34 : i32
        %add3A_941 = arith.addi %mul3A_327, %add3A_940 : i32
        %get3A_942 = arith.index_cast %add3A_941 : i32 to index
        %get3A_943 = arith.constant 0 : index
        %get3A_944 = tpu.vector_load %arg8[%get3A_942, %get3A_943] {strides = array<i32>} : memref<960x32xf32, #tpu.memory_space<vmem>>, vector<1x16xf32>,
        %get3A_945 = vector.shape_cast %get3A_944 : vector<1x16xf32> to vector<16xf32>
        %add3A_946 = arith.constant 34 : i32
        %add3A_947 = arith.addi %mul3A_327, %add3A_946 : i32
        %get3A_948 = arith.index_cast %add3A_947 : i32 to index
        %get3A_949 = arith.constant 16 : index
        %get3A_950 = tpu.vector_load %arg8[%get3A_948, %get3A_949] {strides = array<i32>} : memref<960x32xf32, #tpu.memory_space<vmem>>, vector<1x16xf32>,
        %get3A_951 = vector.shape_cast %get3A_950 : vector<1x16xf32> to vector<16xf32>
        %add3A_952 = arith.addf %add3A_934, %get3A_945 : vector<16xf32>
        %add3A_953 = arith.addf %add3A_935, %get3A_951 : vector<16xf32>
        %mul3A_954 = arith.mulf %get3A_945, %get3A_945 : vector<16xf32>
        %add3A_955 = arith.addf %add3A_937, %mul3A_954 : vector<16xf32>
        %mul3A_956 = arith.mulf %get3A_951, %get3A_951 : vector<16xf32>
        %add3A_957 = arith.addf %add3A_939, %mul3A_956 : vector<16xf32>
        %add3A_958 = arith.constant 35 : i32
        %add3A_959 = arith.addi %mul3A_327, %add3A_958 : i32
        %get3A_960 = arith.index_cast %add3A_959 : i32 to index
        %get3A_961 = arith.constant 0 : index
        %get3A_962 = tpu.vector_load %arg8[%get3A_960, %get3A_961] {strides = array<i32>} : memref<960x32xf32, #tpu.memory_space<vmem>>, vector<1x16xf32>,
        %get3A_963 = vector.shape_cast %get3A_962 : vector<1x16xf32> to vector<16xf32>
        %add3A_964 = arith.constant 35 : i32
        %add3A_965 = arith.addi %mul3A_327, %add3A_964 : i32
        %get3A_966 = arith.index_cast %add3A_965 : i32 to index
        %get3A_967 = arith.constant 16 : index
        %get3A_968 = tpu.vector_load %arg8[%get3A_966, %get3A_967] {strides = array<i32>} : memref<960x32xf32, #tpu.memory_space<vmem>>, vector<1x16xf32>,
        %get3A_969 = vector.shape_cast %get3A_968 : vector<1x16xf32> to vector<16xf32>
        %add3A_970 = arith.addf %add3A_952, %get3A_963 : vector<16xf32>
        %add3A_971 = arith.addf %add3A_953, %get3A_969 : vector<16xf32>
        %mul3A_972 = arith.mulf %get3A_963, %get3A_963 : vector<16xf32>
        %add3A_973 = arith.addf %add3A_955, %mul3A_972 : vector<16xf32>
        %mul3A_974 = arith.mulf %get3A_969, %get3A_969 : vector<16xf32>
        %add3A_975 = arith.addf %add3A_957, %mul3A_974 : vector<16xf32>
        %add3A_976 = arith.constant 36 : i32
        %add3A_977 = arith.addi %mul3A_327, %add3A_976 : i32
        %get3A_978 = arith.index_cast %add3A_977 : i32 to index
        %get3A_979 = arith.constant 0 : index
        %get3A_980 = tpu.vector_load %arg8[%get3A_978, %get3A_979] {strides = array<i32>} : memref<960x32xf32, #tpu.memory_space<vmem>>, vector<1x16xf32>,
        %get3A_981 = vector.shape_cast %get3A_980 : vector<1x16xf32> to vector<16xf32>
        %add3A_982 = arith.constant 36 : i32
        %add3A_983 = arith.addi %mul3A_327, %add3A_982 : i32
        %get3A_984 = arith.index_cast %add3A_983 : i32 to index
        %get3A_985 = arith.constant 16 : index
        %get3A_986 = tpu.vector_load %arg8[%get3A_984, %get3A_985] {strides = array<i32>} : memref<960x32xf32, #tpu.memory_space<vmem>>, vector<1x16xf32>,
        %get3A_987 = vector.shape_cast %get3A_986 : vector<1x16xf32> to vector<16xf32>
        %add3A_988 = arith.addf %add3A_970, %get3A_981 : vector<16xf32>
        %add3A_989 = arith.addf %add3A_971, %get3A_987 : vector<16xf32>
        %mul3A_990 = arith.mulf %get3A_981, %get3A_981 : vector<16xf32>
        %add3A_991 = arith.addf %add3A_973, %mul3A_990 : vector<16xf32>
        %mul3A_992 = arith.mulf %get3A_987, %get3A_987 : vector<16xf32>
        %add3A_993 = arith.addf %add3A_975, %mul3A_992 : vector<16xf32>
        %add3A_994 = arith.constant 37 : i32
        %add3A_995 = arith.addi %mul3A_327, %add3A_994 : i32
        %get3A_996 = arith.index_cast %add3A_995 : i32 to index
        %get3A_997 = arith.constant 0 : index
        %get3A_998 = tpu.vector_load %arg8[%get3A_996, %get3A_997] {strides = array<i32>} : memref<960x32xf32, #tpu.memory_space<vmem>>, vector<1x16xf32>,
        %get3A_999 = vector.shape_cast %get3A_998 : vector<1x16xf32> to vector<16xf32>
        %add3A_1000 = arith.constant 37 : i32
        %add3A_1001 = arith.addi %mul3A_327, %add3A_1000 : i32
        %get3A_1002 = arith.index_cast %add3A_1001 : i32 to index
        %get3A_1003 = arith.constant 16 : index
        %get3A_1004 = tpu.vector_load %arg8[%get3A_1002, %get3A_1003] {strides = array<i32>} : memref<960x32xf32, #tpu.memory_space<vmem>>, vector<1x16xf32>,
        %get3A_1005 = vector.shape_cast %get3A_1004 : vector<1x16xf32> to vector<16xf32>
        %add3A_1006 = arith.addf %add3A_988, %get3A_999 : vector<16xf32>
        %add3A_1007 = arith.addf %add3A_989, %get3A_1005 : vector<16xf32>
        %mul3A_1008 = arith.mulf %get3A_999, %get3A_999 : vector<16xf32>
        %add3A_1009 = arith.addf %add3A_991, %mul3A_1008 : vector<16xf32>
        %mul3A_1010 = arith.mulf %get3A_1005, %get3A_1005 : vector<16xf32>
        %add3A_1011 = arith.addf %add3A_993, %mul3A_1010 : vector<16xf32>
        %add3A_1012 = arith.constant 38 : i32
        %add3A_1013 = arith.addi %mul3A_327, %add3A_1012 : i32
        %get3A_1014 = arith.index_cast %add3A_1013 : i32 to index
        %get3A_1015 = arith.constant 0 : index
        %get3A_1016 = tpu.vector_load %arg8[%get3A_1014, %get3A_1015] {strides = array<i32>} : memref<960x32xf32, #tpu.memory_space<vmem>>, vector<1x16xf32>,
        %get3A_1017 = vector.shape_cast %get3A_1016 : vector<1x16xf32> to vector<16xf32>
        %add3A_1018 = arith.constant 38 : i32
        %add3A_1019 = arith.addi %mul3A_327, %add3A_1018 : i32
        %get3A_1020 = arith.index_cast %add3A_1019 : i32 to index
        %get3A_1021 = arith.constant 16 : index
        %get3A_1022 = tpu.vector_load %arg8[%get3A_1020, %get3A_1021] {strides = array<i32>} : memref<960x32xf32, #tpu.memory_space<vmem>>, vector<1x16xf32>,
        %get3A_1023 = vector.shape_cast %get3A_1022 : vector<1x16xf32> to vector<16xf32>
        %add3A_1024 = arith.addf %add3A_1006, %get3A_1017 : vector<16xf32>
        %add3A_1025 = arith.addf %add3A_1007, %get3A_1023 : vector<16xf32>
        %mul3A_1026 = arith.mulf %get3A_1017, %get3A_1017 : vector<16xf32>
        %add3A_1027 = arith.addf %add3A_1009, %mul3A_1026 : vector<16xf32>
        %mul3A_1028 = arith.mulf %get3A_1023, %get3A_1023 : vector<16xf32>
        %add3A_1029 = arith.addf %add3A_1011, %mul3A_1028 : vector<16xf32>
        %add3A_1030 = arith.constant 39 : i32
        %add3A_1031 = arith.addi %mul3A_327, %add3A_1030 : i32
        %get3A_1032 = arith.index_cast %add3A_1031 : i32 to index
        %get3A_1033 = arith.constant 0 : index
        %get3A_1034 = tpu.vector_load %arg8[%get3A_1032, %get3A_1033] {strides = array<i32>} : memref<960x32xf32, #tpu.memory_space<vmem>>, vector<1x16xf32>,
        %get3A_1035 = vector.shape_cast %get3A_1034 : vector<1x16xf32> to vector<16xf32>
        %add3A_1036 = arith.constant 39 : i32
        %add3A_1037 = arith.addi %mul3A_327, %add3A_1036 : i32
        %get3A_1038 = arith.index_cast %add3A_1037 : i32 to index
        %get3A_1039 = arith.constant 16 : index
        %get3A_1040 = tpu.vector_load %arg8[%get3A_1038, %get3A_1039] {strides = array<i32>} : memref<960x32xf32, #tpu.memory_space<vmem>>, vector<1x16xf32>,
        %get3A_1041 = vector.shape_cast %get3A_1040 : vector<1x16xf32> to vector<16xf32>
        %add3A_1042 = arith.addf %add3A_1024, %get3A_1035 : vector<16xf32>
        %add3A_1043 = arith.addf %add3A_1025, %get3A_1041 : vector<16xf32>
        %mul3A_1044 = arith.mulf %get3A_1035, %get3A_1035 : vector<16xf32>
        %add3A_1045 = arith.addf %add3A_1027, %mul3A_1044 : vector<16xf32>
        %mul3A_1046 = arith.mulf %get3A_1041, %get3A_1041 : vector<16xf32>
        %add3A_1047 = arith.addf %add3A_1029, %mul3A_1046 : vector<16xf32>
        %add3A_1048 = arith.constant 40 : i32
        %add3A_1049 = arith.addi %mul3A_327, %add3A_1048 : i32
        %get3A_1050 = arith.index_cast %add3A_1049 : i32 to index
        %get3A_1051 = arith.constant 0 : index
        %get3A_1052 = tpu.vector_load %arg8[%get3A_1050, %get3A_1051] {strides = array<i32>} : memref<960x32xf32, #tpu.memory_space<vmem>>, vector<1x16xf32>,
        %get3A_1053 = vector.shape_cast %get3A_1052 : vector<1x16xf32> to vector<16xf32>
        %add3A_1054 = arith.constant 40 : i32
        %add3A_1055 = arith.addi %mul3A_327, %add3A_1054 : i32
        %get3A_1056 = arith.index_cast %add3A_1055 : i32 to index
        %get3A_1057 = arith.constant 16 : index
        %get3A_1058 = tpu.vector_load %arg8[%get3A_1056, %get3A_1057] {strides = array<i32>} : memref<960x32xf32, #tpu.memory_space<vmem>>, vector<1x16xf32>,
        %get3A_1059 = vector.shape_cast %get3A_1058 : vector<1x16xf32> to vector<16xf32>
        %add3A_1060 = arith.addf %add3A_1042, %get3A_1053 : vector<16xf32>
        %add3A_1061 = arith.addf %add3A_1043, %get3A_1059 : vector<16xf32>
        %mul3A_1062 = arith.mulf %get3A_1053, %get3A_1053 : vector<16xf32>
        %add3A_1063 = arith.addf %add3A_1045, %mul3A_1062 : vector<16xf32>
        %mul3A_1064 = arith.mulf %get3A_1059, %get3A_1059 : vector<16xf32>
        %add3A_1065 = arith.addf %add3A_1047, %mul3A_1064 : vector<16xf32>
        %add3A_1066 = arith.constant 41 : i32
        %add3A_1067 = arith.addi %mul3A_327, %add3A_1066 : i32
        %get3A_1068 = arith.index_cast %add3A_1067 : i32 to index
        %get3A_1069 = arith.constant 0 : index
        %get3A_1070 = tpu.vector_load %arg8[%get3A_1068, %get3A_1069] {strides = array<i32>} : memref<960x32xf32, #tpu.memory_space<vmem>>, vector<1x16xf32>,
        %get3A_1071 = vector.shape_cast %get3A_1070 : vector<1x16xf32> to vector<16xf32>
        %add3A_1072 = arith.constant 41 : i32
        %add3A_1073 = arith.addi %mul3A_327, %add3A_1072 : i32
        %get3A_1074 = arith.index_cast %add3A_1073 : i32 to index
        %get3A_1075 = arith.constant 16 : index
        %get3A_1076 = tpu.vector_load %arg8[%get3A_1074, %get3A_1075] {strides = array<i32>} : memref<960x32xf32, #tpu.memory_space<vmem>>, vector<1x16xf32>,
        %get3A_1077 = vector.shape_cast %get3A_1076 : vector<1x16xf32> to vector<16xf32>
        %add3A_1078 = arith.addf %add3A_1060, %get3A_1071 : vector<16xf32>
        %add3A_1079 = arith.addf %add3A_1061, %get3A_1077 : vector<16xf32>
        %mul3A_1080 = arith.mulf %get3A_1071, %get3A_1071 : vector<16xf32>
        %add3A_1081 = arith.addf %add3A_1063, %mul3A_1080 : vector<16xf32>
        %mul3A_1082 = arith.mulf %get3A_1077, %get3A_1077 : vector<16xf32>
        %add3A_1083 = arith.addf %add3A_1065, %mul3A_1082 : vector<16xf32>
        %add3A_1084 = arith.constant 42 : i32
        %add3A_1085 = arith.addi %mul3A_327, %add3A_1084 : i32
        %get3A_1086 = arith.index_cast %add3A_1085 : i32 to index
        %get3A_1087 = arith.constant 0 : index
        %get3A_1088 = tpu.vector_load %arg8[%get3A_1086, %get3A_1087] {strides = array<i32>} : memref<960x32xf32, #tpu.memory_space<vmem>>, vector<1x16xf32>,
        %get3A_1089 = vector.shape_cast %get3A_1088 : vector<1x16xf32> to vector<16xf32>
        %add3A_1090 = arith.constant 42 : i32
        %add3A_1091 = arith.addi %mul3A_327, %add3A_1090 : i32
        %get3A_1092 = arith.index_cast %add3A_1091 : i32 to index
        %get3A_1093 = arith.constant 16 : index
        %get3A_1094 = tpu.vector_load %arg8[%get3A_1092, %get3A_1093] {strides = array<i32>} : memref<960x32xf32, #tpu.memory_space<vmem>>, vector<1x16xf32>,
        %get3A_1095 = vector.shape_cast %get3A_1094 : vector<1x16xf32> to vector<16xf32>
        %add3A_1096 = arith.addf %add3A_1078, %get3A_1089 : vector<16xf32>
        %add3A_1097 = arith.addf %add3A_1079, %get3A_1095 : vector<16xf32>
        %mul3A_1098 = arith.mulf %get3A_1089, %get3A_1089 : vector<16xf32>
        %add3A_1099 = arith.addf %add3A_1081, %mul3A_1098 : vector<16xf32>
        %mul3A_1100 = arith.mulf %get3A_1095, %get3A_1095 : vector<16xf32>
        %add3A_1101 = arith.addf %add3A_1083, %mul3A_1100 : vector<16xf32>
        %add3A_1102 = arith.constant 43 : i32
        %add3A_1103 = arith.addi %mul3A_327, %add3A_1102 : i32
        %get3A_1104 = arith.index_cast %add3A_1103 : i32 to index
        %get3A_1105 = arith.constant 0 : index
        %get3A_1106 = tpu.vector_load %arg8[%get3A_1104, %get3A_1105] {strides = array<i32>} : memref<960x32xf32, #tpu.memory_space<vmem>>, vector<1x16xf32>,
        %get3A_1107 = vector.shape_cast %get3A_1106 : vector<1x16xf32> to vector<16xf32>
        %add3A_1108 = arith.constant 43 : i32
        %add3A_1109 = arith.addi %mul3A_327, %add3A_1108 : i32
        %get3A_1110 = arith.index_cast %add3A_1109 : i32 to index
        %get3A_1111 = arith.constant 16 : index
        %get3A_1112 = tpu.vector_load %arg8[%get3A_1110, %get3A_1111] {strides = array<i32>} : memref<960x32xf32, #tpu.memory_space<vmem>>, vector<1x16xf32>,
        %get3A_1113 = vector.shape_cast %get3A_1112 : vector<1x16xf32> to vector<16xf32>
        %add3A_1114 = arith.addf %add3A_1096, %get3A_1107 : vector<16xf32>
        %add3A_1115 = arith.addf %add3A_1097, %get3A_1113 : vector<16xf32>
        %mul3A_1116 = arith.mulf %get3A_1107, %get3A_1107 : vector<16xf32>
        %add3A_1117 = arith.addf %add3A_1099, %mul3A_1116 : vector<16xf32>
        %mul3A_1118 = arith.mulf %get3A_1113, %get3A_1113 : vector<16xf32>
        %add3A_1119 = arith.addf %add3A_1101, %mul3A_1118 : vector<16xf32>
        %add3A_1120 = arith.constant 44 : i32
        %add3A_1121 = arith.addi %mul3A_327, %add3A_1120 : i32
        %get3A_1122 = arith.index_cast %add3A_1121 : i32 to index
        %get3A_1123 = arith.constant 0 : index
        %get3A_1124 = tpu.vector_load %arg8[%get3A_1122, %get3A_1123] {strides = array<i32>} : memref<960x32xf32, #tpu.memory_space<vmem>>, vector<1x16xf32>,
        %get3A_1125 = vector.shape_cast %get3A_1124 : vector<1x16xf32> to vector<16xf32>
        %add3A_1126 = arith.constant 44 : i32
        %add3A_1127 = arith.addi %mul3A_327, %add3A_1126 : i32
        %get3A_1128 = arith.index_cast %add3A_1127 : i32 to index
        %get3A_1129 = arith.constant 16 : index
        %get3A_1130 = tpu.vector_load %arg8[%get3A_1128, %get3A_1129] {strides = array<i32>} : memref<960x32xf32, #tpu.memory_space<vmem>>, vector<1x16xf32>,
        %get3A_1131 = vector.shape_cast %get3A_1130 : vector<1x16xf32> to vector<16xf32>
        %add3A_1132 = arith.addf %add3A_1114, %get3A_1125 : vector<16xf32>
        %add3A_1133 = arith.addf %add3A_1115, %get3A_1131 : vector<16xf32>
        %mul3A_1134 = arith.mulf %get3A_1125, %get3A_1125 : vector<16xf32>
        %add3A_1135 = arith.addf %add3A_1117, %mul3A_1134 : vector<16xf32>
        %mul3A_1136 = arith.mulf %get3A_1131, %get3A_1131 : vector<16xf32>
        %add3A_1137 = arith.addf %add3A_1119, %mul3A_1136 : vector<16xf32>
        %add3A_1138 = arith.constant 45 : i32
        %add3A_1139 = arith.addi %mul3A_327, %add3A_1138 : i32
        %get3A_1140 = arith.index_cast %add3A_1139 : i32 to index
        %get3A_1141 = arith.constant 0 : index
        %get3A_1142 = tpu.vector_load %arg8[%get3A_1140, %get3A_1141] {strides = array<i32>} : memref<960x32xf32, #tpu.memory_space<vmem>>, vector<1x16xf32>,
        %get3A_1143 = vector.shape_cast %get3A_1142 : vector<1x16xf32> to vector<16xf32>
        %add3A_1144 = arith.constant 45 : i32
        %add3A_1145 = arith.addi %mul3A_327, %add3A_1144 : i32
        %get3A_1146 = arith.index_cast %add3A_1145 : i32 to index
        %get3A_1147 = arith.constant 16 : index
        %get3A_1148 = tpu.vector_load %arg8[%get3A_1146, %get3A_1147] {strides = array<i32>} : memref<960x32xf32, #tpu.memory_space<vmem>>, vector<1x16xf32>,
        %get3A_1149 = vector.shape_cast %get3A_1148 : vector<1x16xf32> to vector<16xf32>
        %add3A_1150 = arith.addf %add3A_1132, %get3A_1143 : vector<16xf32>
        %add3A_1151 = arith.addf %add3A_1133, %get3A_1149 : vector<16xf32>
        %mul3A_1152 = arith.mulf %get3A_1143, %get3A_1143 : vector<16xf32>
        %add3A_1153 = arith.addf %add3A_1135, %mul3A_1152 : vector<16xf32>
        %mul3A_1154 = arith.mulf %get3A_1149, %get3A_1149 : vector<16xf32>
        %add3A_1155 = arith.addf %add3A_1137, %mul3A_1154 : vector<16xf32>
        %add3A_1156 = arith.constant 46 : i32
        %add3A_1157 = arith.addi %mul3A_327, %add3A_1156 : i32
        %get3A_1158 = arith.index_cast %add3A_1157 : i32 to index
        %get3A_1159 = arith.constant 0 : index
        %get3A_1160 = tpu.vector_load %arg8[%get3A_1158, %get3A_1159] {strides = array<i32>} : memref<960x32xf32, #tpu.memory_space<vmem>>, vector<1x16xf32>,
        %get3A_1161 = vector.shape_cast %get3A_1160 : vector<1x16xf32> to vector<16xf32>
        %add3A_1162 = arith.constant 46 : i32
        %add3A_1163 = arith.addi %mul3A_327, %add3A_1162 : i32
        %get3A_1164 = arith.index_cast %add3A_1163 : i32 to index
        %get3A_1165 = arith.constant 16 : index
        %get3A_1166 = tpu.vector_load %arg8[%get3A_1164, %get3A_1165] {strides = array<i32>} : memref<960x32xf32, #tpu.memory_space<vmem>>, vector<1x16xf32>,
        %get3A_1167 = vector.shape_cast %get3A_1166 : vector<1x16xf32> to vector<16xf32>
        %add3A_1168 = arith.addf %add3A_1150, %get3A_1161 : vector<16xf32>
        %add3A_1169 = arith.addf %add3A_1151, %get3A_1167 : vector<16xf32>
        %mul3A_1170 = arith.mulf %get3A_1161, %get3A_1161 : vector<16xf32>
        %add3A_1171 = arith.addf %add3A_1153, %mul3A_1170 : vector<16xf32>
        %mul3A_1172 = arith.mulf %get3A_1167, %get3A_1167 : vector<16xf32>
        %add3A_1173 = arith.addf %add3A_1155, %mul3A_1172 : vector<16xf32>
        %add3A_1174 = arith.constant 47 : i32
        %add3A_1175 = arith.addi %mul3A_327, %add3A_1174 : i32
        %get3A_1176 = arith.index_cast %add3A_1175 : i32 to index
        %get3A_1177 = arith.constant 0 : index
        %get3A_1178 = tpu.vector_load %arg8[%get3A_1176, %get3A_1177] {strides = array<i32>} : memref<960x32xf32, #tpu.memory_space<vmem>>, vector<1x16xf32>,
        %get3A_1179 = vector.shape_cast %get3A_1178 : vector<1x16xf32> to vector<16xf32>
        %add3A_1180 = arith.constant 47 : i32
        %add3A_1181 = arith.addi %mul3A_327, %add3A_1180 : i32
        %get3A_1182 = arith.index_cast %add3A_1181 : i32 to index
        %get3A_1183 = arith.constant 16 : index
        %get3A_1184 = tpu.vector_load %arg8[%get3A_1182, %get3A_1183] {strides = array<i32>} : memref<960x32xf32, #tpu.memory_space<vmem>>, vector<1x16xf32>,
        %get3A_1185 = vector.shape_cast %get3A_1184 : vector<1x16xf32> to vector<16xf32>
        %add3A_1186 = arith.addf %add3A_1168, %get3A_1179 : vector<16xf32>
        %add3A_1187 = arith.addf %add3A_1169, %get3A_1185 : vector<16xf32>
        %mul3A_1188 = arith.mulf %get3A_1179, %get3A_1179 : vector<16xf32>
        %add3A_1189 = arith.addf %add3A_1171, %mul3A_1188 : vector<16xf32>
        %mul3A_1190 = arith.mulf %get3A_1185, %get3A_1185 : vector<16xf32>
        %add3A_1191 = arith.addf %add3A_1173, %mul3A_1190 : vector<16xf32>
        %add3A_1192 = arith.constant 48 : i32
        %add3A_1193 = arith.addi %mul3A_327, %add3A_1192 : i32
        %get3A_1194 = arith.index_cast %add3A_1193 : i32 to index
        %get3A_1195 = arith.constant 0 : index
        %get3A_1196 = tpu.vector_load %arg8[%get3A_1194, %get3A_1195] {strides = array<i32>} : memref<960x32xf32, #tpu.memory_space<vmem>>, vector<1x16xf32>,
        %get3A_1197 = vector.shape_cast %get3A_1196 : vector<1x16xf32> to vector<16xf32>
        %add3A_1198 = arith.constant 48 : i32
        %add3A_1199 = arith.addi %mul3A_327, %add3A_1198 : i32
        %get3A_1200 = arith.index_cast %add3A_1199 : i32 to index
        %get3A_1201 = arith.constant 16 : index
        %get3A_1202 = tpu.vector_load %arg8[%get3A_1200, %get3A_1201] {strides = array<i32>} : memref<960x32xf32, #tpu.memory_space<vmem>>, vector<1x16xf32>,
        %get3A_1203 = vector.shape_cast %get3A_1202 : vector<1x16xf32> to vector<16xf32>
        %add3A_1204 = arith.addf %add3A_1186, %get3A_1197 : vector<16xf32>
        %add3A_1205 = arith.addf %add3A_1187, %get3A_1203 : vector<16xf32>
        %mul3A_1206 = arith.mulf %get3A_1197, %get3A_1197 : vector<16xf32>
        %add3A_1207 = arith.addf %add3A_1189, %mul3A_1206 : vector<16xf32>
        %mul3A_1208 = arith.mulf %get3A_1203, %get3A_1203 : vector<16xf32>
        %add3A_1209 = arith.addf %add3A_1191, %mul3A_1208 : vector<16xf32>
        %add3A_1210 = arith.constant 49 : i32
        %add3A_1211 = arith.addi %mul3A_327, %add3A_1210 : i32
        %get3A_1212 = arith.index_cast %add3A_1211 : i32 to index
        %get3A_1213 = arith.constant 0 : index
        %get3A_1214 = tpu.vector_load %arg8[%get3A_1212, %get3A_1213] {strides = array<i32>} : memref<960x32xf32, #tpu.memory_space<vmem>>, vector<1x16xf32>,
        %get3A_1215 = vector.shape_cast %get3A_1214 : vector<1x16xf32> to vector<16xf32>
        %add3A_1216 = arith.constant 49 : i32
        %add3A_1217 = arith.addi %mul3A_327, %add3A_1216 : i32
        %get3A_1218 = arith.index_cast %add3A_1217 : i32 to index
        %get3A_1219 = arith.constant 16 : index
        %get3A_1220 = tpu.vector_load %arg8[%get3A_1218, %get3A_1219] {strides = array<i32>} : memref<960x32xf32, #tpu.memory_space<vmem>>, vector<1x16xf32>,
        %get3A_1221 = vector.shape_cast %get3A_1220 : vector<1x16xf32> to vector<16xf32>
        %add3A_1222 = arith.addf %add3A_1204, %get3A_1215 : vector<16xf32>
        %add3A_1223 = arith.addf %add3A_1205, %get3A_1221 : vector<16xf32>
        %mul3A_1224 = arith.mulf %get3A_1215, %get3A_1215 : vector<16xf32>
        %add3A_1225 = arith.addf %add3A_1207, %mul3A_1224 : vector<16xf32>
        %mul3A_1226 = arith.mulf %get3A_1221, %get3A_1221 : vector<16xf32>
        %add3A_1227 = arith.addf %add3A_1209, %mul3A_1226 : vector<16xf32>
        %add3A_1228 = arith.constant 50 : i32
        %add3A_1229 = arith.addi %mul3A_327, %add3A_1228 : i32
        %get3A_1230 = arith.index_cast %add3A_1229 : i32 to index
        %get3A_1231 = arith.constant 0 : index
        %get3A_1232 = tpu.vector_load %arg8[%get3A_1230, %get3A_1231] {strides = array<i32>} : memref<960x32xf32, #tpu.memory_space<vmem>>, vector<1x16xf32>,
        %get3A_1233 = vector.shape_cast %get3A_1232 : vector<1x16xf32> to vector<16xf32>
        %add3A_1234 = arith.constant 50 : i32
        %add3A_1235 = arith.addi %mul3A_327, %add3A_1234 : i32
        %get3A_1236 = arith.index_cast %add3A_1235 : i32 to index
        %get3A_1237 = arith.constant 16 : index
        %get3A_1238 = tpu.vector_load %arg8[%get3A_1236, %get3A_1237] {strides = array<i32>} : memref<960x32xf32, #tpu.memory_space<vmem>>, vector<1x16xf32>,
        %get3A_1239 = vector.shape_cast %get3A_1238 : vector<1x16xf32> to vector<16xf32>
        %add3A_1240 = arith.addf %add3A_1222, %get3A_1233 : vector<16xf32>
        %add3A_1241 = arith.addf %add3A_1223, %get3A_1239 : vector<16xf32>
        %mul3A_1242 = arith.mulf %get3A_1233, %get3A_1233 : vector<16xf32>
        %add3A_1243 = arith.addf %add3A_1225, %mul3A_1242 : vector<16xf32>
        %mul3A_1244 = arith.mulf %get3A_1239, %get3A_1239 : vector<16xf32>
        %add3A_1245 = arith.addf %add3A_1227, %mul3A_1244 : vector<16xf32>
        %add3A_1246 = arith.constant 51 : i32
        %add3A_1247 = arith.addi %mul3A_327, %add3A_1246 : i32
        %get3A_1248 = arith.index_cast %add3A_1247 : i32 to index
        %get3A_1249 = arith.constant 0 : index
        %get3A_1250 = tpu.vector_load %arg8[%get3A_1248, %get3A_1249] {strides = array<i32>} : memref<960x32xf32, #tpu.memory_space<vmem>>, vector<1x16xf32>,
        %get3A_1251 = vector.shape_cast %get3A_1250 : vector<1x16xf32> to vector<16xf32>
        %add3A_1252 = arith.constant 51 : i32
        %add3A_1253 = arith.addi %mul3A_327, %add3A_1252 : i32
        %get3A_1254 = arith.index_cast %add3A_1253 : i32 to index
        %get3A_1255 = arith.constant 16 : index
        %get3A_1256 = tpu.vector_load %arg8[%get3A_1254, %get3A_1255] {strides = array<i32>} : memref<960x32xf32, #tpu.memory_space<vmem>>, vector<1x16xf32>,
        %get3A_1257 = vector.shape_cast %get3A_1256 : vector<1x16xf32> to vector<16xf32>
        %add3A_1258 = arith.addf %add3A_1240, %get3A_1251 : vector<16xf32>
        %add3A_1259 = arith.addf %add3A_1241, %get3A_1257 : vector<16xf32>
        %mul3A_1260 = arith.mulf %get3A_1251, %get3A_1251 : vector<16xf32>
        %add3A_1261 = arith.addf %add3A_1243, %mul3A_1260 : vector<16xf32>
        %mul3A_1262 = arith.mulf %get3A_1257, %get3A_1257 : vector<16xf32>
        %add3A_1263 = arith.addf %add3A_1245, %mul3A_1262 : vector<16xf32>
        %add3A_1264 = arith.constant 52 : i32
        %add3A_1265 = arith.addi %mul3A_327, %add3A_1264 : i32
        %get3A_1266 = arith.index_cast %add3A_1265 : i32 to index
        %get3A_1267 = arith.constant 0 : index
        %get3A_1268 = tpu.vector_load %arg8[%get3A_1266, %get3A_1267] {strides = array<i32>} : memref<960x32xf32, #tpu.memory_space<vmem>>, vector<1x16xf32>,
        %get3A_1269 = vector.shape_cast %get3A_1268 : vector<1x16xf32> to vector<16xf32>
        %add3A_1270 = arith.constant 52 : i32
        %add3A_1271 = arith.addi %mul3A_327, %add3A_1270 : i32
        %get3A_1272 = arith.index_cast %add3A_1271 : i32 to index
        %get3A_1273 = arith.constant 16 : index
        %get3A_1274 = tpu.vector_load %arg8[%get3A_1272, %get3A_1273] {strides = array<i32>} : memref<960x32xf32, #tpu.memory_space<vmem>>, vector<1x16xf32>,
        %get3A_1275 = vector.shape_cast %get3A_1274 : vector<1x16xf32> to vector<16xf32>
        %add3A_1276 = arith.addf %add3A_1258, %get3A_1269 : vector<16xf32>
        %add3A_1277 = arith.addf %add3A_1259, %get3A_1275 : vector<16xf32>
        %mul3A_1278 = arith.mulf %get3A_1269, %get3A_1269 : vector<16xf32>
        %add3A_1279 = arith.addf %add3A_1261, %mul3A_1278 : vector<16xf32>
        %mul3A_1280 = arith.mulf %get3A_1275, %get3A_1275 : vector<16xf32>
        %add3A_1281 = arith.addf %add3A_1263, %mul3A_1280 : vector<16xf32>
        %add3A_1282 = arith.constant 53 : i32
        %add3A_1283 = arith.addi %mul3A_327, %add3A_1282 : i32
        %get3A_1284 = arith.index_cast %add3A_1283 : i32 to index
        %get3A_1285 = arith.constant 0 : index
        %get3A_1286 = tpu.vector_load %arg8[%get3A_1284, %get3A_1285] {strides = array<i32>} : memref<960x32xf32, #tpu.memory_space<vmem>>, vector<1x16xf32>,
        %get3A_1287 = vector.shape_cast %get3A_1286 : vector<1x16xf32> to vector<16xf32>
        %add3A_1288 = arith.constant 53 : i32
        %add3A_1289 = arith.addi %mul3A_327, %add3A_1288 : i32
        %get3A_1290 = arith.index_cast %add3A_1289 : i32 to index
        %get3A_1291 = arith.constant 16 : index
        %get3A_1292 = tpu.vector_load %arg8[%get3A_1290, %get3A_1291] {strides = array<i32>} : memref<960x32xf32, #tpu.memory_space<vmem>>, vector<1x16xf32>,
        %get3A_1293 = vector.shape_cast %get3A_1292 : vector<1x16xf32> to vector<16xf32>
        %add3A_1294 = arith.addf %add3A_1276, %get3A_1287 : vector<16xf32>
        %add3A_1295 = arith.addf %add3A_1277, %get3A_1293 : vector<16xf32>
        %mul3A_1296 = arith.mulf %get3A_1287, %get3A_1287 : vector<16xf32>
        %add3A_1297 = arith.addf %add3A_1279, %mul3A_1296 : vector<16xf32>
        %mul3A_1298 = arith.mulf %get3A_1293, %get3A_1293 : vector<16xf32>
        %add3A_1299 = arith.addf %add3A_1281, %mul3A_1298 : vector<16xf32>
        %add3A_1300 = arith.constant 54 : i32
        %add3A_1301 = arith.addi %mul3A_327, %add3A_1300 : i32
        %get3A_1302 = arith.index_cast %add3A_1301 : i32 to index
        %get3A_1303 = arith.constant 0 : index
        %get3A_1304 = tpu.vector_load %arg8[%get3A_1302, %get3A_1303] {strides = array<i32>} : memref<960x32xf32, #tpu.memory_space<vmem>>, vector<1x16xf32>,
        %get3A_1305 = vector.shape_cast %get3A_1304 : vector<1x16xf32> to vector<16xf32>
        %add3A_1306 = arith.constant 54 : i32
        %add3A_1307 = arith.addi %mul3A_327, %add3A_1306 : i32
        %get3A_1308 = arith.index_cast %add3A_1307 : i32 to index
        %get3A_1309 = arith.constant 16 : index
        %get3A_1310 = tpu.vector_load %arg8[%get3A_1308, %get3A_1309] {strides = array<i32>} : memref<960x32xf32, #tpu.memory_space<vmem>>, vector<1x16xf32>,
        %get3A_1311 = vector.shape_cast %get3A_1310 : vector<1x16xf32> to vector<16xf32>
        %add3A_1312 = arith.addf %add3A_1294, %get3A_1305 : vector<16xf32>
        %add3A_1313 = arith.addf %add3A_1295, %get3A_1311 : vector<16xf32>
        %mul3A_1314 = arith.mulf %get3A_1305, %get3A_1305 : vector<16xf32>
        %add3A_1315 = arith.addf %add3A_1297, %mul3A_1314 : vector<16xf32>
        %mul3A_1316 = arith.mulf %get3A_1311, %get3A_1311 : vector<16xf32>
        %add3A_1317 = arith.addf %add3A_1299, %mul3A_1316 : vector<16xf32>
        %add3A_1318 = arith.constant 55 : i32
        %add3A_1319 = arith.addi %mul3A_327, %add3A_1318 : i32
        %get3A_1320 = arith.index_cast %add3A_1319 : i32 to index
        %get3A_1321 = arith.constant 0 : index
        %get3A_1322 = tpu.vector_load %arg8[%get3A_1320, %get3A_1321] {strides = array<i32>} : memref<960x32xf32, #tpu.memory_space<vmem>>, vector<1x16xf32>,
        %get3A_1323 = vector.shape_cast %get3A_1322 : vector<1x16xf32> to vector<16xf32>
        %add3A_1324 = arith.constant 55 : i32
        %add3A_1325 = arith.addi %mul3A_327, %add3A_1324 : i32
        %get3A_1326 = arith.index_cast %add3A_1325 : i32 to index
        %get3A_1327 = arith.constant 16 : index
        %get3A_1328 = tpu.vector_load %arg8[%get3A_1326, %get3A_1327] {strides = array<i32>} : memref<960x32xf32, #tpu.memory_space<vmem>>, vector<1x16xf32>,
        %get3A_1329 = vector.shape_cast %get3A_1328 : vector<1x16xf32> to vector<16xf32>
        %add3A_1330 = arith.addf %add3A_1312, %get3A_1323 : vector<16xf32>
        %add3A_1331 = arith.addf %add3A_1313, %get3A_1329 : vector<16xf32>
        %mul3A_1332 = arith.mulf %get3A_1323, %get3A_1323 : vector<16xf32>
        %add3A_1333 = arith.addf %add3A_1315, %mul3A_1332 : vector<16xf32>
        %mul3A_1334 = arith.mulf %get3A_1329, %get3A_1329 : vector<16xf32>
        %add3A_1335 = arith.addf %add3A_1317, %mul3A_1334 : vector<16xf32>
        %add3A_1336 = arith.constant 56 : i32
        %add3A_1337 = arith.addi %mul3A_327, %add3A_1336 : i32
        %get3A_1338 = arith.index_cast %add3A_1337 : i32 to index
        %get3A_1339 = arith.constant 0 : index
        %get3A_1340 = tpu.vector_load %arg8[%get3A_1338, %get3A_1339] {strides = array<i32>} : memref<960x32xf32, #tpu.memory_space<vmem>>, vector<1x16xf32>,
        %get3A_1341 = vector.shape_cast %get3A_1340 : vector<1x16xf32> to vector<16xf32>
        %add3A_1342 = arith.constant 56 : i32
        %add3A_1343 = arith.addi %mul3A_327, %add3A_1342 : i32
        %get3A_1344 = arith.index_cast %add3A_1343 : i32 to index
        %get3A_1345 = arith.constant 16 : index
        %get3A_1346 = tpu.vector_load %arg8[%get3A_1344, %get3A_1345] {strides = array<i32>} : memref<960x32xf32, #tpu.memory_space<vmem>>, vector<1x16xf32>,
        %get3A_1347 = vector.shape_cast %get3A_1346 : vector<1x16xf32> to vector<16xf32>
        %add3A_1348 = arith.addf %add3A_1330, %get3A_1341 : vector<16xf32>
        %add3A_1349 = arith.addf %add3A_1331, %get3A_1347 : vector<16xf32>
        %mul3A_1350 = arith.mulf %get3A_1341, %get3A_1341 : vector<16xf32>
        %add3A_1351 = arith.addf %add3A_1333, %mul3A_1350 : vector<16xf32>
        %mul3A_1352 = arith.mulf %get3A_1347, %get3A_1347 : vector<16xf32>
        %add3A_1353 = arith.addf %add3A_1335, %mul3A_1352 : vector<16xf32>
        %add3A_1354 = arith.constant 57 : i32
        %add3A_1355 = arith.addi %mul3A_327, %add3A_1354 : i32
        %get3A_1356 = arith.index_cast %add3A_1355 : i32 to index
        %get3A_1357 = arith.constant 0 : index
        %get3A_1358 = tpu.vector_load %arg8[%get3A_1356, %get3A_1357] {strides = array<i32>} : memref<960x32xf32, #tpu.memory_space<vmem>>, vector<1x16xf32>,
        %get3A_1359 = vector.shape_cast %get3A_1358 : vector<1x16xf32> to vector<16xf32>
        %add3A_1360 = arith.constant 57 : i32
        %add3A_1361 = arith.addi %mul3A_327, %add3A_1360 : i32
        %get3A_1362 = arith.index_cast %add3A_1361 : i32 to index
        %get3A_1363 = arith.constant 16 : index
        %get3A_1364 = tpu.vector_load %arg8[%get3A_1362, %get3A_1363] {strides = array<i32>} : memref<960x32xf32, #tpu.memory_space<vmem>>, vector<1x16xf32>,
        %get3A_1365 = vector.shape_cast %get3A_1364 : vector<1x16xf32> to vector<16xf32>
        %add3A_1366 = arith.addf %add3A_1348, %get3A_1359 : vector<16xf32>
        %add3A_1367 = arith.addf %add3A_1349, %get3A_1365 : vector<16xf32>
        %mul3A_1368 = arith.mulf %get3A_1359, %get3A_1359 : vector<16xf32>
        %add3A_1369 = arith.addf %add3A_1351, %mul3A_1368 : vector<16xf32>
        %mul3A_1370 = arith.mulf %get3A_1365, %get3A_1365 : vector<16xf32>
        %add3A_1371 = arith.addf %add3A_1353, %mul3A_1370 : vector<16xf32>
        %add3A_1372 = arith.constant 58 : i32
        %add3A_1373 = arith.addi %mul3A_327, %add3A_1372 : i32
        %get3A_1374 = arith.index_cast %add3A_1373 : i32 to index
        %get3A_1375 = arith.constant 0 : index
        %get3A_1376 = tpu.vector_load %arg8[%get3A_1374, %get3A_1375] {strides = array<i32>} : memref<960x32xf32, #tpu.memory_space<vmem>>, vector<1x16xf32>,
        %get3A_1377 = vector.shape_cast %get3A_1376 : vector<1x16xf32> to vector<16xf32>
        %add3A_1378 = arith.constant 58 : i32
        %add3A_1379 = arith.addi %mul3A_327, %add3A_1378 : i32
        %get3A_1380 = arith.index_cast %add3A_1379 : i32 to index
        %get3A_1381 = arith.constant 16 : index
        %get3A_1382 = tpu.vector_load %arg8[%get3A_1380, %get3A_1381] {strides = array<i32>} : memref<960x32xf32, #tpu.memory_space<vmem>>, vector<1x16xf32>,
        %get3A_1383 = vector.shape_cast %get3A_1382 : vector<1x16xf32> to vector<16xf32>
        %add3A_1384 = arith.addf %add3A_1366, %get3A_1377 : vector<16xf32>
        %add3A_1385 = arith.addf %add3A_1367, %get3A_1383 : vector<16xf32>
        %mul3A_1386 = arith.mulf %get3A_1377, %get3A_1377 : vector<16xf32>
        %add3A_1387 = arith.addf %add3A_1369, %mul3A_1386 : vector<16xf32>
        %mul3A_1388 = arith.mulf %get3A_1383, %get3A_1383 : vector<16xf32>
        %add3A_1389 = arith.addf %add3A_1371, %mul3A_1388 : vector<16xf32>
        %add3A_1390 = arith.constant 59 : i32
        %add3A_1391 = arith.addi %mul3A_327, %add3A_1390 : i32
        %get3A_1392 = arith.index_cast %add3A_1391 : i32 to index
        %get3A_1393 = arith.constant 0 : index
        %get3A_1394 = tpu.vector_load %arg8[%get3A_1392, %get3A_1393] {strides = array<i32>} : memref<960x32xf32, #tpu.memory_space<vmem>>, vector<1x16xf32>,
        %get3A_1395 = vector.shape_cast %get3A_1394 : vector<1x16xf32> to vector<16xf32>
        %add3A_1396 = arith.constant 59 : i32
        %add3A_1397 = arith.addi %mul3A_327, %add3A_1396 : i32
        %get3A_1398 = arith.index_cast %add3A_1397 : i32 to index
        %get3A_1399 = arith.constant 16 : index
        %get3A_1400 = tpu.vector_load %arg8[%get3A_1398, %get3A_1399] {strides = array<i32>} : memref<960x32xf32, #tpu.memory_space<vmem>>, vector<1x16xf32>,
        %get3A_1401 = vector.shape_cast %get3A_1400 : vector<1x16xf32> to vector<16xf32>
        %add3A_1402 = arith.addf %add3A_1384, %get3A_1395 : vector<16xf32>
        %add3A_1403 = arith.addf %add3A_1385, %get3A_1401 : vector<16xf32>
        %mul3A_1404 = arith.mulf %get3A_1395, %get3A_1395 : vector<16xf32>
        %add3A_1405 = arith.addf %add3A_1387, %mul3A_1404 : vector<16xf32>
        %mul3A_1406 = arith.mulf %get3A_1401, %get3A_1401 : vector<16xf32>
        %add3A_1407 = arith.addf %add3A_1389, %mul3A_1406 : vector<16xf32>
        %get3A_1408 = arith.index_cast %mul3A_327 : i32 to index
        %get3A_1409 = tpu.vector_load %arg10[%get3A_1408] {strides = array<i32>} : memref<976xf32, #tpu.memory_space<vmem>>, vector<16xf32>,
        %get3A_1410 = vector.shape_cast %get3A_1409 : vector<16xf32> to vector<16xf32>
        %add3A_1411 = arith.constant 16 : i32
        %add3A_1412 = arith.addi %mul3A_327, %add3A_1411 : i32
        %get3A_1413 = arith.index_cast %add3A_1412 : i32 to index
        %get3A_1414 = tpu.vector_load %arg10[%get3A_1413] {strides = array<i32>} : memref<976xf32, #tpu.memory_space<vmem>>, vector<16xf32>,
        %get3A_1415 = vector.shape_cast %get3A_1414 : vector<16xf32> to vector<16xf32>
        %add3A_1416 = arith.addf %get3A_1410, %get3A_1415 : vector<16xf32>
        %add3A_1417 = arith.constant 32 : i32
        %add3A_1418 = arith.addi %mul3A_327, %add3A_1417 : i32
        %get3A_1419 = arith.index_cast %add3A_1418 : i32 to index
        %get3A_1420 = tpu.vector_load %arg10[%get3A_1419] {strides = array<i32>} : memref<976xf32, #tpu.memory_space<vmem>>, vector<16xf32>,
        %get3A_1421 = vector.shape_cast %get3A_1420 : vector<16xf32> to vector<16xf32>
        %add3A_1422 = arith.addf %add3A_1416, %get3A_1421 : vector<16xf32>
        %add3A_1423 = arith.constant 48 : i32
        %add3A_1424 = arith.addi %mul3A_327, %add3A_1423 : i32
        %get3A_1425 = arith.index_cast %add3A_1424 : i32 to index
        %get3A_1426 = tpu.vector_load %arg10[%get3A_1425] {strides = array<i32>} : memref<976xf32, #tpu.memory_space<vmem>>, vector<16xf32>,
        %get3A_1427 = vector.shape_cast %get3A_1426 : vector<16xf32> to vector<16xf32>
        %jit3A = arith.constant 0.000000e+00 : f32
        %broadcast_in_dim3A_1428 = vector.broadcast %jit3A : f32 to vector<16xf32>
        %select_n3A = arith.select %lt3A_6, %get3A_1427, %broadcast_in_dim3A_1428 : vector<16xi1>, vector<16xf32>
        %add3A_1429 = arith.addf %add3A_1422, %select_n3A : vector<16xf32>
        %mul3A_1430 = arith.mulf %add3A_1402, %add3A_1402 : vector<16xf32>
        %sub3A = arith.subf %mul3A_1430, %add3A_1405 : vector<16xf32>
        %mul3A_1431 = arith.mulf %add3A_1403, %add3A_1403 : vector<16xf32>
        %add3A_1432 = arith.addf %sub3A, %mul3A_1431 : vector<16xf32>
        %sub3A_1433 = arith.subf %add3A_1432, %add3A_1407 : vector<16xf32>
        %mul3A_1434 = arith.constant 5.000000e-01 : f32
        %mul3A_1435 = vector.broadcast %mul3A_1434 : f32 to vector<16xf32>
        %mul3A_1436 = arith.mulf %mul3A_1435, %sub3A_1433 : vector<16xf32>
        %add3A_1437 = arith.addf %add3A_1429, %mul3A_1436 : vector<16xf32>
        %slice3A = vector.extract_strided_slice %add3A_1437 {offsets = [0], sizes = [1], strides = [1]} : vector<16xf32> to vector<1xf32>
        %squeeze3A = vector.extract %slice3A[0] : f32 from vector<1xf32>
        %slice3A_1438 = vector.extract_strided_slice %add3A_1437 {offsets = [1], sizes = [1], strides = [1]} : vector<16xf32> to vector<1xf32>
        %squeeze3A_1439 = vector.extract %slice3A_1438[0] : f32 from vector<1xf32>
        %add3A_1440 = arith.addf %squeeze3A, %squeeze3A_1439 : f32
        %slice3A_1441 = vector.extract_strided_slice %add3A_1437 {offsets = [2], sizes = [1], strides = [1]} : vector<16xf32> to vector<1xf32>
        %squeeze3A_1442 = vector.extract %slice3A_1441[0] : f32 from vector<1xf32>
        %add3A_1443 = arith.addf %add3A_1440, %squeeze3A_1442 : f32
        %slice3A_1444 = vector.extract_strided_slice %add3A_1437 {offsets = [3], sizes = [1], strides = [1]} : vector<16xf32> to vector<1xf32>
        %squeeze3A_1445 = vector.extract %slice3A_1444[0] : f32 from vector<1xf32>
        %add3A_1446 = arith.addf %add3A_1443, %squeeze3A_1445 : f32
        %slice3A_1447 = vector.extract_strided_slice %add3A_1437 {offsets = [4], sizes = [1], strides = [1]} : vector<16xf32> to vector<1xf32>
        %squeeze3A_1448 = vector.extract %slice3A_1447[0] : f32 from vector<1xf32>
        %add3A_1449 = arith.addf %add3A_1446, %squeeze3A_1448 : f32
        %slice3A_1450 = vector.extract_strided_slice %add3A_1437 {offsets = [5], sizes = [1], strides = [1]} : vector<16xf32> to vector<1xf32>
        %squeeze3A_1451 = vector.extract %slice3A_1450[0] : f32 from vector<1xf32>
        %add3A_1452 = arith.addf %add3A_1449, %squeeze3A_1451 : f32
        %slice3A_1453 = vector.extract_strided_slice %add3A_1437 {offsets = [6], sizes = [1], strides = [1]} : vector<16xf32> to vector<1xf32>
        %squeeze3A_1454 = vector.extract %slice3A_1453[0] : f32 from vector<1xf32>
        %add3A_1455 = arith.addf %add3A_1452, %squeeze3A_1454 : f32
        %slice3A_1456 = vector.extract_strided_slice %add3A_1437 {offsets = [7], sizes = [1], strides = [1]} : vector<16xf32> to vector<1xf32>
        %squeeze3A_1457 = vector.extract %slice3A_1456[0] : f32 from vector<1xf32>
        %add3A_1458 = arith.addf %add3A_1455, %squeeze3A_1457 : f32
        %slice3A_1459 = vector.extract_strided_slice %add3A_1437 {offsets = [8], sizes = [1], strides = [1]} : vector<16xf32> to vector<1xf32>
        %squeeze3A_1460 = vector.extract %slice3A_1459[0] : f32 from vector<1xf32>
        %add3A_1461 = arith.addf %add3A_1458, %squeeze3A_1460 : f32
        %slice3A_1462 = vector.extract_strided_slice %add3A_1437 {offsets = [9], sizes = [1], strides = [1]} : vector<16xf32> to vector<1xf32>
        %squeeze3A_1463 = vector.extract %slice3A_1462[0] : f32 from vector<1xf32>
        %add3A_1464 = arith.addf %add3A_1461, %squeeze3A_1463 : f32
        %slice3A_1465 = vector.extract_strided_slice %add3A_1437 {offsets = [10], sizes = [1], strides = [1]} : vector<16xf32> to vector<1xf32>
        %squeeze3A_1466 = vector.extract %slice3A_1465[0] : f32 from vector<1xf32>
        %add3A_1467 = arith.addf %add3A_1464, %squeeze3A_1466 : f32
        %slice3A_1468 = vector.extract_strided_slice %add3A_1437 {offsets = [11], sizes = [1], strides = [1]} : vector<16xf32> to vector<1xf32>
        %squeeze3A_1469 = vector.extract %slice3A_1468[0] : f32 from vector<1xf32>
        %add3A_1470 = arith.addf %add3A_1467, %squeeze3A_1469 : f32
        %slice3A_1471 = vector.extract_strided_slice %add3A_1437 {offsets = [12], sizes = [1], strides = [1]} : vector<16xf32> to vector<1xf32>
        %squeeze3A_1472 = vector.extract %slice3A_1471[0] : f32 from vector<1xf32>
        %add3A_1473 = arith.addf %add3A_1470, %squeeze3A_1472 : f32
        %slice3A_1474 = vector.extract_strided_slice %add3A_1437 {offsets = [13], sizes = [1], strides = [1]} : vector<16xf32> to vector<1xf32>
        %squeeze3A_1475 = vector.extract %slice3A_1474[0] : f32 from vector<1xf32>
        %add3A_1476 = arith.addf %add3A_1473, %squeeze3A_1475 : f32
        %slice3A_1477 = vector.extract_strided_slice %add3A_1437 {offsets = [14], sizes = [1], strides = [1]} : vector<16xf32> to vector<1xf32>
        %squeeze3A_1478 = vector.extract %slice3A_1477[0] : f32 from vector<1xf32>
        %add3A_1479 = arith.addf %add3A_1476, %squeeze3A_1478 : f32
        %slice3A_1480 = vector.extract_strided_slice %add3A_1437 {offsets = [15], sizes = [1], strides = [1]} : vector<16xf32> to vector<1xf32>
        %squeeze3A_1481 = vector.extract %slice3A_1480[0] : f32 from vector<1xf32>
        %add3A_1482 = arith.addf %add3A_1479, %squeeze3A_1481 : f32
        %eq3A = vector.broadcast %scan3A_324 : i32 to vector<16xi32>
        %eq3A_1483 = arith.cmpi eq, %iota3A, %eq3A : vector<16xi32>
        %broadcast_in_dim3A_1484 = vector.broadcast %add3A_1482 : f32 to vector<16xf32>
        %select_n3A_1485 = arith.select %eq3A_1483, %broadcast_in_dim3A_1484, %scan3A_325 : vector<16xi1>, vector<16xf32>
        scf.yield %select_n3A_1485 : vector<16xf32>
      }
      %scan3A_263 = arith.constant 16 : i32
      %get3A = arith.constant 0 : index
      %get3A_264 = tpu.vector_load %arg13[%get3A] {strides = array<i32>} : memref<16xf32, #tpu.memory_space<vmem>>, vector<16xf32>,
      %get3A_265 = vector.shape_cast %get3A_264 : vector<16xf32> to vector<16xf32>
      %add3A_266 = arith.addf %scan3A_262, %get3A_265 : vector<16xf32>
      %neg3A = arith.constant 0.000000e+00 : f32
      %neg3A_267 = vector.broadcast %neg3A : f32 to vector<16xf32>
      %neg3A_268 = arith.subf %neg3A_267, %add3A_266 : vector<16xf32>
      %exp3A = math.exp %neg3A_268 : vector<16xf32>
      %add3A_269 = arith.constant 1.000000e+00 : f32
      %add3A_270 = vector.broadcast %add3A_269 : f32 to vector<16xf32>
      %add3A_271 = arith.addf %add3A_270, %exp3A : vector<16xf32>
      %div3A = arith.constant 1.000000e+00 : f32
      %div3A_272 = vector.broadcast %div3A : f32 to vector<16xf32>
      %div3A_273 = arith.divf %div3A_272, %add3A_271 : vector<16xf32>
      %mul3A_274 = arith.constant 16 : i32
      %mul3A_275 = arith.muli %mul3A_126, %mul3A_274 : i32
      %swap3A = arith.index_cast %mul3A_275 : i32 to index
      %swap3A_276 = tpu.vector_load %arg12[%swap3A] {strides = array<i32>} : memref<512xf32, #tpu.memory_space<vmem>>, vector<16xf32>,
      %swap3A_277 = vector.shape_cast %swap3A_276 : vector<16xf32> to vector<16xf32>
      %swap3A_278 = vector.shape_cast %div3A_273 : vector<16xf32> to vector<16xf32>
      tpu.vector_store %arg12[%swap3A], %swap3A_278 {strides = array<i32>} : memref<512xf32, #tpu.memory_space<vmem>>, vector<16xf32>,
      %add3A_279 = arith.constant 1 : i32
      %add3A_280 = arith.addi %add3A_130, %add3A_279 : i32
      %lt3A_281 = arith.constant 32 : i32
      %lt3A_282 = arith.cmpi slt, %add3A_280, %lt3A_281 : i32
      %convert_element_type3A = arith.extui %lt3A_282 : i1 to i32
      %cond3A = arith.constant 0 : i32
      %cond3A_283 = arith.cmpi ne, %convert_element_type3A, %cond3A : i32
      scf.if %cond3A_283 {
        %add3A_324 = arith.constant 1 : i32
        %add3A_325 = arith.addi %add3A_130, %add3A_324 : i32
        %mul3A_326 = arith.constant 960 : i32
        %mul3A_327 = arith.muli %add3A_325, %mul3A_326 : i32
        %add3A_328 = arith.constant 0 : i32
        %add3A_329 = arith.addi %mul3A_327, %add3A_328 : i32
        %dma_start3A_330 = arith.constant 0 : i32
        %dma_start3A_331 = arith.constant 0 : i32
        %dma_start3A_332 = tpu.memref_slice %arg8[%dma_start3A_330, %dma_start3A_331] : memref<960x32xf32, #tpu.memory_space<vmem>> -> memref<120x32xf32, #tpu.memory_space<vmem>>
        %dma_start3A_333 = tpu.memref_slice %arg7[%add3A_329] : memref<30720xi32, #tpu.memory_space<vmem>> -> memref<120xi32, #tpu.memory_space<vmem>>
        %dma_start3A_334 = arith.constant 0 : i32
        %dma_start3A_335 = arith.constant 0 : i32
        %dma_start3A_336 = tpu.memref_slice %arg3[%dma_start3A_334, %dma_start3A_335] : memref<1000000x32xf32, #tpu.memory_space<hbm>> -> memref<1000000x32xf32, #tpu.memory_space<hbm>>
        tpu.enqueue_indirect_dma source(%dma_start3A_336 : memref<1000000x32xf32, #tpu.memory_space<hbm>>) target(%dma_start3A_332 : memref<120x32xf32, #tpu.memory_space<vmem>>) offsets(%dma_start3A_333 : memref<120xi32, #tpu.memory_space<vmem>>) semaphore(%arg14 : memref<!tpu.dma_semaphore, #tpu.memory_space<semaphore_mem>>)
        %dma_start3A_337 = arith.constant 0 : i32
        %dma_start3A_338 = tpu.memref_slice %arg10[%dma_start3A_337] : memref<976xf32, #tpu.memory_space<vmem>> -> memref<120xf32, #tpu.memory_space<vmem>>
        %dma_start3A_339 = tpu.memref_slice %arg7[%add3A_329] : memref<30720xi32, #tpu.memory_space<vmem>> -> memref<120xi32, #tpu.memory_space<vmem>>
        %dma_start3A_340 = arith.constant 0 : i32
        %dma_start3A_341 = tpu.memref_slice %arg4[%dma_start3A_340] : memref<1000000xf32, #tpu.memory_space<hbm>> -> memref<1000000xf32, #tpu.memory_space<hbm>>
        tpu.enqueue_indirect_dma source(%dma_start3A_341 : memref<1000000xf32, #tpu.memory_space<hbm>>) target(%dma_start3A_338 : memref<120xf32, #tpu.memory_space<vmem>>) offsets(%dma_start3A_339 : memref<120xi32, #tpu.memory_space<vmem>>) semaphore(%arg14 : memref<!tpu.dma_semaphore, #tpu.memory_space<semaphore_mem>>)
        %add3A_342 = arith.constant 120 : i32
        %add3A_343 = arith.addi %mul3A_327, %add3A_342 : i32
        %dma_start3A_344 = arith.constant 120 : i32
        %dma_start3A_345 = arith.constant 0 : i32
        %dma_start3A_346 = tpu.memref_slice %arg8[%dma_start3A_344, %dma_start3A_345] : memref<960x32xf32, #tpu.memory_space<vmem>> -> memref<120x32xf32, #tpu.memory_space<vmem>>
        %dma_start3A_347 = tpu.memref_slice %arg7[%add3A_343] : memref<30720xi32, #tpu.memory_space<vmem>> -> memref<120xi32, #tpu.memory_space<vmem>>
        %dma_start3A_348 = arith.constant 0 : i32
        %dma_start3A_349 = arith.constant 0 : i32
        %dma_start3A_350 = tpu.memref_slice %arg3[%dma_start3A_348, %dma_start3A_349] : memref<1000000x32xf32, #tpu.memory_space<hbm>> -> memref<1000000x32xf32, #tpu.memory_space<hbm>>
        tpu.enqueue_indirect_dma source(%dma_start3A_350 : memref<1000000x32xf32, #tpu.memory_space<hbm>>) target(%dma_start3A_346 : memref<120x32xf32, #tpu.memory_space<vmem>>) offsets(%dma_start3A_347 : memref<120xi32, #tpu.memory_space<vmem>>) semaphore(%arg14 : memref<!tpu.dma_semaphore, #tpu.memory_space<semaphore_mem>>)
        %dma_start3A_351 = arith.constant 120 : i32
        %dma_start3A_352 = tpu.memref_slice %arg10[%dma_start3A_351] : memref<976xf32, #tpu.memory_space<vmem>> -> memref<120xf32, #tpu.memory_space<vmem>>
        %dma_start3A_353 = tpu.memref_slice %arg7[%add3A_343] : memref<30720xi32, #tpu.memory_space<vmem>> -> memref<120xi32, #tpu.memory_space<vmem>>
        %dma_start3A_354 = arith.constant 0 : i32
        %dma_start3A_355 = tpu.memref_slice %arg4[%dma_start3A_354] : memref<1000000xf32, #tpu.memory_space<hbm>> -> memref<1000000xf32, #tpu.memory_space<hbm>>
        tpu.enqueue_indirect_dma source(%dma_start3A_355 : memref<1000000xf32, #tpu.memory_space<hbm>>) target(%dma_start3A_352 : memref<120xf32, #tpu.memory_space<vmem>>) offsets(%dma_start3A_353 : memref<120xi32, #tpu.memory_space<vmem>>) semaphore(%arg14 : memref<!tpu.dma_semaphore, #tpu.memory_space<semaphore_mem>>)
        %add3A_356 = arith.constant 240 : i32
        %add3A_357 = arith.addi %mul3A_327, %add3A_356 : i32
        %dma_start3A_358 = arith.constant 240 : i32
        %dma_start3A_359 = arith.constant 0 : i32
        %dma_start3A_360 = tpu.memref_slice %arg8[%dma_start3A_358, %dma_start3A_359] : memref<960x32xf32, #tpu.memory_space<vmem>> -> memref<120x32xf32, #tpu.memory_space<vmem>>
        %dma_start3A_361 = tpu.memref_slice %arg7[%add3A_357] : memref<30720xi32, #tpu.memory_space<vmem>> -> memref<120xi32, #tpu.memory_space<vmem>>
        %dma_start3A_362 = arith.constant 0 : i32
        %dma_start3A_363 = arith.constant 0 : i32
        %dma_start3A_364 = tpu.memref_slice %arg3[%dma_start3A_362, %dma_start3A_363] : memref<1000000x32xf32, #tpu.memory_space<hbm>> -> memref<1000000x32xf32, #tpu.memory_space<hbm>>
        tpu.enqueue_indirect_dma source(%dma_start3A_364 : memref<1000000x32xf32, #tpu.memory_space<hbm>>) target(%dma_start3A_360 : memref<120x32xf32, #tpu.memory_space<vmem>>) offsets(%dma_start3A_361 : memref<120xi32, #tpu.memory_space<vmem>>) semaphore(%arg14 : memref<!tpu.dma_semaphore, #tpu.memory_space<semaphore_mem>>)
        %dma_start3A_365 = arith.constant 240 : i32
        %dma_start3A_366 = tpu.memref_slice %arg10[%dma_start3A_365] : memref<976xf32, #tpu.memory_space<vmem>> -> memref<120xf32, #tpu.memory_space<vmem>>
        %dma_start3A_367 = tpu.memref_slice %arg7[%add3A_357] : memref<30720xi32, #tpu.memory_space<vmem>> -> memref<120xi32, #tpu.memory_space<vmem>>
        %dma_start3A_368 = arith.constant 0 : i32
        %dma_start3A_369 = tpu.memref_slice %arg4[%dma_start3A_368] : memref<1000000xf32, #tpu.memory_space<hbm>> -> memref<1000000xf32, #tpu.memory_space<hbm>>
        tpu.enqueue_indirect_dma source(%dma_start3A_369 : memref<1000000xf32, #tpu.memory_space<hbm>>) target(%dma_start3A_366 : memref<120xf32, #tpu.memory_space<vmem>>) offsets(%dma_start3A_367 : memref<120xi32, #tpu.memory_space<vmem>>) semaphore(%arg14 : memref<!tpu.dma_semaphore, #tpu.memory_space<semaphore_mem>>)
        %add3A_370 = arith.constant 360 : i32
        %add3A_371 = arith.addi %mul3A_327, %add3A_370 : i32
        %dma_start3A_372 = arith.constant 360 : i32
        %dma_start3A_373 = arith.constant 0 : i32
        %dma_start3A_374 = tpu.memref_slice %arg8[%dma_start3A_372, %dma_start3A_373] : memref<960x32xf32, #tpu.memory_space<vmem>> -> memref<120x32xf32, #tpu.memory_space<vmem>>
        %dma_start3A_375 = tpu.memref_slice %arg7[%add3A_371] : memref<30720xi32, #tpu.memory_space<vmem>> -> memref<120xi32, #tpu.memory_space<vmem>>
        %dma_start3A_376 = arith.constant 0 : i32
        %dma_start3A_377 = arith.constant 0 : i32
        %dma_start3A_378 = tpu.memref_slice %arg3[%dma_start3A_376, %dma_start3A_377] : memref<1000000x32xf32, #tpu.memory_space<hbm>> -> memref<1000000x32xf32, #tpu.memory_space<hbm>>
        tpu.enqueue_indirect_dma source(%dma_start3A_378 : memref<1000000x32xf32, #tpu.memory_space<hbm>>) target(%dma_start3A_374 : memref<120x32xf32, #tpu.memory_space<vmem>>) offsets(%dma_start3A_375 : memref<120xi32, #tpu.memory_space<vmem>>) semaphore(%arg14 : memref<!tpu.dma_semaphore, #tpu.memory_space<semaphore_mem>>)
        %dma_start3A_379 = arith.constant 360 : i32
        %dma_start3A_380 = tpu.memref_slice %arg10[%dma_start3A_379] : memref<976xf32, #tpu.memory_space<vmem>> -> memref<120xf32, #tpu.memory_space<vmem>>
        %dma_start3A_381 = tpu.memref_slice %arg7[%add3A_371] : memref<30720xi32, #tpu.memory_space<vmem>> -> memref<120xi32, #tpu.memory_space<vmem>>
        %dma_start3A_382 = arith.constant 0 : i32
        %dma_start3A_383 = tpu.memref_slice %arg4[%dma_start3A_382] : memref<1000000xf32, #tpu.memory_space<hbm>> -> memref<1000000xf32, #tpu.memory_space<hbm>>
        tpu.enqueue_indirect_dma source(%dma_start3A_383 : memref<1000000xf32, #tpu.memory_space<hbm>>) target(%dma_start3A_380 : memref<120xf32, #tpu.memory_space<vmem>>) offsets(%dma_start3A_381 : memref<120xi32, #tpu.memory_space<vmem>>) semaphore(%arg14 : memref<!tpu.dma_semaphore, #tpu.memory_space<semaphore_mem>>)
        %add3A_384 = arith.constant 480 : i32
        %add3A_385 = arith.addi %mul3A_327, %add3A_384 : i32
        %dma_start3A_386 = arith.constant 480 : i32
        %dma_start3A_387 = arith.constant 0 : i32
        %dma_start3A_388 = tpu.memref_slice %arg8[%dma_start3A_386, %dma_start3A_387] : memref<960x32xf32, #tpu.memory_space<vmem>> -> memref<120x32xf32, #tpu.memory_space<vmem>>
        %dma_start3A_389 = tpu.memref_slice %arg7[%add3A_385] : memref<30720xi32, #tpu.memory_space<vmem>> -> memref<120xi32, #tpu.memory_space<vmem>>
        %dma_start3A_390 = arith.constant 0 : i32
        %dma_start3A_391 = arith.constant 0 : i32
        %dma_start3A_392 = tpu.memref_slice %arg3[%dma_start3A_390, %dma_start3A_391] : memref<1000000x32xf32, #tpu.memory_space<hbm>> -> memref<1000000x32xf32, #tpu.memory_space<hbm>>
        tpu.enqueue_indirect_dma source(%dma_start3A_392 : memref<1000000x32xf32, #tpu.memory_space<hbm>>) target(%dma_start3A_388 : memref<120x32xf32, #tpu.memory_space<vmem>>) offsets(%dma_start3A_389 : memref<120xi32, #tpu.memory_space<vmem>>) semaphore(%arg14 : memref<!tpu.dma_semaphore, #tpu.memory_space<semaphore_mem>>)
        %dma_start3A_393 = arith.constant 480 : i32
        %dma_start3A_394 = tpu.memref_slice %arg10[%dma_start3A_393] : memref<976xf32, #tpu.memory_space<vmem>> -> memref<120xf32, #tpu.memory_space<vmem>>
        %dma_start3A_395 = tpu.memref_slice %arg7[%add3A_385] : memref<30720xi32, #tpu.memory_space<vmem>> -> memref<120xi32, #tpu.memory_space<vmem>>
        %dma_start3A_396 = arith.constant 0 : i32
        %dma_start3A_397 = tpu.memref_slice %arg4[%dma_start3A_396] : memref<1000000xf32, #tpu.memory_space<hbm>> -> memref<1000000xf32, #tpu.memory_space<hbm>>
        tpu.enqueue_indirect_dma source(%dma_start3A_397 : memref<1000000xf32, #tpu.memory_space<hbm>>) target(%dma_start3A_394 : memref<120xf32, #tpu.memory_space<vmem>>) offsets(%dma_start3A_395 : memref<120xi32, #tpu.memory_space<vmem>>) semaphore(%arg14 : memref<!tpu.dma_semaphore, #tpu.memory_space<semaphore_mem>>)
        %add3A_398 = arith.constant 600 : i32
        %add3A_399 = arith.addi %mul3A_327, %add3A_398 : i32
        %dma_start3A_400 = arith.constant 600 : i32
        %dma_start3A_401 = arith.constant 0 : i32
        %dma_start3A_402 = tpu.memref_slice %arg8[%dma_start3A_400, %dma_start3A_401] : memref<960x32xf32, #tpu.memory_space<vmem>> -> memref<120x32xf32, #tpu.memory_space<vmem>>
        %dma_start3A_403 = tpu.memref_slice %arg7[%add3A_399] : memref<30720xi32, #tpu.memory_space<vmem>> -> memref<120xi32, #tpu.memory_space<vmem>>
        %dma_start3A_404 = arith.constant 0 : i32
        %dma_start3A_405 = arith.constant 0 : i32
        %dma_start3A_406 = tpu.memref_slice %arg3[%dma_start3A_404, %dma_start3A_405] : memref<1000000x32xf32, #tpu.memory_space<hbm>> -> memref<1000000x32xf32, #tpu.memory_space<hbm>>
        tpu.enqueue_indirect_dma source(%dma_start3A_406 : memref<1000000x32xf32, #tpu.memory_space<hbm>>) target(%dma_start3A_402 : memref<120x32xf32, #tpu.memory_space<vmem>>) offsets(%dma_start3A_403 : memref<120xi32, #tpu.memory_space<vmem>>) semaphore(%arg14 : memref<!tpu.dma_semaphore, #tpu.memory_space<semaphore_mem>>)
        %dma_start3A_407 = arith.constant 600 : i32
        %dma_start3A_408 = tpu.memref_slice %arg10[%dma_start3A_407] : memref<976xf32, #tpu.memory_space<vmem>> -> memref<120xf32, #tpu.memory_space<vmem>>
        %dma_start3A_409 = tpu.memref_slice %arg7[%add3A_399] : memref<30720xi32, #tpu.memory_space<vmem>> -> memref<120xi32, #tpu.memory_space<vmem>>
        %dma_start3A_410 = arith.constant 0 : i32
        %dma_start3A_411 = tpu.memref_slice %arg4[%dma_start3A_410] : memref<1000000xf32, #tpu.memory_space<hbm>> -> memref<1000000xf32, #tpu.memory_space<hbm>>
        tpu.enqueue_indirect_dma source(%dma_start3A_411 : memref<1000000xf32, #tpu.memory_space<hbm>>) target(%dma_start3A_408 : memref<120xf32, #tpu.memory_space<vmem>>) offsets(%dma_start3A_409 : memref<120xi32, #tpu.memory_space<vmem>>) semaphore(%arg14 : memref<!tpu.dma_semaphore, #tpu.memory_space<semaphore_mem>>)
        %add3A_412 = arith.constant 720 : i32
        %add3A_413 = arith.addi %mul3A_327, %add3A_412 : i32
        %dma_start3A_414 = arith.constant 720 : i32
        %dma_start3A_415 = arith.constant 0 : i32
        %dma_start3A_416 = tpu.memref_slice %arg8[%dma_start3A_414, %dma_start3A_415] : memref<960x32xf32, #tpu.memory_space<vmem>> -> memref<120x32xf32, #tpu.memory_space<vmem>>
        %dma_start3A_417 = tpu.memref_slice %arg7[%add3A_413] : memref<30720xi32, #tpu.memory_space<vmem>> -> memref<120xi32, #tpu.memory_space<vmem>>
        %dma_start3A_418 = arith.constant 0 : i32
        %dma_start3A_419 = arith.constant 0 : i32
        %dma_start3A_420 = tpu.memref_slice %arg3[%dma_start3A_418, %dma_start3A_419] : memref<1000000x32xf32, #tpu.memory_space<hbm>> -> memref<1000000x32xf32, #tpu.memory_space<hbm>>
        tpu.enqueue_indirect_dma source(%dma_start3A_420 : memref<1000000x32xf32, #tpu.memory_space<hbm>>) target(%dma_start3A_416 : memref<120x32xf32, #tpu.memory_space<vmem>>) offsets(%dma_start3A_417 : memref<120xi32, #tpu.memory_space<vmem>>) semaphore(%arg14 : memref<!tpu.dma_semaphore, #tpu.memory_space<semaphore_mem>>)
        %dma_start3A_421 = arith.constant 720 : i32
        %dma_start3A_422 = tpu.memref_slice %arg10[%dma_start3A_421] : memref<976xf32, #tpu.memory_space<vmem>> -> memref<120xf32, #tpu.memory_space<vmem>>
        %dma_start3A_423 = tpu.memref_slice %arg7[%add3A_413] : memref<30720xi32, #tpu.memory_space<vmem>> -> memref<120xi32, #tpu.memory_space<vmem>>
        %dma_start3A_424 = arith.constant 0 : i32
        %dma_start3A_425 = tpu.memref_slice %arg4[%dma_start3A_424] : memref<1000000xf32, #tpu.memory_space<hbm>> -> memref<1000000xf32, #tpu.memory_space<hbm>>
        tpu.enqueue_indirect_dma source(%dma_start3A_425 : memref<1000000xf32, #tpu.memory_space<hbm>>) target(%dma_start3A_422 : memref<120xf32, #tpu.memory_space<vmem>>) offsets(%dma_start3A_423 : memref<120xi32, #tpu.memory_space<vmem>>) semaphore(%arg14 : memref<!tpu.dma_semaphore, #tpu.memory_space<semaphore_mem>>)
        %add3A_426 = arith.constant 840 : i32
        %add3A_427 = arith.addi %mul3A_327, %add3A_426 : i32
        %dma_start3A_428 = arith.constant 840 : i32
        %dma_start3A_429 = arith.constant 0 : i32
        %dma_start3A_430 = tpu.memref_slice %arg8[%dma_start3A_428, %dma_start3A_429] : memref<960x32xf32, #tpu.memory_space<vmem>> -> memref<120x32xf32, #tpu.memory_space<vmem>>
        %dma_start3A_431 = tpu.memref_slice %arg7[%add3A_427] : memref<30720xi32, #tpu.memory_space<vmem>> -> memref<120xi32, #tpu.memory_space<vmem>>
        %dma_start3A_432 = arith.constant 0 : i32
        %dma_start3A_433 = arith.constant 0 : i32
        %dma_start3A_434 = tpu.memref_slice %arg3[%dma_start3A_432, %dma_start3A_433] : memref<1000000x32xf32, #tpu.memory_space<hbm>> -> memref<1000000x32xf32, #tpu.memory_space<hbm>>
        tpu.enqueue_indirect_dma source(%dma_start3A_434 : memref<1000000x32xf32, #tpu.memory_space<hbm>>) target(%dma_start3A_430 : memref<120x32xf32, #tpu.memory_space<vmem>>) offsets(%dma_start3A_431 : memref<120xi32, #tpu.memory_space<vmem>>) semaphore(%arg14 : memref<!tpu.dma_semaphore, #tpu.memory_space<semaphore_mem>>)
        %dma_start3A_435 = arith.constant 840 : i32
        %dma_start3A_436 = tpu.memref_slice %arg10[%dma_start3A_435] : memref<976xf32, #tpu.memory_space<vmem>> -> memref<120xf32, #tpu.memory_space<vmem>>
        %dma_start3A_437 = tpu.memref_slice %arg7[%add3A_427] : memref<30720xi32, #tpu.memory_space<vmem>> -> memref<120xi32, #tpu.memory_space<vmem>>
        %dma_start3A_438 = arith.constant 0 : i32
        %dma_start3A_439 = tpu.memref_slice %arg4[%dma_start3A_438] : memref<1000000xf32, #tpu.memory_space<hbm>> -> memref<1000000xf32, #tpu.memory_space<hbm>>
        tpu.enqueue_indirect_dma source(%dma_start3A_439 : memref<1000000xf32, #tpu.memory_space<hbm>>) target(%dma_start3A_436 : memref<120xf32, #tpu.memory_space<vmem>>) offsets(%dma_start3A_437 : memref<120xi32, #tpu.memory_space<vmem>>) semaphore(%arg14 : memref<!tpu.dma_semaphore, #tpu.memory_space<semaphore_mem>>)
      } else {
      }
      %dma_wait3A_284 = arith.constant 0 : i32
      %dma_wait3A_285 = arith.constant 0 : i32
      %dma_wait3A_286 = tpu.memref_slice %arg3[%dma_wait3A_284, %dma_wait3A_285] : memref<1000000x32xf32, #tpu.memory_space<hbm>> -> memref<960x32xf32, #tpu.memory_space<hbm>>
      %dma_wait3A_287 = arith.constant 0 : i32
      %dma_wait3A_288 = arith.constant 0 : i32
      %dma_wait3A_289 = tpu.memref_slice %arg3[%dma_wait3A_287, %dma_wait3A_288] : memref<1000000x32xf32, #tpu.memory_space<hbm>> -> memref<960x32xf32, #tpu.memory_space<hbm>>
      tpu.wait_dma2 semaphore(%arg15 : memref<!tpu.dma_semaphore, #tpu.memory_space<semaphore_mem>>) src(%dma_wait3A_289 : memref<960x32xf32, #tpu.memory_space<hbm>>) dst(%arg9 : memref<960x32xf32, #tpu.memory_space<vmem>>)
      %dma_wait3A_290 = arith.constant 0 : i32
      %dma_wait3A_291 = tpu.memref_slice %arg11[%dma_wait3A_290] : memref<976xf32, #tpu.memory_space<vmem>> -> memref<960xf32, #tpu.memory_space<vmem>>
      %dma_wait3A_292 = arith.constant 0 : i32
      %dma_wait3A_293 = tpu.memref_slice %arg4[%dma_wait3A_292] : memref<1000000xf32, #tpu.memory_space<hbm>> -> memref<960xf32, #tpu.memory_space<hbm>>
      %dma_wait3A_294 = arith.constant 0 : i32
      %dma_wait3A_295 = tpu.memref_slice %arg11[%dma_wait3A_294] : memref<976xf32, #tpu.memory_space<vmem>> -> memref<960xf32, #tpu.memory_space<vmem>>
      %dma_wait3A_296 = arith.constant 0 : i32
      %dma_wait3A_297 = tpu.memref_slice %arg4[%dma_wait3A_296] : memref<1000000xf32, #tpu.memory_space<hbm>> -> memref<960xf32, #tpu.memory_space<hbm>>
      tpu.wait_dma2 semaphore(%arg15 : memref<!tpu.dma_semaphore, #tpu.memory_space<semaphore_mem>>) src(%dma_wait3A_297 : memref<960xf32, #tpu.memory_space<hbm>>) dst(%dma_wait3A_295 : memref<960xf32, #tpu.memory_space<vmem>>)
      %scan3A_298 = arith.constant 0 : i32
      %scan3A_299 = arith.constant 16 : i32
      %scan3A_300 = arith.addi %scan3A_298, %scan3A_299 : i32
      %scan3A_301 = arith.constant 1 : i32
      %scan3A_302 = scf.for %scan3A_324 = %scan3A_298 to %scan3A_300 step %scan3A_301 iter_args(%scan3A_325 = %broadcast_in_dim3A_7) -> (vector<16xf32>)  : i32 {
        %mul3A_326 = arith.constant 60 : i32
        %mul3A_327 = arith.muli %scan3A_324, %mul3A_326 : i32
        %add3A_328 = arith.constant 0 : i32
        %add3A_329 = arith.addi %mul3A_327, %add3A_328 : i32
        %get3A_330 = arith.index_cast %add3A_329 : i32 to index
        %get3A_331 = arith.constant 0 : index
        %get3A_332 = tpu.vector_load %arg9[%get3A_330, %get3A_331] {strides = array<i32>} : memref<960x32xf32, #tpu.memory_space<vmem>>, vector<1x16xf32>,
        %get3A_333 = vector.shape_cast %get3A_332 : vector<1x16xf32> to vector<16xf32>
        %add3A_334 = arith.constant 0 : i32
        %add3A_335 = arith.addi %mul3A_327, %add3A_334 : i32
        %get3A_336 = arith.index_cast %add3A_335 : i32 to index
        %get3A_337 = arith.constant 16 : index
        %get3A_338 = tpu.vector_load %arg9[%get3A_336, %get3A_337] {strides = array<i32>} : memref<960x32xf32, #tpu.memory_space<vmem>>, vector<1x16xf32>,
        %get3A_339 = vector.shape_cast %get3A_338 : vector<1x16xf32> to vector<16xf32>
        %add3A_340 = arith.addf %broadcast_in_dim3A_7, %get3A_333 : vector<16xf32>
        %add3A_341 = arith.addf %broadcast_in_dim3A_7, %get3A_339 : vector<16xf32>
        %mul3A_342 = arith.mulf %get3A_333, %get3A_333 : vector<16xf32>
        %add3A_343 = arith.addf %broadcast_in_dim3A_7, %mul3A_342 : vector<16xf32>
        %mul3A_344 = arith.mulf %get3A_339, %get3A_339 : vector<16xf32>
        %add3A_345 = arith.addf %broadcast_in_dim3A_7, %mul3A_344 : vector<16xf32>
        %add3A_346 = arith.constant 1 : i32
        %add3A_347 = arith.addi %mul3A_327, %add3A_346 : i32
        %get3A_348 = arith.index_cast %add3A_347 : i32 to index
        %get3A_349 = arith.constant 0 : index
        %get3A_350 = tpu.vector_load %arg9[%get3A_348, %get3A_349] {strides = array<i32>} : memref<960x32xf32, #tpu.memory_space<vmem>>, vector<1x16xf32>,
        %get3A_351 = vector.shape_cast %get3A_350 : vector<1x16xf32> to vector<16xf32>
        %add3A_352 = arith.constant 1 : i32
        %add3A_353 = arith.addi %mul3A_327, %add3A_352 : i32
        %get3A_354 = arith.index_cast %add3A_353 : i32 to index
        %get3A_355 = arith.constant 16 : index
        %get3A_356 = tpu.vector_load %arg9[%get3A_354, %get3A_355] {strides = array<i32>} : memref<960x32xf32, #tpu.memory_space<vmem>>, vector<1x16xf32>,
        %get3A_357 = vector.shape_cast %get3A_356 : vector<1x16xf32> to vector<16xf32>
        %add3A_358 = arith.addf %add3A_340, %get3A_351 : vector<16xf32>
        %add3A_359 = arith.addf %add3A_341, %get3A_357 : vector<16xf32>
        %mul3A_360 = arith.mulf %get3A_351, %get3A_351 : vector<16xf32>
        %add3A_361 = arith.addf %add3A_343, %mul3A_360 : vector<16xf32>
        %mul3A_362 = arith.mulf %get3A_357, %get3A_357 : vector<16xf32>
        %add3A_363 = arith.addf %add3A_345, %mul3A_362 : vector<16xf32>
        %add3A_364 = arith.constant 2 : i32
        %add3A_365 = arith.addi %mul3A_327, %add3A_364 : i32
        %get3A_366 = arith.index_cast %add3A_365 : i32 to index
        %get3A_367 = arith.constant 0 : index
        %get3A_368 = tpu.vector_load %arg9[%get3A_366, %get3A_367] {strides = array<i32>} : memref<960x32xf32, #tpu.memory_space<vmem>>, vector<1x16xf32>,
        %get3A_369 = vector.shape_cast %get3A_368 : vector<1x16xf32> to vector<16xf32>
        %add3A_370 = arith.constant 2 : i32
        %add3A_371 = arith.addi %mul3A_327, %add3A_370 : i32
        %get3A_372 = arith.index_cast %add3A_371 : i32 to index
        %get3A_373 = arith.constant 16 : index
        %get3A_374 = tpu.vector_load %arg9[%get3A_372, %get3A_373] {strides = array<i32>} : memref<960x32xf32, #tpu.memory_space<vmem>>, vector<1x16xf32>,
        %get3A_375 = vector.shape_cast %get3A_374 : vector<1x16xf32> to vector<16xf32>
        %add3A_376 = arith.addf %add3A_358, %get3A_369 : vector<16xf32>
        %add3A_377 = arith.addf %add3A_359, %get3A_375 : vector<16xf32>
        %mul3A_378 = arith.mulf %get3A_369, %get3A_369 : vector<16xf32>
        %add3A_379 = arith.addf %add3A_361, %mul3A_378 : vector<16xf32>
        %mul3A_380 = arith.mulf %get3A_375, %get3A_375 : vector<16xf32>
        %add3A_381 = arith.addf %add3A_363, %mul3A_380 : vector<16xf32>
        %add3A_382 = arith.constant 3 : i32
        %add3A_383 = arith.addi %mul3A_327, %add3A_382 : i32
        %get3A_384 = arith.index_cast %add3A_383 : i32 to index
        %get3A_385 = arith.constant 0 : index
        %get3A_386 = tpu.vector_load %arg9[%get3A_384, %get3A_385] {strides = array<i32>} : memref<960x32xf32, #tpu.memory_space<vmem>>, vector<1x16xf32>,
        %get3A_387 = vector.shape_cast %get3A_386 : vector<1x16xf32> to vector<16xf32>
        %add3A_388 = arith.constant 3 : i32
        %add3A_389 = arith.addi %mul3A_327, %add3A_388 : i32
        %get3A_390 = arith.index_cast %add3A_389 : i32 to index
        %get3A_391 = arith.constant 16 : index
        %get3A_392 = tpu.vector_load %arg9[%get3A_390, %get3A_391] {strides = array<i32>} : memref<960x32xf32, #tpu.memory_space<vmem>>, vector<1x16xf32>,
        %get3A_393 = vector.shape_cast %get3A_392 : vector<1x16xf32> to vector<16xf32>
        %add3A_394 = arith.addf %add3A_376, %get3A_387 : vector<16xf32>
        %add3A_395 = arith.addf %add3A_377, %get3A_393 : vector<16xf32>
        %mul3A_396 = arith.mulf %get3A_387, %get3A_387 : vector<16xf32>
        %add3A_397 = arith.addf %add3A_379, %mul3A_396 : vector<16xf32>
        %mul3A_398 = arith.mulf %get3A_393, %get3A_393 : vector<16xf32>
        %add3A_399 = arith.addf %add3A_381, %mul3A_398 : vector<16xf32>
        %add3A_400 = arith.constant 4 : i32
        %add3A_401 = arith.addi %mul3A_327, %add3A_400 : i32
        %get3A_402 = arith.index_cast %add3A_401 : i32 to index
        %get3A_403 = arith.constant 0 : index
        %get3A_404 = tpu.vector_load %arg9[%get3A_402, %get3A_403] {strides = array<i32>} : memref<960x32xf32, #tpu.memory_space<vmem>>, vector<1x16xf32>,
        %get3A_405 = vector.shape_cast %get3A_404 : vector<1x16xf32> to vector<16xf32>
        %add3A_406 = arith.constant 4 : i32
        %add3A_407 = arith.addi %mul3A_327, %add3A_406 : i32
        %get3A_408 = arith.index_cast %add3A_407 : i32 to index
        %get3A_409 = arith.constant 16 : index
        %get3A_410 = tpu.vector_load %arg9[%get3A_408, %get3A_409] {strides = array<i32>} : memref<960x32xf32, #tpu.memory_space<vmem>>, vector<1x16xf32>,
        %get3A_411 = vector.shape_cast %get3A_410 : vector<1x16xf32> to vector<16xf32>
        %add3A_412 = arith.addf %add3A_394, %get3A_405 : vector<16xf32>
        %add3A_413 = arith.addf %add3A_395, %get3A_411 : vector<16xf32>
        %mul3A_414 = arith.mulf %get3A_405, %get3A_405 : vector<16xf32>
        %add3A_415 = arith.addf %add3A_397, %mul3A_414 : vector<16xf32>
        %mul3A_416 = arith.mulf %get3A_411, %get3A_411 : vector<16xf32>
        %add3A_417 = arith.addf %add3A_399, %mul3A_416 : vector<16xf32>
        %add3A_418 = arith.constant 5 : i32
        %add3A_419 = arith.addi %mul3A_327, %add3A_418 : i32
        %get3A_420 = arith.index_cast %add3A_419 : i32 to index
        %get3A_421 = arith.constant 0 : index
        %get3A_422 = tpu.vector_load %arg9[%get3A_420, %get3A_421] {strides = array<i32>} : memref<960x32xf32, #tpu.memory_space<vmem>>, vector<1x16xf32>,
        %get3A_423 = vector.shape_cast %get3A_422 : vector<1x16xf32> to vector<16xf32>
        %add3A_424 = arith.constant 5 : i32
        %add3A_425 = arith.addi %mul3A_327, %add3A_424 : i32
        %get3A_426 = arith.index_cast %add3A_425 : i32 to index
        %get3A_427 = arith.constant 16 : index
        %get3A_428 = tpu.vector_load %arg9[%get3A_426, %get3A_427] {strides = array<i32>} : memref<960x32xf32, #tpu.memory_space<vmem>>, vector<1x16xf32>,
        %get3A_429 = vector.shape_cast %get3A_428 : vector<1x16xf32> to vector<16xf32>
        %add3A_430 = arith.addf %add3A_412, %get3A_423 : vector<16xf32>
        %add3A_431 = arith.addf %add3A_413, %get3A_429 : vector<16xf32>
        %mul3A_432 = arith.mulf %get3A_423, %get3A_423 : vector<16xf32>
        %add3A_433 = arith.addf %add3A_415, %mul3A_432 : vector<16xf32>
        %mul3A_434 = arith.mulf %get3A_429, %get3A_429 : vector<16xf32>
        %add3A_435 = arith.addf %add3A_417, %mul3A_434 : vector<16xf32>
        %add3A_436 = arith.constant 6 : i32
        %add3A_437 = arith.addi %mul3A_327, %add3A_436 : i32
        %get3A_438 = arith.index_cast %add3A_437 : i32 to index
        %get3A_439 = arith.constant 0 : index
        %get3A_440 = tpu.vector_load %arg9[%get3A_438, %get3A_439] {strides = array<i32>} : memref<960x32xf32, #tpu.memory_space<vmem>>, vector<1x16xf32>,
        %get3A_441 = vector.shape_cast %get3A_440 : vector<1x16xf32> to vector<16xf32>
        %add3A_442 = arith.constant 6 : i32
        %add3A_443 = arith.addi %mul3A_327, %add3A_442 : i32
        %get3A_444 = arith.index_cast %add3A_443 : i32 to index
        %get3A_445 = arith.constant 16 : index
        %get3A_446 = tpu.vector_load %arg9[%get3A_444, %get3A_445] {strides = array<i32>} : memref<960x32xf32, #tpu.memory_space<vmem>>, vector<1x16xf32>,
        %get3A_447 = vector.shape_cast %get3A_446 : vector<1x16xf32> to vector<16xf32>
        %add3A_448 = arith.addf %add3A_430, %get3A_441 : vector<16xf32>
        %add3A_449 = arith.addf %add3A_431, %get3A_447 : vector<16xf32>
        %mul3A_450 = arith.mulf %get3A_441, %get3A_441 : vector<16xf32>
        %add3A_451 = arith.addf %add3A_433, %mul3A_450 : vector<16xf32>
        %mul3A_452 = arith.mulf %get3A_447, %get3A_447 : vector<16xf32>
        %add3A_453 = arith.addf %add3A_435, %mul3A_452 : vector<16xf32>
        %add3A_454 = arith.constant 7 : i32
        %add3A_455 = arith.addi %mul3A_327, %add3A_454 : i32
        %get3A_456 = arith.index_cast %add3A_455 : i32 to index
        %get3A_457 = arith.constant 0 : index
        %get3A_458 = tpu.vector_load %arg9[%get3A_456, %get3A_457] {strides = array<i32>} : memref<960x32xf32, #tpu.memory_space<vmem>>, vector<1x16xf32>,
        %get3A_459 = vector.shape_cast %get3A_458 : vector<1x16xf32> to vector<16xf32>
        %add3A_460 = arith.constant 7 : i32
        %add3A_461 = arith.addi %mul3A_327, %add3A_460 : i32
        %get3A_462 = arith.index_cast %add3A_461 : i32 to index
        %get3A_463 = arith.constant 16 : index
        %get3A_464 = tpu.vector_load %arg9[%get3A_462, %get3A_463] {strides = array<i32>} : memref<960x32xf32, #tpu.memory_space<vmem>>, vector<1x16xf32>,
        %get3A_465 = vector.shape_cast %get3A_464 : vector<1x16xf32> to vector<16xf32>
        %add3A_466 = arith.addf %add3A_448, %get3A_459 : vector<16xf32>
        %add3A_467 = arith.addf %add3A_449, %get3A_465 : vector<16xf32>
        %mul3A_468 = arith.mulf %get3A_459, %get3A_459 : vector<16xf32>
        %add3A_469 = arith.addf %add3A_451, %mul3A_468 : vector<16xf32>
        %mul3A_470 = arith.mulf %get3A_465, %get3A_465 : vector<16xf32>
        %add3A_471 = arith.addf %add3A_453, %mul3A_470 : vector<16xf32>
        %add3A_472 = arith.constant 8 : i32
        %add3A_473 = arith.addi %mul3A_327, %add3A_472 : i32
        %get3A_474 = arith.index_cast %add3A_473 : i32 to index
        %get3A_475 = arith.constant 0 : index
        %get3A_476 = tpu.vector_load %arg9[%get3A_474, %get3A_475] {strides = array<i32>} : memref<960x32xf32, #tpu.memory_space<vmem>>, vector<1x16xf32>,
        %get3A_477 = vector.shape_cast %get3A_476 : vector<1x16xf32> to vector<16xf32>
        %add3A_478 = arith.constant 8 : i32
        %add3A_479 = arith.addi %mul3A_327, %add3A_478 : i32
        %get3A_480 = arith.index_cast %add3A_479 : i32 to index
        %get3A_481 = arith.constant 16 : index
        %get3A_482 = tpu.vector_load %arg9[%get3A_480, %get3A_481] {strides = array<i32>} : memref<960x32xf32, #tpu.memory_space<vmem>>, vector<1x16xf32>,
        %get3A_483 = vector.shape_cast %get3A_482 : vector<1x16xf32> to vector<16xf32>
        %add3A_484 = arith.addf %add3A_466, %get3A_477 : vector<16xf32>
        %add3A_485 = arith.addf %add3A_467, %get3A_483 : vector<16xf32>
        %mul3A_486 = arith.mulf %get3A_477, %get3A_477 : vector<16xf32>
        %add3A_487 = arith.addf %add3A_469, %mul3A_486 : vector<16xf32>
        %mul3A_488 = arith.mulf %get3A_483, %get3A_483 : vector<16xf32>
        %add3A_489 = arith.addf %add3A_471, %mul3A_488 : vector<16xf32>
        %add3A_490 = arith.constant 9 : i32
        %add3A_491 = arith.addi %mul3A_327, %add3A_490 : i32
        %get3A_492 = arith.index_cast %add3A_491 : i32 to index
        %get3A_493 = arith.constant 0 : index
        %get3A_494 = tpu.vector_load %arg9[%get3A_492, %get3A_493] {strides = array<i32>} : memref<960x32xf32, #tpu.memory_space<vmem>>, vector<1x16xf32>,
        %get3A_495 = vector.shape_cast %get3A_494 : vector<1x16xf32> to vector<16xf32>
        %add3A_496 = arith.constant 9 : i32
        %add3A_497 = arith.addi %mul3A_327, %add3A_496 : i32
        %get3A_498 = arith.index_cast %add3A_497 : i32 to index
        %get3A_499 = arith.constant 16 : index
        %get3A_500 = tpu.vector_load %arg9[%get3A_498, %get3A_499] {strides = array<i32>} : memref<960x32xf32, #tpu.memory_space<vmem>>, vector<1x16xf32>,
        %get3A_501 = vector.shape_cast %get3A_500 : vector<1x16xf32> to vector<16xf32>
        %add3A_502 = arith.addf %add3A_484, %get3A_495 : vector<16xf32>
        %add3A_503 = arith.addf %add3A_485, %get3A_501 : vector<16xf32>
        %mul3A_504 = arith.mulf %get3A_495, %get3A_495 : vector<16xf32>
        %add3A_505 = arith.addf %add3A_487, %mul3A_504 : vector<16xf32>
        %mul3A_506 = arith.mulf %get3A_501, %get3A_501 : vector<16xf32>
        %add3A_507 = arith.addf %add3A_489, %mul3A_506 : vector<16xf32>
        %add3A_508 = arith.constant 10 : i32
        %add3A_509 = arith.addi %mul3A_327, %add3A_508 : i32
        %get3A_510 = arith.index_cast %add3A_509 : i32 to index
        %get3A_511 = arith.constant 0 : index
        %get3A_512 = tpu.vector_load %arg9[%get3A_510, %get3A_511] {strides = array<i32>} : memref<960x32xf32, #tpu.memory_space<vmem>>, vector<1x16xf32>,
        %get3A_513 = vector.shape_cast %get3A_512 : vector<1x16xf32> to vector<16xf32>
        %add3A_514 = arith.constant 10 : i32
        %add3A_515 = arith.addi %mul3A_327, %add3A_514 : i32
        %get3A_516 = arith.index_cast %add3A_515 : i32 to index
        %get3A_517 = arith.constant 16 : index
        %get3A_518 = tpu.vector_load %arg9[%get3A_516, %get3A_517] {strides = array<i32>} : memref<960x32xf32, #tpu.memory_space<vmem>>, vector<1x16xf32>,
        %get3A_519 = vector.shape_cast %get3A_518 : vector<1x16xf32> to vector<16xf32>
        %add3A_520 = arith.addf %add3A_502, %get3A_513 : vector<16xf32>
        %add3A_521 = arith.addf %add3A_503, %get3A_519 : vector<16xf32>
        %mul3A_522 = arith.mulf %get3A_513, %get3A_513 : vector<16xf32>
        %add3A_523 = arith.addf %add3A_505, %mul3A_522 : vector<16xf32>
        %mul3A_524 = arith.mulf %get3A_519, %get3A_519 : vector<16xf32>
        %add3A_525 = arith.addf %add3A_507, %mul3A_524 : vector<16xf32>
        %add3A_526 = arith.constant 11 : i32
        %add3A_527 = arith.addi %mul3A_327, %add3A_526 : i32
        %get3A_528 = arith.index_cast %add3A_527 : i32 to index
        %get3A_529 = arith.constant 0 : index
        %get3A_530 = tpu.vector_load %arg9[%get3A_528, %get3A_529] {strides = array<i32>} : memref<960x32xf32, #tpu.memory_space<vmem>>, vector<1x16xf32>,
        %get3A_531 = vector.shape_cast %get3A_530 : vector<1x16xf32> to vector<16xf32>
        %add3A_532 = arith.constant 11 : i32
        %add3A_533 = arith.addi %mul3A_327, %add3A_532 : i32
        %get3A_534 = arith.index_cast %add3A_533 : i32 to index
        %get3A_535 = arith.constant 16 : index
        %get3A_536 = tpu.vector_load %arg9[%get3A_534, %get3A_535] {strides = array<i32>} : memref<960x32xf32, #tpu.memory_space<vmem>>, vector<1x16xf32>,
        %get3A_537 = vector.shape_cast %get3A_536 : vector<1x16xf32> to vector<16xf32>
        %add3A_538 = arith.addf %add3A_520, %get3A_531 : vector<16xf32>
        %add3A_539 = arith.addf %add3A_521, %get3A_537 : vector<16xf32>
        %mul3A_540 = arith.mulf %get3A_531, %get3A_531 : vector<16xf32>
        %add3A_541 = arith.addf %add3A_523, %mul3A_540 : vector<16xf32>
        %mul3A_542 = arith.mulf %get3A_537, %get3A_537 : vector<16xf32>
        %add3A_543 = arith.addf %add3A_525, %mul3A_542 : vector<16xf32>
        %add3A_544 = arith.constant 12 : i32
        %add3A_545 = arith.addi %mul3A_327, %add3A_544 : i32
        %get3A_546 = arith.index_cast %add3A_545 : i32 to index
        %get3A_547 = arith.constant 0 : index
        %get3A_548 = tpu.vector_load %arg9[%get3A_546, %get3A_547] {strides = array<i32>} : memref<960x32xf32, #tpu.memory_space<vmem>>, vector<1x16xf32>,
        %get3A_549 = vector.shape_cast %get3A_548 : vector<1x16xf32> to vector<16xf32>
        %add3A_550 = arith.constant 12 : i32
        %add3A_551 = arith.addi %mul3A_327, %add3A_550 : i32
        %get3A_552 = arith.index_cast %add3A_551 : i32 to index
        %get3A_553 = arith.constant 16 : index
        %get3A_554 = tpu.vector_load %arg9[%get3A_552, %get3A_553] {strides = array<i32>} : memref<960x32xf32, #tpu.memory_space<vmem>>, vector<1x16xf32>,
        %get3A_555 = vector.shape_cast %get3A_554 : vector<1x16xf32> to vector<16xf32>
        %add3A_556 = arith.addf %add3A_538, %get3A_549 : vector<16xf32>
        %add3A_557 = arith.addf %add3A_539, %get3A_555 : vector<16xf32>
        %mul3A_558 = arith.mulf %get3A_549, %get3A_549 : vector<16xf32>
        %add3A_559 = arith.addf %add3A_541, %mul3A_558 : vector<16xf32>
        %mul3A_560 = arith.mulf %get3A_555, %get3A_555 : vector<16xf32>
        %add3A_561 = arith.addf %add3A_543, %mul3A_560 : vector<16xf32>
        %add3A_562 = arith.constant 13 : i32
        %add3A_563 = arith.addi %mul3A_327, %add3A_562 : i32
        %get3A_564 = arith.index_cast %add3A_563 : i32 to index
        %get3A_565 = arith.constant 0 : index
        %get3A_566 = tpu.vector_load %arg9[%get3A_564, %get3A_565] {strides = array<i32>} : memref<960x32xf32, #tpu.memory_space<vmem>>, vector<1x16xf32>,
        %get3A_567 = vector.shape_cast %get3A_566 : vector<1x16xf32> to vector<16xf32>
        %add3A_568 = arith.constant 13 : i32
        %add3A_569 = arith.addi %mul3A_327, %add3A_568 : i32
        %get3A_570 = arith.index_cast %add3A_569 : i32 to index
        %get3A_571 = arith.constant 16 : index
        %get3A_572 = tpu.vector_load %arg9[%get3A_570, %get3A_571] {strides = array<i32>} : memref<960x32xf32, #tpu.memory_space<vmem>>, vector<1x16xf32>,
        %get3A_573 = vector.shape_cast %get3A_572 : vector<1x16xf32> to vector<16xf32>
        %add3A_574 = arith.addf %add3A_556, %get3A_567 : vector<16xf32>
        %add3A_575 = arith.addf %add3A_557, %get3A_573 : vector<16xf32>
        %mul3A_576 = arith.mulf %get3A_567, %get3A_567 : vector<16xf32>
        %add3A_577 = arith.addf %add3A_559, %mul3A_576 : vector<16xf32>
        %mul3A_578 = arith.mulf %get3A_573, %get3A_573 : vector<16xf32>
        %add3A_579 = arith.addf %add3A_561, %mul3A_578 : vector<16xf32>
        %add3A_580 = arith.constant 14 : i32
        %add3A_581 = arith.addi %mul3A_327, %add3A_580 : i32
        %get3A_582 = arith.index_cast %add3A_581 : i32 to index
        %get3A_583 = arith.constant 0 : index
        %get3A_584 = tpu.vector_load %arg9[%get3A_582, %get3A_583] {strides = array<i32>} : memref<960x32xf32, #tpu.memory_space<vmem>>, vector<1x16xf32>,
        %get3A_585 = vector.shape_cast %get3A_584 : vector<1x16xf32> to vector<16xf32>
        %add3A_586 = arith.constant 14 : i32
        %add3A_587 = arith.addi %mul3A_327, %add3A_586 : i32
        %get3A_588 = arith.index_cast %add3A_587 : i32 to index
        %get3A_589 = arith.constant 16 : index
        %get3A_590 = tpu.vector_load %arg9[%get3A_588, %get3A_589] {strides = array<i32>} : memref<960x32xf32, #tpu.memory_space<vmem>>, vector<1x16xf32>,
        %get3A_591 = vector.shape_cast %get3A_590 : vector<1x16xf32> to vector<16xf32>
        %add3A_592 = arith.addf %add3A_574, %get3A_585 : vector<16xf32>
        %add3A_593 = arith.addf %add3A_575, %get3A_591 : vector<16xf32>
        %mul3A_594 = arith.mulf %get3A_585, %get3A_585 : vector<16xf32>
        %add3A_595 = arith.addf %add3A_577, %mul3A_594 : vector<16xf32>
        %mul3A_596 = arith.mulf %get3A_591, %get3A_591 : vector<16xf32>
        %add3A_597 = arith.addf %add3A_579, %mul3A_596 : vector<16xf32>
        %add3A_598 = arith.constant 15 : i32
        %add3A_599 = arith.addi %mul3A_327, %add3A_598 : i32
        %get3A_600 = arith.index_cast %add3A_599 : i32 to index
        %get3A_601 = arith.constant 0 : index
        %get3A_602 = tpu.vector_load %arg9[%get3A_600, %get3A_601] {strides = array<i32>} : memref<960x32xf32, #tpu.memory_space<vmem>>, vector<1x16xf32>,
        %get3A_603 = vector.shape_cast %get3A_602 : vector<1x16xf32> to vector<16xf32>
        %add3A_604 = arith.constant 15 : i32
        %add3A_605 = arith.addi %mul3A_327, %add3A_604 : i32
        %get3A_606 = arith.index_cast %add3A_605 : i32 to index
        %get3A_607 = arith.constant 16 : index
        %get3A_608 = tpu.vector_load %arg9[%get3A_606, %get3A_607] {strides = array<i32>} : memref<960x32xf32, #tpu.memory_space<vmem>>, vector<1x16xf32>,
        %get3A_609 = vector.shape_cast %get3A_608 : vector<1x16xf32> to vector<16xf32>
        %add3A_610 = arith.addf %add3A_592, %get3A_603 : vector<16xf32>
        %add3A_611 = arith.addf %add3A_593, %get3A_609 : vector<16xf32>
        %mul3A_612 = arith.mulf %get3A_603, %get3A_603 : vector<16xf32>
        %add3A_613 = arith.addf %add3A_595, %mul3A_612 : vector<16xf32>
        %mul3A_614 = arith.mulf %get3A_609, %get3A_609 : vector<16xf32>
        %add3A_615 = arith.addf %add3A_597, %mul3A_614 : vector<16xf32>
        %add3A_616 = arith.constant 16 : i32
        %add3A_617 = arith.addi %mul3A_327, %add3A_616 : i32
        %get3A_618 = arith.index_cast %add3A_617 : i32 to index
        %get3A_619 = arith.constant 0 : index
        %get3A_620 = tpu.vector_load %arg9[%get3A_618, %get3A_619] {strides = array<i32>} : memref<960x32xf32, #tpu.memory_space<vmem>>, vector<1x16xf32>,
        %get3A_621 = vector.shape_cast %get3A_620 : vector<1x16xf32> to vector<16xf32>
        %add3A_622 = arith.constant 16 : i32
        %add3A_623 = arith.addi %mul3A_327, %add3A_622 : i32
        %get3A_624 = arith.index_cast %add3A_623 : i32 to index
        %get3A_625 = arith.constant 16 : index
        %get3A_626 = tpu.vector_load %arg9[%get3A_624, %get3A_625] {strides = array<i32>} : memref<960x32xf32, #tpu.memory_space<vmem>>, vector<1x16xf32>,
        %get3A_627 = vector.shape_cast %get3A_626 : vector<1x16xf32> to vector<16xf32>
        %add3A_628 = arith.addf %add3A_610, %get3A_621 : vector<16xf32>
        %add3A_629 = arith.addf %add3A_611, %get3A_627 : vector<16xf32>
        %mul3A_630 = arith.mulf %get3A_621, %get3A_621 : vector<16xf32>
        %add3A_631 = arith.addf %add3A_613, %mul3A_630 : vector<16xf32>
        %mul3A_632 = arith.mulf %get3A_627, %get3A_627 : vector<16xf32>
        %add3A_633 = arith.addf %add3A_615, %mul3A_632 : vector<16xf32>
        %add3A_634 = arith.constant 17 : i32
        %add3A_635 = arith.addi %mul3A_327, %add3A_634 : i32
        %get3A_636 = arith.index_cast %add3A_635 : i32 to index
        %get3A_637 = arith.constant 0 : index
        %get3A_638 = tpu.vector_load %arg9[%get3A_636, %get3A_637] {strides = array<i32>} : memref<960x32xf32, #tpu.memory_space<vmem>>, vector<1x16xf32>,
        %get3A_639 = vector.shape_cast %get3A_638 : vector<1x16xf32> to vector<16xf32>
        %add3A_640 = arith.constant 17 : i32
        %add3A_641 = arith.addi %mul3A_327, %add3A_640 : i32
        %get3A_642 = arith.index_cast %add3A_641 : i32 to index
        %get3A_643 = arith.constant 16 : index
        %get3A_644 = tpu.vector_load %arg9[%get3A_642, %get3A_643] {strides = array<i32>} : memref<960x32xf32, #tpu.memory_space<vmem>>, vector<1x16xf32>,
        %get3A_645 = vector.shape_cast %get3A_644 : vector<1x16xf32> to vector<16xf32>
        %add3A_646 = arith.addf %add3A_628, %get3A_639 : vector<16xf32>
        %add3A_647 = arith.addf %add3A_629, %get3A_645 : vector<16xf32>
        %mul3A_648 = arith.mulf %get3A_639, %get3A_639 : vector<16xf32>
        %add3A_649 = arith.addf %add3A_631, %mul3A_648 : vector<16xf32>
        %mul3A_650 = arith.mulf %get3A_645, %get3A_645 : vector<16xf32>
        %add3A_651 = arith.addf %add3A_633, %mul3A_650 : vector<16xf32>
        %add3A_652 = arith.constant 18 : i32
        %add3A_653 = arith.addi %mul3A_327, %add3A_652 : i32
        %get3A_654 = arith.index_cast %add3A_653 : i32 to index
        %get3A_655 = arith.constant 0 : index
        %get3A_656 = tpu.vector_load %arg9[%get3A_654, %get3A_655] {strides = array<i32>} : memref<960x32xf32, #tpu.memory_space<vmem>>, vector<1x16xf32>,
        %get3A_657 = vector.shape_cast %get3A_656 : vector<1x16xf32> to vector<16xf32>
        %add3A_658 = arith.constant 18 : i32
        %add3A_659 = arith.addi %mul3A_327, %add3A_658 : i32
        %get3A_660 = arith.index_cast %add3A_659 : i32 to index
        %get3A_661 = arith.constant 16 : index
        %get3A_662 = tpu.vector_load %arg9[%get3A_660, %get3A_661] {strides = array<i32>} : memref<960x32xf32, #tpu.memory_space<vmem>>, vector<1x16xf32>,
        %get3A_663 = vector.shape_cast %get3A_662 : vector<1x16xf32> to vector<16xf32>
        %add3A_664 = arith.addf %add3A_646, %get3A_657 : vector<16xf32>
        %add3A_665 = arith.addf %add3A_647, %get3A_663 : vector<16xf32>
        %mul3A_666 = arith.mulf %get3A_657, %get3A_657 : vector<16xf32>
        %add3A_667 = arith.addf %add3A_649, %mul3A_666 : vector<16xf32>
        %mul3A_668 = arith.mulf %get3A_663, %get3A_663 : vector<16xf32>
        %add3A_669 = arith.addf %add3A_651, %mul3A_668 : vector<16xf32>
        %add3A_670 = arith.constant 19 : i32
        %add3A_671 = arith.addi %mul3A_327, %add3A_670 : i32
        %get3A_672 = arith.index_cast %add3A_671 : i32 to index
        %get3A_673 = arith.constant 0 : index
        %get3A_674 = tpu.vector_load %arg9[%get3A_672, %get3A_673] {strides = array<i32>} : memref<960x32xf32, #tpu.memory_space<vmem>>, vector<1x16xf32>,
        %get3A_675 = vector.shape_cast %get3A_674 : vector<1x16xf32> to vector<16xf32>
        %add3A_676 = arith.constant 19 : i32
        %add3A_677 = arith.addi %mul3A_327, %add3A_676 : i32
        %get3A_678 = arith.index_cast %add3A_677 : i32 to index
        %get3A_679 = arith.constant 16 : index
        %get3A_680 = tpu.vector_load %arg9[%get3A_678, %get3A_679] {strides = array<i32>} : memref<960x32xf32, #tpu.memory_space<vmem>>, vector<1x16xf32>,
        %get3A_681 = vector.shape_cast %get3A_680 : vector<1x16xf32> to vector<16xf32>
        %add3A_682 = arith.addf %add3A_664, %get3A_675 : vector<16xf32>
        %add3A_683 = arith.addf %add3A_665, %get3A_681 : vector<16xf32>
        %mul3A_684 = arith.mulf %get3A_675, %get3A_675 : vector<16xf32>
        %add3A_685 = arith.addf %add3A_667, %mul3A_684 : vector<16xf32>
        %mul3A_686 = arith.mulf %get3A_681, %get3A_681 : vector<16xf32>
        %add3A_687 = arith.addf %add3A_669, %mul3A_686 : vector<16xf32>
        %add3A_688 = arith.constant 20 : i32
        %add3A_689 = arith.addi %mul3A_327, %add3A_688 : i32
        %get3A_690 = arith.index_cast %add3A_689 : i32 to index
        %get3A_691 = arith.constant 0 : index
        %get3A_692 = tpu.vector_load %arg9[%get3A_690, %get3A_691] {strides = array<i32>} : memref<960x32xf32, #tpu.memory_space<vmem>>, vector<1x16xf32>,
        %get3A_693 = vector.shape_cast %get3A_692 : vector<1x16xf32> to vector<16xf32>
        %add3A_694 = arith.constant 20 : i32
        %add3A_695 = arith.addi %mul3A_327, %add3A_694 : i32
        %get3A_696 = arith.index_cast %add3A_695 : i32 to index
        %get3A_697 = arith.constant 16 : index
        %get3A_698 = tpu.vector_load %arg9[%get3A_696, %get3A_697] {strides = array<i32>} : memref<960x32xf32, #tpu.memory_space<vmem>>, vector<1x16xf32>,
        %get3A_699 = vector.shape_cast %get3A_698 : vector<1x16xf32> to vector<16xf32>
        %add3A_700 = arith.addf %add3A_682, %get3A_693 : vector<16xf32>
        %add3A_701 = arith.addf %add3A_683, %get3A_699 : vector<16xf32>
        %mul3A_702 = arith.mulf %get3A_693, %get3A_693 : vector<16xf32>
        %add3A_703 = arith.addf %add3A_685, %mul3A_702 : vector<16xf32>
        %mul3A_704 = arith.mulf %get3A_699, %get3A_699 : vector<16xf32>
        %add3A_705 = arith.addf %add3A_687, %mul3A_704 : vector<16xf32>
        %add3A_706 = arith.constant 21 : i32
        %add3A_707 = arith.addi %mul3A_327, %add3A_706 : i32
        %get3A_708 = arith.index_cast %add3A_707 : i32 to index
        %get3A_709 = arith.constant 0 : index
        %get3A_710 = tpu.vector_load %arg9[%get3A_708, %get3A_709] {strides = array<i32>} : memref<960x32xf32, #tpu.memory_space<vmem>>, vector<1x16xf32>,
        %get3A_711 = vector.shape_cast %get3A_710 : vector<1x16xf32> to vector<16xf32>
        %add3A_712 = arith.constant 21 : i32
        %add3A_713 = arith.addi %mul3A_327, %add3A_712 : i32
        %get3A_714 = arith.index_cast %add3A_713 : i32 to index
        %get3A_715 = arith.constant 16 : index
        %get3A_716 = tpu.vector_load %arg9[%get3A_714, %get3A_715] {strides = array<i32>} : memref<960x32xf32, #tpu.memory_space<vmem>>, vector<1x16xf32>,
        %get3A_717 = vector.shape_cast %get3A_716 : vector<1x16xf32> to vector<16xf32>
        %add3A_718 = arith.addf %add3A_700, %get3A_711 : vector<16xf32>
        %add3A_719 = arith.addf %add3A_701, %get3A_717 : vector<16xf32>
        %mul3A_720 = arith.mulf %get3A_711, %get3A_711 : vector<16xf32>
        %add3A_721 = arith.addf %add3A_703, %mul3A_720 : vector<16xf32>
        %mul3A_722 = arith.mulf %get3A_717, %get3A_717 : vector<16xf32>
        %add3A_723 = arith.addf %add3A_705, %mul3A_722 : vector<16xf32>
        %add3A_724 = arith.constant 22 : i32
        %add3A_725 = arith.addi %mul3A_327, %add3A_724 : i32
        %get3A_726 = arith.index_cast %add3A_725 : i32 to index
        %get3A_727 = arith.constant 0 : index
        %get3A_728 = tpu.vector_load %arg9[%get3A_726, %get3A_727] {strides = array<i32>} : memref<960x32xf32, #tpu.memory_space<vmem>>, vector<1x16xf32>,
        %get3A_729 = vector.shape_cast %get3A_728 : vector<1x16xf32> to vector<16xf32>
        %add3A_730 = arith.constant 22 : i32
        %add3A_731 = arith.addi %mul3A_327, %add3A_730 : i32
        %get3A_732 = arith.index_cast %add3A_731 : i32 to index
        %get3A_733 = arith.constant 16 : index
        %get3A_734 = tpu.vector_load %arg9[%get3A_732, %get3A_733] {strides = array<i32>} : memref<960x32xf32, #tpu.memory_space<vmem>>, vector<1x16xf32>,
        %get3A_735 = vector.shape_cast %get3A_734 : vector<1x16xf32> to vector<16xf32>
        %add3A_736 = arith.addf %add3A_718, %get3A_729 : vector<16xf32>
        %add3A_737 = arith.addf %add3A_719, %get3A_735 : vector<16xf32>
        %mul3A_738 = arith.mulf %get3A_729, %get3A_729 : vector<16xf32>
        %add3A_739 = arith.addf %add3A_721, %mul3A_738 : vector<16xf32>
        %mul3A_740 = arith.mulf %get3A_735, %get3A_735 : vector<16xf32>
        %add3A_741 = arith.addf %add3A_723, %mul3A_740 : vector<16xf32>
        %add3A_742 = arith.constant 23 : i32
        %add3A_743 = arith.addi %mul3A_327, %add3A_742 : i32
        %get3A_744 = arith.index_cast %add3A_743 : i32 to index
        %get3A_745 = arith.constant 0 : index
        %get3A_746 = tpu.vector_load %arg9[%get3A_744, %get3A_745] {strides = array<i32>} : memref<960x32xf32, #tpu.memory_space<vmem>>, vector<1x16xf32>,
        %get3A_747 = vector.shape_cast %get3A_746 : vector<1x16xf32> to vector<16xf32>
        %add3A_748 = arith.constant 23 : i32
        %add3A_749 = arith.addi %mul3A_327, %add3A_748 : i32
        %get3A_750 = arith.index_cast %add3A_749 : i32 to index
        %get3A_751 = arith.constant 16 : index
        %get3A_752 = tpu.vector_load %arg9[%get3A_750, %get3A_751] {strides = array<i32>} : memref<960x32xf32, #tpu.memory_space<vmem>>, vector<1x16xf32>,
        %get3A_753 = vector.shape_cast %get3A_752 : vector<1x16xf32> to vector<16xf32>
        %add3A_754 = arith.addf %add3A_736, %get3A_747 : vector<16xf32>
        %add3A_755 = arith.addf %add3A_737, %get3A_753 : vector<16xf32>
        %mul3A_756 = arith.mulf %get3A_747, %get3A_747 : vector<16xf32>
        %add3A_757 = arith.addf %add3A_739, %mul3A_756 : vector<16xf32>
        %mul3A_758 = arith.mulf %get3A_753, %get3A_753 : vector<16xf32>
        %add3A_759 = arith.addf %add3A_741, %mul3A_758 : vector<16xf32>
        %add3A_760 = arith.constant 24 : i32
        %add3A_761 = arith.addi %mul3A_327, %add3A_760 : i32
        %get3A_762 = arith.index_cast %add3A_761 : i32 to index
        %get3A_763 = arith.constant 0 : index
        %get3A_764 = tpu.vector_load %arg9[%get3A_762, %get3A_763] {strides = array<i32>} : memref<960x32xf32, #tpu.memory_space<vmem>>, vector<1x16xf32>,
        %get3A_765 = vector.shape_cast %get3A_764 : vector<1x16xf32> to vector<16xf32>
        %add3A_766 = arith.constant 24 : i32
        %add3A_767 = arith.addi %mul3A_327, %add3A_766 : i32
        %get3A_768 = arith.index_cast %add3A_767 : i32 to index
        %get3A_769 = arith.constant 16 : index
        %get3A_770 = tpu.vector_load %arg9[%get3A_768, %get3A_769] {strides = array<i32>} : memref<960x32xf32, #tpu.memory_space<vmem>>, vector<1x16xf32>,
        %get3A_771 = vector.shape_cast %get3A_770 : vector<1x16xf32> to vector<16xf32>
        %add3A_772 = arith.addf %add3A_754, %get3A_765 : vector<16xf32>
        %add3A_773 = arith.addf %add3A_755, %get3A_771 : vector<16xf32>
        %mul3A_774 = arith.mulf %get3A_765, %get3A_765 : vector<16xf32>
        %add3A_775 = arith.addf %add3A_757, %mul3A_774 : vector<16xf32>
        %mul3A_776 = arith.mulf %get3A_771, %get3A_771 : vector<16xf32>
        %add3A_777 = arith.addf %add3A_759, %mul3A_776 : vector<16xf32>
        %add3A_778 = arith.constant 25 : i32
        %add3A_779 = arith.addi %mul3A_327, %add3A_778 : i32
        %get3A_780 = arith.index_cast %add3A_779 : i32 to index
        %get3A_781 = arith.constant 0 : index
        %get3A_782 = tpu.vector_load %arg9[%get3A_780, %get3A_781] {strides = array<i32>} : memref<960x32xf32, #tpu.memory_space<vmem>>, vector<1x16xf32>,
        %get3A_783 = vector.shape_cast %get3A_782 : vector<1x16xf32> to vector<16xf32>
        %add3A_784 = arith.constant 25 : i32
        %add3A_785 = arith.addi %mul3A_327, %add3A_784 : i32
        %get3A_786 = arith.index_cast %add3A_785 : i32 to index
        %get3A_787 = arith.constant 16 : index
        %get3A_788 = tpu.vector_load %arg9[%get3A_786, %get3A_787] {strides = array<i32>} : memref<960x32xf32, #tpu.memory_space<vmem>>, vector<1x16xf32>,
        %get3A_789 = vector.shape_cast %get3A_788 : vector<1x16xf32> to vector<16xf32>
        %add3A_790 = arith.addf %add3A_772, %get3A_783 : vector<16xf32>
        %add3A_791 = arith.addf %add3A_773, %get3A_789 : vector<16xf32>
        %mul3A_792 = arith.mulf %get3A_783, %get3A_783 : vector<16xf32>
        %add3A_793 = arith.addf %add3A_775, %mul3A_792 : vector<16xf32>
        %mul3A_794 = arith.mulf %get3A_789, %get3A_789 : vector<16xf32>
        %add3A_795 = arith.addf %add3A_777, %mul3A_794 : vector<16xf32>
        %add3A_796 = arith.constant 26 : i32
        %add3A_797 = arith.addi %mul3A_327, %add3A_796 : i32
        %get3A_798 = arith.index_cast %add3A_797 : i32 to index
        %get3A_799 = arith.constant 0 : index
        %get3A_800 = tpu.vector_load %arg9[%get3A_798, %get3A_799] {strides = array<i32>} : memref<960x32xf32, #tpu.memory_space<vmem>>, vector<1x16xf32>,
        %get3A_801 = vector.shape_cast %get3A_800 : vector<1x16xf32> to vector<16xf32>
        %add3A_802 = arith.constant 26 : i32
        %add3A_803 = arith.addi %mul3A_327, %add3A_802 : i32
        %get3A_804 = arith.index_cast %add3A_803 : i32 to index
        %get3A_805 = arith.constant 16 : index
        %get3A_806 = tpu.vector_load %arg9[%get3A_804, %get3A_805] {strides = array<i32>} : memref<960x32xf32, #tpu.memory_space<vmem>>, vector<1x16xf32>,
        %get3A_807 = vector.shape_cast %get3A_806 : vector<1x16xf32> to vector<16xf32>
        %add3A_808 = arith.addf %add3A_790, %get3A_801 : vector<16xf32>
        %add3A_809 = arith.addf %add3A_791, %get3A_807 : vector<16xf32>
        %mul3A_810 = arith.mulf %get3A_801, %get3A_801 : vector<16xf32>
        %add3A_811 = arith.addf %add3A_793, %mul3A_810 : vector<16xf32>
        %mul3A_812 = arith.mulf %get3A_807, %get3A_807 : vector<16xf32>
        %add3A_813 = arith.addf %add3A_795, %mul3A_812 : vector<16xf32>
        %add3A_814 = arith.constant 27 : i32
        %add3A_815 = arith.addi %mul3A_327, %add3A_814 : i32
        %get3A_816 = arith.index_cast %add3A_815 : i32 to index
        %get3A_817 = arith.constant 0 : index
        %get3A_818 = tpu.vector_load %arg9[%get3A_816, %get3A_817] {strides = array<i32>} : memref<960x32xf32, #tpu.memory_space<vmem>>, vector<1x16xf32>,
        %get3A_819 = vector.shape_cast %get3A_818 : vector<1x16xf32> to vector<16xf32>
        %add3A_820 = arith.constant 27 : i32
        %add3A_821 = arith.addi %mul3A_327, %add3A_820 : i32
        %get3A_822 = arith.index_cast %add3A_821 : i32 to index
        %get3A_823 = arith.constant 16 : index
        %get3A_824 = tpu.vector_load %arg9[%get3A_822, %get3A_823] {strides = array<i32>} : memref<960x32xf32, #tpu.memory_space<vmem>>, vector<1x16xf32>,
        %get3A_825 = vector.shape_cast %get3A_824 : vector<1x16xf32> to vector<16xf32>
        %add3A_826 = arith.addf %add3A_808, %get3A_819 : vector<16xf32>
        %add3A_827 = arith.addf %add3A_809, %get3A_825 : vector<16xf32>
        %mul3A_828 = arith.mulf %get3A_819, %get3A_819 : vector<16xf32>
        %add3A_829 = arith.addf %add3A_811, %mul3A_828 : vector<16xf32>
        %mul3A_830 = arith.mulf %get3A_825, %get3A_825 : vector<16xf32>
        %add3A_831 = arith.addf %add3A_813, %mul3A_830 : vector<16xf32>
        %add3A_832 = arith.constant 28 : i32
        %add3A_833 = arith.addi %mul3A_327, %add3A_832 : i32
        %get3A_834 = arith.index_cast %add3A_833 : i32 to index
        %get3A_835 = arith.constant 0 : index
        %get3A_836 = tpu.vector_load %arg9[%get3A_834, %get3A_835] {strides = array<i32>} : memref<960x32xf32, #tpu.memory_space<vmem>>, vector<1x16xf32>,
        %get3A_837 = vector.shape_cast %get3A_836 : vector<1x16xf32> to vector<16xf32>
        %add3A_838 = arith.constant 28 : i32
        %add3A_839 = arith.addi %mul3A_327, %add3A_838 : i32
        %get3A_840 = arith.index_cast %add3A_839 : i32 to index
        %get3A_841 = arith.constant 16 : index
        %get3A_842 = tpu.vector_load %arg9[%get3A_840, %get3A_841] {strides = array<i32>} : memref<960x32xf32, #tpu.memory_space<vmem>>, vector<1x16xf32>,
        %get3A_843 = vector.shape_cast %get3A_842 : vector<1x16xf32> to vector<16xf32>
        %add3A_844 = arith.addf %add3A_826, %get3A_837 : vector<16xf32>
        %add3A_845 = arith.addf %add3A_827, %get3A_843 : vector<16xf32>
        %mul3A_846 = arith.mulf %get3A_837, %get3A_837 : vector<16xf32>
        %add3A_847 = arith.addf %add3A_829, %mul3A_846 : vector<16xf32>
        %mul3A_848 = arith.mulf %get3A_843, %get3A_843 : vector<16xf32>
        %add3A_849 = arith.addf %add3A_831, %mul3A_848 : vector<16xf32>
        %add3A_850 = arith.constant 29 : i32
        %add3A_851 = arith.addi %mul3A_327, %add3A_850 : i32
        %get3A_852 = arith.index_cast %add3A_851 : i32 to index
        %get3A_853 = arith.constant 0 : index
        %get3A_854 = tpu.vector_load %arg9[%get3A_852, %get3A_853] {strides = array<i32>} : memref<960x32xf32, #tpu.memory_space<vmem>>, vector<1x16xf32>,
        %get3A_855 = vector.shape_cast %get3A_854 : vector<1x16xf32> to vector<16xf32>
        %add3A_856 = arith.constant 29 : i32
        %add3A_857 = arith.addi %mul3A_327, %add3A_856 : i32
        %get3A_858 = arith.index_cast %add3A_857 : i32 to index
        %get3A_859 = arith.constant 16 : index
        %get3A_860 = tpu.vector_load %arg9[%get3A_858, %get3A_859] {strides = array<i32>} : memref<960x32xf32, #tpu.memory_space<vmem>>, vector<1x16xf32>,
        %get3A_861 = vector.shape_cast %get3A_860 : vector<1x16xf32> to vector<16xf32>
        %add3A_862 = arith.addf %add3A_844, %get3A_855 : vector<16xf32>
        %add3A_863 = arith.addf %add3A_845, %get3A_861 : vector<16xf32>
        %mul3A_864 = arith.mulf %get3A_855, %get3A_855 : vector<16xf32>
        %add3A_865 = arith.addf %add3A_847, %mul3A_864 : vector<16xf32>
        %mul3A_866 = arith.mulf %get3A_861, %get3A_861 : vector<16xf32>
        %add3A_867 = arith.addf %add3A_849, %mul3A_866 : vector<16xf32>
        %add3A_868 = arith.constant 30 : i32
        %add3A_869 = arith.addi %mul3A_327, %add3A_868 : i32
        %get3A_870 = arith.index_cast %add3A_869 : i32 to index
        %get3A_871 = arith.constant 0 : index
        %get3A_872 = tpu.vector_load %arg9[%get3A_870, %get3A_871] {strides = array<i32>} : memref<960x32xf32, #tpu.memory_space<vmem>>, vector<1x16xf32>,
        %get3A_873 = vector.shape_cast %get3A_872 : vector<1x16xf32> to vector<16xf32>
        %add3A_874 = arith.constant 30 : i32
        %add3A_875 = arith.addi %mul3A_327, %add3A_874 : i32
        %get3A_876 = arith.index_cast %add3A_875 : i32 to index
        %get3A_877 = arith.constant 16 : index
        %get3A_878 = tpu.vector_load %arg9[%get3A_876, %get3A_877] {strides = array<i32>} : memref<960x32xf32, #tpu.memory_space<vmem>>, vector<1x16xf32>,
        %get3A_879 = vector.shape_cast %get3A_878 : vector<1x16xf32> to vector<16xf32>
        %add3A_880 = arith.addf %add3A_862, %get3A_873 : vector<16xf32>
        %add3A_881 = arith.addf %add3A_863, %get3A_879 : vector<16xf32>
        %mul3A_882 = arith.mulf %get3A_873, %get3A_873 : vector<16xf32>
        %add3A_883 = arith.addf %add3A_865, %mul3A_882 : vector<16xf32>
        %mul3A_884 = arith.mulf %get3A_879, %get3A_879 : vector<16xf32>
        %add3A_885 = arith.addf %add3A_867, %mul3A_884 : vector<16xf32>
        %add3A_886 = arith.constant 31 : i32
        %add3A_887 = arith.addi %mul3A_327, %add3A_886 : i32
        %get3A_888 = arith.index_cast %add3A_887 : i32 to index
        %get3A_889 = arith.constant 0 : index
        %get3A_890 = tpu.vector_load %arg9[%get3A_888, %get3A_889] {strides = array<i32>} : memref<960x32xf32, #tpu.memory_space<vmem>>, vector<1x16xf32>,
        %get3A_891 = vector.shape_cast %get3A_890 : vector<1x16xf32> to vector<16xf32>
        %add3A_892 = arith.constant 31 : i32
        %add3A_893 = arith.addi %mul3A_327, %add3A_892 : i32
        %get3A_894 = arith.index_cast %add3A_893 : i32 to index
        %get3A_895 = arith.constant 16 : index
        %get3A_896 = tpu.vector_load %arg9[%get3A_894, %get3A_895] {strides = array<i32>} : memref<960x32xf32, #tpu.memory_space<vmem>>, vector<1x16xf32>,
        %get3A_897 = vector.shape_cast %get3A_896 : vector<1x16xf32> to vector<16xf32>
        %add3A_898 = arith.addf %add3A_880, %get3A_891 : vector<16xf32>
        %add3A_899 = arith.addf %add3A_881, %get3A_897 : vector<16xf32>
        %mul3A_900 = arith.mulf %get3A_891, %get3A_891 : vector<16xf32>
        %add3A_901 = arith.addf %add3A_883, %mul3A_900 : vector<16xf32>
        %mul3A_902 = arith.mulf %get3A_897, %get3A_897 : vector<16xf32>
        %add3A_903 = arith.addf %add3A_885, %mul3A_902 : vector<16xf32>
        %add3A_904 = arith.constant 32 : i32
        %add3A_905 = arith.addi %mul3A_327, %add3A_904 : i32
        %get3A_906 = arith.index_cast %add3A_905 : i32 to index
        %get3A_907 = arith.constant 0 : index
        %get3A_908 = tpu.vector_load %arg9[%get3A_906, %get3A_907] {strides = array<i32>} : memref<960x32xf32, #tpu.memory_space<vmem>>, vector<1x16xf32>,
        %get3A_909 = vector.shape_cast %get3A_908 : vector<1x16xf32> to vector<16xf32>
        %add3A_910 = arith.constant 32 : i32
        %add3A_911 = arith.addi %mul3A_327, %add3A_910 : i32
        %get3A_912 = arith.index_cast %add3A_911 : i32 to index
        %get3A_913 = arith.constant 16 : index
        %get3A_914 = tpu.vector_load %arg9[%get3A_912, %get3A_913] {strides = array<i32>} : memref<960x32xf32, #tpu.memory_space<vmem>>, vector<1x16xf32>,
        %get3A_915 = vector.shape_cast %get3A_914 : vector<1x16xf32> to vector<16xf32>
        %add3A_916 = arith.addf %add3A_898, %get3A_909 : vector<16xf32>
        %add3A_917 = arith.addf %add3A_899, %get3A_915 : vector<16xf32>
        %mul3A_918 = arith.mulf %get3A_909, %get3A_909 : vector<16xf32>
        %add3A_919 = arith.addf %add3A_901, %mul3A_918 : vector<16xf32>
        %mul3A_920 = arith.mulf %get3A_915, %get3A_915 : vector<16xf32>
        %add3A_921 = arith.addf %add3A_903, %mul3A_920 : vector<16xf32>
        %add3A_922 = arith.constant 33 : i32
        %add3A_923 = arith.addi %mul3A_327, %add3A_922 : i32
        %get3A_924 = arith.index_cast %add3A_923 : i32 to index
        %get3A_925 = arith.constant 0 : index
        %get3A_926 = tpu.vector_load %arg9[%get3A_924, %get3A_925] {strides = array<i32>} : memref<960x32xf32, #tpu.memory_space<vmem>>, vector<1x16xf32>,
        %get3A_927 = vector.shape_cast %get3A_926 : vector<1x16xf32> to vector<16xf32>
        %add3A_928 = arith.constant 33 : i32
        %add3A_929 = arith.addi %mul3A_327, %add3A_928 : i32
        %get3A_930 = arith.index_cast %add3A_929 : i32 to index
        %get3A_931 = arith.constant 16 : index
        %get3A_932 = tpu.vector_load %arg9[%get3A_930, %get3A_931] {strides = array<i32>} : memref<960x32xf32, #tpu.memory_space<vmem>>, vector<1x16xf32>,
        %get3A_933 = vector.shape_cast %get3A_932 : vector<1x16xf32> to vector<16xf32>
        %add3A_934 = arith.addf %add3A_916, %get3A_927 : vector<16xf32>
        %add3A_935 = arith.addf %add3A_917, %get3A_933 : vector<16xf32>
        %mul3A_936 = arith.mulf %get3A_927, %get3A_927 : vector<16xf32>
        %add3A_937 = arith.addf %add3A_919, %mul3A_936 : vector<16xf32>
        %mul3A_938 = arith.mulf %get3A_933, %get3A_933 : vector<16xf32>
        %add3A_939 = arith.addf %add3A_921, %mul3A_938 : vector<16xf32>
        %add3A_940 = arith.constant 34 : i32
        %add3A_941 = arith.addi %mul3A_327, %add3A_940 : i32
        %get3A_942 = arith.index_cast %add3A_941 : i32 to index
        %get3A_943 = arith.constant 0 : index
        %get3A_944 = tpu.vector_load %arg9[%get3A_942, %get3A_943] {strides = array<i32>} : memref<960x32xf32, #tpu.memory_space<vmem>>, vector<1x16xf32>,
        %get3A_945 = vector.shape_cast %get3A_944 : vector<1x16xf32> to vector<16xf32>
        %add3A_946 = arith.constant 34 : i32
        %add3A_947 = arith.addi %mul3A_327, %add3A_946 : i32
        %get3A_948 = arith.index_cast %add3A_947 : i32 to index
        %get3A_949 = arith.constant 16 : index
        %get3A_950 = tpu.vector_load %arg9[%get3A_948, %get3A_949] {strides = array<i32>} : memref<960x32xf32, #tpu.memory_space<vmem>>, vector<1x16xf32>,
        %get3A_951 = vector.shape_cast %get3A_950 : vector<1x16xf32> to vector<16xf32>
        %add3A_952 = arith.addf %add3A_934, %get3A_945 : vector<16xf32>
        %add3A_953 = arith.addf %add3A_935, %get3A_951 : vector<16xf32>
        %mul3A_954 = arith.mulf %get3A_945, %get3A_945 : vector<16xf32>
        %add3A_955 = arith.addf %add3A_937, %mul3A_954 : vector<16xf32>
        %mul3A_956 = arith.mulf %get3A_951, %get3A_951 : vector<16xf32>
        %add3A_957 = arith.addf %add3A_939, %mul3A_956 : vector<16xf32>
        %add3A_958 = arith.constant 35 : i32
        %add3A_959 = arith.addi %mul3A_327, %add3A_958 : i32
        %get3A_960 = arith.index_cast %add3A_959 : i32 to index
        %get3A_961 = arith.constant 0 : index
        %get3A_962 = tpu.vector_load %arg9[%get3A_960, %get3A_961] {strides = array<i32>} : memref<960x32xf32, #tpu.memory_space<vmem>>, vector<1x16xf32>,
        %get3A_963 = vector.shape_cast %get3A_962 : vector<1x16xf32> to vector<16xf32>
        %add3A_964 = arith.constant 35 : i32
        %add3A_965 = arith.addi %mul3A_327, %add3A_964 : i32
        %get3A_966 = arith.index_cast %add3A_965 : i32 to index
        %get3A_967 = arith.constant 16 : index
        %get3A_968 = tpu.vector_load %arg9[%get3A_966, %get3A_967] {strides = array<i32>} : memref<960x32xf32, #tpu.memory_space<vmem>>, vector<1x16xf32>,
        %get3A_969 = vector.shape_cast %get3A_968 : vector<1x16xf32> to vector<16xf32>
        %add3A_970 = arith.addf %add3A_952, %get3A_963 : vector<16xf32>
        %add3A_971 = arith.addf %add3A_953, %get3A_969 : vector<16xf32>
        %mul3A_972 = arith.mulf %get3A_963, %get3A_963 : vector<16xf32>
        %add3A_973 = arith.addf %add3A_955, %mul3A_972 : vector<16xf32>
        %mul3A_974 = arith.mulf %get3A_969, %get3A_969 : vector<16xf32>
        %add3A_975 = arith.addf %add3A_957, %mul3A_974 : vector<16xf32>
        %add3A_976 = arith.constant 36 : i32
        %add3A_977 = arith.addi %mul3A_327, %add3A_976 : i32
        %get3A_978 = arith.index_cast %add3A_977 : i32 to index
        %get3A_979 = arith.constant 0 : index
        %get3A_980 = tpu.vector_load %arg9[%get3A_978, %get3A_979] {strides = array<i32>} : memref<960x32xf32, #tpu.memory_space<vmem>>, vector<1x16xf32>,
        %get3A_981 = vector.shape_cast %get3A_980 : vector<1x16xf32> to vector<16xf32>
        %add3A_982 = arith.constant 36 : i32
        %add3A_983 = arith.addi %mul3A_327, %add3A_982 : i32
        %get3A_984 = arith.index_cast %add3A_983 : i32 to index
        %get3A_985 = arith.constant 16 : index
        %get3A_986 = tpu.vector_load %arg9[%get3A_984, %get3A_985] {strides = array<i32>} : memref<960x32xf32, #tpu.memory_space<vmem>>, vector<1x16xf32>,
        %get3A_987 = vector.shape_cast %get3A_986 : vector<1x16xf32> to vector<16xf32>
        %add3A_988 = arith.addf %add3A_970, %get3A_981 : vector<16xf32>
        %add3A_989 = arith.addf %add3A_971, %get3A_987 : vector<16xf32>
        %mul3A_990 = arith.mulf %get3A_981, %get3A_981 : vector<16xf32>
        %add3A_991 = arith.addf %add3A_973, %mul3A_990 : vector<16xf32>
        %mul3A_992 = arith.mulf %get3A_987, %get3A_987 : vector<16xf32>
        %add3A_993 = arith.addf %add3A_975, %mul3A_992 : vector<16xf32>
        %add3A_994 = arith.constant 37 : i32
        %add3A_995 = arith.addi %mul3A_327, %add3A_994 : i32
        %get3A_996 = arith.index_cast %add3A_995 : i32 to index
        %get3A_997 = arith.constant 0 : index
        %get3A_998 = tpu.vector_load %arg9[%get3A_996, %get3A_997] {strides = array<i32>} : memref<960x32xf32, #tpu.memory_space<vmem>>, vector<1x16xf32>,
        %get3A_999 = vector.shape_cast %get3A_998 : vector<1x16xf32> to vector<16xf32>
        %add3A_1000 = arith.constant 37 : i32
        %add3A_1001 = arith.addi %mul3A_327, %add3A_1000 : i32
        %get3A_1002 = arith.index_cast %add3A_1001 : i32 to index
        %get3A_1003 = arith.constant 16 : index
        %get3A_1004 = tpu.vector_load %arg9[%get3A_1002, %get3A_1003] {strides = array<i32>} : memref<960x32xf32, #tpu.memory_space<vmem>>, vector<1x16xf32>,
        %get3A_1005 = vector.shape_cast %get3A_1004 : vector<1x16xf32> to vector<16xf32>
        %add3A_1006 = arith.addf %add3A_988, %get3A_999 : vector<16xf32>
        %add3A_1007 = arith.addf %add3A_989, %get3A_1005 : vector<16xf32>
        %mul3A_1008 = arith.mulf %get3A_999, %get3A_999 : vector<16xf32>
        %add3A_1009 = arith.addf %add3A_991, %mul3A_1008 : vector<16xf32>
        %mul3A_1010 = arith.mulf %get3A_1005, %get3A_1005 : vector<16xf32>
        %add3A_1011 = arith.addf %add3A_993, %mul3A_1010 : vector<16xf32>
        %add3A_1012 = arith.constant 38 : i32
        %add3A_1013 = arith.addi %mul3A_327, %add3A_1012 : i32
        %get3A_1014 = arith.index_cast %add3A_1013 : i32 to index
        %get3A_1015 = arith.constant 0 : index
        %get3A_1016 = tpu.vector_load %arg9[%get3A_1014, %get3A_1015] {strides = array<i32>} : memref<960x32xf32, #tpu.memory_space<vmem>>, vector<1x16xf32>,
        %get3A_1017 = vector.shape_cast %get3A_1016 : vector<1x16xf32> to vector<16xf32>
        %add3A_1018 = arith.constant 38 : i32
        %add3A_1019 = arith.addi %mul3A_327, %add3A_1018 : i32
        %get3A_1020 = arith.index_cast %add3A_1019 : i32 to index
        %get3A_1021 = arith.constant 16 : index
        %get3A_1022 = tpu.vector_load %arg9[%get3A_1020, %get3A_1021] {strides = array<i32>} : memref<960x32xf32, #tpu.memory_space<vmem>>, vector<1x16xf32>,
        %get3A_1023 = vector.shape_cast %get3A_1022 : vector<1x16xf32> to vector<16xf32>
        %add3A_1024 = arith.addf %add3A_1006, %get3A_1017 : vector<16xf32>
        %add3A_1025 = arith.addf %add3A_1007, %get3A_1023 : vector<16xf32>
        %mul3A_1026 = arith.mulf %get3A_1017, %get3A_1017 : vector<16xf32>
        %add3A_1027 = arith.addf %add3A_1009, %mul3A_1026 : vector<16xf32>
        %mul3A_1028 = arith.mulf %get3A_1023, %get3A_1023 : vector<16xf32>
        %add3A_1029 = arith.addf %add3A_1011, %mul3A_1028 : vector<16xf32>
        %add3A_1030 = arith.constant 39 : i32
        %add3A_1031 = arith.addi %mul3A_327, %add3A_1030 : i32
        %get3A_1032 = arith.index_cast %add3A_1031 : i32 to index
        %get3A_1033 = arith.constant 0 : index
        %get3A_1034 = tpu.vector_load %arg9[%get3A_1032, %get3A_1033] {strides = array<i32>} : memref<960x32xf32, #tpu.memory_space<vmem>>, vector<1x16xf32>,
        %get3A_1035 = vector.shape_cast %get3A_1034 : vector<1x16xf32> to vector<16xf32>
        %add3A_1036 = arith.constant 39 : i32
        %add3A_1037 = arith.addi %mul3A_327, %add3A_1036 : i32
        %get3A_1038 = arith.index_cast %add3A_1037 : i32 to index
        %get3A_1039 = arith.constant 16 : index
        %get3A_1040 = tpu.vector_load %arg9[%get3A_1038, %get3A_1039] {strides = array<i32>} : memref<960x32xf32, #tpu.memory_space<vmem>>, vector<1x16xf32>,
        %get3A_1041 = vector.shape_cast %get3A_1040 : vector<1x16xf32> to vector<16xf32>
        %add3A_1042 = arith.addf %add3A_1024, %get3A_1035 : vector<16xf32>
        %add3A_1043 = arith.addf %add3A_1025, %get3A_1041 : vector<16xf32>
        %mul3A_1044 = arith.mulf %get3A_1035, %get3A_1035 : vector<16xf32>
        %add3A_1045 = arith.addf %add3A_1027, %mul3A_1044 : vector<16xf32>
        %mul3A_1046 = arith.mulf %get3A_1041, %get3A_1041 : vector<16xf32>
        %add3A_1047 = arith.addf %add3A_1029, %mul3A_1046 : vector<16xf32>
        %add3A_1048 = arith.constant 40 : i32
        %add3A_1049 = arith.addi %mul3A_327, %add3A_1048 : i32
        %get3A_1050 = arith.index_cast %add3A_1049 : i32 to index
        %get3A_1051 = arith.constant 0 : index
        %get3A_1052 = tpu.vector_load %arg9[%get3A_1050, %get3A_1051] {strides = array<i32>} : memref<960x32xf32, #tpu.memory_space<vmem>>, vector<1x16xf32>,
        %get3A_1053 = vector.shape_cast %get3A_1052 : vector<1x16xf32> to vector<16xf32>
        %add3A_1054 = arith.constant 40 : i32
        %add3A_1055 = arith.addi %mul3A_327, %add3A_1054 : i32
        %get3A_1056 = arith.index_cast %add3A_1055 : i32 to index
        %get3A_1057 = arith.constant 16 : index
        %get3A_1058 = tpu.vector_load %arg9[%get3A_1056, %get3A_1057] {strides = array<i32>} : memref<960x32xf32, #tpu.memory_space<vmem>>, vector<1x16xf32>,
        %get3A_1059 = vector.shape_cast %get3A_1058 : vector<1x16xf32> to vector<16xf32>
        %add3A_1060 = arith.addf %add3A_1042, %get3A_1053 : vector<16xf32>
        %add3A_1061 = arith.addf %add3A_1043, %get3A_1059 : vector<16xf32>
        %mul3A_1062 = arith.mulf %get3A_1053, %get3A_1053 : vector<16xf32>
        %add3A_1063 = arith.addf %add3A_1045, %mul3A_1062 : vector<16xf32>
        %mul3A_1064 = arith.mulf %get3A_1059, %get3A_1059 : vector<16xf32>
        %add3A_1065 = arith.addf %add3A_1047, %mul3A_1064 : vector<16xf32>
        %add3A_1066 = arith.constant 41 : i32
        %add3A_1067 = arith.addi %mul3A_327, %add3A_1066 : i32
        %get3A_1068 = arith.index_cast %add3A_1067 : i32 to index
        %get3A_1069 = arith.constant 0 : index
        %get3A_1070 = tpu.vector_load %arg9[%get3A_1068, %get3A_1069] {strides = array<i32>} : memref<960x32xf32, #tpu.memory_space<vmem>>, vector<1x16xf32>,
        %get3A_1071 = vector.shape_cast %get3A_1070 : vector<1x16xf32> to vector<16xf32>
        %add3A_1072 = arith.constant 41 : i32
        %add3A_1073 = arith.addi %mul3A_327, %add3A_1072 : i32
        %get3A_1074 = arith.index_cast %add3A_1073 : i32 to index
        %get3A_1075 = arith.constant 16 : index
        %get3A_1076 = tpu.vector_load %arg9[%get3A_1074, %get3A_1075] {strides = array<i32>} : memref<960x32xf32, #tpu.memory_space<vmem>>, vector<1x16xf32>,
        %get3A_1077 = vector.shape_cast %get3A_1076 : vector<1x16xf32> to vector<16xf32>
        %add3A_1078 = arith.addf %add3A_1060, %get3A_1071 : vector<16xf32>
        %add3A_1079 = arith.addf %add3A_1061, %get3A_1077 : vector<16xf32>
        %mul3A_1080 = arith.mulf %get3A_1071, %get3A_1071 : vector<16xf32>
        %add3A_1081 = arith.addf %add3A_1063, %mul3A_1080 : vector<16xf32>
        %mul3A_1082 = arith.mulf %get3A_1077, %get3A_1077 : vector<16xf32>
        %add3A_1083 = arith.addf %add3A_1065, %mul3A_1082 : vector<16xf32>
        %add3A_1084 = arith.constant 42 : i32
        %add3A_1085 = arith.addi %mul3A_327, %add3A_1084 : i32
        %get3A_1086 = arith.index_cast %add3A_1085 : i32 to index
        %get3A_1087 = arith.constant 0 : index
        %get3A_1088 = tpu.vector_load %arg9[%get3A_1086, %get3A_1087] {strides = array<i32>} : memref<960x32xf32, #tpu.memory_space<vmem>>, vector<1x16xf32>,
        %get3A_1089 = vector.shape_cast %get3A_1088 : vector<1x16xf32> to vector<16xf32>
        %add3A_1090 = arith.constant 42 : i32
        %add3A_1091 = arith.addi %mul3A_327, %add3A_1090 : i32
        %get3A_1092 = arith.index_cast %add3A_1091 : i32 to index
        %get3A_1093 = arith.constant 16 : index
        %get3A_1094 = tpu.vector_load %arg9[%get3A_1092, %get3A_1093] {strides = array<i32>} : memref<960x32xf32, #tpu.memory_space<vmem>>, vector<1x16xf32>,
        %get3A_1095 = vector.shape_cast %get3A_1094 : vector<1x16xf32> to vector<16xf32>
        %add3A_1096 = arith.addf %add3A_1078, %get3A_1089 : vector<16xf32>
        %add3A_1097 = arith.addf %add3A_1079, %get3A_1095 : vector<16xf32>
        %mul3A_1098 = arith.mulf %get3A_1089, %get3A_1089 : vector<16xf32>
        %add3A_1099 = arith.addf %add3A_1081, %mul3A_1098 : vector<16xf32>
        %mul3A_1100 = arith.mulf %get3A_1095, %get3A_1095 : vector<16xf32>
        %add3A_1101 = arith.addf %add3A_1083, %mul3A_1100 : vector<16xf32>
        %add3A_1102 = arith.constant 43 : i32
        %add3A_1103 = arith.addi %mul3A_327, %add3A_1102 : i32
        %get3A_1104 = arith.index_cast %add3A_1103 : i32 to index
        %get3A_1105 = arith.constant 0 : index
        %get3A_1106 = tpu.vector_load %arg9[%get3A_1104, %get3A_1105] {strides = array<i32>} : memref<960x32xf32, #tpu.memory_space<vmem>>, vector<1x16xf32>,
        %get3A_1107 = vector.shape_cast %get3A_1106 : vector<1x16xf32> to vector<16xf32>
        %add3A_1108 = arith.constant 43 : i32
        %add3A_1109 = arith.addi %mul3A_327, %add3A_1108 : i32
        %get3A_1110 = arith.index_cast %add3A_1109 : i32 to index
        %get3A_1111 = arith.constant 16 : index
        %get3A_1112 = tpu.vector_load %arg9[%get3A_1110, %get3A_1111] {strides = array<i32>} : memref<960x32xf32, #tpu.memory_space<vmem>>, vector<1x16xf32>,
        %get3A_1113 = vector.shape_cast %get3A_1112 : vector<1x16xf32> to vector<16xf32>
        %add3A_1114 = arith.addf %add3A_1096, %get3A_1107 : vector<16xf32>
        %add3A_1115 = arith.addf %add3A_1097, %get3A_1113 : vector<16xf32>
        %mul3A_1116 = arith.mulf %get3A_1107, %get3A_1107 : vector<16xf32>
        %add3A_1117 = arith.addf %add3A_1099, %mul3A_1116 : vector<16xf32>
        %mul3A_1118 = arith.mulf %get3A_1113, %get3A_1113 : vector<16xf32>
        %add3A_1119 = arith.addf %add3A_1101, %mul3A_1118 : vector<16xf32>
        %add3A_1120 = arith.constant 44 : i32
        %add3A_1121 = arith.addi %mul3A_327, %add3A_1120 : i32
        %get3A_1122 = arith.index_cast %add3A_1121 : i32 to index
        %get3A_1123 = arith.constant 0 : index
        %get3A_1124 = tpu.vector_load %arg9[%get3A_1122, %get3A_1123] {strides = array<i32>} : memref<960x32xf32, #tpu.memory_space<vmem>>, vector<1x16xf32>,
        %get3A_1125 = vector.shape_cast %get3A_1124 : vector<1x16xf32> to vector<16xf32>
        %add3A_1126 = arith.constant 44 : i32
        %add3A_1127 = arith.addi %mul3A_327, %add3A_1126 : i32
        %get3A_1128 = arith.index_cast %add3A_1127 : i32 to index
        %get3A_1129 = arith.constant 16 : index
        %get3A_1130 = tpu.vector_load %arg9[%get3A_1128, %get3A_1129] {strides = array<i32>} : memref<960x32xf32, #tpu.memory_space<vmem>>, vector<1x16xf32>,
        %get3A_1131 = vector.shape_cast %get3A_1130 : vector<1x16xf32> to vector<16xf32>
        %add3A_1132 = arith.addf %add3A_1114, %get3A_1125 : vector<16xf32>
        %add3A_1133 = arith.addf %add3A_1115, %get3A_1131 : vector<16xf32>
        %mul3A_1134 = arith.mulf %get3A_1125, %get3A_1125 : vector<16xf32>
        %add3A_1135 = arith.addf %add3A_1117, %mul3A_1134 : vector<16xf32>
        %mul3A_1136 = arith.mulf %get3A_1131, %get3A_1131 : vector<16xf32>
        %add3A_1137 = arith.addf %add3A_1119, %mul3A_1136 : vector<16xf32>
        %add3A_1138 = arith.constant 45 : i32
        %add3A_1139 = arith.addi %mul3A_327, %add3A_1138 : i32
        %get3A_1140 = arith.index_cast %add3A_1139 : i32 to index
        %get3A_1141 = arith.constant 0 : index
        %get3A_1142 = tpu.vector_load %arg9[%get3A_1140, %get3A_1141] {strides = array<i32>} : memref<960x32xf32, #tpu.memory_space<vmem>>, vector<1x16xf32>,
        %get3A_1143 = vector.shape_cast %get3A_1142 : vector<1x16xf32> to vector<16xf32>
        %add3A_1144 = arith.constant 45 : i32
        %add3A_1145 = arith.addi %mul3A_327, %add3A_1144 : i32
        %get3A_1146 = arith.index_cast %add3A_1145 : i32 to index
        %get3A_1147 = arith.constant 16 : index
        %get3A_1148 = tpu.vector_load %arg9[%get3A_1146, %get3A_1147] {strides = array<i32>} : memref<960x32xf32, #tpu.memory_space<vmem>>, vector<1x16xf32>,
        %get3A_1149 = vector.shape_cast %get3A_1148 : vector<1x16xf32> to vector<16xf32>
        %add3A_1150 = arith.addf %add3A_1132, %get3A_1143 : vector<16xf32>
        %add3A_1151 = arith.addf %add3A_1133, %get3A_1149 : vector<16xf32>
        %mul3A_1152 = arith.mulf %get3A_1143, %get3A_1143 : vector<16xf32>
        %add3A_1153 = arith.addf %add3A_1135, %mul3A_1152 : vector<16xf32>
        %mul3A_1154 = arith.mulf %get3A_1149, %get3A_1149 : vector<16xf32>
        %add3A_1155 = arith.addf %add3A_1137, %mul3A_1154 : vector<16xf32>
        %add3A_1156 = arith.constant 46 : i32
        %add3A_1157 = arith.addi %mul3A_327, %add3A_1156 : i32
        %get3A_1158 = arith.index_cast %add3A_1157 : i32 to index
        %get3A_1159 = arith.constant 0 : index
        %get3A_1160 = tpu.vector_load %arg9[%get3A_1158, %get3A_1159] {strides = array<i32>} : memref<960x32xf32, #tpu.memory_space<vmem>>, vector<1x16xf32>,
        %get3A_1161 = vector.shape_cast %get3A_1160 : vector<1x16xf32> to vector<16xf32>
        %add3A_1162 = arith.constant 46 : i32
        %add3A_1163 = arith.addi %mul3A_327, %add3A_1162 : i32
        %get3A_1164 = arith.index_cast %add3A_1163 : i32 to index
        %get3A_1165 = arith.constant 16 : index
        %get3A_1166 = tpu.vector_load %arg9[%get3A_1164, %get3A_1165] {strides = array<i32>} : memref<960x32xf32, #tpu.memory_space<vmem>>, vector<1x16xf32>,
        %get3A_1167 = vector.shape_cast %get3A_1166 : vector<1x16xf32> to vector<16xf32>
        %add3A_1168 = arith.addf %add3A_1150, %get3A_1161 : vector<16xf32>
        %add3A_1169 = arith.addf %add3A_1151, %get3A_1167 : vector<16xf32>
        %mul3A_1170 = arith.mulf %get3A_1161, %get3A_1161 : vector<16xf32>
        %add3A_1171 = arith.addf %add3A_1153, %mul3A_1170 : vector<16xf32>
        %mul3A_1172 = arith.mulf %get3A_1167, %get3A_1167 : vector<16xf32>
        %add3A_1173 = arith.addf %add3A_1155, %mul3A_1172 : vector<16xf32>
        %add3A_1174 = arith.constant 47 : i32
        %add3A_1175 = arith.addi %mul3A_327, %add3A_1174 : i32
        %get3A_1176 = arith.index_cast %add3A_1175 : i32 to index
        %get3A_1177 = arith.constant 0 : index
        %get3A_1178 = tpu.vector_load %arg9[%get3A_1176, %get3A_1177] {strides = array<i32>} : memref<960x32xf32, #tpu.memory_space<vmem>>, vector<1x16xf32>,
        %get3A_1179 = vector.shape_cast %get3A_1178 : vector<1x16xf32> to vector<16xf32>
        %add3A_1180 = arith.constant 47 : i32
        %add3A_1181 = arith.addi %mul3A_327, %add3A_1180 : i32
        %get3A_1182 = arith.index_cast %add3A_1181 : i32 to index
        %get3A_1183 = arith.constant 16 : index
        %get3A_1184 = tpu.vector_load %arg9[%get3A_1182, %get3A_1183] {strides = array<i32>} : memref<960x32xf32, #tpu.memory_space<vmem>>, vector<1x16xf32>,
        %get3A_1185 = vector.shape_cast %get3A_1184 : vector<1x16xf32> to vector<16xf32>
        %add3A_1186 = arith.addf %add3A_1168, %get3A_1179 : vector<16xf32>
        %add3A_1187 = arith.addf %add3A_1169, %get3A_1185 : vector<16xf32>
        %mul3A_1188 = arith.mulf %get3A_1179, %get3A_1179 : vector<16xf32>
        %add3A_1189 = arith.addf %add3A_1171, %mul3A_1188 : vector<16xf32>
        %mul3A_1190 = arith.mulf %get3A_1185, %get3A_1185 : vector<16xf32>
        %add3A_1191 = arith.addf %add3A_1173, %mul3A_1190 : vector<16xf32>
        %add3A_1192 = arith.constant 48 : i32
        %add3A_1193 = arith.addi %mul3A_327, %add3A_1192 : i32
        %get3A_1194 = arith.index_cast %add3A_1193 : i32 to index
        %get3A_1195 = arith.constant 0 : index
        %get3A_1196 = tpu.vector_load %arg9[%get3A_1194, %get3A_1195] {strides = array<i32>} : memref<960x32xf32, #tpu.memory_space<vmem>>, vector<1x16xf32>,
        %get3A_1197 = vector.shape_cast %get3A_1196 : vector<1x16xf32> to vector<16xf32>
        %add3A_1198 = arith.constant 48 : i32
        %add3A_1199 = arith.addi %mul3A_327, %add3A_1198 : i32
        %get3A_1200 = arith.index_cast %add3A_1199 : i32 to index
        %get3A_1201 = arith.constant 16 : index
        %get3A_1202 = tpu.vector_load %arg9[%get3A_1200, %get3A_1201] {strides = array<i32>} : memref<960x32xf32, #tpu.memory_space<vmem>>, vector<1x16xf32>,
        %get3A_1203 = vector.shape_cast %get3A_1202 : vector<1x16xf32> to vector<16xf32>
        %add3A_1204 = arith.addf %add3A_1186, %get3A_1197 : vector<16xf32>
        %add3A_1205 = arith.addf %add3A_1187, %get3A_1203 : vector<16xf32>
        %mul3A_1206 = arith.mulf %get3A_1197, %get3A_1197 : vector<16xf32>
        %add3A_1207 = arith.addf %add3A_1189, %mul3A_1206 : vector<16xf32>
        %mul3A_1208 = arith.mulf %get3A_1203, %get3A_1203 : vector<16xf32>
        %add3A_1209 = arith.addf %add3A_1191, %mul3A_1208 : vector<16xf32>
        %add3A_1210 = arith.constant 49 : i32
        %add3A_1211 = arith.addi %mul3A_327, %add3A_1210 : i32
        %get3A_1212 = arith.index_cast %add3A_1211 : i32 to index
        %get3A_1213 = arith.constant 0 : index
        %get3A_1214 = tpu.vector_load %arg9[%get3A_1212, %get3A_1213] {strides = array<i32>} : memref<960x32xf32, #tpu.memory_space<vmem>>, vector<1x16xf32>,
        %get3A_1215 = vector.shape_cast %get3A_1214 : vector<1x16xf32> to vector<16xf32>
        %add3A_1216 = arith.constant 49 : i32
        %add3A_1217 = arith.addi %mul3A_327, %add3A_1216 : i32
        %get3A_1218 = arith.index_cast %add3A_1217 : i32 to index
        %get3A_1219 = arith.constant 16 : index
        %get3A_1220 = tpu.vector_load %arg9[%get3A_1218, %get3A_1219] {strides = array<i32>} : memref<960x32xf32, #tpu.memory_space<vmem>>, vector<1x16xf32>,
        %get3A_1221 = vector.shape_cast %get3A_1220 : vector<1x16xf32> to vector<16xf32>
        %add3A_1222 = arith.addf %add3A_1204, %get3A_1215 : vector<16xf32>
        %add3A_1223 = arith.addf %add3A_1205, %get3A_1221 : vector<16xf32>
        %mul3A_1224 = arith.mulf %get3A_1215, %get3A_1215 : vector<16xf32>
        %add3A_1225 = arith.addf %add3A_1207, %mul3A_1224 : vector<16xf32>
        %mul3A_1226 = arith.mulf %get3A_1221, %get3A_1221 : vector<16xf32>
        %add3A_1227 = arith.addf %add3A_1209, %mul3A_1226 : vector<16xf32>
        %add3A_1228 = arith.constant 50 : i32
        %add3A_1229 = arith.addi %mul3A_327, %add3A_1228 : i32
        %get3A_1230 = arith.index_cast %add3A_1229 : i32 to index
        %get3A_1231 = arith.constant 0 : index
        %get3A_1232 = tpu.vector_load %arg9[%get3A_1230, %get3A_1231] {strides = array<i32>} : memref<960x32xf32, #tpu.memory_space<vmem>>, vector<1x16xf32>,
        %get3A_1233 = vector.shape_cast %get3A_1232 : vector<1x16xf32> to vector<16xf32>
        %add3A_1234 = arith.constant 50 : i32
        %add3A_1235 = arith.addi %mul3A_327, %add3A_1234 : i32
        %get3A_1236 = arith.index_cast %add3A_1235 : i32 to index
        %get3A_1237 = arith.constant 16 : index
        %get3A_1238 = tpu.vector_load %arg9[%get3A_1236, %get3A_1237] {strides = array<i32>} : memref<960x32xf32, #tpu.memory_space<vmem>>, vector<1x16xf32>,
        %get3A_1239 = vector.shape_cast %get3A_1238 : vector<1x16xf32> to vector<16xf32>
        %add3A_1240 = arith.addf %add3A_1222, %get3A_1233 : vector<16xf32>
        %add3A_1241 = arith.addf %add3A_1223, %get3A_1239 : vector<16xf32>
        %mul3A_1242 = arith.mulf %get3A_1233, %get3A_1233 : vector<16xf32>
        %add3A_1243 = arith.addf %add3A_1225, %mul3A_1242 : vector<16xf32>
        %mul3A_1244 = arith.mulf %get3A_1239, %get3A_1239 : vector<16xf32>
        %add3A_1245 = arith.addf %add3A_1227, %mul3A_1244 : vector<16xf32>
        %add3A_1246 = arith.constant 51 : i32
        %add3A_1247 = arith.addi %mul3A_327, %add3A_1246 : i32
        %get3A_1248 = arith.index_cast %add3A_1247 : i32 to index
        %get3A_1249 = arith.constant 0 : index
        %get3A_1250 = tpu.vector_load %arg9[%get3A_1248, %get3A_1249] {strides = array<i32>} : memref<960x32xf32, #tpu.memory_space<vmem>>, vector<1x16xf32>,
        %get3A_1251 = vector.shape_cast %get3A_1250 : vector<1x16xf32> to vector<16xf32>
        %add3A_1252 = arith.constant 51 : i32
        %add3A_1253 = arith.addi %mul3A_327, %add3A_1252 : i32
        %get3A_1254 = arith.index_cast %add3A_1253 : i32 to index
        %get3A_1255 = arith.constant 16 : index
        %get3A_1256 = tpu.vector_load %arg9[%get3A_1254, %get3A_1255] {strides = array<i32>} : memref<960x32xf32, #tpu.memory_space<vmem>>, vector<1x16xf32>,
        %get3A_1257 = vector.shape_cast %get3A_1256 : vector<1x16xf32> to vector<16xf32>
        %add3A_1258 = arith.addf %add3A_1240, %get3A_1251 : vector<16xf32>
        %add3A_1259 = arith.addf %add3A_1241, %get3A_1257 : vector<16xf32>
        %mul3A_1260 = arith.mulf %get3A_1251, %get3A_1251 : vector<16xf32>
        %add3A_1261 = arith.addf %add3A_1243, %mul3A_1260 : vector<16xf32>
        %mul3A_1262 = arith.mulf %get3A_1257, %get3A_1257 : vector<16xf32>
        %add3A_1263 = arith.addf %add3A_1245, %mul3A_1262 : vector<16xf32>
        %add3A_1264 = arith.constant 52 : i32
        %add3A_1265 = arith.addi %mul3A_327, %add3A_1264 : i32
        %get3A_1266 = arith.index_cast %add3A_1265 : i32 to index
        %get3A_1267 = arith.constant 0 : index
        %get3A_1268 = tpu.vector_load %arg9[%get3A_1266, %get3A_1267] {strides = array<i32>} : memref<960x32xf32, #tpu.memory_space<vmem>>, vector<1x16xf32>,
        %get3A_1269 = vector.shape_cast %get3A_1268 : vector<1x16xf32> to vector<16xf32>
        %add3A_1270 = arith.constant 52 : i32
        %add3A_1271 = arith.addi %mul3A_327, %add3A_1270 : i32
        %get3A_1272 = arith.index_cast %add3A_1271 : i32 to index
        %get3A_1273 = arith.constant 16 : index
        %get3A_1274 = tpu.vector_load %arg9[%get3A_1272, %get3A_1273] {strides = array<i32>} : memref<960x32xf32, #tpu.memory_space<vmem>>, vector<1x16xf32>,
        %get3A_1275 = vector.shape_cast %get3A_1274 : vector<1x16xf32> to vector<16xf32>
        %add3A_1276 = arith.addf %add3A_1258, %get3A_1269 : vector<16xf32>
        %add3A_1277 = arith.addf %add3A_1259, %get3A_1275 : vector<16xf32>
        %mul3A_1278 = arith.mulf %get3A_1269, %get3A_1269 : vector<16xf32>
        %add3A_1279 = arith.addf %add3A_1261, %mul3A_1278 : vector<16xf32>
        %mul3A_1280 = arith.mulf %get3A_1275, %get3A_1275 : vector<16xf32>
        %add3A_1281 = arith.addf %add3A_1263, %mul3A_1280 : vector<16xf32>
        %add3A_1282 = arith.constant 53 : i32
        %add3A_1283 = arith.addi %mul3A_327, %add3A_1282 : i32
        %get3A_1284 = arith.index_cast %add3A_1283 : i32 to index
        %get3A_1285 = arith.constant 0 : index
        %get3A_1286 = tpu.vector_load %arg9[%get3A_1284, %get3A_1285] {strides = array<i32>} : memref<960x32xf32, #tpu.memory_space<vmem>>, vector<1x16xf32>,
        %get3A_1287 = vector.shape_cast %get3A_1286 : vector<1x16xf32> to vector<16xf32>
        %add3A_1288 = arith.constant 53 : i32
        %add3A_1289 = arith.addi %mul3A_327, %add3A_1288 : i32
        %get3A_1290 = arith.index_cast %add3A_1289 : i32 to index
        %get3A_1291 = arith.constant 16 : index
        %get3A_1292 = tpu.vector_load %arg9[%get3A_1290, %get3A_1291] {strides = array<i32>} : memref<960x32xf32, #tpu.memory_space<vmem>>, vector<1x16xf32>,
        %get3A_1293 = vector.shape_cast %get3A_1292 : vector<1x16xf32> to vector<16xf32>
        %add3A_1294 = arith.addf %add3A_1276, %get3A_1287 : vector<16xf32>
        %add3A_1295 = arith.addf %add3A_1277, %get3A_1293 : vector<16xf32>
        %mul3A_1296 = arith.mulf %get3A_1287, %get3A_1287 : vector<16xf32>
        %add3A_1297 = arith.addf %add3A_1279, %mul3A_1296 : vector<16xf32>
        %mul3A_1298 = arith.mulf %get3A_1293, %get3A_1293 : vector<16xf32>
        %add3A_1299 = arith.addf %add3A_1281, %mul3A_1298 : vector<16xf32>
        %add3A_1300 = arith.constant 54 : i32
        %add3A_1301 = arith.addi %mul3A_327, %add3A_1300 : i32
        %get3A_1302 = arith.index_cast %add3A_1301 : i32 to index
        %get3A_1303 = arith.constant 0 : index
        %get3A_1304 = tpu.vector_load %arg9[%get3A_1302, %get3A_1303] {strides = array<i32>} : memref<960x32xf32, #tpu.memory_space<vmem>>, vector<1x16xf32>,
        %get3A_1305 = vector.shape_cast %get3A_1304 : vector<1x16xf32> to vector<16xf32>
        %add3A_1306 = arith.constant 54 : i32
        %add3A_1307 = arith.addi %mul3A_327, %add3A_1306 : i32
        %get3A_1308 = arith.index_cast %add3A_1307 : i32 to index
        %get3A_1309 = arith.constant 16 : index
        %get3A_1310 = tpu.vector_load %arg9[%get3A_1308, %get3A_1309] {strides = array<i32>} : memref<960x32xf32, #tpu.memory_space<vmem>>, vector<1x16xf32>,
        %get3A_1311 = vector.shape_cast %get3A_1310 : vector<1x16xf32> to vector<16xf32>
        %add3A_1312 = arith.addf %add3A_1294, %get3A_1305 : vector<16xf32>
        %add3A_1313 = arith.addf %add3A_1295, %get3A_1311 : vector<16xf32>
        %mul3A_1314 = arith.mulf %get3A_1305, %get3A_1305 : vector<16xf32>
        %add3A_1315 = arith.addf %add3A_1297, %mul3A_1314 : vector<16xf32>
        %mul3A_1316 = arith.mulf %get3A_1311, %get3A_1311 : vector<16xf32>
        %add3A_1317 = arith.addf %add3A_1299, %mul3A_1316 : vector<16xf32>
        %add3A_1318 = arith.constant 55 : i32
        %add3A_1319 = arith.addi %mul3A_327, %add3A_1318 : i32
        %get3A_1320 = arith.index_cast %add3A_1319 : i32 to index
        %get3A_1321 = arith.constant 0 : index
        %get3A_1322 = tpu.vector_load %arg9[%get3A_1320, %get3A_1321] {strides = array<i32>} : memref<960x32xf32, #tpu.memory_space<vmem>>, vector<1x16xf32>,
        %get3A_1323 = vector.shape_cast %get3A_1322 : vector<1x16xf32> to vector<16xf32>
        %add3A_1324 = arith.constant 55 : i32
        %add3A_1325 = arith.addi %mul3A_327, %add3A_1324 : i32
        %get3A_1326 = arith.index_cast %add3A_1325 : i32 to index
        %get3A_1327 = arith.constant 16 : index
        %get3A_1328 = tpu.vector_load %arg9[%get3A_1326, %get3A_1327] {strides = array<i32>} : memref<960x32xf32, #tpu.memory_space<vmem>>, vector<1x16xf32>,
        %get3A_1329 = vector.shape_cast %get3A_1328 : vector<1x16xf32> to vector<16xf32>
        %add3A_1330 = arith.addf %add3A_1312, %get3A_1323 : vector<16xf32>
        %add3A_1331 = arith.addf %add3A_1313, %get3A_1329 : vector<16xf32>
        %mul3A_1332 = arith.mulf %get3A_1323, %get3A_1323 : vector<16xf32>
        %add3A_1333 = arith.addf %add3A_1315, %mul3A_1332 : vector<16xf32>
        %mul3A_1334 = arith.mulf %get3A_1329, %get3A_1329 : vector<16xf32>
        %add3A_1335 = arith.addf %add3A_1317, %mul3A_1334 : vector<16xf32>
        %add3A_1336 = arith.constant 56 : i32
        %add3A_1337 = arith.addi %mul3A_327, %add3A_1336 : i32
        %get3A_1338 = arith.index_cast %add3A_1337 : i32 to index
        %get3A_1339 = arith.constant 0 : index
        %get3A_1340 = tpu.vector_load %arg9[%get3A_1338, %get3A_1339] {strides = array<i32>} : memref<960x32xf32, #tpu.memory_space<vmem>>, vector<1x16xf32>,
        %get3A_1341 = vector.shape_cast %get3A_1340 : vector<1x16xf32> to vector<16xf32>
        %add3A_1342 = arith.constant 56 : i32
        %add3A_1343 = arith.addi %mul3A_327, %add3A_1342 : i32
        %get3A_1344 = arith.index_cast %add3A_1343 : i32 to index
        %get3A_1345 = arith.constant 16 : index
        %get3A_1346 = tpu.vector_load %arg9[%get3A_1344, %get3A_1345] {strides = array<i32>} : memref<960x32xf32, #tpu.memory_space<vmem>>, vector<1x16xf32>,
        %get3A_1347 = vector.shape_cast %get3A_1346 : vector<1x16xf32> to vector<16xf32>
        %add3A_1348 = arith.addf %add3A_1330, %get3A_1341 : vector<16xf32>
        %add3A_1349 = arith.addf %add3A_1331, %get3A_1347 : vector<16xf32>
        %mul3A_1350 = arith.mulf %get3A_1341, %get3A_1341 : vector<16xf32>
        %add3A_1351 = arith.addf %add3A_1333, %mul3A_1350 : vector<16xf32>
        %mul3A_1352 = arith.mulf %get3A_1347, %get3A_1347 : vector<16xf32>
        %add3A_1353 = arith.addf %add3A_1335, %mul3A_1352 : vector<16xf32>
        %add3A_1354 = arith.constant 57 : i32
        %add3A_1355 = arith.addi %mul3A_327, %add3A_1354 : i32
        %get3A_1356 = arith.index_cast %add3A_1355 : i32 to index
        %get3A_1357 = arith.constant 0 : index
        %get3A_1358 = tpu.vector_load %arg9[%get3A_1356, %get3A_1357] {strides = array<i32>} : memref<960x32xf32, #tpu.memory_space<vmem>>, vector<1x16xf32>,
        %get3A_1359 = vector.shape_cast %get3A_1358 : vector<1x16xf32> to vector<16xf32>
        %add3A_1360 = arith.constant 57 : i32
        %add3A_1361 = arith.addi %mul3A_327, %add3A_1360 : i32
        %get3A_1362 = arith.index_cast %add3A_1361 : i32 to index
        %get3A_1363 = arith.constant 16 : index
        %get3A_1364 = tpu.vector_load %arg9[%get3A_1362, %get3A_1363] {strides = array<i32>} : memref<960x32xf32, #tpu.memory_space<vmem>>, vector<1x16xf32>,
        %get3A_1365 = vector.shape_cast %get3A_1364 : vector<1x16xf32> to vector<16xf32>
        %add3A_1366 = arith.addf %add3A_1348, %get3A_1359 : vector<16xf32>
        %add3A_1367 = arith.addf %add3A_1349, %get3A_1365 : vector<16xf32>
        %mul3A_1368 = arith.mulf %get3A_1359, %get3A_1359 : vector<16xf32>
        %add3A_1369 = arith.addf %add3A_1351, %mul3A_1368 : vector<16xf32>
        %mul3A_1370 = arith.mulf %get3A_1365, %get3A_1365 : vector<16xf32>
        %add3A_1371 = arith.addf %add3A_1353, %mul3A_1370 : vector<16xf32>
        %add3A_1372 = arith.constant 58 : i32
        %add3A_1373 = arith.addi %mul3A_327, %add3A_1372 : i32
        %get3A_1374 = arith.index_cast %add3A_1373 : i32 to index
        %get3A_1375 = arith.constant 0 : index
        %get3A_1376 = tpu.vector_load %arg9[%get3A_1374, %get3A_1375] {strides = array<i32>} : memref<960x32xf32, #tpu.memory_space<vmem>>, vector<1x16xf32>,
        %get3A_1377 = vector.shape_cast %get3A_1376 : vector<1x16xf32> to vector<16xf32>
        %add3A_1378 = arith.constant 58 : i32
        %add3A_1379 = arith.addi %mul3A_327, %add3A_1378 : i32
        %get3A_1380 = arith.index_cast %add3A_1379 : i32 to index
        %get3A_1381 = arith.constant 16 : index
        %get3A_1382 = tpu.vector_load %arg9[%get3A_1380, %get3A_1381] {strides = array<i32>} : memref<960x32xf32, #tpu.memory_space<vmem>>, vector<1x16xf32>,
        %get3A_1383 = vector.shape_cast %get3A_1382 : vector<1x16xf32> to vector<16xf32>
        %add3A_1384 = arith.addf %add3A_1366, %get3A_1377 : vector<16xf32>
        %add3A_1385 = arith.addf %add3A_1367, %get3A_1383 : vector<16xf32>
        %mul3A_1386 = arith.mulf %get3A_1377, %get3A_1377 : vector<16xf32>
        %add3A_1387 = arith.addf %add3A_1369, %mul3A_1386 : vector<16xf32>
        %mul3A_1388 = arith.mulf %get3A_1383, %get3A_1383 : vector<16xf32>
        %add3A_1389 = arith.addf %add3A_1371, %mul3A_1388 : vector<16xf32>
        %add3A_1390 = arith.constant 59 : i32
        %add3A_1391 = arith.addi %mul3A_327, %add3A_1390 : i32
        %get3A_1392 = arith.index_cast %add3A_1391 : i32 to index
        %get3A_1393 = arith.constant 0 : index
        %get3A_1394 = tpu.vector_load %arg9[%get3A_1392, %get3A_1393] {strides = array<i32>} : memref<960x32xf32, #tpu.memory_space<vmem>>, vector<1x16xf32>,
        %get3A_1395 = vector.shape_cast %get3A_1394 : vector<1x16xf32> to vector<16xf32>
        %add3A_1396 = arith.constant 59 : i32
        %add3A_1397 = arith.addi %mul3A_327, %add3A_1396 : i32
        %get3A_1398 = arith.index_cast %add3A_1397 : i32 to index
        %get3A_1399 = arith.constant 16 : index
        %get3A_1400 = tpu.vector_load %arg9[%get3A_1398, %get3A_1399] {strides = array<i32>} : memref<960x32xf32, #tpu.memory_space<vmem>>, vector<1x16xf32>,
        %get3A_1401 = vector.shape_cast %get3A_1400 : vector<1x16xf32> to vector<16xf32>
        %add3A_1402 = arith.addf %add3A_1384, %get3A_1395 : vector<16xf32>
        %add3A_1403 = arith.addf %add3A_1385, %get3A_1401 : vector<16xf32>
        %mul3A_1404 = arith.mulf %get3A_1395, %get3A_1395 : vector<16xf32>
        %add3A_1405 = arith.addf %add3A_1387, %mul3A_1404 : vector<16xf32>
        %mul3A_1406 = arith.mulf %get3A_1401, %get3A_1401 : vector<16xf32>
        %add3A_1407 = arith.addf %add3A_1389, %mul3A_1406 : vector<16xf32>
        %get3A_1408 = arith.index_cast %mul3A_327 : i32 to index
        %get3A_1409 = tpu.vector_load %arg11[%get3A_1408] {strides = array<i32>} : memref<976xf32, #tpu.memory_space<vmem>>, vector<16xf32>,
        %get3A_1410 = vector.shape_cast %get3A_1409 : vector<16xf32> to vector<16xf32>
        %add3A_1411 = arith.constant 16 : i32
        %add3A_1412 = arith.addi %mul3A_327, %add3A_1411 : i32
        %get3A_1413 = arith.index_cast %add3A_1412 : i32 to index
        %get3A_1414 = tpu.vector_load %arg11[%get3A_1413] {strides = array<i32>} : memref<976xf32, #tpu.memory_space<vmem>>, vector<16xf32>,
        %get3A_1415 = vector.shape_cast %get3A_1414 : vector<16xf32> to vector<16xf32>
        %add3A_1416 = arith.addf %get3A_1410, %get3A_1415 : vector<16xf32>
        %add3A_1417 = arith.constant 32 : i32
        %add3A_1418 = arith.addi %mul3A_327, %add3A_1417 : i32
        %get3A_1419 = arith.index_cast %add3A_1418 : i32 to index
        %get3A_1420 = tpu.vector_load %arg11[%get3A_1419] {strides = array<i32>} : memref<976xf32, #tpu.memory_space<vmem>>, vector<16xf32>,
        %get3A_1421 = vector.shape_cast %get3A_1420 : vector<16xf32> to vector<16xf32>
        %add3A_1422 = arith.addf %add3A_1416, %get3A_1421 : vector<16xf32>
        %add3A_1423 = arith.constant 48 : i32
        %add3A_1424 = arith.addi %mul3A_327, %add3A_1423 : i32
        %get3A_1425 = arith.index_cast %add3A_1424 : i32 to index
        %get3A_1426 = tpu.vector_load %arg11[%get3A_1425] {strides = array<i32>} : memref<976xf32, #tpu.memory_space<vmem>>, vector<16xf32>,
        %get3A_1427 = vector.shape_cast %get3A_1426 : vector<16xf32> to vector<16xf32>
        %jit3A = arith.constant 0.000000e+00 : f32
        %broadcast_in_dim3A_1428 = vector.broadcast %jit3A : f32 to vector<16xf32>
        %select_n3A = arith.select %lt3A_6, %get3A_1427, %broadcast_in_dim3A_1428 : vector<16xi1>, vector<16xf32>
        %add3A_1429 = arith.addf %add3A_1422, %select_n3A : vector<16xf32>
        %mul3A_1430 = arith.mulf %add3A_1402, %add3A_1402 : vector<16xf32>
        %sub3A = arith.subf %mul3A_1430, %add3A_1405 : vector<16xf32>
        %mul3A_1431 = arith.mulf %add3A_1403, %add3A_1403 : vector<16xf32>
        %add3A_1432 = arith.addf %sub3A, %mul3A_1431 : vector<16xf32>
        %sub3A_1433 = arith.subf %add3A_1432, %add3A_1407 : vector<16xf32>
        %mul3A_1434 = arith.constant 5.000000e-01 : f32
        %mul3A_1435 = vector.broadcast %mul3A_1434 : f32 to vector<16xf32>
        %mul3A_1436 = arith.mulf %mul3A_1435, %sub3A_1433 : vector<16xf32>
        %add3A_1437 = arith.addf %add3A_1429, %mul3A_1436 : vector<16xf32>
        %slice3A = vector.extract_strided_slice %add3A_1437 {offsets = [0], sizes = [1], strides = [1]} : vector<16xf32> to vector<1xf32>
        %squeeze3A = vector.extract %slice3A[0] : f32 from vector<1xf32>
        %slice3A_1438 = vector.extract_strided_slice %add3A_1437 {offsets = [1], sizes = [1], strides = [1]} : vector<16xf32> to vector<1xf32>
        %squeeze3A_1439 = vector.extract %slice3A_1438[0] : f32 from vector<1xf32>
        %add3A_1440 = arith.addf %squeeze3A, %squeeze3A_1439 : f32
        %slice3A_1441 = vector.extract_strided_slice %add3A_1437 {offsets = [2], sizes = [1], strides = [1]} : vector<16xf32> to vector<1xf32>
        %squeeze3A_1442 = vector.extract %slice3A_1441[0] : f32 from vector<1xf32>
        %add3A_1443 = arith.addf %add3A_1440, %squeeze3A_1442 : f32
        %slice3A_1444 = vector.extract_strided_slice %add3A_1437 {offsets = [3], sizes = [1], strides = [1]} : vector<16xf32> to vector<1xf32>
        %squeeze3A_1445 = vector.extract %slice3A_1444[0] : f32 from vector<1xf32>
        %add3A_1446 = arith.addf %add3A_1443, %squeeze3A_1445 : f32
        %slice3A_1447 = vector.extract_strided_slice %add3A_1437 {offsets = [4], sizes = [1], strides = [1]} : vector<16xf32> to vector<1xf32>
        %squeeze3A_1448 = vector.extract %slice3A_1447[0] : f32 from vector<1xf32>
        %add3A_1449 = arith.addf %add3A_1446, %squeeze3A_1448 : f32
        %slice3A_1450 = vector.extract_strided_slice %add3A_1437 {offsets = [5], sizes = [1], strides = [1]} : vector<16xf32> to vector<1xf32>
        %squeeze3A_1451 = vector.extract %slice3A_1450[0] : f32 from vector<1xf32>
        %add3A_1452 = arith.addf %add3A_1449, %squeeze3A_1451 : f32
        %slice3A_1453 = vector.extract_strided_slice %add3A_1437 {offsets = [6], sizes = [1], strides = [1]} : vector<16xf32> to vector<1xf32>
        %squeeze3A_1454 = vector.extract %slice3A_1453[0] : f32 from vector<1xf32>
        %add3A_1455 = arith.addf %add3A_1452, %squeeze3A_1454 : f32
        %slice3A_1456 = vector.extract_strided_slice %add3A_1437 {offsets = [7], sizes = [1], strides = [1]} : vector<16xf32> to vector<1xf32>
        %squeeze3A_1457 = vector.extract %slice3A_1456[0] : f32 from vector<1xf32>
        %add3A_1458 = arith.addf %add3A_1455, %squeeze3A_1457 : f32
        %slice3A_1459 = vector.extract_strided_slice %add3A_1437 {offsets = [8], sizes = [1], strides = [1]} : vector<16xf32> to vector<1xf32>
        %squeeze3A_1460 = vector.extract %slice3A_1459[0] : f32 from vector<1xf32>
        %add3A_1461 = arith.addf %add3A_1458, %squeeze3A_1460 : f32
        %slice3A_1462 = vector.extract_strided_slice %add3A_1437 {offsets = [9], sizes = [1], strides = [1]} : vector<16xf32> to vector<1xf32>
        %squeeze3A_1463 = vector.extract %slice3A_1462[0] : f32 from vector<1xf32>
        %add3A_1464 = arith.addf %add3A_1461, %squeeze3A_1463 : f32
        %slice3A_1465 = vector.extract_strided_slice %add3A_1437 {offsets = [10], sizes = [1], strides = [1]} : vector<16xf32> to vector<1xf32>
        %squeeze3A_1466 = vector.extract %slice3A_1465[0] : f32 from vector<1xf32>
        %add3A_1467 = arith.addf %add3A_1464, %squeeze3A_1466 : f32
        %slice3A_1468 = vector.extract_strided_slice %add3A_1437 {offsets = [11], sizes = [1], strides = [1]} : vector<16xf32> to vector<1xf32>
        %squeeze3A_1469 = vector.extract %slice3A_1468[0] : f32 from vector<1xf32>
        %add3A_1470 = arith.addf %add3A_1467, %squeeze3A_1469 : f32
        %slice3A_1471 = vector.extract_strided_slice %add3A_1437 {offsets = [12], sizes = [1], strides = [1]} : vector<16xf32> to vector<1xf32>
        %squeeze3A_1472 = vector.extract %slice3A_1471[0] : f32 from vector<1xf32>
        %add3A_1473 = arith.addf %add3A_1470, %squeeze3A_1472 : f32
        %slice3A_1474 = vector.extract_strided_slice %add3A_1437 {offsets = [13], sizes = [1], strides = [1]} : vector<16xf32> to vector<1xf32>
        %squeeze3A_1475 = vector.extract %slice3A_1474[0] : f32 from vector<1xf32>
        %add3A_1476 = arith.addf %add3A_1473, %squeeze3A_1475 : f32
        %slice3A_1477 = vector.extract_strided_slice %add3A_1437 {offsets = [14], sizes = [1], strides = [1]} : vector<16xf32> to vector<1xf32>
        %squeeze3A_1478 = vector.extract %slice3A_1477[0] : f32 from vector<1xf32>
        %add3A_1479 = arith.addf %add3A_1476, %squeeze3A_1478 : f32
        %slice3A_1480 = vector.extract_strided_slice %add3A_1437 {offsets = [15], sizes = [1], strides = [1]} : vector<16xf32> to vector<1xf32>
        %squeeze3A_1481 = vector.extract %slice3A_1480[0] : f32 from vector<1xf32>
        %add3A_1482 = arith.addf %add3A_1479, %squeeze3A_1481 : f32
        %eq3A = vector.broadcast %scan3A_324 : i32 to vector<16xi32>
        %eq3A_1483 = arith.cmpi eq, %iota3A, %eq3A : vector<16xi32>
        %broadcast_in_dim3A_1484 = vector.broadcast %add3A_1482 : f32 to vector<16xf32>
        %select_n3A_1485 = arith.select %eq3A_1483, %broadcast_in_dim3A_1484, %scan3A_325 : vector<16xi1>, vector<16xf32>
        scf.yield %select_n3A_1485 : vector<16xf32>
      }
      %scan3A_303 = arith.constant 16 : i32
      %get3A_304 = arith.constant 0 : index
      %get3A_305 = tpu.vector_load %arg13[%get3A_304] {strides = array<i32>} : memref<16xf32, #tpu.memory_space<vmem>>, vector<16xf32>,
      %get3A_306 = vector.shape_cast %get3A_305 : vector<16xf32> to vector<16xf32>
      %add3A_307 = arith.addf %scan3A_302, %get3A_306 : vector<16xf32>
      %neg3A_308 = arith.constant 0.000000e+00 : f32
      %neg3A_309 = vector.broadcast %neg3A_308 : f32 to vector<16xf32>
      %neg3A_310 = arith.subf %neg3A_309, %add3A_307 : vector<16xf32>
      %exp3A_311 = math.exp %neg3A_310 : vector<16xf32>
      %add3A_312 = arith.constant 1.000000e+00 : f32
      %add3A_313 = vector.broadcast %add3A_312 : f32 to vector<16xf32>
      %add3A_314 = arith.addf %add3A_313, %exp3A_311 : vector<16xf32>
      %div3A_315 = arith.constant 1.000000e+00 : f32
      %div3A_316 = vector.broadcast %div3A_315 : f32 to vector<16xf32>
      %div3A_317 = arith.divf %div3A_316, %add3A_314 : vector<16xf32>
      %mul3A_318 = arith.constant 16 : i32
      %mul3A_319 = arith.muli %add3A_130, %mul3A_318 : i32
      %swap3A_320 = arith.index_cast %mul3A_319 : i32 to index
      %swap3A_321 = tpu.vector_load %arg12[%swap3A_320] {strides = array<i32>} : memref<512xf32, #tpu.memory_space<vmem>>, vector<16xf32>,
      %swap3A_322 = vector.shape_cast %swap3A_321 : vector<16xf32> to vector<16xf32>
      %swap3A_323 = vector.shape_cast %div3A_317 : vector<16xf32> to vector<16xf32>
      tpu.vector_store %arg12[%swap3A_320], %swap3A_323 {strides = array<i32>} : memref<512xf32, #tpu.memory_space<vmem>>, vector<16xf32>,
    }
    %scan3A_123 = arith.constant 16 : i32
    "tpu.region"() ({
      %run_scoped3A = tpu.sem_alloc : memref<!tpu.dma_semaphore, #tpu.memory_space<semaphore_mem>>
      %dma_start3A_124 = tpu.memref_slice %arg6[%mul3A_2] : memref<16384xf32, #tpu.memory_space<hbm>> -> memref<512xf32, #tpu.memory_space<hbm>>
      %dma_start3A_125 = tpu.memref_slice %arg6[%mul3A_2] : memref<16384xf32, #tpu.memory_space<hbm>> -> memref<512xf32, #tpu.memory_space<hbm>>
      tpu.enqueue_dma source(%arg12 : memref<512xf32, #tpu.memory_space<vmem>>) target(%dma_start3A_125 : memref<512xf32, #tpu.memory_space<hbm>>) target_semaphore(%run_scoped3A : memref<!tpu.dma_semaphore, #tpu.memory_space<semaphore_mem>>)
      %dma_wait3A = tpu.memref_slice %arg6[%mul3A_2] : memref<16384xf32, #tpu.memory_space<hbm>> -> memref<512xf32, #tpu.memory_space<hbm>>
      %dma_wait3A_126 = tpu.memref_slice %arg6[%mul3A_2] : memref<16384xf32, #tpu.memory_space<hbm>> -> memref<512xf32, #tpu.memory_space<hbm>>
      tpu.wait_dma2 semaphore(%run_scoped3A : memref<!tpu.dma_semaphore, #tpu.memory_space<semaphore_mem>>) src(%arg12 : memref<512xf32, #tpu.memory_space<vmem>>) dst(%dma_wait3A_126 : memref<512xf32, #tpu.memory_space<hbm>>)
      tpu.yield
    }) : () -> ()
    return
  }
}

</mosaic_0001>

<sc_bundles>
// kernel: _fm_sc.3.cloned.1.call-start
scs
__scs_entry_jumppad:
0x0: {  	(pc) =	sbr.rel $0x88, $3  }
0x1: {  	(tag) =	ssettag $0x0;
	lr =	simm.s32 $0x1  }
0x2: {  	[smem:$0x3F9D] =	sst lr;
	_ =	strace $0xD0000000  }
0x3: {  	_ = 	snop  }
0x4: {  	_ = 	snop  }
0x5: {  	_ = 	snop  }
0x6: {  	_ = 	snop  }
0x7: {  	_ = 	snop  }
__scs_overlays_trampoline_lowered:
0x8: {  	[smem:$0x3FAC] =	sst s0  }
0x9: {  	[smem:$0x3FAD] =	sst s1  }
0xa: {  	[smem:$0x3FAE] =	sst s2  }
0xb: {  	[smem:$0x3FAF] =	sst s3  }
0xc: {  	[smem:$0x3FB0] =	sst s4  }
0xd: {  	[smem:$0x3FB1] =	sst s5  }
0xe: {  	[smem:$0x3FB2] =	sst s6  }
0xf: {  	[smem:$0x3FB3] =	sst s7  }
0x10: {  	[smem:$0x3FB4] =	sst s8  }
0x11: {  	[smem:$0x3FB5] =	sst s9;
	s0 =	simm.s32 @!p0 $0x0  }
0x12: {  	s1 =	sld [smem:$0x3F9B];
	s0 =	simm.s32 @p0 $0x1  }
0x13: {  	[smem:$0x3FB6] =	sst s0;
	s0 =	simm.s32 @!p1 $0x0  }
0x14: {  	s2 =	sld [smem:$0x3F9A];
	s0 =	simm.s32 @p1 $0x1  }
0x15: {  	[smem:$0x3FB7] =	sst s0;
	s0 =	simm.s32 @!p2 $0x0  }
0x16: {  	s3 =	sld [smem:$0x3FDB];
	s0 =	simm.s32 @p2 $0x1  }
0x17: {  	s4 =	simm.s32 $0x1BF5;
	[smem:$0x3FB9] =	sst s0  }
0x18: {  	s0 =	sld [smem:$0x3F9C];
	_ =	swait.ge [sflag:s4], $0x0  }
0x19: {  	s7 =	sld [smem:$0x3F9D]  }
0x1a: {  	s8 =	sadd.s32 $0xFFFFE003, lr  }
0x1b: {  	s9 =	sadd.s32 $0xFFFFFEF7, lr;
	s5 =	simm.s32 $0xFFFFFFFF;
	p2 =	slt.u32 s8, $0xFFFFF086  }
0x1c: {  	p1 =	slt.u32 s9, $0xF7A;
	s5 =	simm.s32 @!p2 $0x0  }
0x1d: {  	s5 =	simm.s32 @p1 $0x1;
	p0 =	seq.s32 s7, s2  }
0x1e: {  	s7 =	smul.u32 @!p0 $0xF7A, s2;
	p2 =	seq.s32 @!p0 s5, $0x0  }
0x1f: {  	s9 =	smul.u32 $0xF7A, s1;
	s8 =	simm.s32 @!p0 $0x1BF5;
	p2 =	por !p2, p0  }
0x20: {  	[sflag:s8] =	ssyncset.s32 @!p0 $0xFFFFF086;
	s6 =	sadd.s32 @!p0 s3, s7;
	s7 =	simm.s32 @!p0 $0x108  }
0x21: {  	s3 =	sadd.s32 s3, s9;
	s6 =	sadd.s32 @!p0 $0x88, s6;
	s7 =	simm.s32 @p2 $0x1082  }
0x22: {  	[simem:s7], [sflag:s8] =	dma.local @!p0 [hbm:s6], $0xF7A  }
0x23: {  	s9 =	sor.u32 $0xD0000000, s2;
	s6 =	simm.s32 $0x108;
	_ =	swait.ge @!p0 [sflag:s8], $0x0  }
0x24: {  	s3 =	sadd.s32 $0x88, s3;
	s6 =	simm.s32 @!p1 $0x1082;
	[sflag:s4] =	ssyncset.s32 $0xFFFFF086  }
0x25: {  	[simem:s6], [sflag:s4] =	dma.local [hbm:s3], $0xF7A  }
0x26: {  	[smem:$0x3F9D] =	sst s1;
	(tag) =	ssettag s2;
	_ =	strace s9  }
0x27: {  	s1 =	sld [smem:$0x3FAD]  }
0x28: {  	s2 =	sld [smem:$0x3FAE]  }
0x29: {  	s4 =	sld [smem:$0x3FB0]  }
0x2a: {  	p0 =	seq.s32 s5, $0x0;
	s5 =	sld [smem:$0x3FB1]  }
0x2b: {  	s6 =	sld [smem:$0x3FB2]  }
0x2c: {  	s7 =	sld [smem:$0x3FB3]  }
0x2d: {  	s3 =	simm.s32 $0x108;
	s8 =	sld [smem:$0x3FB4]  }
0x2e: {  	s3 =	simm.s32 @!p0 $0x1082;
	s9 =	sld [smem:$0x3FB5]  }
0x2f: {  	lr =	sadd.s32 s0, s3;
	s0 =	sld [smem:$0x3FAC]  }
0x30: {  	s3 =	sld [smem:$0x3FAF]  }
0x31: {  	[smem:$0x3FB8] =	sst s10  }
0x32: {  	s10 =	sld [smem:$0x3FB6];
	_ =	sdelay $0x3  }
0x33: {  	p0 =	seq.s32 s10, $0x1;
	s10 =	sld [smem:$0x3FB8];
	_ =	sdelay $0x3  }
0x34: {  	[smem:$0x3FB8] =	sst s10  }
0x35: {  	s10 =	sld [smem:$0x3FB7];
	_ =	sdelay $0x3  }
0x36: {  	p1 =	seq.s32 s10, $0x1;
	s10 =	sld [smem:$0x3FB8];
	_ =	sdelay $0x3  }
0x37: {  	[smem:$0x3FB8] =	sst s10  }
0x38: {  	s10 =	sld [smem:$0x3FB9]  }
0x39: {  	_ = 	snop;
	(pc) =	sbr.ind lr, $3  }
0x3a: {  	_ = 	snop  }
0x3b: {  	_ = 	snop  }
0x3c: {  	p2 =	seq.s32 s10, $0x1;
	s10 =	sld [smem:$0x3FB8]  }
0x3d: {  	_ =	shalt  }
0x3e: {  	_ =	shalt  }
0x3f: {  	_ =	shalt  }
0x40: {  	_ =	shalt  }
0x41: {  	_ =	shalt  }
0x42: {  	_ =	shalt  }
0x43: {  	_ =	shalt  }
0x44: {  	_ =	shalt  }
0x45: {  	_ =	shalt  }
0x46: {  	_ =	shalt  }
0x47: {  	_ =	shalt  }
0x48: {  	_ =	shalt  }
0x49: {  	_ =	shalt  }
0x4a: {  	_ =	shalt  }
0x4b: {  	_ =	shalt  }
0x4c: {  	_ =	shalt  }
0x4d: {  	_ =	shalt  }
0x4e: {  	_ =	shalt  }
0x4f: {  	_ =	shalt  }
0x50: {  	_ =	shalt  }
0x51: {  	_ =	shalt  }
0x52: {  	_ =	shalt  }
0x53: {  	_ =	shalt  }
0x54: {  	_ =	shalt  }
0x55: {  	_ =	shalt  }
0x56: {  	_ =	shalt  }
0x57: {  	_ =	shalt  }
0x58: {  	_ =	shalt  }
0x59: {  	_ =	shalt  }
0x5a: {  	_ =	shalt  }
0x5b: {  	_ =	shalt  }
0x5c: {  	_ =	shalt  }
0x5d: {  	_ =	shalt  }
0x5e: {  	_ =	shalt  }
0x5f: {  	_ =	shalt  }
0x60: {  	_ =	shalt  }
0x61: {  	_ =	shalt  }
0x62: {  	_ =	shalt  }
0x63: {  	_ =	shalt  }
0x64: {  	_ =	shalt  }
0x65: {  	_ =	shalt  }
0x66: {  	_ =	shalt  }
0x67: {  	_ =	shalt  }
0x68: {  	_ =	shalt  }
0x69: {  	_ =	shalt  }
0x6a: {  	_ =	shalt  }
0x6b: {  	_ =	shalt  }
0x6c: {  	_ =	shalt  }
0x6d: {  	_ =	shalt  }
0x6e: {  	_ =	shalt  }
0x6f: {  	_ =	shalt  }
0x70: {  	_ =	shalt  }
0x71: {  	_ =	shalt  }
0x72: {  	_ =	shalt  }
0x73: {  	_ =	shalt  }
0x74: {  	_ =	shalt  }
0x75: {  	_ =	shalt  }
0x76: {  	_ =	shalt  }
0x77: {  	_ =	shalt  }
0x78: {  	_ =	shalt  }
0x79: {  	_ =	shalt  }
0x7a: {  	_ =	shalt  }
0x7b: {  	_ =	shalt  }
0x7c: {  	_ =	shalt  }
0x7d: {  	_ =	shalt  }
0x7e: {  	_ =	shalt  }
0x7f: {  	_ =	shalt  }
0x80: {  	_ =	shalt  }
0x81: {  	_ =	shalt  }
0x82: {  	_ =	shalt  }
0x83: {  	_ =	shalt  }
0x84: {  	_ =	shalt  }
0x85: {  	_ =	shalt  }
0x86: {  	_ =	shalt  }
0x87: {  	_ =	shalt  }
.Lfunc_end0:
.L_simem_size_0:
called_computation_lowered:
.L_overlay_start_0:
0x88: {  	s2 =	sld [smem:$0x3FD9]  }
0x89: {  	s3 =	sld [smem:$0x3FFE];
	_ =	sdelay $0x1  }
0x8a: {  	s1 =	srdreg.scid  }
0x8b: {  	s0 =	sand.u32 $0x1, s1  }
0x8c: {  	s17 =	sshll.u32 s0, $0xA;
	s2 =	sadd.s32 s3, s2  }
0x8d: {  	s2 =	sadd.s32 s2, s17  }
0x8e: {  	[smem:$0x3FC4] =	sst s2  }
0x8f: {  	_ = 	snop  }
0x90: {  	s2 =	sld [smem:$0x3FC9]  }
0x91: {  	s18 =	sld [smem:$0x3FC7]  }
0x92: {  	s4 =	sld [smem:$0x3FC6]  }
0x93: {  	s5 =	sld [smem:$0x3FD0];
	(tm) =	ssettm $0x1  }
0x94: {  	s6 =	sld [smem:$0x3FFB];
	_ =	sdelay $0x3  }
0x95: {  	_ =	strace s6  }
0x96: {  	s6 =	sld [smem:$0x3FFC];
	_ =	sdelay $0x3  }
0x97: {  	_ =	strace s6  }
0x98: {  	s6 =	sld [smem:$0x3FFD];
	_ =	sdelay $0x3  }
0x99: {  	_ =	strace s6  }
0x9a: {  	_ =	strace $0x8FFFFFFF  }
0x9b: {  	s19 =	sld [smem:$0x3FDB];
	_ =	sdelay $0x1  }
0x9c: {  	s7 =	simm.s32 $_scs_section_size  }
0x9d: {  	s8 =	simm.s32 $_size__tile_overlayer_lowered;
	s9 =	simm.s32 $_tile_overlayer_lowered  }
0x9e: {  	s22 =	simm.s32 $0x1BFF;
	s21 =	sshll.u32 s9, $0x1;
	s6 =	sadd.s32 s7, s19  }
0x9f: {  	s10 =	simm.s32 $0x0;
	s20 =	sshll.u32 s8, $0x1;
	s8 =	sadd.s32 s21, s6  }
0xa0: {  	[timem:s10], [sflag:s22] =	dma.local [hbm:s8], s20  }
0xa1: {  	_ =	swait.ge [sflag:s22], s20  }
0xa2: {  	s7 =	ssub.s32 $0x0, s20;
	[sflag:s22] =	ssyncset.done $0x0  }
0xa3: {  	[sflag:s22] =	ssyncadd.s32 s7;
	_ =	sdelay $0x1  }
0xa4: {  	s23 =	simm.s32 $0x1B8B  }
0xa5: {  	_ =	swait.ge [sflag:s23], $0x1  }
0xa6: {  	[sflag:s23] =	ssyncset.done $0x0  }
0xa7: {  	s25 =	simm.s32 $0x1B8E;
	s24 =	sld [smem:$0x3FFE];
	[sflag:s23] =	ssyncadd.s32 $0xFFFFFFFF  }
0xa8: {  	s26 =	simm.s32 $execute0_lowered;
	[smem:$0x3FD2] =	sst s25  }
0xa9: {  	s8 =	sshll.u32 s26, $0x1;
	_ =	strace $0x80000046;
	[dreg:$0x1] =	wrdreg $0xFFFFFFFF  }
0xaa: {  	s28 =	simm.s32 $_size_execute0_lowered;
	s6 =	sadd.s32 s6, s8;
	[dreg:$0x0] =	wrdreg $0x0  }
0xab: {  	s8 =	sshll.u32 s28, $0x1;
	[dreg:$0x2] =	wrdreg s6  }
0xac: {  	[dreg:$0x3] =	wrdreg s8  }
0xad: {  	[dreg:$0x4] =	wrdreg $0xC0  }
0xae: {  	_ =	task [dreg:s10], $0x5FFFF  }
0xaf: {  	[dreg:$0x1] =	wrdreg $0xFFFFFFFF  }
0xb0: {  	[dreg:$0x0] =	wrdreg $0x60  }
0xb1: {  	[dreg:$0x2] =	wrdreg s2  }
0xb2: {  	[dreg:$0x3] =	wrdreg s24  }
0xb3: {  	[dreg:$0x4] =	wrdreg s18  }
0xb4: {  	[dreg:$0x5] =	wrdreg s4  }
0xb5: {  	[dreg:$0x6] =	wrdreg s5  }
0xb6: {  	[dreg:$0x7] =	wrdreg $0x9  }
0xb7: {  	_ =	task.clear_ibuf [dreg:s10], $0x8FFFF;
	_ =	strace $0x90000046  }
0xb8: {  	s29 =	simm.s32 $0x9;
	_ =	strace $0x80000048  }
0xb9: {  	_ =	swait.ge [sflag:s29], $0x1  }
0xba: {  	[sflag:s29] =	ssyncadd.s32 $0xFFFFFFFF  }
0xbb: {  	_ =	strace $0x90000048  }
0xbc: {  	_ =	sfence  }
0xbd: {  	s30 =	sld [smem:$0x0];
	_ =	sdelay $0x2  }
0xbe: {  	s31 =	sshll.u32 s1, $0xD;
	s1 =	sshrl.u32 s1, $0x2  }
0xbf: {  	s3 =	sand.u32 $0x4000, s31;
	s1 =	sadd.s32 s1, s30  }
0xc0: {  	s0 =	sor.u32 s3, s0;
	s1 =	sshll.u32 s1, $0x11  }
0xc1: {  	s0 =	sor.u32 s1, s0  }
0xc2: {  	s0 =	sadd.s32 $0x8F2B, s0  }
0xc3: {  	[sflag:s0] =	ssyncadd.remote.s32 $0x1  }
0xc4: {  	_ =	sfence.sel $0xFFFF  }
0xc5: {  	[dreg:$0x0] =	wrdreg $0xFFFFFFFF;
	(pc) =	sbr.abs _section_cstart, $3  }
0xc6: {  	[dreg:$0x1] =	wrdreg $0xFFFFFFFF  }
0xc7: {  	_ =	task.clear_ibuf [dreg:s10], $0x2FFFF;
	_ =	strace $0x9FFFFFFF  }
0xc8: {  	(tm) =	ssettm $0x7FFFFFFF  }
0xc9: {  	_ =	shalt  }
tec
execute0_lowered:
.L_overlay_start_1:
0x0: {  	(tag) =	ssettag $0x1  }
0x1: {  	s0 =	rddreg [dreg:$0x0]  }
0x2: {  	s2 =	rddreg [dreg:$0x1]  }
0x3: {  	s1 =	rddreg [dreg:$0x2]  }
0x4: {  	s3 =	rddreg [dreg:$0x4]  }
0x5: {  	s4 =	srdreg.scid;
	s5 =	stileid.u32;
	s9 =	simm.s32 $0x0  }
0x6: {  	s11 =	simm.s32 $0x78;
	s28 =	simm.s32 $0x14A00;
	s30 =	simm.s32 $0x16EA0  }
0x7: {  	s31 =	simm.s32 $0x15900;
	s16 =	simm.s32 $0x2;
	s4 =	sand.u32 $0x1, s4  }
0x8: {  	s5 =	sshll.u32 s5, $0x1;
	[smem:$0x7FF] =	sst s9;
	s6 =	ssub.s32 $0x2, s4  }
0x9: {  	s4 =	sor.u32 s4, s5;
	_ =	strace $0x80000047;
	s5 =	sadd.s32 $0xF42800, s2  }
0xa: {  	s7 =	sshrl.u32 s6, $0x1;
	s8 =	smul.u32 $0xF00, s4;
	s4 =	sshll.u32 s4, $0x6  }
0xb: {  	s2 =	simm.s32 $0x16F18;
	s25 =	ssub.s32 s6, s7;
	s26 =	sadd.s32 s3, s4  }
0xc: {  	s4 =	simm.s32 $0x3;
	s0 =	sadd.s32 s0, s8;
	[dreg:$0x7] =	wrdreg s26  }
0xd: {  	s3 =	simm.s32 $0x1;
	s29 =	smax.u32 s25, $0x1;
	[dreg:$0x6] =	wrdreg s0  }
0xe: {  	vm0 =	vmmov $0xfff;
	v0 =	vlaneseq.u32;
	s6 =	simm.s32 $0x0;
	s26 =	simm.s32 $0x16E28;
	[dreg:$0x8] =	wrdreg s29  }
.LBB2_1:
0xf: {  	[dreg:$0x9] =	wrdreg s6  }
0x10: {  	s0 =	rddreg [dreg:$0x6]  }
0x11: {  	[tilespmem:s9], [sflag:$0x3] =	stream.linear.gather [hbm4b:s0+s9], $0x7800, $0x38;
	[tilespmem:$0x171B0] =	vst v63  }
0x12: {  	_ =	swait.ge [sflag:s4], $0x7800  }
0x13: {  	[sflag:s4] =	ssyncset.done $0x0  }
0x14: {  	[sflag:s4] =	ssyncadd.s32 $0xFFFF8800  }
0x15: {  	s24 =	simm.s32 $0x171A0;
	s23 =	rddreg [dreg:$0x3]  }
0x16: {  	[tilespmem:s24], [sflag:$0x3] =	stream.linear.gather [hbm4b:s23+s9], $0x10, $0x38;
	[tilespmem:$0x171B0] =	vst v63  }
0x17: {  	_ =	swait.ge [sflag:s4], $0x10  }
0x18: {  	[sflag:s4] =	ssyncset.done $0x0  }
0x19: {  	s25 =	simm.s32 $0x7800;
	[sflag:s4] =	ssyncadd.s32 $0xFFFFFFF0  }
0x1a: {  	[tilespmem:s25], [sflag:$0x1] =	stream.indirect.gather [hbm4b:s5+s11], $0x20, s9, s11, $0xb8;
	[tilespmem:$0x171B0] =	vst v63  }
0x1b: {  	s29 =	simm.s32 $0x16800  }
0x1c: {  	[tilespmem:s29], [sflag:$0x1] =	stream.indirect.gather [hbm4b:s1+s11], $0x1, s9, s11, $0xb8;
	[tilespmem:$0x171B0] =	vst v63  }
0x1d: {  	s4 =	simm.s32 $0x8700  }
0x1e: {  	[tilespmem:s4], [sflag:$0x1] =	stream.indirect.gather [hbm4b:s5+s11], $0x20, s11, s11, $0xb8;
	[tilespmem:$0x171B0] =	vst v63  }
0x1f: {  	s6 =	simm.s32 $0x16878  }
0x20: {  	[tilespmem:s6], [sflag:$0x1] =	stream.indirect.gather [hbm4b:s1+s11], $0x1, s11, s11, $0xb8;
	[tilespmem:$0x171B0] =	vst v63  }
0x21: {  	s7 =	simm.s32 $0xF0;
	s8 =	simm.s32 $0x9600  }
0x22: {  	[tilespmem:s8], [sflag:$0x1] =	stream.indirect.gather [hbm4b:s5+s11], $0x20, s7, s11, $0xb8;
	[tilespmem:$0x171B0] =	vst v63  }
0x23: {  	s9 =	simm.s32 $0x168F0  }
0x24: {  	[tilespmem:s9], [sflag:$0x1] =	stream.indirect.gather [hbm4b:s1+s11], $0x1, s7, s11, $0xb8;
	[tilespmem:$0x171B0] =	vst v63  }
0x25: {  	s10 =	simm.s32 $0x168;
	s12 =	simm.s32 $0xA500  }
0x26: {  	[tilespmem:s12], [sflag:$0x1] =	stream.indirect.gather [hbm4b:s5+s11], $0x20, s10, s11, $0xb8;
	[tilespmem:$0x171B0] =	vst v63  }
0x27: {  	s13 =	simm.s32 $0x16968  }
0x28: {  	[tilespmem:s13], [sflag:$0x1] =	stream.indirect.gather [hbm4b:s1+s11], $0x1, s10, s11, $0xb8;
	[tilespmem:$0x171B0] =	vst v63  }
0x29: {  	s14 =	simm.s32 $0x1E0;
	s15 =	simm.s32 $0xB400  }
0x2a: {  	[tilespmem:s15], [sflag:$0x1] =	stream.indirect.gather [hbm4b:s5+s11], $0x20, s14, s11, $0xb8;
	[tilespmem:$0x171B0] =	vst v63  }
0x2b: {  	s17 =	simm.s32 $0x169E0  }
0x2c: {  	[tilespmem:s17], [sflag:$0x1] =	stream.indirect.gather [hbm4b:s1+s11], $0x1, s14, s11, $0xb8;
	[tilespmem:$0x171B0] =	vst v63  }
0x2d: {  	s18 =	simm.s32 $0x258;
	s19 =	simm.s32 $0xC300  }
0x2e: {  	[tilespmem:s19], [sflag:$0x1] =	stream.indirect.gather [hbm4b:s5+s11], $0x20, s18, s11, $0xb8;
	[tilespmem:$0x171B0] =	vst v63  }
0x2f: {  	s20 =	simm.s32 $0x16A58  }
0x30: {  	[tilespmem:s20], [sflag:$0x1] =	stream.indirect.gather [hbm4b:s1+s11], $0x1, s18, s11, $0xb8;
	[tilespmem:$0x171B0] =	vst v63  }
0x31: {  	s21 =	simm.s32 $0x2D0;
	s22 =	simm.s32 $0xD200  }
0x32: {  	[tilespmem:s22], [sflag:$0x1] =	stream.indirect.gather [hbm4b:s5+s11], $0x20, s21, s11, $0xb8;
	[tilespmem:$0x171B0] =	vst v63  }
0x33: {  	s23 =	simm.s32 $0x16AD0  }
0x34: {  	[tilespmem:s23], [sflag:$0x1] =	stream.indirect.gather [hbm4b:s1+s11], $0x1, s21, s11, $0xb8;
	[tilespmem:$0x171B0] =	vst v63  }
0x35: {  	s24 =	simm.s32 $0x348;
	s25 =	simm.s32 $0xE100  }
0x36: {  	[tilespmem:s25], [sflag:$0x1] =	stream.indirect.gather [hbm4b:s5+s11], $0x20, s24, s11, $0xb8;
	[tilespmem:$0x171B0] =	vst v63  }
0x37: {  	s29 =	simm.s32 $0x16B48;
	s22 =	simm.s32 $0x0  }
0x38: {  	[tilespmem:s29], [sflag:$0x1] =	stream.indirect.gather [hbm4b:s1+s11], $0x1, s24, s11, $0xb8;
	[tilespmem:$0x171B0] =	vst v63  }
.LBB2_2:
0x39: {  	s25 =	sshllo.u32 s22, $0x1  }
0x3a: {  	s0 =	smul.u32 $0xF00, s25;
	_ =	sdelay $0x1  }
0x3b: {  	s4 =	simm.s32 $0xF000;
	s0 =	sshra.s32 s0, $0x2  }
0x3c: {  	[tilespmem:s4], [sflag:$0x2] =	stream.indirect.gather [hbm4b:s5+s11], $0x20, s0, s11, $0xb8;
	[tilespmem:$0x171B0] =	vst v63  }
0x3d: {  	s20 =	simm.s32 $0x16BD0  }
0x3e: {  	[tilespmem:s20], [sflag:$0x2] =	stream.indirect.gather [hbm4b:s1+s11], $0x1, s0, s11, $0xb8;
	[tilespmem:$0x171B0] =	vst v63  }
0x3f: {  	s6 =	simm.s32 $0xFF00;
	s21 =	sadd.s32 $0x78, s0  }
0x40: {  	[tilespmem:s6], [sflag:$0x2] =	stream.indirect.gather [hbm4b:s5+s11], $0x20, s21, s11, $0xb8;
	[tilespmem:$0x171B0] =	vst v63  }
0x41: {  	s23 =	simm.s32 $0x16C48  }
0x42: {  	[tilespmem:s23], [sflag:$0x2] =	stream.indirect.gather [hbm4b:s1+s11], $0x1, s21, s11, $0xb8;
	[tilespmem:$0x171B0] =	vst v63  }
0x43: {  	s7 =	simm.s32 $0x10E00;
	s24 =	sadd.s32 $0xF0, s0  }
0x44: {  	[tilespmem:s7], [sflag:$0x2] =	stream.indirect.gather [hbm4b:s5+s11], $0x20, s24, s11, $0xb8;
	[tilespmem:$0x171B0] =	vst v63  }
0x45: {  	s8 =	simm.s32 $0x16CC0  }
0x46: {  	[tilespmem:s8], [sflag:$0x2] =	stream.indirect.gather [hbm4b:s1+s11], $0x1, s24, s11, $0xb8;
	[tilespmem:$0x171B0] =	vst v63  }
0x47: {  	s10 =	simm.s32 $0x11D00;
	s9 =	sadd.s32 $0x168, s0  }
0x48: {  	[tilespmem:s10], [sflag:$0x2] =	stream.indirect.gather [hbm4b:s5+s11], $0x20, s9, s11, $0xb8;
	[tilespmem:$0x171B0] =	vst v63  }
0x49: {  	s12 =	simm.s32 $0x16D38  }
0x4a: {  	[tilespmem:s12], [sflag:$0x2] =	stream.indirect.gather [hbm4b:s1+s11], $0x1, s9, s11, $0xb8;
	[tilespmem:$0x171B0] =	vst v63  }
0x4b: {  	s14 =	simm.s32 $0x12C00;
	s13 =	sadd.s32 $0x1E0, s0  }
0x4c: {  	[tilespmem:s14], [sflag:$0x2] =	stream.indirect.gather [hbm4b:s5+s11], $0x20, s13, s11, $0xb8;
	[tilespmem:$0x171B0] =	vst v63  }
0x4d: {  	s15 =	simm.s32 $0x16DB0  }
0x4e: {  	[tilespmem:s15], [sflag:$0x2] =	stream.indirect.gather [hbm4b:s1+s11], $0x1, s13, s11, $0xb8;
	[tilespmem:$0x171B0] =	vst v63  }
0x4f: {  	s18 =	simm.s32 $0x13B00;
	s17 =	sadd.s32 $0x258, s0  }
0x50: {  	[tilespmem:s18], [sflag:$0x2] =	stream.indirect.gather [hbm4b:s5+s11], $0x20, s17, s11, $0xb8;
	[tilespmem:$0x171B0] =	vst v63  }
0x51: {  	_ = 	snop  }
0x52: {  	[tilespmem:s26], [sflag:$0x2] =	stream.indirect.gather [hbm4b:s1+s11], $0x1, s17, s11, $0xb8;
	[tilespmem:$0x171B0] =	vst v63  }
0x53: {  	s19 =	sadd.s32 $0x2D0, s0  }
0x54: {  	[tilespmem:s28], [sflag:$0x2] =	stream.indirect.gather [hbm4b:s5+s11], $0x20, s19, s11, $0xb8;
	[tilespmem:$0x171B0] =	vst v63  }
0x55: {  	_ = 	snop  }
0x56: {  	[tilespmem:s30], [sflag:$0x2] =	stream.indirect.gather [hbm4b:s1+s11], $0x1, s19, s11, $0xb8;
	[tilespmem:$0x171B0] =	vst v63  }
0x57: {  	s0 =	sadd.s32 $0x348, s0  }
0x58: {  	[tilespmem:s31], [sflag:$0x2] =	stream.indirect.gather [hbm4b:s5+s11], $0x20, s0, s11, $0xb8;
	[tilespmem:$0x171B0] =	vst v63  }
0x59: {  	_ = 	snop  }
0x5a: {  	[tilespmem:s2], [sflag:$0x2] =	stream.indirect.gather [hbm4b:s1+s11], $0x1, s0, s11, $0xb8;
	[tilespmem:$0x171B0] =	vst v63  }
0x5b: {  	_ =	swait.ge [sflag:s3], $0x7800  }
0x5c: {  	[sflag:s3] =	ssyncset.done $0x0  }
0x5d: {  	[sflag:s3] =	ssyncadd.s32 $0xFFFF8800  }
0x5e: {  	_ =	swait.ge [sflag:s3], $0x3C0  }
0x5f: {  	[sflag:s3] =	ssyncset.done $0x0  }
0x60: {  	s20 =	simm.s32 $0x7BC0;
	[sflag:s3] =	ssyncadd.s32 $0xFFFFFC40  }
0x61: {  	v2 =	vld [tilespmem:s20+$0xFFFFFC70]  }
0x62: {  	v3 =	vld [tilespmem:s20+$0xFFFFFC50]  }
0x63: {  	v5 =	vld [tilespmem:s20+$0xFFFFFC40]  }
0x64: {  	v4 =	vld [tilespmem:s20+$0xFFFFFCB0]  }
0x65: {  	v6 =	vld [tilespmem:s20+$0xFFFFFC60]  }
0x66: {  	v7 =	vld [tilespmem:s20+$0xFFFFFC90]  }
0x67: {  	v8 =	vld [tilespmem:s20+$0xFFFFFC80]  }
0x68: {  	v9 =	vld [tilespmem:s20+$0xFFFFFCA0];
	v10 =	vadd.f32 $0.0e+00, v5  }
0x69: {  	v11 =	vld [tilespmem:s20+$0xFFFFFCD0];
	v12 =	vadd.f32 $0.0e+00, v3  }
0x6a: {  	v13 =	vld [tilespmem:s20+$0xFFFFFCC0];
	v5 =	vmul.f32 v5, v5;
	v14 =	vmul.f32 v6, v6;
	v6 =	vadd.f32 v6, v10  }
0x6b: {  	s7 =	simm.s32 $0x8340;
	v18 =	vld [tilespmem:s20+$0xFFFFFE60];
	v3 =	vmul.f32 v3, v3;
	v15 =	vmul.f32 v2, v2;
	v2 =	vadd.f32 v2, v12  }
0x6c: {  	v20 =	vld [tilespmem:s7+$0xFFFFFC50];
	v5 =	vadd.f32 v14, v5;
	v14 =	vmul.f32 v8, v8;
	v6 =	vadd.f32 v8, v6  }
0x6d: {  	v12 =	vld [tilespmem:s20+$0xFFFFFCE0];
	v3 =	vadd.f32 v15, v3;
	v15 =	vmul.f32 v7, v7;
	v2 =	vadd.f32 v7, v2  }
0x6e: {  	v10 =	vld [tilespmem:s20+$0xFFFFFCF0];
	v5 =	vadd.f32 v14, v5;
	v14 =	vmul.f32 v9, v9;
	v6 =	vadd.f32 v9, v6  }
0x6f: {  	v16 =	vmul.f32 v4, v4;
	v7 =	vld [tilespmem:s20+$0xFFFFFD00];
	v3 =	vadd.f32 v15, v3;
	v2 =	vadd.f32 v4, v2  }
0x70: {  	v8 =	vld [tilespmem:s20+$0xFFFFFD10];
	v5 =	vadd.f32 v14, v5;
	v14 =	vmul.f32 v13, v13;
	v6 =	vadd.f32 v13, v6  }
0x71: {  	v15 =	vmul.f32 v11, v11;
	v4 =	vld [tilespmem:s20+$0xFFFFFD20];
	v3 =	vadd.f32 v16, v3;
	v2 =	vadd.f32 v11, v2  }
0x72: {  	v9 =	vld [tilespmem:s20+$0xFFFFFD30];
	v5 =	vadd.f32 v14, v5;
	v14 =	vmul.f32 v12, v12;
	v6 =	vadd.f32 v12, v6  }
0x73: {  	v11 =	vld [tilespmem:s20+$0xFFFFFD40];
	v3 =	vadd.f32 v15, v3;
	v15 =	vmul.f32 v10, v10;
	v2 =	vadd.f32 v10, v2  }
0x74: {  	v13 =	vld [tilespmem:s20+$0xFFFFFD50];
	v5 =	vadd.f32 v14, v5;
	v14 =	vmul.f32 v7, v7;
	v6 =	vadd.f32 v7, v6  }
0x75: {  	v10 =	vld [tilespmem:s20+$0xFFFFFD60];
	v3 =	vadd.f32 v15, v3;
	v15 =	vmul.f32 v8, v8;
	v2 =	vadd.f32 v8, v2  }
0x76: {  	v12 =	vld [tilespmem:s20+$0xFFFFFD70];
	v5 =	vadd.f32 v14, v5;
	v14 =	vmul.f32 v4, v4;
	v4 =	vadd.f32 v4, v6  }
0x77: {  	v8 =	vld [tilespmem:s20+$0xFFFFFD80];
	v3 =	vadd.f32 v15, v3;
	v15 =	vmul.f32 v9, v9;
	v2 =	vadd.f32 v9, v2  }
0x78: {  	v7 =	vld [tilespmem:s20+$0xFFFFFD90];
	v5 =	vadd.f32 v14, v5;
	v14 =	vmul.f32 v11, v11;
	v4 =	vadd.f32 v11, v4  }
0x79: {  	v3 =	vadd.f32 v15, v3;
	v15 =	vmul.f32 v13, v13;
	v11 =	vld [tilespmem:s20+$0xFFFFFDA0];
	v13 =	vadd.f32 v13, v2  }
0x7a: {  	v6 =	vld [tilespmem:s20+$0xFFFFFDB0];
	v5 =	vadd.f32 v14, v5;
	v14 =	vmul.f32 v10, v10;
	v10 =	vadd.f32 v10, v4  }
0x7b: {  	v16 =	vld [tilespmem:s20+$0xFFFFFDC0];
	v3 =	vadd.f32 v15, v3;
	v15 =	vmul.f32 v12, v12;
	v12 =	vadd.f32 v12, v13  }
0x7c: {  	v9 =	vld [tilespmem:s20+$0xFFFFFDD0];
	v5 =	vadd.f32 v14, v5;
	v13 =	vmul.f32 v8, v8;
	v8 =	vadd.f32 v8, v10  }
0x7d: {  	v3 =	vadd.f32 v15, v3;
	v14 =	vmul.f32 v7, v7;
	v10 =	vld [tilespmem:s20+$0xFFFFFDE0];
	v7 =	vadd.f32 v7, v12  }
0x7e: {  	v12 =	vld [tilespmem:s20+$0xFFFFFDF0];
	v5 =	vadd.f32 v13, v5;
	v13 =	vmul.f32 v11, v11;
	v8 =	vadd.f32 v11, v8  }
0x7f: {  	v3 =	vadd.f32 v14, v3;
	v14 =	vmul.f32 v6, v6;
	v11 =	vld [tilespmem:s20+$0xFFFFFE00];
	v6 =	vadd.f32 v6, v7  }
0x80: {  	v15 =	vld [tilespmem:s20+$0xFFFFFE10];
	v5 =	vadd.f32 v13, v5;
	v13 =	vmul.f32 v16, v16;
	v8 =	vadd.f32 v16, v8  }
0x81: {  	v3 =	vadd.f32 v14, v3;
	v16 =	vmul.f32 v9, v9;
	v6 =	vadd.f32 v9, v6;
	v9 =	vld [tilespmem:s20+$0xFFFFFE20]  }
0x82: {  	v5 =	vadd.f32 v13, v5;
	v13 =	vmul.f32 v10, v10;
	v8 =	vadd.f32 v10, v8;
	v10 =	vld [tilespmem:s20+$0xFFFFFE30]  }
0x83: {  	v14 =	vadd.f32 v16, v3;
	v6 =	vadd.f32 v12, v6;
	v16 =	vld [tilespmem:s20+$0xFFFFFE40];
	v12 =	vmul.f32 v12, v12  }
0x84: {  	v13 =	vadd.f32 v13, v5;
	v17 =	vmul.f32 v11, v11;
	v8 =	vadd.f32 v11, v8;
	v11 =	vld [tilespmem:s20+$0xFFFFFE50]  }
0x85: {  	v2 =	vld [tilespmem:s20+$0x3B0];
	v6 =	vadd.f32 v15, v6;
	v12 =	vadd.f32 v12, v14;
	v14 =	vmul.f32 v15, v15  }
0x86: {  	v13 =	vadd.f32 v17, v13;
	v17 =	vld [tilespmem:s20+$0xFFFFFE70];
	v8 =	vadd.f32 v9, v8;
	v9 =	vmul.f32 v9, v9  }
0x87: {  	v15 =	vld [tilespmem:s20+$0xFFFFFE80];
	v12 =	vadd.f32 v14, v12;
	v6 =	vadd.f32 v10, v6;
	v10 =	vmul.f32 v10, v10  }
0x88: {  	v9 =	vadd.f32 v9, v13;
	v8 =	vadd.f32 v16, v8;
	v13 =	vmul.f32 v16, v16;
	v16 =	vld [tilespmem:s20+$0xFFFFFE90]  }
0x89: {  	v14 =	vld [tilespmem:s20+$0xFFFFFEA0];
	v6 =	vadd.f32 v11, v6;
	v10 =	vadd.f32 v10, v12;
	v11 =	vmul.f32 v11, v11  }
0x8a: {  	v9 =	vadd.f32 v13, v9;
	v8 =	vadd.f32 v18, v8;
	v13 =	vmul.f32 v18, v18;
	v18 =	vld [tilespmem:s20+$0xFFFFFEB0]  }
0x8b: {  	v12 =	vld [tilespmem:s20+$0xFFFFFEC0];
	v6 =	vadd.f32 v17, v6;
	v10 =	vadd.f32 v11, v10;
	v11 =	vmul.f32 v17, v17  }
0x8c: {  	v9 =	vadd.f32 v13, v9;
	v8 =	vadd.f32 v15, v8;
	v13 =	vmul.f32 v15, v15;
	v15 =	vld [tilespmem:s20+$0xFFFFFED0]  }
0x8d: {  	v17 =	vld [tilespmem:s20+$0xFFFFFEE0];
	v6 =	vadd.f32 v16, v6;
	v10 =	vadd.f32 v11, v10;
	v11 =	vmul.f32 v16, v16  }
0x8e: {  	v9 =	vadd.f32 v13, v9;
	v8 =	vadd.f32 v14, v8;
	v13 =	vmul.f32 v14, v14;
	v14 =	vld [tilespmem:s20+$0xFFFFFEF0]  }
0x8f: {  	v16 =	vld [tilespmem:s20+$0xFFFFFF00];
	v6 =	vadd.f32 v18, v6;
	v10 =	vadd.f32 v11, v10;
	v11 =	vmul.f32 v18, v18  }
0x90: {  	v7 =	vld [tilespmem:s20+$0xFFFFFF10];
	v9 =	vadd.f32 v13, v9;
	v8 =	vadd.f32 v12, v8;
	v12 =	vmul.f32 v12, v12  }
0x91: {  	v18 =	vld [tilespmem:s20+$0xFFFFFF20];
	v6 =	vadd.f32 v15, v6;
	v10 =	vadd.f32 v11, v10;
	v11 =	vmul.f32 v15, v15  }
0x92: {  	v13 =	vld [tilespmem:s20+$0xFFFFFF30];
	v9 =	vadd.f32 v12, v9;
	v8 =	vadd.f32 v17, v8;
	v12 =	vmul.f32 v17, v17  }
0x93: {  	v17 =	vld [tilespmem:s20+$0xFFFFFF40];
	v15 =	vadd.f32 v14, v6;
	v10 =	vadd.f32 v11, v10;
	v11 =	vmul.f32 v14, v14  }
0x94: {  	v9 =	vadd.f32 v12, v9;
	v8 =	vadd.f32 v16, v8;
	v12 =	vmul.f32 v16, v16;
	v16 =	vld [tilespmem:s20+$0xFFFFFF50]  }
0x95: {  	v14 =	vadd.f32 v7, v15;
	v15 =	vld [tilespmem:s20+$0xFFFFFF60];
	v7 =	vmul.f32 v7, v7;
	v10 =	vadd.f32 v11, v10  }
0x96: {  	v9 =	vadd.f32 v12, v9;
	v8 =	vadd.f32 v18, v8;
	v12 =	vmul.f32 v18, v18;
	v18 =	vld [tilespmem:s20+$0xFFFFFF70]  }
0x97: {  	v11 =	vadd.f32 v13, v14;
	v14 =	vld [tilespmem:s20+$0xFFFFFF80]  }
0x98: {  	v3 =	vmul.f32 v2, v2;
	v7 =	vadd.f32 v7, v10;
	v10 =	vmul.f32 v13, v13;
	v13 =	vld [tilespmem:s20+$0xFFFFFFA0]  }
0x99: {  	v19 =	vmul.f32 v17, v17;
	v9 =	vadd.f32 v12, v9;
	v8 =	vadd.f32 v17, v8;
	v12 =	vld [tilespmem:s20+$0xFFFFFF90]  }
0x9a: {  	v17 =	vld [tilespmem:s20+$0xFFFFFFB0];
	v11 =	vadd.f32 v16, v11;
	v7 =	vadd.f32 v10, v7;
	v10 =	vmul.f32 v16, v16  }
0x9b: {  	v16 =	vld [tilespmem:s20+$0xFFFFFFC0];
	v9 =	vadd.f32 v19, v9;
	v8 =	vadd.f32 v15, v8;
	v15 =	vmul.f32 v15, v15  }
0x9c: {  	v19 =	vld [tilespmem:s7+$0xFFFFFC70];
	v11 =	vadd.f32 v18, v11;
	v7 =	vadd.f32 v10, v7;
	v10 =	vmul.f32 v18, v18  }
0x9d: {  	v9 =	vadd.f32 v15, v9;
	v8 =	vadd.f32 v14, v8;
	v14 =	vmul.f32 v14, v14;
	v15 =	vld [tilespmem:s20+$0xFFFFFFD0]  }
0x9e: {  	v18 =	vld [tilespmem:s20+$0xFFFFFFE0];
	v11 =	vadd.f32 v12, v11;
	v7 =	vadd.f32 v10, v7;
	v10 =	vmul.f32 v12, v12  }
0x9f: {  	v9 =	vadd.f32 v14, v9;
	v8 =	vadd.f32 v13, v8;
	v13 =	vmul.f32 v13, v13;
	v14 =	vld [tilespmem:s20+$0xFFFFFFF0]  }
0xa0: {  	v12 =	vld [tilespmem:s20+$0x0];
	v11 =	vadd.f32 v17, v11;
	v7 =	vadd.f32 v10, v7;
	v10 =	vmul.f32 v17, v17  }
0xa1: {  	v9 =	vadd.f32 v13, v9;
	v8 =	vadd.f32 v16, v8;
	v13 =	vmul.f32 v16, v16;
	v16 =	vld [tilespmem:s20+$0x10]  }
0xa2: {  	v17 =	vld [tilespmem:s20+$0x20];
	v11 =	vadd.f32 v15, v11;
	v7 =	vadd.f32 v10, v7;
	v10 =	vmul.f32 v15, v15  }
0xa3: {  	v9 =	vadd.f32 v13, v9;
	v8 =	vadd.f32 v18, v8;
	v13 =	vmul.f32 v18, v18;
	v18 =	vld [tilespmem:s20+$0x30]  }
0xa4: {  	v15 =	vld [tilespmem:s20+$0x40];
	v11 =	vadd.f32 v14, v11;
	v7 =	vadd.f32 v10, v7;
	v10 =	vmul.f32 v14, v14  }
0xa5: {  	v9 =	vadd.f32 v13, v9;
	v8 =	vadd.f32 v12, v8;
	v12 =	vmul.f32 v12, v12;
	v13 =	vld [tilespmem:s20+$0x50]  }
0xa6: {  	v14 =	vld [tilespmem:s20+$0x60];
	v11 =	vadd.f32 v16, v11;
	v7 =	vadd.f32 v10, v7;
	v10 =	vmul.f32 v16, v16  }
0xa7: {  	v9 =	vadd.f32 v12, v9;
	v8 =	vadd.f32 v17, v8;
	v12 =	vmul.f32 v17, v17;
	v17 =	vld [tilespmem:s20+$0x70]  }
0xa8: {  	v16 =	vld [tilespmem:s20+$0x80];
	v11 =	vadd.f32 v18, v11;
	v7 =	vadd.f32 v10, v7;
	v10 =	vmul.f32 v18, v18  }
0xa9: {  	v9 =	vadd.f32 v12, v9;
	v8 =	vadd.f32 v15, v8;
	v12 =	vmul.f32 v15, v15;
	v15 =	vld [tilespmem:s20+$0x90]  }
0xaa: {  	v18 =	vld [tilespmem:s20+$0xA0];
	v11 =	vadd.f32 v13, v11;
	v7 =	vadd.f32 v10, v7;
	v10 =	vmul.f32 v13, v13  }
0xab: {  	v9 =	vadd.f32 v12, v9;
	v8 =	vadd.f32 v14, v8;
	v12 =	vmul.f32 v14, v14;
	v14 =	vld [tilespmem:s20+$0xB0]  }
0xac: {  	v13 =	vld [tilespmem:s20+$0xC0];
	v11 =	vadd.f32 v17, v11;
	v7 =	vadd.f32 v10, v7;
	v10 =	vmul.f32 v17, v17  }
0xad: {  	v9 =	vadd.f32 v12, v9;
	v8 =	vadd.f32 v16, v8;
	v12 =	vmul.f32 v16, v16;
	v16 =	vld [tilespmem:s20+$0xD0]  }
0xae: {  	v17 =	vld [tilespmem:s20+$0xE0];
	v11 =	vadd.f32 v15, v11;
	v7 =	vadd.f32 v10, v7;
	v10 =	vmul.f32 v15, v15  }
0xaf: {  	v9 =	vadd.f32 v12, v9;
	v8 =	vadd.f32 v18, v8;
	v12 =	vmul.f32 v18, v18;
	v18 =	vld [tilespmem:s20+$0xF0]  }
0xb0: {  	v15 =	vld [tilespmem:s20+$0x100];
	v11 =	vadd.f32 v14, v11;
	v7 =	vadd.f32 v10, v7;
	v10 =	vmul.f32 v14, v14  }
0xb1: {  	v9 =	vadd.f32 v12, v9;
	v8 =	vadd.f32 v13, v8;
	v12 =	vmul.f32 v13, v13;
	v13 =	vld [tilespmem:s20+$0x110]  }
0xb2: {  	v14 =	vld [tilespmem:s20+$0x120];
	v11 =	vadd.f32 v16, v11;
	v7 =	vadd.f32 v10, v7;
	v10 =	vmul.f32 v16, v16  }
0xb3: {  	v9 =	vadd.f32 v12, v9;
	v8 =	vadd.f32 v17, v8;
	v12 =	vmul.f32 v17, v17;
	v17 =	vld [tilespmem:s20+$0x130]  }
0xb4: {  	v16 =	vld [tilespmem:s20+$0x140];
	v11 =	vadd.f32 v18, v11;
	v7 =	vadd.f32 v10, v7;
	v10 =	vmul.f32 v18, v18  }
0xb5: {  	v9 =	vadd.f32 v12, v9;
	v8 =	vadd.f32 v15, v8;
	v12 =	vmul.f32 v15, v15;
	v15 =	vld [tilespmem:s20+$0x150]  }
0xb6: {  	v18 =	vld [tilespmem:s20+$0x160];
	v11 =	vadd.f32 v13, v11;
	v7 =	vadd.f32 v10, v7;
	v10 =	vmul.f32 v13, v13  }
0xb7: {  	v9 =	vadd.f32 v12, v9;
	v8 =	vadd.f32 v14, v8;
	v12 =	vmul.f32 v14, v14;
	v14 =	vld [tilespmem:s20+$0x170]  }
0xb8: {  	v13 =	vld [tilespmem:s20+$0x180];
	v11 =	vadd.f32 v17, v11;
	v7 =	vadd.f32 v10, v7;
	v10 =	vmul.f32 v17, v17  }
0xb9: {  	v9 =	vadd.f32 v12, v9;
	v8 =	vadd.f32 v16, v8;
	v12 =	vmul.f32 v16, v16;
	v16 =	vld [tilespmem:s20+$0x190]  }
0xba: {  	v17 =	vld [tilespmem:s20+$0x1A0];
	v11 =	vadd.f32 v15, v11;
	v7 =	vadd.f32 v10, v7;
	v10 =	vmul.f32 v15, v15  }
0xbb: {  	v9 =	vadd.f32 v12, v9;
	v8 =	vadd.f32 v18, v8;
	v12 =	vmul.f32 v18, v18;
	v18 =	vld [tilespmem:s20+$0x1B0]  }
0xbc: {  	v15 =	vld [tilespmem:s20+$0x1C0];
	v11 =	vadd.f32 v14, v11;
	v7 =	vadd.f32 v10, v7;
	v10 =	vmul.f32 v14, v14  }
0xbd: {  	v9 =	vadd.f32 v12, v9;
	v8 =	vadd.f32 v13, v8;
	v12 =	vmul.f32 v13, v13;
	v13 =	vld [tilespmem:s20+$0x1D0]  }
0xbe: {  	v14 =	vld [tilespmem:s20+$0x1E0];
	v11 =	vadd.f32 v16, v11;
	v7 =	vadd.f32 v10, v7;
	v10 =	vmul.f32 v16, v16  }
0xbf: {  	v9 =	vadd.f32 v12, v9;
	v8 =	vadd.f32 v17, v8;
	v12 =	vmul.f32 v17, v17;
	v17 =	vld [tilespmem:s20+$0x1F0]  }
0xc0: {  	v16 =	vld [tilespmem:s20+$0x200];
	v11 =	vadd.f32 v18, v11;
	v7 =	vadd.f32 v10, v7;
	v10 =	vmul.f32 v18, v18  }
0xc1: {  	v9 =	vadd.f32 v12, v9;
	v8 =	vadd.f32 v15, v8;
	v12 =	vmul.f32 v15, v15;
	v15 =	vld [tilespmem:s20+$0x210]  }
0xc2: {  	v18 =	vld [tilespmem:s20+$0x220];
	v11 =	vadd.f32 v13, v11;
	v7 =	vadd.f32 v10, v7;
	v10 =	vmul.f32 v13, v13  }
0xc3: {  	v9 =	vadd.f32 v12, v9;
	v8 =	vadd.f32 v14, v8;
	v12 =	vmul.f32 v14, v14;
	v14 =	vld [tilespmem:s20+$0x230]  }
0xc4: {  	v13 =	vld [tilespmem:s20+$0x240];
	v11 =	vadd.f32 v17, v11;
	v7 =	vadd.f32 v10, v7;
	v10 =	vmul.f32 v17, v17  }
0xc5: {  	v9 =	vadd.f32 v12, v9;
	v8 =	vadd.f32 v16, v8;
	v12 =	vmul.f32 v16, v16;
	v16 =	vld [tilespmem:s20+$0x250]  }
0xc6: {  	v17 =	vld [tilespmem:s20+$0x260];
	v11 =	vadd.f32 v15, v11;
	v7 =	vadd.f32 v10, v7;
	v10 =	vmul.f32 v15, v15  }
0xc7: {  	v9 =	vadd.f32 v12, v9;
	v8 =	vadd.f32 v18, v8;
	v12 =	vmul.f32 v18, v18;
	v18 =	vld [tilespmem:s20+$0x270]  }
0xc8: {  	v15 =	vld [tilespmem:s20+$0x280];
	v11 =	vadd.f32 v14, v11;
	v7 =	vadd.f32 v10, v7;
	v10 =	vmul.f32 v14, v14  }
0xc9: {  	v9 =	vadd.f32 v12, v9;
	v8 =	vadd.f32 v13, v8;
	v12 =	vmul.f32 v13, v13;
	v13 =	vld [tilespmem:s20+$0x290]  }
0xca: {  	v14 =	vld [tilespmem:s20+$0x2A0];
	v11 =	vadd.f32 v16, v11;
	v7 =	vadd.f32 v10, v7;
	v10 =	vmul.f32 v16, v16  }
0xcb: {  	v9 =	vadd.f32 v12, v9;
	v8 =	vadd.f32 v17, v8;
	v12 =	vmul.f32 v17, v17;
	v17 =	vld [tilespmem:s20+$0x2B0]  }
0xcc: {  	v16 =	vld [tilespmem:s20+$0x2C0];
	v11 =	vadd.f32 v18, v11;
	v7 =	vadd.f32 v10, v7;
	v10 =	vmul.f32 v18, v18  }
0xcd: {  	v9 =	vadd.f32 v12, v9;
	v8 =	vadd.f32 v15, v8;
	v12 =	vmul.f32 v15, v15;
	v15 =	vld [tilespmem:s20+$0x2D0]  }
0xce: {  	v18 =	vld [tilespmem:s20+$0x2E0];
	v11 =	vadd.f32 v13, v11;
	v7 =	vadd.f32 v10, v7;
	v10 =	vmul.f32 v13, v13  }
0xcf: {  	v9 =	vadd.f32 v12, v9;
	v8 =	vadd.f32 v14, v8;
	v12 =	vmul.f32 v14, v14;
	v14 =	vld [tilespmem:s20+$0x2F0]  }
0xd0: {  	v13 =	vld [tilespmem:s20+$0x300];
	v11 =	vadd.f32 v17, v11;
	v7 =	vadd.f32 v10, v7;
	v10 =	vmul.f32 v17, v17  }
0xd1: {  	v9 =	vadd.f32 v12, v9;
	v8 =	vadd.f32 v16, v8;
	v12 =	vmul.f32 v16, v16;
	v16 =	vld [tilespmem:s20+$0x310]  }
0xd2: {  	v17 =	vld [tilespmem:s20+$0x320];
	v11 =	vadd.f32 v15, v11;
	v7 =	vadd.f32 v10, v7;
	v10 =	vmul.f32 v15, v15  }
0xd3: {  	v9 =	vadd.f32 v12, v9;
	v8 =	vadd.f32 v18, v8;
	v12 =	vmul.f32 v18, v18;
	v18 =	vld [tilespmem:s20+$0x330]  }
0xd4: {  	v15 =	vld [tilespmem:s20+$0x340];
	v11 =	vadd.f32 v14, v11;
	v7 =	vadd.f32 v10, v7;
	v10 =	vmul.f32 v14, v14  }
0xd5: {  	v9 =	vadd.f32 v12, v9;
	v8 =	vadd.f32 v13, v8;
	v12 =	vmul.f32 v13, v13;
	v13 =	vld [tilespmem:s20+$0x350]  }
0xd6: {  	v14 =	vld [tilespmem:s20+$0x360];
	v11 =	vadd.f32 v16, v11;
	v7 =	vadd.f32 v10, v7;
	v10 =	vmul.f32 v16, v16  }
0xd7: {  	v9 =	vadd.f32 v12, v9;
	v8 =	vadd.f32 v17, v8;
	v12 =	vmul.f32 v17, v17;
	v17 =	vld [tilespmem:s20+$0x370]  }
0xd8: {  	v16 =	vld [tilespmem:s20+$0x380];
	v11 =	vadd.f32 v18, v11;
	v10 =	vadd.f32 v10, v7;
	v18 =	vmul.f32 v18, v18  }
0xd9: {  	v4 =	vld [tilespmem:s20+$0x390];
	v9 =	vadd.f32 v12, v9;
	v8 =	vadd.f32 v15, v8;
	v12 =	vmul.f32 v15, v15  }
0xda: {  	s29 =	simm.s32 $0x16800;
	v21 =	vmul.f32 v19, v19;
	v15 =	vld [tilespmem:s20+$0x3A0];
	v11 =	vadd.f32 v13, v11;
	v10 =	vadd.f32 v18, v10  }
0xdb: {  	s21 =	simm.s32 $0x10;
	s0 =	simm.s32 $0x0;
	v6 =	vld [tilespmem:s29+$0x0];
	v9 =	vadd.f32 v12, v9;
	v8 =	vadd.f32 v14, v8;
	v12 =	vmul.f32 v14, v14  }
0xdc: {  	s4 =	sand.u32 $0x7F8, s21;
	s23 =	sand.u32 $0x4, s0;
	v7 =	vld [tilespmem:s7+$0xFFFFFCB0];
	v13 =	vmul.f32 v13, v13;
	v18 =	vmul.f32 v20, v20;
	v11 =	vadd.f32 v17, v11  }
0xdd: {  	s4 =	sor.u32 s23, s4;
	v14 =	vld [tilespmem:s7+$0xFFFFFC40];
	v9 =	vadd.f32 v12, v9;
	v8 =	vadd.f32 v16, v8;
	v12 =	vmul.f32 v16, v16  }
0xde: {  	v10 =	vadd.f32 v13, v10;
	v13 =	vmul.f32 v17, v17;
	v17 =	vld [tilespmem:s4+$0x16800];
	v11 =	vadd.f32 v4, v11  }
0xdf: {  	s8 =	simm.s32 $0x20;
	v16 =	vld [tilespmem:s7+$0xFFFFFC60];
	v9 =	vadd.f32 v12, v9;
	v12 =	vadd.f32 v15, v8;
	v15 =	vmul.f32 v15, v15  }
0xe0: {  	s24 =	simm.s32 $0x30;
	s8 =	sand.u32 $0x7F8, s8;
	v5 =	vmul.f32 v4, v4;
	v18 =	vadd.f32 v21, v18;
	v4 =	vld [tilespmem:s7+$0xFFFFFC90];
	v10 =	vadd.f32 v13, v10  }
0xe1: {  	s8 =	sor.u32 s23, s8;
	s4 =	sand.u32 $0x7F8, s24;
	v8 =	vld [tilespmem:s7+$0xFFFFFC80];
	v2 =	vadd.f32 v2, v11;
	v9 =	vadd.f32 v15, v9;
	v11 =	vmul.f32 v12, v12  }
0xe2: {  	v1 =	vimm.f32 $0.0e+00;
	s4 =	sor.u32 s23, s4;
	v13 =	vadd.f32 $0.0e+00, v20;
	v5 =	vadd.f32 v5, v10;
	v15 =	vld [tilespmem:s8+$0x16800]  }
0xe3: {  	v62 =	vld [tilespmem:s4+$0x16800];
	v12 =	vadd.f32 $0.0e+00, v14;
	v10 =	vmul.f32 v2, v2;
	v9 =	vsub.f32 v11, v9  }
0xe4: {  	v14 =	vmul.f32 v14, v14;
	v17 =	vadd.f32 v17, v6;
	v22 =	vmul.f32 v16, v16  }
0xe5: {  	v2 =	vmul.f32 v7, v7;
	v63 =	vadd.f32 v3, v5;
	v5 =	vld [tilespmem:s7+$0xFFFFFCA0];
	v9 =	vadd.f32 v10, v9  }
0xe6: {  	v11 =	vadd.f32 v19, v13;
	v19 =	vmul.f32 v4, v4;
	v6 =	vadd.f32 v22, v14  }
0xe7: {  	v3 =	vld [tilespmem:s7+$0xFFFFFCD0];
	v10 =	vmul.f32 v8, v8;
	v13 =	vadd.f32 v15, v17;
	v14 =	vsub.f32 v9, v63  }
0xe8: {  	s6 =	simm.s32 $0x1;
	s4 =	simm.s32 $0x2;
	s8 =	simm.s32 $0x0;
	v15 =	vadd.f32 v16, v12;
	v12 =	vadd.f32 v19, v18;
	v16 =	vnsel vm0, $0x0, v62;
	v9 =	vld [tilespmem:s7+$0xFFFFFCC0]  }
.LBB2_3:
0xe9: {  	p0 =	sne.s32 s4, $0xF;
	v4 =	vadd.f32 v4, v11;
	v11 =	vadd.f32 v16, v13;
	v13 =	vmul.f32 $5.000000000e-01, v14  }
0xea: {  	v10 =	vadd.f32 v10, v6;
	v8 =	vadd.f32 v8, v15;
	v14 =	vmul.f32 v5, v5;
	v15 =	vld [tilespmem:s7+$0xFFFFFCF0]  }
0xeb: {  	v2 =	vadd.f32 v2, v12;
	v12 =	vld [tilespmem:s7+$0xFFFFFCE0];
	v6 =	vadd.f32 v11, v13  }
0xec: {  	v4 =	vadd.f32 v7, v4;
	v7 =	vadd.f32 v14, v10;
	v10 =	vmul.f32 v3, v3;
	v11 =	vld [tilespmem:s7+$0xFFFFFD10]  }
0xed: {  	v5 =	vadd.f32 v5, v8;
	v8 =	vmul.f32 v9, v9;
	(v2sf) =	vpush v6, $0x0  }
0xee: {  	v2 =	vadd.f32 v10, v2;
	v10 =	vld [tilespmem:s7+$0xFFFFFD00];
	(v2sf) =	vpush v6, $0x1  }
0xef: {  	v3 =	vadd.f32 v3, v4;
	v4 =	vadd.f32 v8, v7;
	v7 =	vmul.f32 v15, v15;
	v8 =	vld [tilespmem:s7+$0xFFFFFD30]  }
0xf0: {  	v5 =	vadd.f32 v9, v5;
	v9 =	vmul.f32 v12, v12;
	v13 =	vld [tilespmem:s7+$0xFFFFFD20];
	(v2sf) =	vpush v6, $0x2  }
0xf1: {  	v3 =	vadd.f32 v15, v3;
	v2 =	vadd.f32 v7, v2;
	v7 =	vmul.f32 v11, v11  }
0xf2: {  	v4 =	vadd.f32 v9, v4;
	v9 =	vld [tilespmem:s7+$0xFFFFFD50];
	(v2sf) =	vpush v6, $0x3  }
0xf3: {  	v5 =	vadd.f32 v12, v5;
	v12 =	vmul.f32 v10, v10;
	v2 =	vadd.f32 v7, v2;
	v7 =	vld [tilespmem:s7+$0xFFFFFD40]  }
0xf4: {  	v3 =	vadd.f32 v11, v3;
	v11 =	vmul.f32 v8, v8;
	v14 =	vld [tilespmem:s7+$0xFFFFFD70];
	(v2sf) =	vpush v6, $0x4  }
0xf5: {  	v5 =	vadd.f32 v10, v5;
	v4 =	vadd.f32 v12, v4;
	v10 =	vmul.f32 v13, v13  }
0xf6: {  	v2 =	vadd.f32 v11, v2;
	v11 =	vld [tilespmem:s7+$0xFFFFFD60];
	(v2sf) =	vpush v6, $0x5  }
0xf7: {  	v3 =	vadd.f32 v8, v3;
	v4 =	vadd.f32 v10, v4;
	v8 =	vmul.f32 v9, v9;
	v10 =	vld [tilespmem:s7+$0xFFFFFD90]  }
0xf8: {  	v5 =	vadd.f32 v13, v5;
	v12 =	vmul.f32 v7, v7;
	v13 =	vld [tilespmem:s7+$0xFFFFFD80];
	(v2sf) =	vpush v6, $0x6  }
0xf9: {  	v3 =	vadd.f32 v9, v3;
	v2 =	vadd.f32 v8, v2;
	v8 =	vmul.f32 v14, v14  }
0xfa: {  	v4 =	vadd.f32 v12, v4;
	v9 =	vld [tilespmem:s7+$0xFFFFFDB0];
	(v2sf) =	vpush v6, $0x7  }
0xfb: {  	v5 =	vadd.f32 v7, v5;
	v7 =	vmul.f32 v11, v11;
	v8 =	vadd.f32 v8, v2;
	v12 =	vld [tilespmem:s7+$0xFFFFFDD0]  }
0xfc: {  	v3 =	vadd.f32 v14, v3;
	v14 =	vmul.f32 v10, v10;
	v15 =	vld [tilespmem:s7+$0xFFFFFDA0];
	s9 =	spop (v2sf);
	(v2sf) =	vpush v6, $0x8  }
0xfd: {  	v5 =	vadd.f32 v11, v5;
	v4 =	vadd.f32 v7, v4;
	v7 =	vmul.f32 v13, v13;
	v2 =	vld [tilespmem:s7+$0x3B0];
	s19 =	spop (v2sf)  }
0xfe: {  	v8 =	vadd.f32 v14, v8;
	v11 =	vld [tilespmem:s7+$0xFFFFFDC0];
	s9 =	sadd.f32 s19, s9;
	v14 =	vmov s0;
	(v2sf) =	vpush v6, $0x9;
	s0 =	smov.u32 s6;
	s6 =	smov.u32 s4  }
0xff: {  	v3 =	vadd.f32 v10, v3;
	v7 =	vadd.f32 v7, v4;
	v10 =	vmul.f32 v9, v9;
	v4 =	vld [tilespmem:s7+$0x390];
	s19 =	spop (v2sf)  }
0x100: {  	v5 =	vadd.f32 v13, v5;
	v13 =	vmul.f32 v12, v12;
	v16 =	vld [tilespmem:s7+$0xFFFFFDE0];
	s9 =	sadd.f32 s9, s19;
	(v2sf) =	vpush v6, $0xA  }
0x101: {  	v9 =	vadd.f32 v9, v3;
	v3 =	vmul.f32 v15, v15;
	v8 =	vadd.f32 v10, v8;
	v10 =	vld [tilespmem:s7+$0xFFFFFDF0];
	s19 =	spop (v2sf)  }
0x102: {  	vm1 =	veq.s32 v14, v0;
	v5 =	vadd.f32 v15, v5;
	v15 =	vld [tilespmem:s7+$0xFFFFFE00];
	s9 =	sadd.f32 s9, s19;
	(v2sf) =	vpush v6, $0xB  }
0x103: {  	v14 =	vadd.f32 v3, v7;
	v17 =	vmul.f32 v11, v11;
	v8 =	vadd.f32 v13, v8;
	v7 =	vld [tilespmem:s7+$0xFFFFFF10];
	s19 =	spop (v2sf)  }
0x104: {  	v5 =	vadd.f32 v11, v5;
	v3 =	vmul.f32 v2, v2;
	v11 =	vld [tilespmem:s7+$0xFFFFFE10];
	s9 =	sadd.f32 s9, s19;
	(v2sf) =	vpush v6, $0xC  }
0x105: {  	v9 =	vadd.f32 v12, v9;
	v12 =	vadd.f32 v17, v14;
	v13 =	vmul.f32 v16, v16;
	v14 =	vld [tilespmem:s7+$0xFFFFFE20];
	s19 =	spop (v2sf)  }
0x106: {  	v16 =	vadd.f32 v16, v5;
	v5 =	vmul.f32 v4, v4;
	v17 =	vld [tilespmem:s7+$0xFFFFFE30];
	s9 =	sadd.f32 s9, s19;
	(v2sf) =	vpush v6, $0xD  }
0x107: {  	v9 =	vadd.f32 v10, v9;
	v12 =	vadd.f32 v13, v12;
	v13 =	vmul.f32 v15, v15;
	v18 =	vld [tilespmem:s7+$0xFFFFFE40];
	s19 =	spop (v2sf)  }
0x108: {  	v15 =	vadd.f32 v15, v16;
	v16 =	vld [tilespmem:s7+$0xFFFFFE50];
	v19 =	vmul.f32 v7, v7;
	s9 =	sadd.f32 s9, s19;
	(v2sf) =	vpush v6, $0xE  }
0x109: {  	v10 =	vmul.f32 v10, v10;
	v9 =	vadd.f32 v11, v9;
	v12 =	vadd.f32 v13, v12;
	v13 =	vld [tilespmem:s7+$0xFFFFFE60];
	s19 =	spop (v2sf)  }
0x10a: {  	v15 =	vadd.f32 v14, v15;
	v14 =	vmul.f32 v14, v14;
	v20 =	vld [tilespmem:s7+$0xFFFFFE70];
	s9 =	sadd.f32 s9, s19;
	(v2sf) =	vpush v6, $0xF  }
0x10b: {  	v6 =	vadd.f32 v10, v8;
	v8 =	vmul.f32 v11, v11;
	v9 =	vadd.f32 v17, v9;
	v10 =	vld [tilespmem:s7+$0xFFFFFE80];
	s19 =	spop (v2sf)  }
0x10c: {  	v11 =	vadd.f32 v14, v12;
	v12 =	vadd.f32 v18, v15;
	v14 =	vmul.f32 v18, v18;
	v15 =	vld [tilespmem:s7+$0xFFFFFE90];
	s9 =	sadd.f32 s9, s19  }
0x10d: {  	v6 =	vadd.f32 v8, v6;
	v8 =	vmul.f32 v17, v17;
	v9 =	vadd.f32 v16, v9;
	v17 =	vld [tilespmem:s7+$0xFFFFFEA0];
	s19 =	spop (v2sf)  }
0x10e: {  	v11 =	vadd.f32 v14, v11;
	v12 =	vadd.f32 v13, v12;
	v13 =	vmul.f32 v13, v13;
	v14 =	vld [tilespmem:s7+$0xFFFFFEB0];
	s9 =	sadd.f32 s9, s19  }
0x10f: {  	v6 =	vadd.f32 v8, v6;
	v8 =	vmul.f32 v16, v16;
	v9 =	vadd.f32 v20, v9;
	v16 =	vld [tilespmem:s7+$0xFFFFFEC0];
	s19 =	spop (v2sf)  }
0x110: {  	v11 =	vadd.f32 v13, v11;
	v12 =	vadd.f32 v10, v12;
	v10 =	vmul.f32 v10, v10;
	v13 =	vld [tilespmem:s7+$0xFFFFFED0];
	s9 =	sadd.f32 s9, s19  }
0x111: {  	v6 =	vadd.f32 v8, v6;
	v8 =	vmul.f32 v20, v20;
	v9 =	vadd.f32 v15, v9;
	v18 =	vld [tilespmem:s7+$0xFFFFFEE0];
	s19 =	spop (v2sf)  }
0x112: {  	v10 =	vadd.f32 v10, v11;
	v11 =	vadd.f32 v17, v12;
	v12 =	vmul.f32 v17, v17;
	v17 =	vld [tilespmem:s7+$0xFFFFFEF0];
	s9 =	sadd.f32 s9, s19  }
0x113: {  	v6 =	vadd.f32 v8, v6;
	v8 =	vmul.f32 v15, v15;
	v9 =	vadd.f32 v14, v9;
	v15 =	vld [tilespmem:s7+$0xFFFFFF00];
	s19 =	spop (v2sf)  }
0x114: {  	v10 =	vadd.f32 v12, v10;
	v11 =	vadd.f32 v16, v11;
	v12 =	vmul.f32 v16, v16;
	v16 =	vld [tilespmem:s7+$0xFFFFFF30];
	s9 =	sadd.f32 s9, s19  }
0x115: {  	v6 =	vadd.f32 v8, v6;
	v8 =	vmul.f32 v14, v14;
	v9 =	vadd.f32 v13, v9;
	v14 =	vld [tilespmem:s7+$0xFFFFFF20];
	s19 =	spop (v2sf)  }
0x116: {  	s29 =	sadd.s32 $0x3C, s29;
	v10 =	vadd.f32 v12, v10;
	v11 =	vadd.f32 v18, v11;
	v12 =	vmul.f32 v18, v18;
	v18 =	vld [tilespmem:s7+$0xFFFFFF40];
	s9 =	sadd.f32 s9, s19  }
0x117: {  	v13 =	vmul.f32 v13, v13;
	v8 =	vadd.f32 v8, v6;
	v9 =	vadd.f32 v17, v9;
	v6 =	vld [tilespmem:s29+$0x0];
	s19 =	spop (v2sf)  }
0x118: {  	v10 =	vadd.f32 v12, v10;
	v11 =	vadd.f32 v15, v11;
	v12 =	vmul.f32 v15, v15;
	v15 =	vld [tilespmem:s7+$0xFFFFFF50];
	s9 =	sadd.f32 s9, s19  }
0x119: {  	v8 =	vadd.f32 v13, v8;
	v13 =	vmul.f32 v17, v17;
	v7 =	vadd.f32 v7, v9;
	v9 =	vld [tilespmem:s7+$0xFFFFFF60];
	s19 =	spop (v2sf)  }
0x11a: {  	v10 =	vadd.f32 v12, v10;
	v11 =	vadd.f32 v14, v11;
	v12 =	vmul.f32 v14, v14;
	v14 =	vld [tilespmem:s7+$0xFFFFFF70];
	s9 =	sadd.f32 s9, s19  }
0x11b: {  	v8 =	vadd.f32 v13, v8;
	v7 =	vadd.f32 v16, v7;
	v13 =	vmul.f32 v18, v18;
	v17 =	vld [tilespmem:s7+$0xFFFFFF80]  }
0x11c: {  	v10 =	vadd.f32 v12, v10;
	v11 =	vadd.f32 v18, v11;
	v12 =	vld [tilespmem:s7+$0xFFFFFF90];
	v1 =	vsel vm1, s9, v1  }
0x11d: {  	v16 =	vmul.f32 v16, v16;
	v8 =	vadd.f32 v19, v8;
	v7 =	vadd.f32 v15, v7;
	v18 =	vld [tilespmem:s7+$0xFFFFFFA0]  }
0x11e: {  	v10 =	vadd.f32 v13, v10;
	v11 =	vadd.f32 v9, v11;
	v9 =	vmul.f32 v9, v9;
	v13 =	vld [tilespmem:s7+$0xFFFFFFB0]  }
0x11f: {  	v15 =	vmul.f32 v15, v15;
	v8 =	vadd.f32 v16, v8;
	v7 =	vadd.f32 v14, v7;
	v16 =	vld [tilespmem:s7+$0xFFFFFFC0]  }
0x120: {  	v9 =	vadd.f32 v9, v10;
	v10 =	vadd.f32 v17, v11;
	v11 =	vmul.f32 v17, v17;
	v17 =	vld [tilespmem:s7+$0xFFFFFFD0]  }
0x121: {  	v14 =	vmul.f32 v14, v14;
	v8 =	vadd.f32 v15, v8;
	v7 =	vadd.f32 v12, v7;
	v15 =	vld [tilespmem:s7+$0xFFFFFFE0]  }
0x122: {  	v9 =	vadd.f32 v11, v9;
	v10 =	vadd.f32 v18, v10;
	v11 =	vmul.f32 v18, v18;
	v18 =	vld [tilespmem:s7+$0xFFFFFFF0]  }
0x123: {  	v12 =	vmul.f32 v12, v12;
	v8 =	vadd.f32 v14, v8;
	v7 =	vadd.f32 v13, v7;
	v14 =	vld [tilespmem:s7+$0x0]  }
0x124: {  	v9 =	vadd.f32 v11, v9;
	v10 =	vadd.f32 v16, v10;
	v11 =	vmul.f32 v16, v16;
	v16 =	vld [tilespmem:s7+$0x10]  }
0x125: {  	v8 =	vadd.f32 v12, v8;
	v12 =	vmul.f32 v13, v13;
	v7 =	vadd.f32 v17, v7;
	v13 =	vld [tilespmem:s7+$0x20]  }
0x126: {  	v9 =	vadd.f32 v11, v9;
	v10 =	vadd.f32 v15, v10;
	v11 =	vmul.f32 v15, v15;
	v15 =	vld [tilespmem:s7+$0x30]  }
0x127: {  	v8 =	vadd.f32 v12, v8;
	v12 =	vmul.f32 v17, v17;
	v7 =	vadd.f32 v18, v7;
	v17 =	vld [tilespmem:s7+$0x40]  }
0x128: {  	v9 =	vadd.f32 v11, v9;
	v10 =	vadd.f32 v14, v10;
	v11 =	vmul.f32 v14, v14;
	v14 =	vld [tilespmem:s7+$0x50]  }
0x129: {  	v8 =	vadd.f32 v12, v8;
	v12 =	vmul.f32 v18, v18;
	v7 =	vadd.f32 v16, v7;
	v18 =	vld [tilespmem:s7+$0x60]  }
0x12a: {  	v9 =	vadd.f32 v11, v9;
	v10 =	vadd.f32 v13, v10;
	v11 =	vmul.f32 v13, v13;
	v13 =	vld [tilespmem:s7+$0x70]  }
0x12b: {  	v8 =	vadd.f32 v12, v8;
	v12 =	vmul.f32 v16, v16;
	v7 =	vadd.f32 v15, v7;
	v16 =	vld [tilespmem:s7+$0x80]  }
0x12c: {  	v9 =	vadd.f32 v11, v9;
	v10 =	vadd.f32 v17, v10;
	v11 =	vmul.f32 v17, v17;
	v17 =	vld [tilespmem:s7+$0x90]  }
0x12d: {  	v8 =	vadd.f32 v12, v8;
	v12 =	vmul.f32 v15, v15;
	v7 =	vadd.f32 v14, v7;
	v15 =	vld [tilespmem:s7+$0xA0]  }
0x12e: {  	v9 =	vadd.f32 v11, v9;
	v10 =	vadd.f32 v18, v10;
	v11 =	vmul.f32 v18, v18;
	v18 =	vld [tilespmem:s7+$0xB0]  }
0x12f: {  	v8 =	vadd.f32 v12, v8;
	v12 =	vmul.f32 v14, v14;
	v7 =	vadd.f32 v13, v7;
	v14 =	vld [tilespmem:s7+$0xC0]  }
0x130: {  	v9 =	vadd.f32 v11, v9;
	v10 =	vadd.f32 v16, v10;
	v11 =	vmul.f32 v16, v16;
	v16 =	vld [tilespmem:s7+$0xD0]  }
0x131: {  	v8 =	vadd.f32 v12, v8;
	v12 =	vmul.f32 v13, v13;
	v7 =	vadd.f32 v17, v7;
	v13 =	vld [tilespmem:s7+$0xE0]  }
0x132: {  	v9 =	vadd.f32 v11, v9;
	v10 =	vadd.f32 v15, v10;
	v11 =	vmul.f32 v15, v15;
	v15 =	vld [tilespmem:s7+$0xF0]  }
0x133: {  	v8 =	vadd.f32 v12, v8;
	v12 =	vmul.f32 v17, v17;
	v7 =	vadd.f32 v18, v7;
	v17 =	vld [tilespmem:s7+$0x100]  }
0x134: {  	v9 =	vadd.f32 v11, v9;
	v10 =	vadd.f32 v14, v10;
	v11 =	vmul.f32 v14, v14;
	v14 =	vld [tilespmem:s7+$0x110]  }
0x135: {  	v8 =	vadd.f32 v12, v8;
	v12 =	vmul.f32 v18, v18;
	v7 =	vadd.f32 v16, v7;
	v18 =	vld [tilespmem:s7+$0x120]  }
0x136: {  	v9 =	vadd.f32 v11, v9;
	v10 =	vadd.f32 v13, v10;
	v11 =	vmul.f32 v13, v13;
	v13 =	vld [tilespmem:s7+$0x130]  }
0x137: {  	v8 =	vadd.f32 v12, v8;
	v12 =	vmul.f32 v16, v16;
	v7 =	vadd.f32 v15, v7;
	v16 =	vld [tilespmem:s7+$0x140]  }
0x138: {  	v9 =	vadd.f32 v11, v9;
	v10 =	vadd.f32 v17, v10;
	v11 =	vmul.f32 v17, v17;
	v17 =	vld [tilespmem:s7+$0x150]  }
0x139: {  	v8 =	vadd.f32 v12, v8;
	v12 =	vmul.f32 v15, v15;
	v7 =	vadd.f32 v14, v7;
	v15 =	vld [tilespmem:s7+$0x160]  }
0x13a: {  	v9 =	vadd.f32 v11, v9;
	v10 =	vadd.f32 v18, v10;
	v11 =	vmul.f32 v18, v18;
	v18 =	vld [tilespmem:s7+$0x170]  }
0x13b: {  	v8 =	vadd.f32 v12, v8;
	v12 =	vmul.f32 v14, v14;
	v7 =	vadd.f32 v13, v7;
	v14 =	vld [tilespmem:s7+$0x180]  }
0x13c: {  	v9 =	vadd.f32 v11, v9;
	v10 =	vadd.f32 v16, v10;
	v11 =	vmul.f32 v16, v16;
	v16 =	vld [tilespmem:s7+$0x190]  }
0x13d: {  	v8 =	vadd.f32 v12, v8;
	v12 =	vmul.f32 v13, v13;
	v7 =	vadd.f32 v17, v7;
	v13 =	vld [tilespmem:s7+$0x1A0]  }
0x13e: {  	v9 =	vadd.f32 v11, v9;
	v10 =	vadd.f32 v15, v10;
	v11 =	vmul.f32 v15, v15;
	v15 =	vld [tilespmem:s7+$0x1B0]  }
0x13f: {  	v8 =	vadd.f32 v12, v8;
	v12 =	vmul.f32 v17, v17;
	v7 =	vadd.f32 v18, v7;
	v17 =	vld [tilespmem:s7+$0x1C0]  }
0x140: {  	v9 =	vadd.f32 v11, v9;
	v10 =	vadd.f32 v14, v10;
	v11 =	vmul.f32 v14, v14;
	v14 =	vld [tilespmem:s7+$0x1D0]  }
0x141: {  	v8 =	vadd.f32 v12, v8;
	v12 =	vmul.f32 v18, v18;
	v7 =	vadd.f32 v16, v7;
	v18 =	vld [tilespmem:s7+$0x1E0]  }
0x142: {  	v9 =	vadd.f32 v11, v9;
	v10 =	vadd.f32 v13, v10;
	v11 =	vmul.f32 v13, v13;
	v13 =	vld [tilespmem:s7+$0x1F0]  }
0x143: {  	v8 =	vadd.f32 v12, v8;
	v12 =	vmul.f32 v16, v16;
	v7 =	vadd.f32 v15, v7;
	v16 =	vld [tilespmem:s7+$0x200]  }
0x144: {  	v9 =	vadd.f32 v11, v9;
	v10 =	vadd.f32 v17, v10;
	v11 =	vmul.f32 v17, v17;
	v17 =	vld [tilespmem:s7+$0x210]  }
0x145: {  	v8 =	vadd.f32 v12, v8;
	v12 =	vmul.f32 v15, v15;
	v7 =	vadd.f32 v14, v7;
	v15 =	vld [tilespmem:s7+$0x220]  }
0x146: {  	v9 =	vadd.f32 v11, v9;
	v10 =	vadd.f32 v18, v10;
	v11 =	vmul.f32 v18, v18;
	v18 =	vld [tilespmem:s7+$0x230]  }
0x147: {  	v8 =	vadd.f32 v12, v8;
	v12 =	vmul.f32 v14, v14;
	v7 =	vadd.f32 v13, v7;
	v14 =	vld [tilespmem:s7+$0x240]  }
0x148: {  	v9 =	vadd.f32 v11, v9;
	v10 =	vadd.f32 v16, v10;
	v11 =	vmul.f32 v16, v16;
	v16 =	vld [tilespmem:s7+$0x250]  }
0x149: {  	v8 =	vadd.f32 v12, v8;
	v12 =	vmul.f32 v13, v13;
	v7 =	vadd.f32 v17, v7;
	v13 =	vld [tilespmem:s7+$0x260]  }
0x14a: {  	v9 =	vadd.f32 v11, v9;
	v10 =	vadd.f32 v15, v10;
	v11 =	vmul.f32 v15, v15;
	v15 =	vld [tilespmem:s7+$0x270]  }
0x14b: {  	v8 =	vadd.f32 v12, v8;
	v12 =	vmul.f32 v17, v17;
	v7 =	vadd.f32 v18, v7;
	v17 =	vld [tilespmem:s7+$0x280]  }
0x14c: {  	v9 =	vadd.f32 v11, v9;
	v10 =	vadd.f32 v14, v10;
	v11 =	vmul.f32 v14, v14;
	v14 =	vld [tilespmem:s7+$0x290]  }
0x14d: {  	v8 =	vadd.f32 v12, v8;
	v12 =	vmul.f32 v18, v18;
	v7 =	vadd.f32 v16, v7;
	v18 =	vld [tilespmem:s7+$0x2A0]  }
0x14e: {  	v9 =	vadd.f32 v11, v9;
	v10 =	vadd.f32 v13, v10;
	v11 =	vmul.f32 v13, v13;
	v13 =	vld [tilespmem:s7+$0x2B0]  }
0x14f: {  	v8 =	vadd.f32 v12, v8;
	v12 =	vmul.f32 v16, v16;
	v7 =	vadd.f32 v15, v7;
	v16 =	vld [tilespmem:s7+$0x2C0]  }
0x150: {  	v9 =	vadd.f32 v11, v9;
	v10 =	vadd.f32 v17, v10;
	v11 =	vmul.f32 v17, v17;
	v17 =	vld [tilespmem:s7+$0x2D0]  }
0x151: {  	v8 =	vadd.f32 v12, v8;
	v12 =	vmul.f32 v15, v15;
	v7 =	vadd.f32 v14, v7;
	v15 =	vld [tilespmem:s7+$0x2E0]  }
0x152: {  	v9 =	vadd.f32 v11, v9;
	v10 =	vadd.f32 v18, v10;
	v11 =	vmul.f32 v18, v18;
	v18 =	vld [tilespmem:s7+$0x2F0]  }
0x153: {  	v8 =	vadd.f32 v12, v8;
	v12 =	vmul.f32 v14, v14;
	v7 =	vadd.f32 v13, v7;
	v14 =	vld [tilespmem:s7+$0x300]  }
0x154: {  	v9 =	vadd.f32 v11, v9;
	v10 =	vadd.f32 v16, v10;
	v11 =	vmul.f32 v16, v16;
	v16 =	vld [tilespmem:s7+$0x310]  }
0x155: {  	v8 =	vadd.f32 v12, v8;
	v12 =	vmul.f32 v13, v13;
	v7 =	vadd.f32 v17, v7;
	v13 =	vld [tilespmem:s7+$0x320]  }
0x156: {  	v9 =	vadd.f32 v11, v9;
	v10 =	vadd.f32 v15, v10;
	v11 =	vmul.f32 v15, v15;
	v15 =	vld [tilespmem:s7+$0x330]  }
0x157: {  	v8 =	vadd.f32 v12, v8;
	v12 =	vmul.f32 v17, v17;
	v7 =	vadd.f32 v18, v7;
	v17 =	vld [tilespmem:s7+$0x340]  }
0x158: {  	v9 =	vadd.f32 v11, v9;
	v10 =	vadd.f32 v14, v10;
	v11 =	vmul.f32 v14, v14;
	v14 =	vld [tilespmem:s7+$0x350]  }
0x159: {  	v8 =	vadd.f32 v12, v8;
	v12 =	vmul.f32 v18, v18;
	v7 =	vadd.f32 v16, v7;
	v18 =	vld [tilespmem:s7+$0x360]  }
0x15a: {  	v9 =	vadd.f32 v11, v9;
	v10 =	vadd.f32 v13, v10;
	v11 =	vmul.f32 v13, v13;
	v13 =	vld [tilespmem:s7+$0x370]  }
0x15b: {  	v8 =	vadd.f32 v12, v8;
	v12 =	vmul.f32 v16, v16;
	v7 =	vadd.f32 v15, v7;
	v16 =	vld [tilespmem:s7+$0x380]  }
0x15c: {  	v9 =	vadd.f32 v11, v9;
	v10 =	vadd.f32 v17, v10;
	v11 =	vmul.f32 v17, v17;
	v17 =	vld [tilespmem:s7+$0x3A0];
	s7 =	sadd.s32 $0x780, s7  }
0x15d: {  	v8 =	vadd.f32 v12, v8;
	v12 =	vmul.f32 v15, v15;
	v19 =	vld [tilespmem:s7+$0xFFFFFC70];
	v15 =	vadd.f32 v14, v7  }
0x15e: {  	s8 =	sadd.s32 $0x3C, s8;
	v20 =	vld [tilespmem:s7+$0xFFFFFC50];
	v9 =	vadd.f32 v11, v9;
	v10 =	vadd.f32 v18, v10;
	v11 =	vmul.f32 v18, v18  }
0x15f: {  	s9 =	sadd.s32 $0x10, s8;
	v8 =	vadd.f32 v12, v8;
	v12 =	vmul.f32 v14, v14;
	v7 =	vld [tilespmem:s7+$0xFFFFFCB0];
	v14 =	vadd.f32 v13, v15  }
0x160: {  	s19 =	sand.u32 $0x4, s8;
	s9 =	sand.u32 $0x7F8, s9;
	v15 =	vld [tilespmem:s7+$0xFFFFFC40];
	v9 =	vadd.f32 v11, v9;
	v10 =	vadd.f32 v16, v10;
	v11 =	vmul.f32 v16, v16  }
0x161: {  	s9 =	sor.u32 s19, s9;
	v8 =	vadd.f32 v12, v8;
	v12 =	vmul.f32 v13, v13;
	v16 =	vld [tilespmem:s7+$0xFFFFFC60];
	v13 =	vadd.f32 v4, v14  }
0x162: {  	s10 =	sadd.s32 $0x20, s8;
	v9 =	vadd.f32 v11, v9;
	v10 =	vadd.f32 v17, v10;
	v11 =	vmul.f32 v17, v17;
	v14 =	vld [tilespmem:s9+$0x16800]  }
0x163: {  	s10 =	sand.u32 $0x7F8, s10;
	v18 =	vmul.f32 v19, v19;
	s9 =	sadd.s32 $0x30, s8;
	v12 =	vadd.f32 v12, v8;
	v17 =	vmul.f32 v20, v20;
	v4 =	vld [tilespmem:s7+$0xFFFFFC90]  }
0x164: {  	s10 =	sor.u32 s19, s10;
	v2 =	vadd.f32 v2, v13;
	s9 =	sand.u32 $0x7F8, s9;
	v8 =	vld [tilespmem:s7+$0xFFFFFC80];
	v9 =	vadd.f32 v11, v9;
	v10 =	vmul.f32 v10, v10  }
0x165: {  	v11 =	vadd.f32 $0.0e+00, v20;
	s9 =	sor.u32 s19, s9;
	v21 =	vadd.f32 $0.0e+00, v15;
	v13 =	vmul.f32 v15, v15;
	v15 =	vld [tilespmem:s10+$0x16800]  }
0x166: {  	v12 =	vadd.f32 v5, v12;
	v20 =	vld [tilespmem:s9+$0x16800];
	v9 =	vsub.f32 v10, v9;
	v10 =	vmul.f32 v2, v2  }
.Ltmp0:
0x167: {  	v17 =	vadd.f32 v18, v17;
	v22 =	vmul.f32 v16, v16;
	v14 =	vadd.f32 v14, v6;
	(pc) =	sbr.rel @p0 .LBB2_3-.Ltmp0, $4  }
0x168: {  	v2 =	vmul.f32 v7, v7;
	v12 =	vadd.f32 v3, v12;
	v5 =	vld [tilespmem:s7+$0xFFFFFCA0];
	v9 =	vadd.f32 v10, v9  }
0x169: {  	v11 =	vadd.f32 v19, v11;
	v6 =	vadd.f32 v22, v13;
	v18 =	vmul.f32 v4, v4  }
0x16a: {  	v10 =	vmul.f32 v8, v8;
	v3 =	vld [tilespmem:s7+$0xFFFFFCD0];
	v13 =	vadd.f32 v15, v14;
	v14 =	vsub.f32 v9, v12  }
0x16b: {  	s4 =	sadd.s32 $0x1, s4;
	v15 =	vadd.f32 v16, v21;
	v12 =	vadd.f32 v18, v17;
	v9 =	vld [tilespmem:s7+$0xFFFFFCC0];
	v16 =	vnsel vm0, $0x0, v20  }
0x16c: {  	v4 =	vadd.f32 v4, v11  }
0x16d: {  	v11 =	vadd.f32 v16, v13;
	v13 =	vmul.f32 $5.000000000e-01, v14;
	v6 =	vadd.f32 v10, v6  }
0x16e: {  	v14 =	vld [tilespmem:s7+$0xFFFFFCF0];
	v8 =	vadd.f32 v8, v15;
	v10 =	vmul.f32 v5, v5;
	v12 =	vadd.f32 v2, v12  }
0x16f: {  	v15 =	vld [tilespmem:s7+$0xFFFFFCE0];
	v2 =	vadd.f32 v11, v13;
	v4 =	vadd.f32 v7, v4  }
0x170: {  	v7 =	vmul.f32 v3, v3;
	v6 =	vadd.f32 v10, v6;
	v5 =	vadd.f32 v5, v8  }
0x171: {  	v10 =	vld [tilespmem:s7+$0xFFFFFD10];
	v8 =	vmul.f32 v9, v9;
	(v2sf) =	vpush v2, $0x0;
	v3 =	vadd.f32 v3, v4  }
0x172: {  	v11 =	vld [tilespmem:s7+$0xFFFFFD00];
	v7 =	vadd.f32 v7, v12;
	(v2sf) =	vpush v2, $0x1  }
0x173: {  	v5 =	vadd.f32 v9, v5;
	v4 =	vadd.f32 v8, v6;
	v8 =	vld [tilespmem:s7+$0xFFFFFD30]  }
0x174: {  	v12 =	vld [tilespmem:s7+$0xFFFFFD20];
	v6 =	vmul.f32 v14, v14;
	v9 =	vmul.f32 v15, v15;
	(v2sf) =	vpush v2, $0x2  }
0x175: {  	v3 =	vadd.f32 v14, v3;
	v5 =	vadd.f32 v15, v5  }
0x176: {  	v6 =	vadd.f32 v6, v7;
	v7 =	vmul.f32 v10, v10;
	v4 =	vadd.f32 v9, v4;
	v9 =	vld [tilespmem:s7+$0xFFFFFD40]  }
0x177: {  	v13 =	vld [tilespmem:s7+$0xFFFFFD50];
	(v2sf) =	vpush v2, $0x3;
	v14 =	vmul.f32 v11, v11;
	v5 =	vadd.f32 v11, v5  }
0x178: {  	v3 =	vadd.f32 v10, v3;
	v10 =	vld [tilespmem:s7+$0xFFFFFD60];
	v6 =	vadd.f32 v7, v6;
	v7 =	vmul.f32 v8, v8  }
0x179: {  	v11 =	vld [tilespmem:s7+$0xFFFFFD70];
	v4 =	vadd.f32 v14, v4;
	v14 =	vmul.f32 v12, v12;
	v5 =	vadd.f32 v12, v5  }
0x17a: {  	v3 =	vadd.f32 v8, v3;
	v6 =	vadd.f32 v7, v6;
	v7 =	vld [tilespmem:s7+$0xFFFFFD80]  }
0x17b: {  	v8 =	vld [tilespmem:s7+$0xFFFFFD90];
	v4 =	vadd.f32 v14, v4;
	v12 =	vmul.f32 v9, v9;
	v5 =	vadd.f32 v9, v5  }
0x17c: {  	(v2sf) =	vpush v2, $0x4;
	v3 =	vadd.f32 v13, v3;
	v9 =	vld [tilespmem:s7+$0xFFFFFDA0]  }
0x17d: {  	v14 =	vmul.f32 v10, v10;
	v4 =	vadd.f32 v12, v4;
	v12 =	vld [tilespmem:s7+$0xFFFFFDB0];
	v5 =	vadd.f32 v10, v5  }
0x17e: {  	(v2sf) =	vpush v2, $0x5;
	v10 =	vmul.f32 v13, v13;
	v3 =	vadd.f32 v11, v3;
	v13 =	vld [tilespmem:s7+$0xFFFFFDC0]  }
0x17f: {  	v15 =	vld [tilespmem:s7+$0xFFFFFDD0];
	v4 =	vadd.f32 v14, v4;
	v14 =	vmul.f32 v7, v7;
	v5 =	vadd.f32 v7, v5  }
0x180: {  	v6 =	vadd.f32 v10, v6;
	v3 =	vadd.f32 v8, v3;
	v10 =	vld [tilespmem:s7+$0xFFFFFDE0];
	v7 =	vmul.f32 v11, v11  }
0x181: {  	v11 =	vmul.f32 v9, v9;
	v4 =	vadd.f32 v14, v4;
	v14 =	vld [tilespmem:s7+$0xFFFFFDF0];
	v5 =	vadd.f32 v9, v5  }
0x182: {  	v6 =	vadd.f32 v7, v6;
	v7 =	vmul.f32 v8, v8;
	v3 =	vadd.f32 v12, v3;
	v8 =	vld [tilespmem:s7+$0xFFFFFE00]  }
0x183: {  	v9 =	vmul.f32 v13, v13;
	v4 =	vadd.f32 v11, v4;
	v5 =	vadd.f32 v13, v5;
	v11 =	vld [tilespmem:s7+$0xFFFFFE10]  }
0x184: {  	v6 =	vadd.f32 v7, v6;
	v7 =	vmul.f32 v12, v12;
	v3 =	vadd.f32 v15, v3;
	v12 =	vld [tilespmem:s7+$0xFFFFFE20]  }
0x185: {  	v4 =	vadd.f32 v9, v4;
	v9 =	vmul.f32 v10, v10;
	v5 =	vadd.f32 v10, v5;
	v10 =	vld [tilespmem:s7+$0xFFFFFE30]  }
0x186: {  	v13 =	vmul.f32 v15, v15;
	v6 =	vadd.f32 v7, v6;
	v7 =	vld [tilespmem:s7+$0xFFFFFE40];
	v3 =	vadd.f32 v14, v3  }
0x187: {  	v4 =	vadd.f32 v9, v4;
	v9 =	vmul.f32 v8, v8;
	v5 =	vadd.f32 v8, v5;
	v8 =	vld [tilespmem:s7+$0xFFFFFE50]  }
0x188: {  	v6 =	vadd.f32 v13, v6;
	v13 =	vmul.f32 v14, v14;
	v14 =	vld [tilespmem:s7+$0xFFFFFE60];
	v3 =	vadd.f32 v11, v3  }
0x189: {  	v4 =	vadd.f32 v9, v4;
	v5 =	vadd.f32 v12, v5;
	v9 =	vmul.f32 v12, v12;
	v12 =	vld [tilespmem:s7+$0xFFFFFE70]  }
0x18a: {  	v11 =	vmul.f32 v11, v11;
	v6 =	vadd.f32 v13, v6;
	v13 =	vld [tilespmem:s7+$0xFFFFFE80];
	v3 =	vadd.f32 v10, v3  }
0x18b: {  	v4 =	vadd.f32 v9, v4;
	v5 =	vadd.f32 v7, v5;
	v7 =	vmul.f32 v7, v7;
	v9 =	vld [tilespmem:s7+$0xFFFFFE90]  }
0x18c: {  	v10 =	vmul.f32 v10, v10;
	v6 =	vadd.f32 v11, v6;
	v11 =	vld [tilespmem:s7+$0xFFFFFEA0];
	v3 =	vadd.f32 v8, v3  }
0x18d: {  	v4 =	vadd.f32 v7, v4;
	v5 =	vadd.f32 v14, v5;
	v7 =	vmul.f32 v14, v14;
	v14 =	vld [tilespmem:s7+$0xFFFFFEB0]  }
0x18e: {  	v8 =	vmul.f32 v8, v8;
	v6 =	vadd.f32 v10, v6;
	v10 =	vld [tilespmem:s7+$0xFFFFFEC0];
	v3 =	vadd.f32 v12, v3  }
0x18f: {  	v4 =	vadd.f32 v7, v4;
	v5 =	vadd.f32 v13, v5;
	v7 =	vmul.f32 v13, v13;
	v13 =	vld [tilespmem:s7+$0xFFFFFED0]  }
0x190: {  	v6 =	vadd.f32 v8, v6;
	v8 =	vmul.f32 v12, v12;
	v12 =	vld [tilespmem:s7+$0xFFFFFEE0];
	v3 =	vadd.f32 v9, v3  }
0x191: {  	v4 =	vadd.f32 v7, v4;
	v5 =	vadd.f32 v11, v5;
	v7 =	vmul.f32 v11, v11;
	v11 =	vld [tilespmem:s7+$0xFFFFFEF0]  }
0x192: {  	v6 =	vadd.f32 v8, v6;
	v8 =	vmul.f32 v9, v9;
	v9 =	vld [tilespmem:s7+$0xFFFFFF00];
	v3 =	vadd.f32 v14, v3  }
0x193: {  	v15 =	vld [tilespmem:s7+$0xFFFFFF10];
	v4 =	vadd.f32 v7, v4;
	v5 =	vadd.f32 v10, v5;
	v7 =	vmul.f32 v10, v10  }
0x194: {  	v6 =	vadd.f32 v8, v6;
	v8 =	vmul.f32 v14, v14;
	v10 =	vld [tilespmem:s7+$0xFFFFFF20];
	v3 =	vadd.f32 v13, v3  }
0x195: {  	v14 =	vld [tilespmem:s7+$0xFFFFFF30];
	v4 =	vadd.f32 v7, v4;
	v5 =	vadd.f32 v12, v5;
	v7 =	vmul.f32 v12, v12  }
0x196: {  	v12 =	vld [tilespmem:s7+$0xFFFFFF40];
	v6 =	vadd.f32 v8, v6;
	v8 =	vmul.f32 v13, v13;
	v3 =	vadd.f32 v11, v3  }
0x197: {  	v4 =	vadd.f32 v7, v4;
	v5 =	vadd.f32 v9, v5;
	v7 =	vmul.f32 v9, v9;
	v9 =	vld [tilespmem:s7+$0xFFFFFF50]  }
0x198: {  	v6 =	vadd.f32 v8, v6;
	v8 =	vmul.f32 v11, v11;
	v11 =	vld [tilespmem:s7+$0xFFFFFF60];
	v3 =	vadd.f32 v15, v3  }
0x199: {  	v4 =	vadd.f32 v7, v4;
	v5 =	vadd.f32 v10, v5;
	v7 =	vmul.f32 v10, v10;
	v10 =	vld [tilespmem:s7+$0xFFFFFF70]  }
0x19a: {  	v13 =	vmul.f32 v15, v15;
	v6 =	vadd.f32 v8, v6;
	v8 =	vld [tilespmem:s7+$0xFFFFFF80];
	v3 =	vadd.f32 v14, v3  }
0x19b: {  	v15 =	vmul.f32 v12, v12;
	v4 =	vadd.f32 v7, v4;
	v5 =	vadd.f32 v12, v5;
	v7 =	vld [tilespmem:s7+$0xFFFFFF90]  }
0x19c: {  	v6 =	vadd.f32 v13, v6;
	v12 =	vmul.f32 v14, v14;
	v13 =	vld [tilespmem:s7+$0xFFFFFFA0];
	v3 =	vadd.f32 v9, v3  }
0x19d: {  	v14 =	vld [tilespmem:s7+$0xFFFFFFB0];
	v4 =	vadd.f32 v15, v4;
	v5 =	vadd.f32 v11, v5;
	v11 =	vmul.f32 v11, v11  }
0x19e: {  	v9 =	vmul.f32 v9, v9;
	v6 =	vadd.f32 v12, v6;
	v12 =	vld [tilespmem:s7+$0xFFFFFFC0];
	v3 =	vadd.f32 v10, v3  }
0x19f: {  	v4 =	vadd.f32 v11, v4;
	v5 =	vadd.f32 v8, v5;
	v8 =	vmul.f32 v8, v8;
	v11 =	vld [tilespmem:s7+$0xFFFFFFD0]  }
0x1a0: {  	v6 =	vadd.f32 v9, v6;
	v9 =	vmul.f32 v10, v10;
	v10 =	vld [tilespmem:s7+$0xFFFFFFE0];
	v3 =	vadd.f32 v7, v3  }
0x1a1: {  	v4 =	vadd.f32 v8, v4;
	v5 =	vadd.f32 v13, v5;
	v8 =	vmul.f32 v13, v13;
	v13 =	vld [tilespmem:s7+$0xFFFFFFF0]  }
0x1a2: {  	v7 =	vmul.f32 v7, v7;
	v6 =	vadd.f32 v9, v6;
	v9 =	vld [tilespmem:s7+$0x0];
	v3 =	vadd.f32 v14, v3  }
0x1a3: {  	v4 =	vadd.f32 v8, v4;
	v5 =	vadd.f32 v12, v5;
	v8 =	vmul.f32 v12, v12;
	v12 =	vld [tilespmem:s7+$0x10]  }
0x1a4: {  	v6 =	vadd.f32 v7, v6;
	v7 =	vmul.f32 v14, v14;
	v14 =	vld [tilespmem:s7+$0x20];
	v3 =	vadd.f32 v11, v3  }
0x1a5: {  	v4 =	vadd.f32 v8, v4;
	v5 =	vadd.f32 v10, v5;
	v8 =	vmul.f32 v10, v10;
	v10 =	vld [tilespmem:s7+$0x30]  }
0x1a6: {  	v6 =	vadd.f32 v7, v6;
	v7 =	vmul.f32 v11, v11;
	v11 =	vld [tilespmem:s7+$0x40];
	v3 =	vadd.f32 v13, v3  }
0x1a7: {  	v4 =	vadd.f32 v8, v4;
	v5 =	vadd.f32 v9, v5;
	v8 =	vmul.f32 v9, v9;
	v9 =	vld [tilespmem:s7+$0x50]  }
0x1a8: {  	v6 =	vadd.f32 v7, v6;
	v7 =	vmul.f32 v13, v13;
	v13 =	vld [tilespmem:s7+$0x60];
	v3 =	vadd.f32 v12, v3  }
0x1a9: {  	v4 =	vadd.f32 v8, v4;
	v5 =	vadd.f32 v14, v5;
	v8 =	vmul.f32 v14, v14;
	v14 =	vld [tilespmem:s7+$0x70]  }
0x1aa: {  	v6 =	vadd.f32 v7, v6;
	v7 =	vmul.f32 v12, v12;
	v12 =	vld [tilespmem:s7+$0x80];
	v3 =	vadd.f32 v10, v3  }
0x1ab: {  	v4 =	vadd.f32 v8, v4;
	v5 =	vadd.f32 v11, v5;
	v8 =	vmul.f32 v11, v11;
	v11 =	vld [tilespmem:s7+$0x90]  }
0x1ac: {  	v6 =	vadd.f32 v7, v6;
	v7 =	vmul.f32 v10, v10;
	v10 =	vld [tilespmem:s7+$0xA0];
	v3 =	vadd.f32 v9, v3  }
0x1ad: {  	v4 =	vadd.f32 v8, v4;
	v5 =	vadd.f32 v13, v5;
	v8 =	vmul.f32 v13, v13;
	v13 =	vld [tilespmem:s7+$0xB0]  }
0x1ae: {  	v6 =	vadd.f32 v7, v6;
	v7 =	vmul.f32 v9, v9;
	v9 =	vld [tilespmem:s7+$0xC0];
	v3 =	vadd.f32 v14, v3  }
0x1af: {  	v4 =	vadd.f32 v8, v4;
	v5 =	vadd.f32 v12, v5;
	v8 =	vmul.f32 v12, v12;
	v12 =	vld [tilespmem:s7+$0xD0]  }
0x1b0: {  	v6 =	vadd.f32 v7, v6;
	v7 =	vmul.f32 v14, v14;
	v14 =	vld [tilespmem:s7+$0xE0];
	v3 =	vadd.f32 v11, v3  }
0x1b1: {  	v4 =	vadd.f32 v8, v4;
	v5 =	vadd.f32 v10, v5;
	v8 =	vmul.f32 v10, v10;
	v10 =	vld [tilespmem:s7+$0xF0]  }
0x1b2: {  	v6 =	vadd.f32 v7, v6;
	v7 =	vmul.f32 v11, v11;
	v11 =	vld [tilespmem:s7+$0x100];
	v3 =	vadd.f32 v13, v3  }
0x1b3: {  	v4 =	vadd.f32 v8, v4;
	v5 =	vadd.f32 v9, v5;
	v8 =	vmul.f32 v9, v9;
	v9 =	vld [tilespmem:s7+$0x110]  }
0x1b4: {  	v6 =	vadd.f32 v7, v6;
	v7 =	vmul.f32 v13, v13;
	v13 =	vld [tilespmem:s7+$0x120];
	v3 =	vadd.f32 v12, v3  }
0x1b5: {  	v4 =	vadd.f32 v8, v4;
	v5 =	vadd.f32 v14, v5;
	v8 =	vmul.f32 v14, v14;
	v14 =	vld [tilespmem:s7+$0x130]  }
0x1b6: {  	v6 =	vadd.f32 v7, v6;
	v7 =	vmul.f32 v12, v12;
	v12 =	vld [tilespmem:s7+$0x140];
	v3 =	vadd.f32 v10, v3  }
0x1b7: {  	v4 =	vadd.f32 v8, v4;
	v5 =	vadd.f32 v11, v5;
	v8 =	vmul.f32 v11, v11;
	v11 =	vld [tilespmem:s7+$0x150]  }
0x1b8: {  	v6 =	vadd.f32 v7, v6;
	v7 =	vmul.f32 v10, v10;
	v10 =	vld [tilespmem:s7+$0x160];
	v3 =	vadd.f32 v9, v3  }
0x1b9: {  	v4 =	vadd.f32 v8, v4;
	v5 =	vadd.f32 v13, v5;
	v8 =	vmul.f32 v13, v13;
	v13 =	vld [tilespmem:s7+$0x170]  }
0x1ba: {  	v6 =	vadd.f32 v7, v6;
	v7 =	vmul.f32 v9, v9;
	v9 =	vld [tilespmem:s7+$0x180];
	v3 =	vadd.f32 v14, v3  }
0x1bb: {  	v4 =	vadd.f32 v8, v4;
	v5 =	vadd.f32 v12, v5;
	v8 =	vmul.f32 v12, v12;
	v12 =	vld [tilespmem:s7+$0x190]  }
0x1bc: {  	v6 =	vadd.f32 v7, v6;
	v7 =	vmul.f32 v14, v14;
	v14 =	vld [tilespmem:s7+$0x1A0];
	v3 =	vadd.f32 v11, v3  }
0x1bd: {  	v4 =	vadd.f32 v8, v4;
	v5 =	vadd.f32 v10, v5;
	v8 =	vmul.f32 v10, v10;
	v10 =	vld [tilespmem:s7+$0x1B0]  }
0x1be: {  	v6 =	vadd.f32 v7, v6;
	v7 =	vmul.f32 v11, v11;
	v11 =	vld [tilespmem:s7+$0x1C0];
	v3 =	vadd.f32 v13, v3  }
0x1bf: {  	v4 =	vadd.f32 v8, v4;
	v5 =	vadd.f32 v9, v5;
	v8 =	vmul.f32 v9, v9;
	v9 =	vld [tilespmem:s7+$0x1D0]  }
0x1c0: {  	v6 =	vadd.f32 v7, v6;
	v7 =	vmul.f32 v13, v13;
	v13 =	vld [tilespmem:s7+$0x1E0];
	v3 =	vadd.f32 v12, v3  }
0x1c1: {  	v4 =	vadd.f32 v8, v4;
	v5 =	vadd.f32 v14, v5;
	v8 =	vmul.f32 v14, v14;
	v14 =	vld [tilespmem:s7+$0x1F0]  }
0x1c2: {  	v6 =	vadd.f32 v7, v6;
	v7 =	vmul.f32 v12, v12;
	v12 =	vld [tilespmem:s7+$0x200];
	v3 =	vadd.f32 v10, v3  }
0x1c3: {  	v4 =	vadd.f32 v8, v4;
	v5 =	vadd.f32 v11, v5;
	v8 =	vmul.f32 v11, v11;
	v11 =	vld [tilespmem:s7+$0x210]  }
0x1c4: {  	v6 =	vadd.f32 v7, v6;
	v7 =	vmul.f32 v10, v10;
	v10 =	vld [tilespmem:s7+$0x220];
	v3 =	vadd.f32 v9, v3  }
0x1c5: {  	v4 =	vadd.f32 v8, v4;
	v5 =	vadd.f32 v13, v5;
	v8 =	vmul.f32 v13, v13;
	v13 =	vld [tilespmem:s7+$0x230]  }
0x1c6: {  	v6 =	vadd.f32 v7, v6;
	v7 =	vmul.f32 v9, v9;
	v9 =	vld [tilespmem:s7+$0x240];
	v3 =	vadd.f32 v14, v3  }
0x1c7: {  	v4 =	vadd.f32 v8, v4;
	v5 =	vadd.f32 v12, v5;
	v8 =	vmul.f32 v12, v12;
	v12 =	vld [tilespmem:s7+$0x250]  }
0x1c8: {  	v6 =	vadd.f32 v7, v6;
	v7 =	vmul.f32 v14, v14;
	v14 =	vld [tilespmem:s7+$0x260];
	v3 =	vadd.f32 v11, v3  }
0x1c9: {  	v4 =	vadd.f32 v8, v4;
	v5 =	vadd.f32 v10, v5;
	v8 =	vmul.f32 v10, v10;
	v10 =	vld [tilespmem:s7+$0x270]  }
0x1ca: {  	v6 =	vadd.f32 v7, v6;
	v7 =	vmul.f32 v11, v11;
	v11 =	vld [tilespmem:s7+$0x280];
	v3 =	vadd.f32 v13, v3  }
0x1cb: {  	v4 =	vadd.f32 v8, v4;
	v5 =	vadd.f32 v9, v5;
	v8 =	vmul.f32 v9, v9;
	v9 =	vld [tilespmem:s7+$0x290]  }
0x1cc: {  	v6 =	vadd.f32 v7, v6;
	v7 =	vmul.f32 v13, v13;
	v13 =	vld [tilespmem:s7+$0x2A0];
	v3 =	vadd.f32 v12, v3  }
0x1cd: {  	v4 =	vadd.f32 v8, v4;
	v5 =	vadd.f32 v14, v5;
	v8 =	vmul.f32 v14, v14;
	v14 =	vld [tilespmem:s7+$0x2B0]  }
0x1ce: {  	v6 =	vadd.f32 v7, v6;
	v7 =	vmul.f32 v12, v12;
	v12 =	vld [tilespmem:s7+$0x2C0];
	v3 =	vadd.f32 v10, v3  }
0x1cf: {  	v4 =	vadd.f32 v8, v4;
	v5 =	vadd.f32 v11, v5;
	v8 =	vmul.f32 v11, v11;
	v11 =	vld [tilespmem:s7+$0x2D0]  }
0x1d0: {  	v6 =	vadd.f32 v7, v6;
	v7 =	vmul.f32 v10, v10;
	v10 =	vld [tilespmem:s7+$0x2E0];
	v3 =	vadd.f32 v9, v3  }
0x1d1: {  	v4 =	vadd.f32 v8, v4;
	v5 =	vadd.f32 v13, v5;
	v8 =	vmul.f32 v13, v13;
	v13 =	vld [tilespmem:s7+$0x2F0]  }
0x1d2: {  	v6 =	vadd.f32 v7, v6;
	v7 =	vmul.f32 v9, v9;
	v9 =	vld [tilespmem:s7+$0x300];
	v3 =	vadd.f32 v14, v3  }
0x1d3: {  	v4 =	vadd.f32 v8, v4;
	v5 =	vadd.f32 v12, v5;
	v8 =	vmul.f32 v12, v12;
	v12 =	vld [tilespmem:s7+$0x310]  }
0x1d4: {  	v6 =	vadd.f32 v7, v6;
	v7 =	vmul.f32 v14, v14;
	v14 =	vld [tilespmem:s7+$0x320];
	v3 =	vadd.f32 v11, v3  }
0x1d5: {  	v4 =	vadd.f32 v8, v4;
	v5 =	vadd.f32 v10, v5;
	v8 =	vmul.f32 v10, v10;
	v10 =	vld [tilespmem:s7+$0x330]  }
0x1d6: {  	v6 =	vadd.f32 v7, v6;
	v7 =	vmul.f32 v11, v11;
	v11 =	vld [tilespmem:s7+$0x340];
	v3 =	vadd.f32 v13, v3  }
0x1d7: {  	v4 =	vadd.f32 v8, v4;
	v5 =	vadd.f32 v9, v5;
	v8 =	vmul.f32 v9, v9;
	v9 =	vld [tilespmem:s7+$0x350]  }
0x1d8: {  	v6 =	vadd.f32 v7, v6;
	v7 =	vmul.f32 v13, v13;
	v13 =	vld [tilespmem:s7+$0x360];
	v3 =	vadd.f32 v12, v3  }
0x1d9: {  	v4 =	vadd.f32 v8, v4;
	v5 =	vadd.f32 v14, v5;
	v8 =	vmul.f32 v14, v14;
	v14 =	vld [tilespmem:s7+$0x370]  }
0x1da: {  	v6 =	vadd.f32 v7, v6;
	v7 =	vmul.f32 v12, v12;
	v12 =	vld [tilespmem:s7+$0x380];
	v3 =	vadd.f32 v10, v3  }
0x1db: {  	v15 =	vld [tilespmem:s7+$0x390];
	v4 =	vadd.f32 v8, v4;
	v5 =	vadd.f32 v11, v5;
	v8 =	vmul.f32 v11, v11  }
0x1dc: {  	v11 =	vld [tilespmem:s7+$0x3A0];
	v6 =	vadd.f32 v7, v6;
	v7 =	vmul.f32 v10, v10;
	v3 =	vadd.f32 v9, v3  }
0x1dd: {  	v4 =	vadd.f32 v8, v4;
	v5 =	vadd.f32 v13, v5;
	v8 =	vmul.f32 v13, v13  }
0x1de: {  	s4 =	sadd.s32 $0x3C, s8;
	v10 =	vld [tilespmem:s7+$0x3B0];
	v6 =	vadd.f32 v7, v6;
	v7 =	vmul.f32 v9, v9;
	v3 =	vadd.f32 v14, v3  }
0x1df: {  	s19 =	sadd.s32 $0x10, s4;
	v4 =	vadd.f32 v8, v4;
	v5 =	vadd.f32 v12, v5;
	v8 =	vmul.f32 v12, v12  }
0x1e0: {  	s20 =	sadd.s32 $0x3C, s29;
	s9 =	sand.u32 $0x4, s4;
	s7 =	sand.u32 $0x7F8, s19;
	v6 =	vadd.f32 v7, v6;
	v7 =	vmul.f32 v14, v14;
	v3 =	vadd.f32 v15, v3  }
0x1e1: {  	s21 =	sadd.s32 $0x20, s4;
	s7 =	sor.u32 s9, s7;
	v9 =	vld [tilespmem:s20+$0x0];
	v4 =	vadd.f32 v8, v4;
	v5 =	vadd.f32 v11, v5;
	v8 =	vmul.f32 v11, v11  }
0x1e2: {  	s4 =	sadd.s32 $0x30, s4;
	s23 =	sand.u32 $0x7F8, s21;
	(v2sf) =	vpush v2, $0x6;
	v12 =	vmul.f32 v15, v15;
	v11 =	vld [tilespmem:s7+$0x16800];
	v6 =	vadd.f32 v7, v6  }
0x1e3: {  	s4 =	sand.u32 $0x7F8, s4;
	s7 =	sor.u32 s9, s23;
	v3 =	vadd.f32 v10, v3;
	v4 =	vadd.f32 v8, v4;
	v5 =	vmul.f32 v5, v5  }
0x1e4: {  	s4 =	sor.u32 s9, s4;
	(v2sf) =	vpush v2, $0x7;
	v7 =	vmul.f32 v10, v10;
	v8 =	vld [tilespmem:s7+$0x16800];
	v6 =	vadd.f32 v12, v6  }
0x1e5: {  	(v2sf) =	vpush v2, $0x8;
	v10 =	vld [tilespmem:s4+$0x16800];
	v3 =	vmul.f32 v3, v3;
	v4 =	vsub.f32 v5, v4  }
0x1e6: {  	(v2sf) =	vpush v2, $0x9;
	v6 =	vadd.f32 v7, v6  }
0x1e7: {  	v5 =	vadd.f32 v11, v9;
	v3 =	vadd.f32 v3, v4  }
0x1e8: {  	(v2sf) =	vpush v2, $0xA  }
0x1e9: {  	v4 =	vadd.f32 v8, v5;
	v3 =	vsub.f32 v3, v6  }
0x1ea: {  	(v2sf) =	vpush v2, $0xB;
	v5 =	vnsel vm0, $0x0, v10  }
0x1eb: {  	(v2sf) =	vpush v2, $0xC;
	v4 =	vadd.f32 v5, v4;
	v3 =	vmul.f32 $5.000000000e-01, v3  }
0x1ec: {  	(v2sf) =	vpush v2, $0xD  }
0x1ed: {  	(v2sf) =	vpush v2, $0xE;
	v3 =	vadd.f32 v4, v3  }
0x1ee: {  	s4 =	spop (v2sf);
	(v2sf) =	vpush v2, $0xF  }
0x1ef: {  	s7 =	spop (v2sf);
	(v2sf) =	vpush v3, $0x0  }
0x1f0: {  	s8 =	spop (v2sf);
	(v2sf) =	vpush v3, $0x1  }
0x1f1: {  	s9 =	spop (v2sf)  }
0x1f2: {  	s10 =	spop (v2sf);
	(v2sf) =	vpush v3, $0x2  }
0x1f3: {  	s19 =	spop (v2sf)  }
0x1f4: {  	s29 =	spop (v2sf);
	(v2sf) =	vpush v3, $0x3  }
0x1f5: {  	s12 =	spop (v2sf)  }
0x1f6: {  	s13 =	spop (v2sf);
	(v2sf) =	vpush v3, $0x4  }
0x1f7: {  	s14 =	spop (v2sf)  }
0x1f8: {  	s15 =	spop (v2sf);
	(v2sf) =	vpush v3, $0x5  }
0x1f9: {  	s17 =	spop (v2sf)  }
0x1fa: {  	s18 =	spop (v2sf);
	(v2sf) =	vpush v3, $0x6  }
0x1fb: {  	s20 =	spop (v2sf)  }
0x1fc: {  	s21 =	spop (v2sf);
	(v2sf) =	vpush v3, $0x7  }
0x1fd: {  	s23 =	spop (v2sf)  }
0x1fe: {  	(v2sf) =	vpush v3, $0x8;
	s24 =	spop (v2sf)  }
0x1ff: {  	s4 =	sadd.f32 s7, s4;
	s7 =	spop (v2sf)  }
0x200: {  	(v2sf) =	vpush v3, $0x9;
	s7 =	sadd.f32 s7, s24  }
0x201: {  	s4 =	sadd.f32 s4, s8;
	s24 =	spop (v2sf)  }
0x202: {  	(v2sf) =	vpush v3, $0xA;
	s7 =	sadd.f32 s7, s24  }
0x203: {  	s4 =	sadd.f32 s4, s9;
	s9 =	spop (v2sf)  }
0x204: {  	(v2sf) =	vpush v3, $0xB;
	s7 =	sadd.f32 s7, s9  }
0x205: {  	s4 =	sadd.f32 s4, s10;
	s24 =	spop (v2sf)  }
0x206: {  	(v2sf) =	vpush v3, $0xC;
	s7 =	sadd.f32 s7, s24  }
0x207: {  	s4 =	sadd.f32 s4, s19;
	s9 =	spop (v2sf)  }
0x208: {  	(v2sf) =	vpush v3, $0xD;
	s7 =	sadd.f32 s7, s9  }
0x209: {  	s4 =	sadd.f32 s4, s29;
	s10 =	spop (v2sf)  }
0x20a: {  	(v2sf) =	vpush v3, $0xE;
	s7 =	sadd.f32 s7, s10  }
0x20b: {  	s4 =	sadd.f32 s4, s12;
	s12 =	spop (v2sf)  }
0x20c: {  	(v2sf) =	vpush v3, $0xF;
	s7 =	sadd.f32 s7, s12  }
0x20d: {  	s4 =	sadd.f32 s4, s13;
	s19 =	spop (v2sf)  }
0x20e: {  	s7 =	sadd.f32 s7, s19  }
0x20f: {  	s4 =	sadd.f32 s4, s14;
	s24 =	spop (v2sf)  }
0x210: {  	s7 =	sadd.f32 s7, s24  }
0x211: {  	s4 =	sadd.f32 s4, s15;
	s9 =	spop (v2sf)  }
0x212: {  	s7 =	sadd.f32 s7, s9  }
0x213: {  	s4 =	sadd.f32 s4, s17;
	s10 =	spop (v2sf)  }
0x214: {  	s7 =	sadd.f32 s7, s10  }
0x215: {  	s4 =	sadd.f32 s4, s18;
	s12 =	spop (v2sf)  }
0x216: {  	s7 =	sadd.f32 s7, s12  }
0x217: {  	s4 =	sadd.f32 s4, s20;
	s13 =	spop (v2sf)  }
0x218: {  	s7 =	sadd.f32 s7, s13  }
0x219: {  	s4 =	sadd.f32 s4, s21;
	s14 =	spop (v2sf)  }
0x21a: {  	v2 =	vld [tilespmem:$0x171A0];
	s7 =	sadd.f32 s7, s14  }
0x21b: {  	s15 =	sadd.f32 s4, s23;
	v3 =	vmov s0;
	s17 =	spop (v2sf)  }
0x21c: {  	vm1 =	veq.s32 v3, v0;
	v3 =	vmov s6;
	s4 =	sadd.f32 s7, s17  }
0x21d: {  	v1 =	vsel vm1, s15, v1;
	vm1 =	veq.s32 v3, v0  }
0x21e: {  	v1 =	vsel vm1, s4, v1  }
0x21f: {  	v1 =	vadd.f32 v2, v1;
	_ =	sdelay $0x1  }
0x220: {  	v1 =	vsub.f32 $0.0e+00, v1;
	_ =	sdelay $0x1  }
0x221: {  	v1 =	vmul.f32 $1.442695020e+00, v1;
	_ =	sdelay $0x1  }
0x222: {  	(erf) = vpow2.f32 v1;
	_ =	sdelay $0x8  }
0x223: {  	v1 =	vpop (erf)  }
0x224: {  	v1 =	vadd.f32 $1.000000000e+00, v1;
	_ =	sdelay $0x1  }
0x225: {  	(erf) = vrcp.f32 v1;
	_ =	sdelay $0x5  }
0x226: {  	p0 =	seq.s32 s22, $0xF  }
0x227: {  	s0 =	smul.u32 @!p0 $0x1E00, s22  }
0x228: {  	s18 =	sshll.u32 s22, $0x5  }
0x229: {  	s0 =	sshra.s32 @!p0 s0, $0x2;
	s4 =	sand.u32 $0x3FFFFFE0, s18;
	v1 =	vpop (erf)  }
0x22a: {  	s6 =	simm.s32 @!p0 $0x78;
	s7 =	simm.s32 @!p0 $0x7800;
	[tilespmem:s4+$0x16FA0] =	vst v1;
	s4 =	sadd.s32 @!p0 $0x780, s0  }
0x22b: {  	[tilespmem:s7], [sflag:$0x1] =	stream.indirect.gather @!p0 [hbm4b:s5+s6], $0x20, s4, s6, $0xb8;
	[tilespmem:$0x171B0] =	vst v63  }
0x22c: {  	s7 =	simm.s32 @!p0 $0x16800  }
0x22d: {  	[tilespmem:s7], [sflag:$0x1] =	stream.indirect.gather @!p0 [hbm4b:s1+s6], $0x1, s4, s6, $0xb8;
	[tilespmem:$0x171B0] =	vst v63  }
0x22e: {  	s4 =	sadd.s32 @!p0 $0x7F8, s0;
	s7 =	simm.s32 @!p0 $0x8700  }
0x22f: {  	[tilespmem:s7], [sflag:$0x1] =	stream.indirect.gather @!p0 [hbm4b:s5+s6], $0x20, s4, s6, $0xb8;
	[tilespmem:$0x171B0] =	vst v63  }
0x230: {  	s7 =	simm.s32 @!p0 $0x16878  }
0x231: {  	[tilespmem:s7], [sflag:$0x1] =	stream.indirect.gather @!p0 [hbm4b:s1+s6], $0x1, s4, s6, $0xb8;
	[tilespmem:$0x171B0] =	vst v63  }
0x232: {  	s4 =	sadd.s32 @!p0 $0x870, s0;
	s7 =	simm.s32 @!p0 $0x9600  }
0x233: {  	[tilespmem:s7], [sflag:$0x1] =	stream.indirect.gather @!p0 [hbm4b:s5+s6], $0x20, s4, s6, $0xb8;
	[tilespmem:$0x171B0] =	vst v63  }
0x234: {  	s7 =	simm.s32 @!p0 $0x168F0  }
0x235: {  	[tilespmem:s7], [sflag:$0x1] =	stream.indirect.gather @!p0 [hbm4b:s1+s6], $0x1, s4, s6, $0xb8;
	[tilespmem:$0x171B0] =	vst v63  }
0x236: {  	s4 =	sadd.s32 @!p0 $0x8E8, s0;
	s7 =	simm.s32 @!p0 $0xA500  }
0x237: {  	[tilespmem:s7], [sflag:$0x1] =	stream.indirect.gather @!p0 [hbm4b:s5+s6], $0x20, s4, s6, $0xb8;
	[tilespmem:$0x171B0] =	vst v63  }
0x238: {  	s7 =	simm.s32 @!p0 $0x16968  }
0x239: {  	[tilespmem:s7], [sflag:$0x1] =	stream.indirect.gather @!p0 [hbm4b:s1+s6], $0x1, s4, s6, $0xb8;
	[tilespmem:$0x171B0] =	vst v63  }
0x23a: {  	s4 =	sadd.s32 @!p0 $0x960, s0;
	s7 =	simm.s32 @!p0 $0xB400  }
0x23b: {  	[tilespmem:s7], [sflag:$0x1] =	stream.indirect.gather @!p0 [hbm4b:s5+s6], $0x20, s4, s6, $0xb8;
	[tilespmem:$0x171B0] =	vst v63  }
0x23c: {  	s7 =	simm.s32 @!p0 $0x169E0  }
0x23d: {  	[tilespmem:s7], [sflag:$0x1] =	stream.indirect.gather @!p0 [hbm4b:s1+s6], $0x1, s4, s6, $0xb8;
	[tilespmem:$0x171B0] =	vst v63  }
0x23e: {  	s4 =	sadd.s32 @!p0 $0x9D8, s0;
	s7 =	simm.s32 @!p0 $0xC300  }
0x23f: {  	[tilespmem:s7], [sflag:$0x1] =	stream.indirect.gather @!p0 [hbm4b:s5+s6], $0x20, s4, s6, $0xb8;
	[tilespmem:$0x171B0] =	vst v63  }
0x240: {  	s7 =	simm.s32 @!p0 $0x16A58  }
0x241: {  	[tilespmem:s7], [sflag:$0x1] =	stream.indirect.gather @!p0 [hbm4b:s1+s6], $0x1, s4, s6, $0xb8;
	[tilespmem:$0x171B0] =	vst v63  }
0x242: {  	s4 =	sadd.s32 @!p0 $0xA50, s0;
	s7 =	simm.s32 @!p0 $0xD200  }
0x243: {  	[tilespmem:s7], [sflag:$0x1] =	stream.indirect.gather @!p0 [hbm4b:s5+s6], $0x20, s4, s6, $0xb8;
	[tilespmem:$0x171B0] =	vst v63  }
0x244: {  	s7 =	simm.s32 @!p0 $0x16AD0  }
0x245: {  	[tilespmem:s7], [sflag:$0x1] =	stream.indirect.gather @!p0 [hbm4b:s1+s6], $0x1, s4, s6, $0xb8;
	[tilespmem:$0x171B0] =	vst v63  }
0x246: {  	s0 =	sadd.s32 @!p0 $0xAC8, s0;
	s4 =	simm.s32 @!p0 $0xE100  }
0x247: {  	[tilespmem:s4], [sflag:$0x1] =	stream.indirect.gather @!p0 [hbm4b:s5+s6], $0x20, s0, s6, $0xb8;
	[tilespmem:$0x171B0] =	vst v63  }
0x248: {  	s4 =	simm.s32 @!p0 $0x16B48  }
0x249: {  	[tilespmem:s4], [sflag:$0x1] =	stream.indirect.gather @!p0 [hbm4b:s1+s6], $0x1, s0, s6, $0xb8;
	[tilespmem:$0x171B0] =	vst v63  }
0x24a: {  	_ =	swait.ge [sflag:s16], $0x7800  }
0x24b: {  	[sflag:s16] =	ssyncset.done $0x0  }
0x24c: {  	[sflag:s16] =	ssyncadd.s32 $0xFFFF8800  }
0x24d: {  	_ =	swait.ge [sflag:s16], $0x3C0  }
0x24e: {  	[sflag:s16] =	ssyncset.done $0x0  }
0x24f: {  	s19 =	simm.s32 $0xF3C0;
	[sflag:s16] =	ssyncadd.s32 $0xFFFFFC40  }
0x250: {  	v2 =	vld [tilespmem:s19+$0xFFFFFC70]  }
0x251: {  	v3 =	vld [tilespmem:s19+$0xFFFFFC50]  }
0x252: {  	v5 =	vld [tilespmem:s19+$0xFFFFFC40]  }
0x253: {  	v4 =	vld [tilespmem:s19+$0xFFFFFCB0]  }
0x254: {  	v6 =	vld [tilespmem:s19+$0xFFFFFC60]  }
0x255: {  	v7 =	vld [tilespmem:s19+$0xFFFFFC90]  }
0x256: {  	v8 =	vld [tilespmem:s19+$0xFFFFFC80]  }
0x257: {  	v9 =	vld [tilespmem:s19+$0xFFFFFCA0];
	v10 =	vadd.f32 $0.0e+00, v5  }
0x258: {  	v11 =	vld [tilespmem:s19+$0xFFFFFCD0];
	v12 =	vadd.f32 $0.0e+00, v3  }
0x259: {  	v13 =	vld [tilespmem:s19+$0xFFFFFCC0];
	v5 =	vmul.f32 v5, v5;
	v14 =	vmul.f32 v6, v6;
	v6 =	vadd.f32 v6, v10  }
0x25a: {  	s7 =	simm.s32 $0xFB40;
	v18 =	vld [tilespmem:s19+$0xFFFFFE60];
	v3 =	vmul.f32 v3, v3;
	v15 =	vmul.f32 v2, v2;
	v2 =	vadd.f32 v2, v12  }
0x25b: {  	v20 =	vld [tilespmem:s7+$0xFFFFFC50];
	v5 =	vadd.f32 v14, v5;
	v14 =	vmul.f32 v8, v8;
	v6 =	vadd.f32 v8, v6  }
0x25c: {  	v12 =	vld [tilespmem:s19+$0xFFFFFCE0];
	v3 =	vadd.f32 v15, v3;
	v15 =	vmul.f32 v7, v7;
	v2 =	vadd.f32 v7, v2  }
0x25d: {  	v10 =	vld [tilespmem:s19+$0xFFFFFCF0];
	v5 =	vadd.f32 v14, v5;
	v14 =	vmul.f32 v9, v9;
	v6 =	vadd.f32 v9, v6  }
0x25e: {  	v16 =	vmul.f32 v4, v4;
	v7 =	vld [tilespmem:s19+$0xFFFFFD00];
	v3 =	vadd.f32 v15, v3;
	v2 =	vadd.f32 v4, v2  }
0x25f: {  	v8 =	vld [tilespmem:s19+$0xFFFFFD10];
	v5 =	vadd.f32 v14, v5;
	v14 =	vmul.f32 v13, v13;
	v6 =	vadd.f32 v13, v6  }
0x260: {  	v15 =	vmul.f32 v11, v11;
	v4 =	vld [tilespmem:s19+$0xFFFFFD20];
	v3 =	vadd.f32 v16, v3;
	v2 =	vadd.f32 v11, v2  }
0x261: {  	v9 =	vld [tilespmem:s19+$0xFFFFFD30];
	v5 =	vadd.f32 v14, v5;
	v14 =	vmul.f32 v12, v12;
	v6 =	vadd.f32 v12, v6  }
0x262: {  	v11 =	vld [tilespmem:s19+$0xFFFFFD40];
	v3 =	vadd.f32 v15, v3;
	v15 =	vmul.f32 v10, v10;
	v2 =	vadd.f32 v10, v2  }
0x263: {  	v13 =	vld [tilespmem:s19+$0xFFFFFD50];
	v5 =	vadd.f32 v14, v5;
	v14 =	vmul.f32 v7, v7;
	v6 =	vadd.f32 v7, v6  }
0x264: {  	v10 =	vld [tilespmem:s19+$0xFFFFFD60];
	v3 =	vadd.f32 v15, v3;
	v15 =	vmul.f32 v8, v8;
	v2 =	vadd.f32 v8, v2  }
0x265: {  	v12 =	vld [tilespmem:s19+$0xFFFFFD70];
	v5 =	vadd.f32 v14, v5;
	v14 =	vmul.f32 v4, v4;
	v4 =	vadd.f32 v4, v6  }
0x266: {  	v8 =	vld [tilespmem:s19+$0xFFFFFD80];
	v3 =	vadd.f32 v15, v3;
	v15 =	vmul.f32 v9, v9;
	v2 =	vadd.f32 v9, v2  }
0x267: {  	v7 =	vld [tilespmem:s19+$0xFFFFFD90];
	v5 =	vadd.f32 v14, v5;
	v14 =	vmul.f32 v11, v11;
	v4 =	vadd.f32 v11, v4  }
0x268: {  	v3 =	vadd.f32 v15, v3;
	v15 =	vmul.f32 v13, v13;
	v11 =	vld [tilespmem:s19+$0xFFFFFDA0];
	v13 =	vadd.f32 v13, v2  }
0x269: {  	v6 =	vld [tilespmem:s19+$0xFFFFFDB0];
	v5 =	vadd.f32 v14, v5;
	v14 =	vmul.f32 v10, v10;
	v10 =	vadd.f32 v10, v4  }
0x26a: {  	v16 =	vld [tilespmem:s19+$0xFFFFFDC0];
	v3 =	vadd.f32 v15, v3;
	v15 =	vmul.f32 v12, v12;
	v12 =	vadd.f32 v12, v13  }
0x26b: {  	v9 =	vld [tilespmem:s19+$0xFFFFFDD0];
	v5 =	vadd.f32 v14, v5;
	v13 =	vmul.f32 v8, v8;
	v8 =	vadd.f32 v8, v10  }
0x26c: {  	v3 =	vadd.f32 v15, v3;
	v14 =	vmul.f32 v7, v7;
	v10 =	vld [tilespmem:s19+$0xFFFFFDE0];
	v7 =	vadd.f32 v7, v12  }
0x26d: {  	v12 =	vld [tilespmem:s19+$0xFFFFFDF0];
	v5 =	vadd.f32 v13, v5;
	v13 =	vmul.f32 v11, v11;
	v8 =	vadd.f32 v11, v8  }
0x26e: {  	v3 =	vadd.f32 v14, v3;
	v14 =	vmul.f32 v6, v6;
	v11 =	vld [tilespmem:s19+$0xFFFFFE00];
	v6 =	vadd.f32 v6, v7  }
0x26f: {  	v15 =	vld [tilespmem:s19+$0xFFFFFE10];
	v5 =	vadd.f32 v13, v5;
	v13 =	vmul.f32 v16, v16;
	v8 =	vadd.f32 v16, v8  }
0x270: {  	v3 =	vadd.f32 v14, v3;
	v16 =	vmul.f32 v9, v9;
	v6 =	vadd.f32 v9, v6;
	v9 =	vld [tilespmem:s19+$0xFFFFFE20]  }
0x271: {  	v5 =	vadd.f32 v13, v5;
	v13 =	vmul.f32 v10, v10;
	v8 =	vadd.f32 v10, v8;
	v10 =	vld [tilespmem:s19+$0xFFFFFE30]  }
0x272: {  	v14 =	vadd.f32 v16, v3;
	v6 =	vadd.f32 v12, v6;
	v16 =	vld [tilespmem:s19+$0xFFFFFE40];
	v12 =	vmul.f32 v12, v12  }
0x273: {  	v13 =	vadd.f32 v13, v5;
	v17 =	vmul.f32 v11, v11;
	v8 =	vadd.f32 v11, v8;
	v11 =	vld [tilespmem:s19+$0xFFFFFE50]  }
0x274: {  	v2 =	vld [tilespmem:s19+$0x3B0];
	v6 =	vadd.f32 v15, v6;
	v12 =	vadd.f32 v12, v14;
	v14 =	vmul.f32 v15, v15  }
0x275: {  	v13 =	vadd.f32 v17, v13;
	v17 =	vld [tilespmem:s19+$0xFFFFFE70];
	v8 =	vadd.f32 v9, v8;
	v9 =	vmul.f32 v9, v9  }
0x276: {  	v15 =	vld [tilespmem:s19+$0xFFFFFE80];
	v12 =	vadd.f32 v14, v12;
	v6 =	vadd.f32 v10, v6;
	v10 =	vmul.f32 v10, v10  }
0x277: {  	v9 =	vadd.f32 v9, v13;
	v8 =	vadd.f32 v16, v8;
	v13 =	vmul.f32 v16, v16;
	v16 =	vld [tilespmem:s19+$0xFFFFFE90]  }
0x278: {  	v14 =	vld [tilespmem:s19+$0xFFFFFEA0];
	v6 =	vadd.f32 v11, v6;
	v10 =	vadd.f32 v10, v12;
	v11 =	vmul.f32 v11, v11  }
0x279: {  	v9 =	vadd.f32 v13, v9;
	v8 =	vadd.f32 v18, v8;
	v13 =	vmul.f32 v18, v18;
	v18 =	vld [tilespmem:s19+$0xFFFFFEB0]  }
0x27a: {  	v12 =	vld [tilespmem:s19+$0xFFFFFEC0];
	v6 =	vadd.f32 v17, v6;
	v10 =	vadd.f32 v11, v10;
	v11 =	vmul.f32 v17, v17  }
0x27b: {  	v9 =	vadd.f32 v13, v9;
	v8 =	vadd.f32 v15, v8;
	v13 =	vmul.f32 v15, v15;
	v15 =	vld [tilespmem:s19+$0xFFFFFED0]  }
0x27c: {  	v17 =	vld [tilespmem:s19+$0xFFFFFEE0];
	v6 =	vadd.f32 v16, v6;
	v10 =	vadd.f32 v11, v10;
	v11 =	vmul.f32 v16, v16  }
0x27d: {  	v9 =	vadd.f32 v13, v9;
	v8 =	vadd.f32 v14, v8;
	v13 =	vmul.f32 v14, v14;
	v14 =	vld [tilespmem:s19+$0xFFFFFEF0]  }
0x27e: {  	v16 =	vld [tilespmem:s19+$0xFFFFFF00];
	v6 =	vadd.f32 v18, v6;
	v10 =	vadd.f32 v11, v10;
	v11 =	vmul.f32 v18, v18  }
0x27f: {  	v7 =	vld [tilespmem:s19+$0xFFFFFF10];
	v9 =	vadd.f32 v13, v9;
	v8 =	vadd.f32 v12, v8;
	v12 =	vmul.f32 v12, v12  }
0x280: {  	v18 =	vld [tilespmem:s19+$0xFFFFFF20];
	v6 =	vadd.f32 v15, v6;
	v10 =	vadd.f32 v11, v10;
	v11 =	vmul.f32 v15, v15  }
0x281: {  	v13 =	vld [tilespmem:s19+$0xFFFFFF30];
	v9 =	vadd.f32 v12, v9;
	v8 =	vadd.f32 v17, v8;
	v12 =	vmul.f32 v17, v17  }
0x282: {  	v17 =	vld [tilespmem:s19+$0xFFFFFF40];
	v15 =	vadd.f32 v14, v6;
	v10 =	vadd.f32 v11, v10;
	v11 =	vmul.f32 v14, v14  }
0x283: {  	v9 =	vadd.f32 v12, v9;
	v8 =	vadd.f32 v16, v8;
	v12 =	vmul.f32 v16, v16;
	v16 =	vld [tilespmem:s19+$0xFFFFFF50]  }
0x284: {  	v14 =	vadd.f32 v7, v15;
	v15 =	vld [tilespmem:s19+$0xFFFFFF60];
	v7 =	vmul.f32 v7, v7;
	v10 =	vadd.f32 v11, v10  }
0x285: {  	v9 =	vadd.f32 v12, v9;
	v8 =	vadd.f32 v18, v8;
	v12 =	vmul.f32 v18, v18;
	v18 =	vld [tilespmem:s19+$0xFFFFFF70]  }
0x286: {  	v11 =	vadd.f32 v13, v14;
	v14 =	vld [tilespmem:s19+$0xFFFFFF80]  }
0x287: {  	v3 =	vmul.f32 v2, v2;
	v7 =	vadd.f32 v7, v10;
	v10 =	vmul.f32 v13, v13;
	v13 =	vld [tilespmem:s19+$0xFFFFFFA0]  }
0x288: {  	v19 =	vmul.f32 v17, v17;
	v9 =	vadd.f32 v12, v9;
	v8 =	vadd.f32 v17, v8;
	v12 =	vld [tilespmem:s19+$0xFFFFFF90]  }
0x289: {  	v17 =	vld [tilespmem:s19+$0xFFFFFFB0];
	v11 =	vadd.f32 v16, v11;
	v7 =	vadd.f32 v10, v7;
	v10 =	vmul.f32 v16, v16  }
0x28a: {  	v16 =	vld [tilespmem:s19+$0xFFFFFFC0];
	v9 =	vadd.f32 v19, v9;
	v8 =	vadd.f32 v15, v8;
	v15 =	vmul.f32 v15, v15  }
0x28b: {  	v19 =	vld [tilespmem:s7+$0xFFFFFC70];
	v11 =	vadd.f32 v18, v11;
	v7 =	vadd.f32 v10, v7;
	v10 =	vmul.f32 v18, v18  }
0x28c: {  	v9 =	vadd.f32 v15, v9;
	v8 =	vadd.f32 v14, v8;
	v14 =	vmul.f32 v14, v14;
	v15 =	vld [tilespmem:s19+$0xFFFFFFD0]  }
0x28d: {  	v18 =	vld [tilespmem:s19+$0xFFFFFFE0];
	v11 =	vadd.f32 v12, v11;
	v7 =	vadd.f32 v10, v7;
	v10 =	vmul.f32 v12, v12  }
0x28e: {  	v9 =	vadd.f32 v14, v9;
	v8 =	vadd.f32 v13, v8;
	v13 =	vmul.f32 v13, v13;
	v14 =	vld [tilespmem:s19+$0xFFFFFFF0]  }
0x28f: {  	v12 =	vld [tilespmem:s19+$0x0];
	v11 =	vadd.f32 v17, v11;
	v7 =	vadd.f32 v10, v7;
	v10 =	vmul.f32 v17, v17  }
0x290: {  	v9 =	vadd.f32 v13, v9;
	v8 =	vadd.f32 v16, v8;
	v13 =	vmul.f32 v16, v16;
	v16 =	vld [tilespmem:s19+$0x10]  }
0x291: {  	v17 =	vld [tilespmem:s19+$0x20];
	v11 =	vadd.f32 v15, v11;
	v7 =	vadd.f32 v10, v7;
	v10 =	vmul.f32 v15, v15  }
0x292: {  	v9 =	vadd.f32 v13, v9;
	v8 =	vadd.f32 v18, v8;
	v13 =	vmul.f32 v18, v18;
	v18 =	vld [tilespmem:s19+$0x30]  }
0x293: {  	v15 =	vld [tilespmem:s19+$0x40];
	v11 =	vadd.f32 v14, v11;
	v7 =	vadd.f32 v10, v7;
	v10 =	vmul.f32 v14, v14  }
0x294: {  	v9 =	vadd.f32 v13, v9;
	v8 =	vadd.f32 v12, v8;
	v12 =	vmul.f32 v12, v12;
	v13 =	vld [tilespmem:s19+$0x50]  }
0x295: {  	v14 =	vld [tilespmem:s19+$0x60];
	v11 =	vadd.f32 v16, v11;
	v7 =	vadd.f32 v10, v7;
	v10 =	vmul.f32 v16, v16  }
0x296: {  	v9 =	vadd.f32 v12, v9;
	v8 =	vadd.f32 v17, v8;
	v12 =	vmul.f32 v17, v17;
	v17 =	vld [tilespmem:s19+$0x70]  }
0x297: {  	v16 =	vld [tilespmem:s19+$0x80];
	v11 =	vadd.f32 v18, v11;
	v7 =	vadd.f32 v10, v7;
	v10 =	vmul.f32 v18, v18  }
0x298: {  	v9 =	vadd.f32 v12, v9;
	v8 =	vadd.f32 v15, v8;
	v12 =	vmul.f32 v15, v15;
	v15 =	vld [tilespmem:s19+$0x90]  }
0x299: {  	v18 =	vld [tilespmem:s19+$0xA0];
	v11 =	vadd.f32 v13, v11;
	v7 =	vadd.f32 v10, v7;
	v10 =	vmul.f32 v13, v13  }
0x29a: {  	v9 =	vadd.f32 v12, v9;
	v8 =	vadd.f32 v14, v8;
	v12 =	vmul.f32 v14, v14;
	v14 =	vld [tilespmem:s19+$0xB0]  }
0x29b: {  	v13 =	vld [tilespmem:s19+$0xC0];
	v11 =	vadd.f32 v17, v11;
	v7 =	vadd.f32 v10, v7;
	v10 =	vmul.f32 v17, v17  }
0x29c: {  	v9 =	vadd.f32 v12, v9;
	v8 =	vadd.f32 v16, v8;
	v12 =	vmul.f32 v16, v16;
	v16 =	vld [tilespmem:s19+$0xD0]  }
0x29d: {  	v17 =	vld [tilespmem:s19+$0xE0];
	v11 =	vadd.f32 v15, v11;
	v7 =	vadd.f32 v10, v7;
	v10 =	vmul.f32 v15, v15  }
0x29e: {  	v9 =	vadd.f32 v12, v9;
	v8 =	vadd.f32 v18, v8;
	v12 =	vmul.f32 v18, v18;
	v18 =	vld [tilespmem:s19+$0xF0]  }
0x29f: {  	v15 =	vld [tilespmem:s19+$0x100];
	v11 =	vadd.f32 v14, v11;
	v7 =	vadd.f32 v10, v7;
	v10 =	vmul.f32 v14, v14  }
0x2a0: {  	v9 =	vadd.f32 v12, v9;
	v8 =	vadd.f32 v13, v8;
	v12 =	vmul.f32 v13, v13;
	v13 =	vld [tilespmem:s19+$0x110]  }
0x2a1: {  	v14 =	vld [tilespmem:s19+$0x120];
	v11 =	vadd.f32 v16, v11;
	v7 =	vadd.f32 v10, v7;
	v10 =	vmul.f32 v16, v16  }
0x2a2: {  	v9 =	vadd.f32 v12, v9;
	v8 =	vadd.f32 v17, v8;
	v12 =	vmul.f32 v17, v17;
	v17 =	vld [tilespmem:s19+$0x130]  }
0x2a3: {  	v16 =	vld [tilespmem:s19+$0x140];
	v11 =	vadd.f32 v18, v11;
	v7 =	vadd.f32 v10, v7;
	v10 =	vmul.f32 v18, v18  }
0x2a4: {  	v9 =	vadd.f32 v12, v9;
	v8 =	vadd.f32 v15, v8;
	v12 =	vmul.f32 v15, v15;
	v15 =	vld [tilespmem:s19+$0x150]  }
0x2a5: {  	v18 =	vld [tilespmem:s19+$0x160];
	v11 =	vadd.f32 v13, v11;
	v7 =	vadd.f32 v10, v7;
	v10 =	vmul.f32 v13, v13  }
0x2a6: {  	v9 =	vadd.f32 v12, v9;
	v8 =	vadd.f32 v14, v8;
	v12 =	vmul.f32 v14, v14;
	v14 =	vld [tilespmem:s19+$0x170]  }
0x2a7: {  	v13 =	vld [tilespmem:s19+$0x180];
	v11 =	vadd.f32 v17, v11;
	v7 =	vadd.f32 v10, v7;
	v10 =	vmul.f32 v17, v17  }
0x2a8: {  	v9 =	vadd.f32 v12, v9;
	v8 =	vadd.f32 v16, v8;
	v12 =	vmul.f32 v16, v16;
	v16 =	vld [tilespmem:s19+$0x190]  }
0x2a9: {  	v17 =	vld [tilespmem:s19+$0x1A0];
	v11 =	vadd.f32 v15, v11;
	v7 =	vadd.f32 v10, v7;
	v10 =	vmul.f32 v15, v15  }
0x2aa: {  	v9 =	vadd.f32 v12, v9;
	v8 =	vadd.f32 v18, v8;
	v12 =	vmul.f32 v18, v18;
	v18 =	vld [tilespmem:s19+$0x1B0]  }
0x2ab: {  	v15 =	vld [tilespmem:s19+$0x1C0];
	v11 =	vadd.f32 v14, v11;
	v7 =	vadd.f32 v10, v7;
	v10 =	vmul.f32 v14, v14  }
0x2ac: {  	v9 =	vadd.f32 v12, v9;
	v8 =	vadd.f32 v13, v8;
	v12 =	vmul.f32 v13, v13;
	v13 =	vld [tilespmem:s19+$0x1D0]  }
0x2ad: {  	v14 =	vld [tilespmem:s19+$0x1E0];
	v11 =	vadd.f32 v16, v11;
	v7 =	vadd.f32 v10, v7;
	v10 =	vmul.f32 v16, v16  }
0x2ae: {  	v9 =	vadd.f32 v12, v9;
	v8 =	vadd.f32 v17, v8;
	v12 =	vmul.f32 v17, v17;
	v17 =	vld [tilespmem:s19+$0x1F0]  }
0x2af: {  	v16 =	vld [tilespmem:s19+$0x200];
	v11 =	vadd.f32 v18, v11;
	v7 =	vadd.f32 v10, v7;
	v10 =	vmul.f32 v18, v18  }
0x2b0: {  	v9 =	vadd.f32 v12, v9;
	v8 =	vadd.f32 v15, v8;
	v12 =	vmul.f32 v15, v15;
	v15 =	vld [tilespmem:s19+$0x210]  }
0x2b1: {  	v18 =	vld [tilespmem:s19+$0x220];
	v11 =	vadd.f32 v13, v11;
	v7 =	vadd.f32 v10, v7;
	v10 =	vmul.f32 v13, v13  }
0x2b2: {  	v9 =	vadd.f32 v12, v9;
	v8 =	vadd.f32 v14, v8;
	v12 =	vmul.f32 v14, v14;
	v14 =	vld [tilespmem:s19+$0x230]  }
0x2b3: {  	v13 =	vld [tilespmem:s19+$0x240];
	v11 =	vadd.f32 v17, v11;
	v7 =	vadd.f32 v10, v7;
	v10 =	vmul.f32 v17, v17  }
0x2b4: {  	v9 =	vadd.f32 v12, v9;
	v8 =	vadd.f32 v16, v8;
	v12 =	vmul.f32 v16, v16;
	v16 =	vld [tilespmem:s19+$0x250]  }
0x2b5: {  	v17 =	vld [tilespmem:s19+$0x260];
	v11 =	vadd.f32 v15, v11;
	v7 =	vadd.f32 v10, v7;
	v10 =	vmul.f32 v15, v15  }
0x2b6: {  	v9 =	vadd.f32 v12, v9;
	v8 =	vadd.f32 v18, v8;
	v12 =	vmul.f32 v18, v18;
	v18 =	vld [tilespmem:s19+$0x270]  }
0x2b7: {  	v15 =	vld [tilespmem:s19+$0x280];
	v11 =	vadd.f32 v14, v11;
	v7 =	vadd.f32 v10, v7;
	v10 =	vmul.f32 v14, v14  }
0x2b8: {  	v9 =	vadd.f32 v12, v9;
	v8 =	vadd.f32 v13, v8;
	v12 =	vmul.f32 v13, v13;
	v13 =	vld [tilespmem:s19+$0x290]  }
0x2b9: {  	v14 =	vld [tilespmem:s19+$0x2A0];
	v11 =	vadd.f32 v16, v11;
	v7 =	vadd.f32 v10, v7;
	v10 =	vmul.f32 v16, v16  }
0x2ba: {  	v9 =	vadd.f32 v12, v9;
	v8 =	vadd.f32 v17, v8;
	v12 =	vmul.f32 v17, v17;
	v17 =	vld [tilespmem:s19+$0x2B0]  }
0x2bb: {  	v16 =	vld [tilespmem:s19+$0x2C0];
	v11 =	vadd.f32 v18, v11;
	v7 =	vadd.f32 v10, v7;
	v10 =	vmul.f32 v18, v18  }
0x2bc: {  	v9 =	vadd.f32 v12, v9;
	v8 =	vadd.f32 v15, v8;
	v12 =	vmul.f32 v15, v15;
	v15 =	vld [tilespmem:s19+$0x2D0]  }
0x2bd: {  	v18 =	vld [tilespmem:s19+$0x2E0];
	v11 =	vadd.f32 v13, v11;
	v7 =	vadd.f32 v10, v7;
	v10 =	vmul.f32 v13, v13  }
0x2be: {  	v9 =	vadd.f32 v12, v9;
	v8 =	vadd.f32 v14, v8;
	v12 =	vmul.f32 v14, v14;
	v14 =	vld [tilespmem:s19+$0x2F0]  }
0x2bf: {  	v13 =	vld [tilespmem:s19+$0x300];
	v11 =	vadd.f32 v17, v11;
	v7 =	vadd.f32 v10, v7;
	v10 =	vmul.f32 v17, v17  }
0x2c0: {  	v9 =	vadd.f32 v12, v9;
	v8 =	vadd.f32 v16, v8;
	v12 =	vmul.f32 v16, v16;
	v16 =	vld [tilespmem:s19+$0x310]  }
0x2c1: {  	v17 =	vld [tilespmem:s19+$0x320];
	v11 =	vadd.f32 v15, v11;
	v7 =	vadd.f32 v10, v7;
	v10 =	vmul.f32 v15, v15  }
0x2c2: {  	v9 =	vadd.f32 v12, v9;
	v8 =	vadd.f32 v18, v8;
	v12 =	vmul.f32 v18, v18;
	v18 =	vld [tilespmem:s19+$0x330]  }
0x2c3: {  	v15 =	vld [tilespmem:s19+$0x340];
	v11 =	vadd.f32 v14, v11;
	v7 =	vadd.f32 v10, v7;
	v10 =	vmul.f32 v14, v14  }
0x2c4: {  	v9 =	vadd.f32 v12, v9;
	v8 =	vadd.f32 v13, v8;
	v12 =	vmul.f32 v13, v13;
	v13 =	vld [tilespmem:s19+$0x350]  }
0x2c5: {  	v14 =	vld [tilespmem:s19+$0x360];
	v11 =	vadd.f32 v16, v11;
	v7 =	vadd.f32 v10, v7;
	v10 =	vmul.f32 v16, v16  }
0x2c6: {  	v9 =	vadd.f32 v12, v9;
	v8 =	vadd.f32 v17, v8;
	v12 =	vmul.f32 v17, v17;
	v17 =	vld [tilespmem:s19+$0x370]  }
0x2c7: {  	v16 =	vld [tilespmem:s19+$0x380];
	v11 =	vadd.f32 v18, v11;
	v10 =	vadd.f32 v10, v7;
	v18 =	vmul.f32 v18, v18  }
0x2c8: {  	v4 =	vld [tilespmem:s19+$0x390];
	v9 =	vadd.f32 v12, v9;
	v8 =	vadd.f32 v15, v8;
	v12 =	vmul.f32 v15, v15  }
0x2c9: {  	s29 =	simm.s32 $0x16BD0;
	v21 =	vmul.f32 v19, v19;
	v15 =	vld [tilespmem:s19+$0x3A0];
	v11 =	vadd.f32 v13, v11;
	v10 =	vadd.f32 v18, v10  }
0x2ca: {  	s20 =	simm.s32 $0x10;
	s0 =	simm.s32 $0x0;
	v6 =	vld [tilespmem:s29+$0x0];
	v9 =	vadd.f32 v12, v9;
	v8 =	vadd.f32 v14, v8;
	v12 =	vmul.f32 v14, v14  }
0x2cb: {  	s4 =	sand.u32 $0x7F8, s20;
	s21 =	sand.u32 $0x4, s0;
	v7 =	vld [tilespmem:s7+$0xFFFFFCB0];
	v13 =	vmul.f32 v13, v13;
	v18 =	vmul.f32 v20, v20;
	v11 =	vadd.f32 v17, v11  }
0x2cc: {  	s4 =	sor.u32 s21, s4;
	v14 =	vld [tilespmem:s7+$0xFFFFFC40];
	v9 =	vadd.f32 v12, v9;
	v8 =	vadd.f32 v16, v8;
	v12 =	vmul.f32 v16, v16  }
0x2cd: {  	v10 =	vadd.f32 v13, v10;
	v13 =	vmul.f32 v17, v17;
	v17 =	vld [tilespmem:s4+$0x16BD0];
	v11 =	vadd.f32 v4, v11  }
0x2ce: {  	s23 =	simm.s32 $0x20;
	v16 =	vld [tilespmem:s7+$0xFFFFFC60];
	v9 =	vadd.f32 v12, v9;
	v12 =	vadd.f32 v15, v8;
	v15 =	vmul.f32 v15, v15  }
0x2cf: {  	s8 =	sand.u32 $0x7F8, s23;
	s24 =	simm.s32 $0x30;
	v5 =	vmul.f32 v4, v4;
	v18 =	vadd.f32 v21, v18;
	v4 =	vld [tilespmem:s7+$0xFFFFFC90];
	v10 =	vadd.f32 v13, v10  }
0x2d0: {  	s8 =	sor.u32 s21, s8;
	s4 =	sand.u32 $0x7F8, s24;
	v8 =	vld [tilespmem:s7+$0xFFFFFC80];
	v2 =	vadd.f32 v2, v11;
	v9 =	vadd.f32 v15, v9;
	v11 =	vmul.f32 v12, v12  }
0x2d1: {  	v1 =	vimm.f32 $0.0e+00;
	s4 =	sor.u32 s21, s4;
	v13 =	vadd.f32 $0.0e+00, v20;
	v5 =	vadd.f32 v5, v10;
	v15 =	vld [tilespmem:s8+$0x16BD0]  }
0x2d2: {  	v62 =	vld [tilespmem:s4+$0x16BD0];
	v12 =	vadd.f32 $0.0e+00, v14;
	v10 =	vmul.f32 v2, v2;
	v9 =	vsub.f32 v11, v9  }
0x2d3: {  	v14 =	vmul.f32 v14, v14;
	v17 =	vadd.f32 v17, v6;
	v22 =	vmul.f32 v16, v16  }
0x2d4: {  	v2 =	vmul.f32 v7, v7;
	v63 =	vadd.f32 v3, v5;
	v5 =	vld [tilespmem:s7+$0xFFFFFCA0];
	v9 =	vadd.f32 v10, v9  }
0x2d5: {  	v11 =	vadd.f32 v19, v13;
	v19 =	vmul.f32 v4, v4;
	v6 =	vadd.f32 v22, v14  }
0x2d6: {  	v3 =	vld [tilespmem:s7+$0xFFFFFCD0];
	v10 =	vmul.f32 v8, v8;
	v13 =	vadd.f32 v15, v17;
	v14 =	vsub.f32 v9, v63  }
0x2d7: {  	s6 =	simm.s32 $0x1;
	s4 =	simm.s32 $0x2;
	s8 =	simm.s32 $0x0;
	v15 =	vadd.f32 v16, v12;
	v12 =	vadd.f32 v19, v18;
	v16 =	vnsel vm0, $0x0, v62;
	v9 =	vld [tilespmem:s7+$0xFFFFFCC0]  }
.LBB2_5:
0x2d8: {  	p0 =	sne.s32 s4, $0xF;
	v4 =	vadd.f32 v4, v11;
	v11 =	vadd.f32 v16, v13;
	v13 =	vmul.f32 $5.000000000e-01, v14  }
0x2d9: {  	v10 =	vadd.f32 v10, v6;
	v8 =	vadd.f32 v8, v15;
	v14 =	vmul.f32 v5, v5;
	v15 =	vld [tilespmem:s7+$0xFFFFFCF0]  }
0x2da: {  	v2 =	vadd.f32 v2, v12;
	v12 =	vld [tilespmem:s7+$0xFFFFFCE0];
	v6 =	vadd.f32 v11, v13  }
0x2db: {  	v4 =	vadd.f32 v7, v4;
	v7 =	vadd.f32 v14, v10;
	v10 =	vmul.f32 v3, v3;
	v11 =	vld [tilespmem:s7+$0xFFFFFD10]  }
0x2dc: {  	v5 =	vadd.f32 v5, v8;
	v8 =	vmul.f32 v9, v9;
	(v2sf) =	vpush v6, $0x0  }
0x2dd: {  	v2 =	vadd.f32 v10, v2;
	v10 =	vld [tilespmem:s7+$0xFFFFFD00];
	(v2sf) =	vpush v6, $0x1  }
0x2de: {  	v3 =	vadd.f32 v3, v4;
	v4 =	vadd.f32 v8, v7;
	v7 =	vmul.f32 v15, v15;
	v8 =	vld [tilespmem:s7+$0xFFFFFD30]  }
0x2df: {  	v5 =	vadd.f32 v9, v5;
	v9 =	vmul.f32 v12, v12;
	v13 =	vld [tilespmem:s7+$0xFFFFFD20];
	(v2sf) =	vpush v6, $0x2  }
0x2e0: {  	v3 =	vadd.f32 v15, v3;
	v2 =	vadd.f32 v7, v2;
	v7 =	vmul.f32 v11, v11  }
0x2e1: {  	v4 =	vadd.f32 v9, v4;
	v9 =	vld [tilespmem:s7+$0xFFFFFD50];
	(v2sf) =	vpush v6, $0x3  }
0x2e2: {  	v5 =	vadd.f32 v12, v5;
	v12 =	vmul.f32 v10, v10;
	v2 =	vadd.f32 v7, v2;
	v7 =	vld [tilespmem:s7+$0xFFFFFD40]  }
0x2e3: {  	v3 =	vadd.f32 v11, v3;
	v11 =	vmul.f32 v8, v8;
	v14 =	vld [tilespmem:s7+$0xFFFFFD70];
	(v2sf) =	vpush v6, $0x4  }
0x2e4: {  	v5 =	vadd.f32 v10, v5;
	v4 =	vadd.f32 v12, v4;
	v10 =	vmul.f32 v13, v13  }
0x2e5: {  	v2 =	vadd.f32 v11, v2;
	v11 =	vld [tilespmem:s7+$0xFFFFFD60];
	(v2sf) =	vpush v6, $0x5  }
0x2e6: {  	v3 =	vadd.f32 v8, v3;
	v4 =	vadd.f32 v10, v4;
	v8 =	vmul.f32 v9, v9;
	v10 =	vld [tilespmem:s7+$0xFFFFFD90]  }
0x2e7: {  	v5 =	vadd.f32 v13, v5;
	v12 =	vmul.f32 v7, v7;
	v13 =	vld [tilespmem:s7+$0xFFFFFD80];
	(v2sf) =	vpush v6, $0x6  }
0x2e8: {  	v3 =	vadd.f32 v9, v3;
	v2 =	vadd.f32 v8, v2;
	v8 =	vmul.f32 v14, v14  }
0x2e9: {  	v4 =	vadd.f32 v12, v4;
	v9 =	vld [tilespmem:s7+$0xFFFFFDB0];
	(v2sf) =	vpush v6, $0x7  }
0x2ea: {  	v5 =	vadd.f32 v7, v5;
	v7 =	vmul.f32 v11, v11;
	v8 =	vadd.f32 v8, v2;
	v12 =	vld [tilespmem:s7+$0xFFFFFDD0]  }
0x2eb: {  	v3 =	vadd.f32 v14, v3;
	v14 =	vmul.f32 v10, v10;
	v15 =	vld [tilespmem:s7+$0xFFFFFDA0];
	s9 =	spop (v2sf);
	(v2sf) =	vpush v6, $0x8  }
0x2ec: {  	v5 =	vadd.f32 v11, v5;
	v4 =	vadd.f32 v7, v4;
	v7 =	vmul.f32 v13, v13;
	v2 =	vld [tilespmem:s7+$0x3B0];
	s10 =	spop (v2sf)  }
0x2ed: {  	v8 =	vadd.f32 v14, v8;
	v11 =	vld [tilespmem:s7+$0xFFFFFDC0];
	s9 =	sadd.f32 s10, s9;
	v14 =	vmov s0;
	(v2sf) =	vpush v6, $0x9;
	s0 =	smov.u32 s6;
	s6 =	smov.u32 s4  }
0x2ee: {  	v3 =	vadd.f32 v10, v3;
	v7 =	vadd.f32 v7, v4;
	v10 =	vmul.f32 v9, v9;
	v4 =	vld [tilespmem:s7+$0x390];
	s10 =	spop (v2sf)  }
0x2ef: {  	v5 =	vadd.f32 v13, v5;
	v13 =	vmul.f32 v12, v12;
	v16 =	vld [tilespmem:s7+$0xFFFFFDE0];
	s9 =	sadd.f32 s9, s10;
	(v2sf) =	vpush v6, $0xA  }
0x2f0: {  	v9 =	vadd.f32 v9, v3;
	v3 =	vmul.f32 v15, v15;
	v8 =	vadd.f32 v10, v8;
	v10 =	vld [tilespmem:s7+$0xFFFFFDF0];
	s10 =	spop (v2sf)  }
0x2f1: {  	vm1 =	veq.s32 v14, v0;
	v5 =	vadd.f32 v15, v5;
	v15 =	vld [tilespmem:s7+$0xFFFFFE00];
	s9 =	sadd.f32 s9, s10;
	(v2sf) =	vpush v6, $0xB  }
0x2f2: {  	v14 =	vadd.f32 v3, v7;
	v17 =	vmul.f32 v11, v11;
	v8 =	vadd.f32 v13, v8;
	v7 =	vld [tilespmem:s7+$0xFFFFFF10];
	s10 =	spop (v2sf)  }
0x2f3: {  	v5 =	vadd.f32 v11, v5;
	v3 =	vmul.f32 v2, v2;
	v11 =	vld [tilespmem:s7+$0xFFFFFE10];
	s9 =	sadd.f32 s9, s10;
	(v2sf) =	vpush v6, $0xC  }
0x2f4: {  	v9 =	vadd.f32 v12, v9;
	v12 =	vadd.f32 v17, v14;
	v13 =	vmul.f32 v16, v16;
	v14 =	vld [tilespmem:s7+$0xFFFFFE20];
	s10 =	spop (v2sf)  }
0x2f5: {  	v16 =	vadd.f32 v16, v5;
	v5 =	vmul.f32 v4, v4;
	v17 =	vld [tilespmem:s7+$0xFFFFFE30];
	s9 =	sadd.f32 s9, s10;
	(v2sf) =	vpush v6, $0xD  }
0x2f6: {  	v9 =	vadd.f32 v10, v9;
	v12 =	vadd.f32 v13, v12;
	v13 =	vmul.f32 v15, v15;
	v18 =	vld [tilespmem:s7+$0xFFFFFE40];
	s10 =	spop (v2sf)  }
0x2f7: {  	v15 =	vadd.f32 v15, v16;
	v16 =	vld [tilespmem:s7+$0xFFFFFE50];
	v19 =	vmul.f32 v7, v7;
	s9 =	sadd.f32 s9, s10;
	(v2sf) =	vpush v6, $0xE  }
0x2f8: {  	v10 =	vmul.f32 v10, v10;
	v9 =	vadd.f32 v11, v9;
	v12 =	vadd.f32 v13, v12;
	v13 =	vld [tilespmem:s7+$0xFFFFFE60];
	s10 =	spop (v2sf)  }
0x2f9: {  	v15 =	vadd.f32 v14, v15;
	v14 =	vmul.f32 v14, v14;
	v20 =	vld [tilespmem:s7+$0xFFFFFE70];
	s9 =	sadd.f32 s9, s10;
	(v2sf) =	vpush v6, $0xF  }
0x2fa: {  	v6 =	vadd.f32 v10, v8;
	v8 =	vmul.f32 v11, v11;
	v9 =	vadd.f32 v17, v9;
	v10 =	vld [tilespmem:s7+$0xFFFFFE80];
	s10 =	spop (v2sf)  }
0x2fb: {  	v11 =	vadd.f32 v14, v12;
	v12 =	vadd.f32 v18, v15;
	v14 =	vmul.f32 v18, v18;
	v15 =	vld [tilespmem:s7+$0xFFFFFE90];
	s9 =	sadd.f32 s9, s10  }
0x2fc: {  	v6 =	vadd.f32 v8, v6;
	v8 =	vmul.f32 v17, v17;
	v9 =	vadd.f32 v16, v9;
	v17 =	vld [tilespmem:s7+$0xFFFFFEA0];
	s10 =	spop (v2sf)  }
0x2fd: {  	v11 =	vadd.f32 v14, v11;
	v12 =	vadd.f32 v13, v12;
	v13 =	vmul.f32 v13, v13;
	v14 =	vld [tilespmem:s7+$0xFFFFFEB0];
	s9 =	sadd.f32 s9, s10  }
0x2fe: {  	v6 =	vadd.f32 v8, v6;
	v8 =	vmul.f32 v16, v16;
	v9 =	vadd.f32 v20, v9;
	v16 =	vld [tilespmem:s7+$0xFFFFFEC0];
	s10 =	spop (v2sf)  }
0x2ff: {  	v11 =	vadd.f32 v13, v11;
	v12 =	vadd.f32 v10, v12;
	v10 =	vmul.f32 v10, v10;
	v13 =	vld [tilespmem:s7+$0xFFFFFED0];
	s9 =	sadd.f32 s9, s10  }
0x300: {  	v6 =	vadd.f32 v8, v6;
	v8 =	vmul.f32 v20, v20;
	v9 =	vadd.f32 v15, v9;
	v18 =	vld [tilespmem:s7+$0xFFFFFEE0];
	s10 =	spop (v2sf)  }
0x301: {  	v10 =	vadd.f32 v10, v11;
	v11 =	vadd.f32 v17, v12;
	v12 =	vmul.f32 v17, v17;
	v17 =	vld [tilespmem:s7+$0xFFFFFEF0];
	s9 =	sadd.f32 s9, s10  }
0x302: {  	v6 =	vadd.f32 v8, v6;
	v8 =	vmul.f32 v15, v15;
	v9 =	vadd.f32 v14, v9;
	v15 =	vld [tilespmem:s7+$0xFFFFFF00];
	s10 =	spop (v2sf)  }
0x303: {  	v10 =	vadd.f32 v12, v10;
	v11 =	vadd.f32 v16, v11;
	v12 =	vmul.f32 v16, v16;
	v16 =	vld [tilespmem:s7+$0xFFFFFF30];
	s9 =	sadd.f32 s9, s10  }
0x304: {  	v6 =	vadd.f32 v8, v6;
	v8 =	vmul.f32 v14, v14;
	v9 =	vadd.f32 v13, v9;
	v14 =	vld [tilespmem:s7+$0xFFFFFF20];
	s10 =	spop (v2sf)  }
0x305: {  	s29 =	sadd.s32 $0x3C, s29;
	v10 =	vadd.f32 v12, v10;
	v11 =	vadd.f32 v18, v11;
	v12 =	vmul.f32 v18, v18;
	v18 =	vld [tilespmem:s7+$0xFFFFFF40];
	s9 =	sadd.f32 s9, s10  }
0x306: {  	v13 =	vmul.f32 v13, v13;
	v8 =	vadd.f32 v8, v6;
	v9 =	vadd.f32 v17, v9;
	v6 =	vld [tilespmem:s29+$0x0];
	s10 =	spop (v2sf)  }
0x307: {  	v10 =	vadd.f32 v12, v10;
	v11 =	vadd.f32 v15, v11;
	v12 =	vmul.f32 v15, v15;
	v15 =	vld [tilespmem:s7+$0xFFFFFF50];
	s9 =	sadd.f32 s9, s10  }
0x308: {  	v8 =	vadd.f32 v13, v8;
	v13 =	vmul.f32 v17, v17;
	v7 =	vadd.f32 v7, v9;
	v9 =	vld [tilespmem:s7+$0xFFFFFF60];
	s10 =	spop (v2sf)  }
0x309: {  	v10 =	vadd.f32 v12, v10;
	v11 =	vadd.f32 v14, v11;
	v12 =	vmul.f32 v14, v14;
	v14 =	vld [tilespmem:s7+$0xFFFFFF70];
	s9 =	sadd.f32 s9, s10  }
0x30a: {  	v8 =	vadd.f32 v13, v8;
	v7 =	vadd.f32 v16, v7;
	v13 =	vmul.f32 v18, v18;
	v17 =	vld [tilespmem:s7+$0xFFFFFF80]  }
0x30b: {  	v10 =	vadd.f32 v12, v10;
	v11 =	vadd.f32 v18, v11;
	v12 =	vld [tilespmem:s7+$0xFFFFFF90];
	v1 =	vsel vm1, s9, v1  }
0x30c: {  	v16 =	vmul.f32 v16, v16;
	v8 =	vadd.f32 v19, v8;
	v7 =	vadd.f32 v15, v7;
	v18 =	vld [tilespmem:s7+$0xFFFFFFA0]  }
0x30d: {  	v10 =	vadd.f32 v13, v10;
	v11 =	vadd.f32 v9, v11;
	v9 =	vmul.f32 v9, v9;
	v13 =	vld [tilespmem:s7+$0xFFFFFFB0]  }
0x30e: {  	v15 =	vmul.f32 v15, v15;
	v8 =	vadd.f32 v16, v8;
	v7 =	vadd.f32 v14, v7;
	v16 =	vld [tilespmem:s7+$0xFFFFFFC0]  }
0x30f: {  	v9 =	vadd.f32 v9, v10;
	v10 =	vadd.f32 v17, v11;
	v11 =	vmul.f32 v17, v17;
	v17 =	vld [tilespmem:s7+$0xFFFFFFD0]  }
0x310: {  	v14 =	vmul.f32 v14, v14;
	v8 =	vadd.f32 v15, v8;
	v7 =	vadd.f32 v12, v7;
	v15 =	vld [tilespmem:s7+$0xFFFFFFE0]  }
0x311: {  	v9 =	vadd.f32 v11, v9;
	v10 =	vadd.f32 v18, v10;
	v11 =	vmul.f32 v18, v18;
	v18 =	vld [tilespmem:s7+$0xFFFFFFF0]  }
0x312: {  	v12 =	vmul.f32 v12, v12;
	v8 =	vadd.f32 v14, v8;
	v7 =	vadd.f32 v13, v7;
	v14 =	vld [tilespmem:s7+$0x0]  }
0x313: {  	v9 =	vadd.f32 v11, v9;
	v10 =	vadd.f32 v16, v10;
	v11 =	vmul.f32 v16, v16;
	v16 =	vld [tilespmem:s7+$0x10]  }
0x314: {  	v8 =	vadd.f32 v12, v8;
	v12 =	vmul.f32 v13, v13;
	v7 =	vadd.f32 v17, v7;
	v13 =	vld [tilespmem:s7+$0x20]  }
0x315: {  	v9 =	vadd.f32 v11, v9;
	v10 =	vadd.f32 v15, v10;
	v11 =	vmul.f32 v15, v15;
	v15 =	vld [tilespmem:s7+$0x30]  }
0x316: {  	v8 =	vadd.f32 v12, v8;
	v12 =	vmul.f32 v17, v17;
	v7 =	vadd.f32 v18, v7;
	v17 =	vld [tilespmem:s7+$0x40]  }
0x317: {  	v9 =	vadd.f32 v11, v9;
	v10 =	vadd.f32 v14, v10;
	v11 =	vmul.f32 v14, v14;
	v14 =	vld [tilespmem:s7+$0x50]  }
0x318: {  	v8 =	vadd.f32 v12, v8;
	v12 =	vmul.f32 v18, v18;
	v7 =	vadd.f32 v16, v7;
	v18 =	vld [tilespmem:s7+$0x60]  }
0x319: {  	v9 =	vadd.f32 v11, v9;
	v10 =	vadd.f32 v13, v10;
	v11 =	vmul.f32 v13, v13;
	v13 =	vld [tilespmem:s7+$0x70]  }
0x31a: {  	v8 =	vadd.f32 v12, v8;
	v12 =	vmul.f32 v16, v16;
	v7 =	vadd.f32 v15, v7;
	v16 =	vld [tilespmem:s7+$0x80]  }
0x31b: {  	v9 =	vadd.f32 v11, v9;
	v10 =	vadd.f32 v17, v10;
	v11 =	vmul.f32 v17, v17;
	v17 =	vld [tilespmem:s7+$0x90]  }
0x31c: {  	v8 =	vadd.f32 v12, v8;
	v12 =	vmul.f32 v15, v15;
	v7 =	vadd.f32 v14, v7;
	v15 =	vld [tilespmem:s7+$0xA0]  }
0x31d: {  	v9 =	vadd.f32 v11, v9;
	v10 =	vadd.f32 v18, v10;
	v11 =	vmul.f32 v18, v18;
	v18 =	vld [tilespmem:s7+$0xB0]  }
0x31e: {  	v8 =	vadd.f32 v12, v8;
	v12 =	vmul.f32 v14, v14;
	v7 =	vadd.f32 v13, v7;
	v14 =	vld [tilespmem:s7+$0xC0]  }
0x31f: {  	v9 =	vadd.f32 v11, v9;
	v10 =	vadd.f32 v16, v10;
	v11 =	vmul.f32 v16, v16;
	v16 =	vld [tilespmem:s7+$0xD0]  }
0x320: {  	v8 =	vadd.f32 v12, v8;
	v12 =	vmul.f32 v13, v13;
	v7 =	vadd.f32 v17, v7;
	v13 =	vld [tilespmem:s7+$0xE0]  }
0x321: {  	v9 =	vadd.f32 v11, v9;
	v10 =	vadd.f32 v15, v10;
	v11 =	vmul.f32 v15, v15;
	v15 =	vld [tilespmem:s7+$0xF0]  }
0x322: {  	v8 =	vadd.f32 v12, v8;
	v12 =	vmul.f32 v17, v17;
	v7 =	vadd.f32 v18, v7;
	v17 =	vld [tilespmem:s7+$0x100]  }
0x323: {  	v9 =	vadd.f32 v11, v9;
	v10 =	vadd.f32 v14, v10;
	v11 =	vmul.f32 v14, v14;
	v14 =	vld [tilespmem:s7+$0x110]  }
0x324: {  	v8 =	vadd.f32 v12, v8;
	v12 =	vmul.f32 v18, v18;
	v7 =	vadd.f32 v16, v7;
	v18 =	vld [tilespmem:s7+$0x120]  }
0x325: {  	v9 =	vadd.f32 v11, v9;
	v10 =	vadd.f32 v13, v10;
	v11 =	vmul.f32 v13, v13;
	v13 =	vld [tilespmem:s7+$0x130]  }
0x326: {  	v8 =	vadd.f32 v12, v8;
	v12 =	vmul.f32 v16, v16;
	v7 =	vadd.f32 v15, v7;
	v16 =	vld [tilespmem:s7+$0x140]  }
0x327: {  	v9 =	vadd.f32 v11, v9;
	v10 =	vadd.f32 v17, v10;
	v11 =	vmul.f32 v17, v17;
	v17 =	vld [tilespmem:s7+$0x150]  }
0x328: {  	v8 =	vadd.f32 v12, v8;
	v12 =	vmul.f32 v15, v15;
	v7 =	vadd.f32 v14, v7;
	v15 =	vld [tilespmem:s7+$0x160]  }
0x329: {  	v9 =	vadd.f32 v11, v9;
	v10 =	vadd.f32 v18, v10;
	v11 =	vmul.f32 v18, v18;
	v18 =	vld [tilespmem:s7+$0x170]  }
0x32a: {  	v8 =	vadd.f32 v12, v8;
	v12 =	vmul.f32 v14, v14;
	v7 =	vadd.f32 v13, v7;
	v14 =	vld [tilespmem:s7+$0x180]  }
0x32b: {  	v9 =	vadd.f32 v11, v9;
	v10 =	vadd.f32 v16, v10;
	v11 =	vmul.f32 v16, v16;
	v16 =	vld [tilespmem:s7+$0x190]  }
0x32c: {  	v8 =	vadd.f32 v12, v8;
	v12 =	vmul.f32 v13, v13;
	v7 =	vadd.f32 v17, v7;
	v13 =	vld [tilespmem:s7+$0x1A0]  }
0x32d: {  	v9 =	vadd.f32 v11, v9;
	v10 =	vadd.f32 v15, v10;
	v11 =	vmul.f32 v15, v15;
	v15 =	vld [tilespmem:s7+$0x1B0]  }
0x32e: {  	v8 =	vadd.f32 v12, v8;
	v12 =	vmul.f32 v17, v17;
	v7 =	vadd.f32 v18, v7;
	v17 =	vld [tilespmem:s7+$0x1C0]  }
0x32f: {  	v9 =	vadd.f32 v11, v9;
	v10 =	vadd.f32 v14, v10;
	v11 =	vmul.f32 v14, v14;
	v14 =	vld [tilespmem:s7+$0x1D0]  }
0x330: {  	v8 =	vadd.f32 v12, v8;
	v12 =	vmul.f32 v18, v18;
	v7 =	vadd.f32 v16, v7;
	v18 =	vld [tilespmem:s7+$0x1E0]  }
0x331: {  	v9 =	vadd.f32 v11, v9;
	v10 =	vadd.f32 v13, v10;
	v11 =	vmul.f32 v13, v13;
	v13 =	vld [tilespmem:s7+$0x1F0]  }
0x332: {  	v8 =	vadd.f32 v12, v8;
	v12 =	vmul.f32 v16, v16;
	v7 =	vadd.f32 v15, v7;
	v16 =	vld [tilespmem:s7+$0x200]  }
0x333: {  	v9 =	vadd.f32 v11, v9;
	v10 =	vadd.f32 v17, v10;
	v11 =	vmul.f32 v17, v17;
	v17 =	vld [tilespmem:s7+$0x210]  }
0x334: {  	v8 =	vadd.f32 v12, v8;
	v12 =	vmul.f32 v15, v15;
	v7 =	vadd.f32 v14, v7;
	v15 =	vld [tilespmem:s7+$0x220]  }
0x335: {  	v9 =	vadd.f32 v11, v9;
	v10 =	vadd.f32 v18, v10;
	v11 =	vmul.f32 v18, v18;
	v18 =	vld [tilespmem:s7+$0x230]  }
0x336: {  	v8 =	vadd.f32 v12, v8;
	v12 =	vmul.f32 v14, v14;
	v7 =	vadd.f32 v13, v7;
	v14 =	vld [tilespmem:s7+$0x240]  }
0x337: {  	v9 =	vadd.f32 v11, v9;
	v10 =	vadd.f32 v16, v10;
	v11 =	vmul.f32 v16, v16;
	v16 =	vld [tilespmem:s7+$0x250]  }
0x338: {  	v8 =	vadd.f32 v12, v8;
	v12 =	vmul.f32 v13, v13;
	v7 =	vadd.f32 v17, v7;
	v13 =	vld [tilespmem:s7+$0x260]  }
0x339: {  	v9 =	vadd.f32 v11, v9;
	v10 =	vadd.f32 v15, v10;
	v11 =	vmul.f32 v15, v15;
	v15 =	vld [tilespmem:s7+$0x270]  }
0x33a: {  	v8 =	vadd.f32 v12, v8;
	v12 =	vmul.f32 v17, v17;
	v7 =	vadd.f32 v18, v7;
	v17 =	vld [tilespmem:s7+$0x280]  }
0x33b: {  	v9 =	vadd.f32 v11, v9;
	v10 =	vadd.f32 v14, v10;
	v11 =	vmul.f32 v14, v14;
	v14 =	vld [tilespmem:s7+$0x290]  }
0x33c: {  	v8 =	vadd.f32 v12, v8;
	v12 =	vmul.f32 v18, v18;
	v7 =	vadd.f32 v16, v7;
	v18 =	vld [tilespmem:s7+$0x2A0]  }
0x33d: {  	v9 =	vadd.f32 v11, v9;
	v10 =	vadd.f32 v13, v10;
	v11 =	vmul.f32 v13, v13;
	v13 =	vld [tilespmem:s7+$0x2B0]  }
0x33e: {  	v8 =	vadd.f32 v12, v8;
	v12 =	vmul.f32 v16, v16;
	v7 =	vadd.f32 v15, v7;
	v16 =	vld [tilespmem:s7+$0x2C0]  }
0x33f: {  	v9 =	vadd.f32 v11, v9;
	v10 =	vadd.f32 v17, v10;
	v11 =	vmul.f32 v17, v17;
	v17 =	vld [tilespmem:s7+$0x2D0]  }
0x340: {  	v8 =	vadd.f32 v12, v8;
	v12 =	vmul.f32 v15, v15;
	v7 =	vadd.f32 v14, v7;
	v15 =	vld [tilespmem:s7+$0x2E0]  }
0x341: {  	v9 =	vadd.f32 v11, v9;
	v10 =	vadd.f32 v18, v10;
	v11 =	vmul.f32 v18, v18;
	v18 =	vld [tilespmem:s7+$0x2F0]  }
0x342: {  	v8 =	vadd.f32 v12, v8;
	v12 =	vmul.f32 v14, v14;
	v7 =	vadd.f32 v13, v7;
	v14 =	vld [tilespmem:s7+$0x300]  }
0x343: {  	v9 =	vadd.f32 v11, v9;
	v10 =	vadd.f32 v16, v10;
	v11 =	vmul.f32 v16, v16;
	v16 =	vld [tilespmem:s7+$0x310]  }
0x344: {  	v8 =	vadd.f32 v12, v8;
	v12 =	vmul.f32 v13, v13;
	v7 =	vadd.f32 v17, v7;
	v13 =	vld [tilespmem:s7+$0x320]  }
0x345: {  	v9 =	vadd.f32 v11, v9;
	v10 =	vadd.f32 v15, v10;
	v11 =	vmul.f32 v15, v15;
	v15 =	vld [tilespmem:s7+$0x330]  }
0x346: {  	v8 =	vadd.f32 v12, v8;
	v12 =	vmul.f32 v17, v17;
	v7 =	vadd.f32 v18, v7;
	v17 =	vld [tilespmem:s7+$0x340]  }
0x347: {  	v9 =	vadd.f32 v11, v9;
	v10 =	vadd.f32 v14, v10;
	v11 =	vmul.f32 v14, v14;
	v14 =	vld [tilespmem:s7+$0x350]  }
0x348: {  	v8 =	vadd.f32 v12, v8;
	v12 =	vmul.f32 v18, v18;
	v7 =	vadd.f32 v16, v7;
	v18 =	vld [tilespmem:s7+$0x360]  }
0x349: {  	v9 =	vadd.f32 v11, v9;
	v10 =	vadd.f32 v13, v10;
	v11 =	vmul.f32 v13, v13;
	v13 =	vld [tilespmem:s7+$0x370]  }
0x34a: {  	v8 =	vadd.f32 v12, v8;
	v12 =	vmul.f32 v16, v16;
	v7 =	vadd.f32 v15, v7;
	v16 =	vld [tilespmem:s7+$0x380]  }
0x34b: {  	v9 =	vadd.f32 v11, v9;
	v10 =	vadd.f32 v17, v10;
	v11 =	vmul.f32 v17, v17;
	v17 =	vld [tilespmem:s7+$0x3A0];
	s7 =	sadd.s32 $0x780, s7  }
0x34c: {  	v8 =	vadd.f32 v12, v8;
	v12 =	vmul.f32 v15, v15;
	v19 =	vld [tilespmem:s7+$0xFFFFFC70];
	v15 =	vadd.f32 v14, v7  }
0x34d: {  	s8 =	sadd.s32 $0x3C, s8;
	v20 =	vld [tilespmem:s7+$0xFFFFFC50];
	v9 =	vadd.f32 v11, v9;
	v10 =	vadd.f32 v18, v10;
	v11 =	vmul.f32 v18, v18  }
0x34e: {  	s9 =	sadd.s32 $0x10, s8;
	v8 =	vadd.f32 v12, v8;
	v12 =	vmul.f32 v14, v14;
	v7 =	vld [tilespmem:s7+$0xFFFFFCB0];
	v14 =	vadd.f32 v13, v15  }
0x34f: {  	s10 =	sand.u32 $0x4, s8;
	s9 =	sand.u32 $0x7F8, s9;
	v15 =	vld [tilespmem:s7+$0xFFFFFC40];
	v9 =	vadd.f32 v11, v9;
	v10 =	vadd.f32 v16, v10;
	v11 =	vmul.f32 v16, v16  }
0x350: {  	s9 =	sor.u32 s10, s9;
	v8 =	vadd.f32 v12, v8;
	v12 =	vmul.f32 v13, v13;
	v16 =	vld [tilespmem:s7+$0xFFFFFC60];
	v13 =	vadd.f32 v4, v14  }
0x351: {  	s12 =	sadd.s32 $0x20, s8;
	v9 =	vadd.f32 v11, v9;
	v10 =	vadd.f32 v17, v10;
	v11 =	vmul.f32 v17, v17;
	v14 =	vld [tilespmem:s9+$0x16BD0]  }
0x352: {  	s12 =	sand.u32 $0x7F8, s12;
	v18 =	vmul.f32 v19, v19;
	s9 =	sadd.s32 $0x30, s8;
	v12 =	vadd.f32 v12, v8;
	v17 =	vmul.f32 v20, v20;
	v4 =	vld [tilespmem:s7+$0xFFFFFC90]  }
0x353: {  	s12 =	sor.u32 s10, s12;
	v2 =	vadd.f32 v2, v13;
	s9 =	sand.u32 $0x7F8, s9;
	v8 =	vld [tilespmem:s7+$0xFFFFFC80];
	v9 =	vadd.f32 v11, v9;
	v10 =	vmul.f32 v10, v10  }
0x354: {  	v11 =	vadd.f32 $0.0e+00, v20;
	s9 =	sor.u32 s10, s9;
	v21 =	vadd.f32 $0.0e+00, v15;
	v13 =	vmul.f32 v15, v15;
	v15 =	vld [tilespmem:s12+$0x16BD0]  }
0x355: {  	v12 =	vadd.f32 v5, v12;
	v20 =	vld [tilespmem:s9+$0x16BD0];
	v9 =	vsub.f32 v10, v9;
	v10 =	vmul.f32 v2, v2  }
.Ltmp1:
0x356: {  	v17 =	vadd.f32 v18, v17;
	v22 =	vmul.f32 v16, v16;
	v14 =	vadd.f32 v14, v6;
	(pc) =	sbr.rel @p0 .LBB2_5-.Ltmp1, $4  }
0x357: {  	v2 =	vmul.f32 v7, v7;
	v12 =	vadd.f32 v3, v12;
	v5 =	vld [tilespmem:s7+$0xFFFFFCA0];
	v9 =	vadd.f32 v10, v9  }
0x358: {  	v11 =	vadd.f32 v19, v11;
	v6 =	vadd.f32 v22, v13;
	v18 =	vmul.f32 v4, v4  }
0x359: {  	v10 =	vmul.f32 v8, v8;
	v3 =	vld [tilespmem:s7+$0xFFFFFCD0];
	v13 =	vadd.f32 v15, v14;
	v14 =	vsub.f32 v9, v12  }
0x35a: {  	s4 =	sadd.s32 $0x1, s4;
	v15 =	vadd.f32 v16, v21;
	v12 =	vadd.f32 v18, v17;
	v9 =	vld [tilespmem:s7+$0xFFFFFCC0];
	v16 =	vnsel vm0, $0x0, v20  }
0x35b: {  	v4 =	vadd.f32 v4, v11  }
0x35c: {  	v28 =	vadd.f32 v16, v13;
	v29 =	vmul.f32 $5.000000000e-01, v14;
	v6 =	vadd.f32 v10, v6  }
0x35d: {  	v31 =	vld [tilespmem:s7+$0xFFFFFCF0];
	v8 =	vadd.f32 v8, v15;
	v30 =	vmul.f32 v5, v5;
	v12 =	vadd.f32 v2, v12  }
0x35e: {  	v32 =	vld [tilespmem:s7+$0xFFFFFCE0];
	v2 =	vadd.f32 v28, v29;
	v4 =	vadd.f32 v7, v4  }
0x35f: {  	v33 =	vmul.f32 v3, v3;
	v6 =	vadd.f32 v30, v6;
	v35 =	vadd.f32 v5, v8  }
0x360: {  	v34 =	vld [tilespmem:s7+$0xFFFFFD10];
	v36 =	vmul.f32 v9, v9;
	(v2sf) =	vpush v2, $0x0;
	v3 =	vadd.f32 v3, v4  }
0x361: {  	v37 =	vld [tilespmem:s7+$0xFFFFFD00];
	v7 =	vadd.f32 v33, v12;
	(v2sf) =	vpush v2, $0x1  }
0x362: {  	v39 =	vmul.f32 v31, v31;
	v5 =	vadd.f32 v9, v35;
	v38 =	vadd.f32 v36, v6  }
0x363: {  	v42 =	vld [tilespmem:s7+$0xFFFFFD20];
	v41 =	vmul.f32 v32, v32;
	(v2sf) =	vpush v2, $0x2;
	v3 =	vadd.f32 v31, v3  }
0x364: {  	v40 =	vld [tilespmem:s7+$0xFFFFFD30];
	v6 =	vadd.f32 v39, v7;
	v5 =	vadd.f32 v32, v5  }
0x365: {  	v44 =	vld [tilespmem:s7+$0xFFFFFD40];
	v43 =	vmul.f32 v34, v34;
	(v2sf) =	vpush v2, $0x3;
	v4 =	vadd.f32 v41, v38  }
0x366: {  	v45 =	vld [tilespmem:s7+$0xFFFFFD50];
	v46 =	vmul.f32 v37, v37;
	v3 =	vadd.f32 v34, v3;
	v5 =	vadd.f32 v37, v5  }
0x367: {  	v48 =	vld [tilespmem:s7+$0xFFFFFD60];
	(v2sf) =	vpush v2, $0x4;
	v6 =	vadd.f32 v43, v6  }
0x368: {  	v49 =	vld [tilespmem:s7+$0xFFFFFD70];
	v50 =	vmul.f32 v42, v42;
	v4 =	vadd.f32 v46, v4;
	v5 =	vadd.f32 v42, v5  }
0x369: {  	v51 =	vld [tilespmem:s7+$0xFFFFFD80];
	(v2sf) =	vpush v2, $0x5;
	v3 =	vadd.f32 v40, v3  }
0x36a: {  	v52 =	vld [tilespmem:s7+$0xFFFFFD90];
	v53 =	vmul.f32 v44, v44;
	v4 =	vadd.f32 v50, v4;
	v5 =	vadd.f32 v44, v5  }
0x36b: {  	v54 =	vld [tilespmem:s7+$0xFFFFFDA0];
	v47 =	vmul.f32 v40, v40;
	(v2sf) =	vpush v2, $0x6;
	v3 =	vadd.f32 v45, v3  }
0x36c: {  	v55 =	vld [tilespmem:s7+$0xFFFFFDB0];
	v56 =	vmul.f32 v48, v48;
	v4 =	vadd.f32 v53, v4;
	v5 =	vadd.f32 v48, v5  }
0x36d: {  	v58 =	vld [tilespmem:s7+$0xFFFFFDC0];
	v57 =	vmul.f32 v45, v45;
	v6 =	vadd.f32 v47, v6;
	v3 =	vadd.f32 v49, v3  }
0x36e: {  	v59 =	vld [tilespmem:s7+$0xFFFFFDD0];
	v60 =	vmul.f32 v51, v51;
	v4 =	vadd.f32 v56, v4;
	v5 =	vadd.f32 v51, v5  }
0x36f: {  	v62 =	vld [tilespmem:s7+$0xFFFFFDE0];
	v61 =	vmul.f32 v49, v49;
	v6 =	vadd.f32 v57, v6;
	v3 =	vadd.f32 v52, v3  }
0x370: {  	v16 =	vld [tilespmem:s7+$0xFFFFFDF0];
	v63 =	vmul.f32 v54, v54;
	v4 =	vadd.f32 v60, v4;
	v5 =	vadd.f32 v54, v5  }
0x371: {  	v18 =	vld [tilespmem:s7+$0xFFFFFE00];
	v17 =	vmul.f32 v52, v52;
	v6 =	vadd.f32 v61, v6;
	v3 =	vadd.f32 v55, v3  }
0x372: {  	v20 =	vld [tilespmem:s7+$0xFFFFFE10];
	v19 =	vmul.f32 v58, v58;
	v4 =	vadd.f32 v63, v4;
	v5 =	vadd.f32 v58, v5  }
0x373: {  	v22 =	vld [tilespmem:s7+$0xFFFFFE20];
	v21 =	vmul.f32 v55, v55;
	v6 =	vadd.f32 v17, v6;
	v3 =	vadd.f32 v59, v3  }
0x374: {  	v24 =	vld [tilespmem:s7+$0xFFFFFE30];
	v23 =	vmul.f32 v62, v62;
	v4 =	vadd.f32 v19, v4;
	v5 =	vadd.f32 v62, v5  }
0x375: {  	v26 =	vld [tilespmem:s7+$0xFFFFFE40];
	v25 =	vmul.f32 v59, v59;
	v6 =	vadd.f32 v21, v6;
	v3 =	vadd.f32 v16, v3  }
0x376: {  	v28 =	vld [tilespmem:s7+$0xFFFFFE50];
	v27 =	vmul.f32 v18, v18;
	v4 =	vadd.f32 v23, v4;
	v5 =	vadd.f32 v18, v5  }
0x377: {  	v30 =	vld [tilespmem:s7+$0xFFFFFE60];
	v29 =	vmul.f32 v16, v16;
	v6 =	vadd.f32 v25, v6;
	v3 =	vadd.f32 v20, v3  }
0x378: {  	v31 =	vmul.f32 v22, v22;
	v32 =	vld [tilespmem:s7+$0xFFFFFE70];
	v4 =	vadd.f32 v27, v4;
	v5 =	vadd.f32 v22, v5  }
0x379: {  	v11 =	vmul.f32 v20, v20;
	v33 =	vld [tilespmem:s7+$0xFFFFFE80];
	v6 =	vadd.f32 v29, v6;
	v3 =	vadd.f32 v24, v3  }
0x37a: {  	v7 =	vmul.f32 v26, v26;
	v34 =	vld [tilespmem:s7+$0xFFFFFE90];
	v4 =	vadd.f32 v31, v4;
	v5 =	vadd.f32 v26, v5  }
0x37b: {  	v10 =	vmul.f32 v24, v24;
	v35 =	vld [tilespmem:s7+$0xFFFFFEA0];
	v6 =	vadd.f32 v11, v6;
	v3 =	vadd.f32 v28, v3  }
0x37c: {  	v36 =	vmul.f32 v30, v30;
	v37 =	vld [tilespmem:s7+$0xFFFFFEB0];
	v4 =	vadd.f32 v7, v4;
	v5 =	vadd.f32 v30, v5  }
0x37d: {  	v8 =	vmul.f32 v28, v28;
	v38 =	vld [tilespmem:s7+$0xFFFFFEC0];
	v6 =	vadd.f32 v10, v6;
	v3 =	vadd.f32 v32, v3  }
0x37e: {  	v39 =	vmul.f32 v33, v33;
	v40 =	vld [tilespmem:s7+$0xFFFFFED0];
	v4 =	vadd.f32 v36, v4;
	v5 =	vadd.f32 v33, v5  }
0x37f: {  	v42 =	vld [tilespmem:s7+$0xFFFFFEE0];
	v41 =	vmul.f32 v32, v32;
	v6 =	vadd.f32 v8, v6;
	v3 =	vadd.f32 v34, v3  }
0x380: {  	v43 =	vmul.f32 v35, v35;
	v44 =	vld [tilespmem:s7+$0xFFFFFEF0];
	v4 =	vadd.f32 v39, v4;
	v5 =	vadd.f32 v35, v5  }
0x381: {  	v46 =	vld [tilespmem:s7+$0xFFFFFF00];
	v45 =	vmul.f32 v34, v34;
	v6 =	vadd.f32 v41, v6;
	v3 =	vadd.f32 v37, v3  }
0x382: {  	v47 =	vld [tilespmem:s7+$0xFFFFFF10];
	v48 =	vmul.f32 v38, v38;
	v4 =	vadd.f32 v43, v4;
	v5 =	vadd.f32 v38, v5  }
0x383: {  	v50 =	vld [tilespmem:s7+$0xFFFFFF20];
	v49 =	vmul.f32 v37, v37;
	v6 =	vadd.f32 v45, v6;
	v3 =	vadd.f32 v40, v3  }
0x384: {  	v52 =	vmul.f32 v42, v42;
	v51 =	vld [tilespmem:s7+$0xFFFFFF30];
	v4 =	vadd.f32 v48, v4;
	v5 =	vadd.f32 v42, v5  }
0x385: {  	v53 =	vld [tilespmem:s7+$0xFFFFFF40];
	v54 =	vmul.f32 v40, v40;
	v6 =	vadd.f32 v49, v6;
	v3 =	vadd.f32 v44, v3  }
0x386: {  	v56 =	vld [tilespmem:s7+$0xFFFFFF50];
	v55 =	vmul.f32 v46, v46;
	v4 =	vadd.f32 v52, v4;
	v5 =	vadd.f32 v46, v5  }
0x387: {  	v57 =	vmul.f32 v44, v44;
	v58 =	vld [tilespmem:s7+$0xFFFFFF60];
	v6 =	vadd.f32 v54, v6;
	v3 =	vadd.f32 v47, v3  }
0x388: {  	v60 =	vld [tilespmem:s7+$0xFFFFFF70];
	v59 =	vmul.f32 v50, v50;
	v4 =	vadd.f32 v55, v4;
	v5 =	vadd.f32 v50, v5  }
0x389: {  	v61 =	vmul.f32 v47, v47;
	v62 =	vld [tilespmem:s7+$0xFFFFFF80];
	v6 =	vadd.f32 v57, v6;
	v3 =	vadd.f32 v51, v3  }
0x38a: {  	v63 =	vmul.f32 v53, v53;
	v18 =	vld [tilespmem:s7+$0xFFFFFF90];
	v4 =	vadd.f32 v59, v4;
	v5 =	vadd.f32 v53, v5  }
0x38b: {  	v19 =	vmul.f32 v51, v51;
	v20 =	vld [tilespmem:s7+$0xFFFFFFA0];
	v6 =	vadd.f32 v61, v6;
	v3 =	vadd.f32 v56, v3  }
0x38c: {  	v21 =	vld [tilespmem:s7+$0xFFFFFFB0];
	v11 =	vmul.f32 v58, v58;
	v4 =	vadd.f32 v63, v4;
	v5 =	vadd.f32 v58, v5  }
0x38d: {  	v9 =	vmul.f32 v56, v56;
	v22 =	vld [tilespmem:s7+$0xFFFFFFC0];
	v6 =	vadd.f32 v19, v6;
	v3 =	vadd.f32 v60, v3  }
0x38e: {  	v23 =	vld [tilespmem:s7+$0xFFFFFFD0];
	v8 =	vmul.f32 v62, v62;
	v4 =	vadd.f32 v11, v4;
	v5 =	vadd.f32 v62, v5  }
0x38f: {  	v25 =	vld [tilespmem:s7+$0xFFFFFFE0];
	v24 =	vmul.f32 v60, v60;
	v6 =	vadd.f32 v9, v6;
	v3 =	vadd.f32 v18, v3  }
0x390: {  	v27 =	vld [tilespmem:s7+$0xFFFFFFF0];
	v26 =	vmul.f32 v20, v20;
	v4 =	vadd.f32 v8, v4;
	v5 =	vadd.f32 v20, v5  }
0x391: {  	v28 =	vld [tilespmem:s7+$0x0];
	v7 =	vmul.f32 v18, v18;
	v6 =	vadd.f32 v24, v6;
	v3 =	vadd.f32 v21, v3  }
0x392: {  	v30 =	vld [tilespmem:s7+$0x10];
	v29 =	vmul.f32 v22, v22;
	v4 =	vadd.f32 v26, v4;
	v5 =	vadd.f32 v22, v5  }
0x393: {  	v31 =	vmul.f32 v21, v21;
	v32 =	vld [tilespmem:s7+$0x20];
	v6 =	vadd.f32 v7, v6;
	v3 =	vadd.f32 v23, v3  }
0x394: {  	v34 =	vld [tilespmem:s7+$0x30];
	v33 =	vmul.f32 v25, v25;
	v4 =	vadd.f32 v29, v4;
	v5 =	vadd.f32 v25, v5  }
0x395: {  	v36 =	vld [tilespmem:s7+$0x40];
	v35 =	vmul.f32 v23, v23;
	v6 =	vadd.f32 v31, v6;
	v3 =	vadd.f32 v27, v3  }
0x396: {  	v37 =	vmul.f32 v28, v28;
	v38 =	vld [tilespmem:s7+$0x50];
	v4 =	vadd.f32 v33, v4;
	v5 =	vadd.f32 v28, v5  }
0x397: {  	v39 =	vmul.f32 v27, v27;
	v40 =	vld [tilespmem:s7+$0x60];
	v6 =	vadd.f32 v35, v6;
	v3 =	vadd.f32 v30, v3  }
0x398: {  	v41 =	vmul.f32 v32, v32;
	v42 =	vld [tilespmem:s7+$0x70];
	v4 =	vadd.f32 v37, v4;
	v5 =	vadd.f32 v32, v5  }
0x399: {  	v43 =	vmul.f32 v30, v30;
	v44 =	vld [tilespmem:s7+$0x80];
	v6 =	vadd.f32 v39, v6;
	v3 =	vadd.f32 v34, v3  }
0x39a: {  	v45 =	vmul.f32 v36, v36;
	v46 =	vld [tilespmem:s7+$0x90];
	v4 =	vadd.f32 v41, v4;
	v5 =	vadd.f32 v36, v5  }
0x39b: {  	v48 =	vld [tilespmem:s7+$0xA0];
	v47 =	vmul.f32 v34, v34;
	v6 =	vadd.f32 v43, v6;
	v3 =	vadd.f32 v38, v3  }
0x39c: {  	v49 =	vmul.f32 v40, v40;
	v50 =	vld [tilespmem:s7+$0xB0];
	v4 =	vadd.f32 v45, v4;
	v5 =	vadd.f32 v40, v5  }
0x39d: {  	v52 =	vld [tilespmem:s7+$0xC0];
	v51 =	vmul.f32 v38, v38;
	v6 =	vadd.f32 v47, v6;
	v3 =	vadd.f32 v42, v3  }
0x39e: {  	v54 =	vld [tilespmem:s7+$0xD0];
	v53 =	vmul.f32 v44, v44;
	v4 =	vadd.f32 v49, v4;
	v5 =	vadd.f32 v44, v5  }
0x39f: {  	v55 =	vmul.f32 v42, v42;
	v56 =	vld [tilespmem:s7+$0xE0];
	v6 =	vadd.f32 v51, v6;
	v3 =	vadd.f32 v46, v3  }
0x3a0: {  	v57 =	vmul.f32 v48, v48;
	v58 =	vld [tilespmem:s7+$0xF0];
	v4 =	vadd.f32 v53, v4;
	v5 =	vadd.f32 v48, v5  }
0x3a1: {  	v59 =	vmul.f32 v46, v46;
	v60 =	vld [tilespmem:s7+$0x100];
	v6 =	vadd.f32 v55, v6;
	v3 =	vadd.f32 v50, v3  }
0x3a2: {  	v61 =	vmul.f32 v52, v52;
	v62 =	vld [tilespmem:s7+$0x110];
	v4 =	vadd.f32 v57, v4;
	v5 =	vadd.f32 v52, v5  }
0x3a3: {  	v16 =	vld [tilespmem:s7+$0x120];
	v63 =	vmul.f32 v50, v50;
	v6 =	vadd.f32 v59, v6;
	v3 =	vadd.f32 v54, v3  }
0x3a4: {  	v18 =	vld [tilespmem:s7+$0x130];
	v17 =	vmul.f32 v56, v56;
	v4 =	vadd.f32 v61, v4;
	v5 =	vadd.f32 v56, v5  }
0x3a5: {  	v19 =	vmul.f32 v54, v54;
	v20 =	vld [tilespmem:s7+$0x140];
	v6 =	vadd.f32 v63, v6;
	v3 =	vadd.f32 v58, v3  }
0x3a6: {  	v21 =	vmul.f32 v60, v60;
	v22 =	vld [tilespmem:s7+$0x150];
	v4 =	vadd.f32 v17, v4;
	v5 =	vadd.f32 v60, v5  }
0x3a7: {  	v24 =	vld [tilespmem:s7+$0x160];
	v23 =	vmul.f32 v58, v58;
	v6 =	vadd.f32 v19, v6;
	v3 =	vadd.f32 v62, v3  }
0x3a8: {  	v26 =	vld [tilespmem:s7+$0x170];
	v25 =	vmul.f32 v16, v16;
	v4 =	vadd.f32 v21, v4;
	v5 =	vadd.f32 v16, v5  }
0x3a9: {  	v27 =	vmul.f32 v62, v62;
	v28 =	vld [tilespmem:s7+$0x180];
	v6 =	vadd.f32 v23, v6;
	v3 =	vadd.f32 v18, v3  }
0x3aa: {  	v29 =	vmul.f32 v20, v20;
	v30 =	vld [tilespmem:s7+$0x190];
	v4 =	vadd.f32 v25, v4;
	v5 =	vadd.f32 v20, v5  }
0x3ab: {  	v31 =	vmul.f32 v18, v18;
	v32 =	vld [tilespmem:s7+$0x1A0];
	v6 =	vadd.f32 v27, v6;
	v3 =	vadd.f32 v22, v3  }
0x3ac: {  	v33 =	vmul.f32 v24, v24;
	v34 =	vld [tilespmem:s7+$0x1B0];
	v4 =	vadd.f32 v29, v4;
	v5 =	vadd.f32 v24, v5  }
0x3ad: {  	v35 =	vmul.f32 v22, v22;
	v36 =	vld [tilespmem:s7+$0x1C0];
	v6 =	vadd.f32 v31, v6;
	v3 =	vadd.f32 v26, v3  }
0x3ae: {  	v38 =	vld [tilespmem:s7+$0x1D0];
	v37 =	vmul.f32 v28, v28;
	v4 =	vadd.f32 v33, v4;
	v5 =	vadd.f32 v28, v5  }
0x3af: {  	v39 =	vmul.f32 v26, v26;
	v40 =	vld [tilespmem:s7+$0x1E0];
	v6 =	vadd.f32 v35, v6;
	v3 =	vadd.f32 v30, v3  }
0x3b0: {  	v42 =	vld [tilespmem:s7+$0x1F0];
	v41 =	vmul.f32 v32, v32;
	v4 =	vadd.f32 v37, v4;
	v5 =	vadd.f32 v32, v5  }
0x3b1: {  	v43 =	vmul.f32 v30, v30;
	v44 =	vld [tilespmem:s7+$0x200];
	v6 =	vadd.f32 v39, v6;
	v3 =	vadd.f32 v34, v3  }
0x3b2: {  	v46 =	vld [tilespmem:s7+$0x210];
	v45 =	vmul.f32 v36, v36;
	v4 =	vadd.f32 v41, v4;
	v5 =	vadd.f32 v36, v5  }
0x3b3: {  	v47 =	vmul.f32 v34, v34;
	v48 =	vld [tilespmem:s7+$0x220];
	v6 =	vadd.f32 v43, v6;
	v3 =	vadd.f32 v38, v3  }
0x3b4: {  	v50 =	vld [tilespmem:s7+$0x230];
	v49 =	vmul.f32 v40, v40;
	v4 =	vadd.f32 v45, v4;
	v5 =	vadd.f32 v40, v5  }
0x3b5: {  	v51 =	vmul.f32 v38, v38;
	v52 =	vld [tilespmem:s7+$0x240];
	v6 =	vadd.f32 v47, v6;
	v3 =	vadd.f32 v42, v3  }
0x3b6: {  	v54 =	vld [tilespmem:s7+$0x250];
	v53 =	vmul.f32 v44, v44;
	v4 =	vadd.f32 v49, v4;
	v5 =	vadd.f32 v44, v5  }
0x3b7: {  	v55 =	vmul.f32 v42, v42;
	v56 =	vld [tilespmem:s7+$0x260];
	v6 =	vadd.f32 v51, v6;
	v3 =	vadd.f32 v46, v3  }
0x3b8: {  	v58 =	vld [tilespmem:s7+$0x270];
	v57 =	vmul.f32 v48, v48;
	v4 =	vadd.f32 v53, v4;
	v5 =	vadd.f32 v48, v5  }
0x3b9: {  	v59 =	vmul.f32 v46, v46;
	v60 =	vld [tilespmem:s7+$0x280];
	v6 =	vadd.f32 v55, v6;
	v3 =	vadd.f32 v50, v3  }
0x3ba: {  	v62 =	vld [tilespmem:s7+$0x290];
	v61 =	vmul.f32 v52, v52;
	v4 =	vadd.f32 v57, v4;
	v5 =	vadd.f32 v52, v5  }
0x3bb: {  	v63 =	vmul.f32 v50, v50;
	v16 =	vld [tilespmem:s7+$0x2A0];
	v6 =	vadd.f32 v59, v6;
	v3 =	vadd.f32 v54, v3  }
0x3bc: {  	v18 =	vld [tilespmem:s7+$0x2B0];
	v17 =	vmul.f32 v56, v56;
	v4 =	vadd.f32 v61, v4;
	v5 =	vadd.f32 v56, v5  }
0x3bd: {  	v19 =	vmul.f32 v54, v54;
	v20 =	vld [tilespmem:s7+$0x2C0];
	v6 =	vadd.f32 v63, v6;
	v3 =	vadd.f32 v58, v3  }
0x3be: {  	v22 =	vld [tilespmem:s7+$0x2D0];
	v21 =	vmul.f32 v60, v60;
	v4 =	vadd.f32 v17, v4;
	v5 =	vadd.f32 v60, v5  }
0x3bf: {  	v23 =	vmul.f32 v58, v58;
	v24 =	vld [tilespmem:s7+$0x2E0];
	v6 =	vadd.f32 v19, v6;
	v3 =	vadd.f32 v62, v3  }
0x3c0: {  	v26 =	vld [tilespmem:s7+$0x2F0];
	v25 =	vmul.f32 v16, v16;
	v4 =	vadd.f32 v21, v4;
	v5 =	vadd.f32 v16, v5  }
0x3c1: {  	v27 =	vmul.f32 v62, v62;
	v28 =	vld [tilespmem:s7+$0x300];
	v6 =	vadd.f32 v23, v6;
	v3 =	vadd.f32 v18, v3  }
0x3c2: {  	v30 =	vld [tilespmem:s7+$0x310];
	v29 =	vmul.f32 v20, v20;
	v4 =	vadd.f32 v25, v4;
	v5 =	vadd.f32 v20, v5  }
0x3c3: {  	v31 =	vmul.f32 v18, v18;
	v32 =	vld [tilespmem:s7+$0x320];
	v6 =	vadd.f32 v27, v6;
	v3 =	vadd.f32 v22, v3  }
0x3c4: {  	v34 =	vld [tilespmem:s7+$0x330];
	v33 =	vmul.f32 v24, v24;
	v4 =	vadd.f32 v29, v4;
	v5 =	vadd.f32 v24, v5  }
0x3c5: {  	v35 =	vmul.f32 v22, v22;
	v36 =	vld [tilespmem:s7+$0x340];
	v6 =	vadd.f32 v31, v6;
	v3 =	vadd.f32 v26, v3  }
0x3c6: {  	v38 =	vld [tilespmem:s7+$0x350];
	v37 =	vmul.f32 v28, v28;
	v4 =	vadd.f32 v33, v4;
	v5 =	vadd.f32 v28, v5  }
0x3c7: {  	v39 =	vmul.f32 v26, v26;
	v40 =	vld [tilespmem:s7+$0x360];
	v6 =	vadd.f32 v35, v6;
	v3 =	vadd.f32 v30, v3  }
0x3c8: {  	v42 =	vld [tilespmem:s7+$0x370];
	v41 =	vmul.f32 v32, v32;
	v4 =	vadd.f32 v37, v4;
	v5 =	vadd.f32 v32, v5  }
0x3c9: {  	v43 =	vmul.f32 v30, v30;
	v44 =	vld [tilespmem:s7+$0x380];
	v6 =	vadd.f32 v39, v6;
	v3 =	vadd.f32 v34, v3  }
0x3ca: {  	v45 =	vld [tilespmem:s7+$0x390];
	v46 =	vmul.f32 v36, v36;
	v4 =	vadd.f32 v41, v4;
	v5 =	vadd.f32 v36, v5  }
0x3cb: {  	v47 =	vld [tilespmem:s7+$0x3A0];
	v48 =	vmul.f32 v34, v34;
	v6 =	vadd.f32 v43, v6;
	v3 =	vadd.f32 v38, v3  }
0x3cc: {  	s4 =	sadd.s32 $0x3C, s8;
	v49 =	vmul.f32 v40, v40;
	v4 =	vadd.f32 v46, v4;
	v5 =	vadd.f32 v40, v5  }
0x3cd: {  	s20 =	sadd.s32 $0x10, s4;
	v51 =	vmul.f32 v38, v38;
	v50 =	vld [tilespmem:s7+$0x3B0];
	v6 =	vadd.f32 v48, v6;
	v3 =	vadd.f32 v42, v3  }
0x3ce: {  	s21 =	sadd.s32 $0x3C, s29;
	s9 =	sand.u32 $0x4, s4;
	s7 =	sand.u32 $0x7F8, s20;
	v52 =	vmul.f32 v44, v44;
	v4 =	vadd.f32 v49, v4;
	v5 =	vadd.f32 v44, v5  }
0x3cf: {  	v53 =	vld [tilespmem:s21+$0x0];
	s7 =	sor.u32 s9, s7;
	v54 =	vmul.f32 v42, v42;
	v6 =	vadd.f32 v51, v6;
	v3 =	vadd.f32 v45, v3  }
0x3d0: {  	s23 =	sadd.s32 $0x20, s4;
	v55 =	vmul.f32 v47, v47;
	v56 =	vld [tilespmem:s7+$0x16BD0];
	v4 =	vadd.f32 v52, v4;
	v5 =	vadd.f32 v47, v5  }
0x3d1: {  	s4 =	sadd.s32 $0x30, s4;
	s24 =	sand.u32 $0x7F8, s23;
	(v2sf) =	vpush v2, $0x7;
	v57 =	vmul.f32 v45, v45;
	v6 =	vadd.f32 v54, v6  }
0x3d2: {  	s4 =	sand.u32 $0x7F8, s4;
	s7 =	sor.u32 s9, s24;
	v3 =	vadd.f32 v50, v3;
	v4 =	vadd.f32 v55, v4;
	v5 =	vmul.f32 v5, v5  }
0x3d3: {  	s4 =	sor.u32 s9, s4;
	(v2sf) =	vpush v2, $0x8;
	v58 =	vmul.f32 v50, v50;
	v59 =	vld [tilespmem:s7+$0x16BD0]  }
0x3d4: {  	v60 =	vld [tilespmem:s4+$0x16BD0];
	v6 =	vadd.f32 v57, v6;
	v3 =	vmul.f32 v3, v3;
	v4 =	vsub.f32 v5, v4  }
0x3d5: {  	(v2sf) =	vpush v2, $0x9;
	v61 =	vadd.f32 v56, v53  }
0x3d6: {  	v6 =	vadd.f32 v58, v6;
	v3 =	vadd.f32 v3, v4  }
0x3d7: {  	(v2sf) =	vpush v2, $0xA  }
0x3d8: {  	v62 =	vadd.f32 v59, v61;
	v3 =	vsub.f32 v3, v6  }
0x3d9: {  	(v2sf) =	vpush v2, $0xB;
	v63 =	vnsel vm0, $0x0, v60  }
0x3da: {  	(v2sf) =	vpush v2, $0xC;
	v4 =	vadd.f32 v63, v62;
	v3 =	vmul.f32 $5.000000000e-01, v3  }
0x3db: {  	(v2sf) =	vpush v2, $0xD  }
0x3dc: {  	(v2sf) =	vpush v2, $0xE;
	v3 =	vadd.f32 v4, v3  }
0x3dd: {  	s4 =	spop (v2sf);
	(v2sf) =	vpush v2, $0xF  }
0x3de: {  	s7 =	spop (v2sf);
	(v2sf) =	vpush v3, $0x0  }
0x3df: {  	s8 =	spop (v2sf);
	(v2sf) =	vpush v3, $0x1  }
0x3e0: {  	s9 =	spop (v2sf)  }
0x3e1: {  	s10 =	spop (v2sf);
	(v2sf) =	vpush v3, $0x2  }
0x3e2: {  	s12 =	spop (v2sf)  }
0x3e3: {  	s13 =	spop (v2sf);
	(v2sf) =	vpush v3, $0x3  }
0x3e4: {  	s14 =	spop (v2sf)  }
0x3e5: {  	s15 =	spop (v2sf);
	(v2sf) =	vpush v3, $0x4  }
0x3e6: {  	s17 =	spop (v2sf)  }
0x3e7: {  	s18 =	spop (v2sf);
	(v2sf) =	vpush v3, $0x5  }
0x3e8: {  	s19 =	spop (v2sf)  }
0x3e9: {  	s20 =	spop (v2sf);
	(v2sf) =	vpush v3, $0x6  }
0x3ea: {  	s21 =	spop (v2sf)  }
0x3eb: {  	s23 =	spop (v2sf);
	(v2sf) =	vpush v3, $0x7  }
0x3ec: {  	s24 =	spop (v2sf)  }
0x3ed: {  	(v2sf) =	vpush v3, $0x8;
	s29 =	spop (v2sf)  }
0x3ee: {  	s4 =	sadd.f32 s7, s4;
	s7 =	spop (v2sf)  }
0x3ef: {  	(v2sf) =	vpush v3, $0x9;
	s7 =	sadd.f32 s7, s29  }
0x3f0: {  	s4 =	sadd.f32 s4, s8;
	s29 =	spop (v2sf)  }
0x3f1: {  	(v2sf) =	vpush v3, $0xA;
	s7 =	sadd.f32 s7, s29  }
0x3f2: {  	s4 =	sadd.f32 s4, s9;
	s29 =	spop (v2sf)  }
0x3f3: {  	(v2sf) =	vpush v3, $0xB;
	s7 =	sadd.f32 s7, s29  }
0x3f4: {  	s4 =	sadd.f32 s4, s10;
	s9 =	spop (v2sf)  }
0x3f5: {  	(v2sf) =	vpush v3, $0xC;
	s7 =	sadd.f32 s7, s9  }
0x3f6: {  	s4 =	sadd.f32 s4, s12;
	s10 =	spop (v2sf)  }
0x3f7: {  	(v2sf) =	vpush v3, $0xD;
	s7 =	sadd.f32 s7, s10  }
0x3f8: {  	s4 =	sadd.f32 s4, s13;
	s12 =	spop (v2sf)  }
0x3f9: {  	(v2sf) =	vpush v3, $0xE;
	s7 =	sadd.f32 s7, s12  }
0x3fa: {  	s4 =	sadd.f32 s4, s14;
	s13 =	spop (v2sf)  }
0x3fb: {  	(v2sf) =	vpush v3, $0xF;
	s7 =	sadd.f32 s7, s13  }
0x3fc: {  	s4 =	sadd.f32 s4, s15;
	s14 =	spop (v2sf)  }
0x3fd: {  	s7 =	sadd.f32 s7, s14  }
0x3fe: {  	s4 =	sadd.f32 s4, s17;
	s15 =	spop (v2sf)  }
0x3ff: {  	s7 =	sadd.f32 s7, s15  }
0x400: {  	s4 =	sadd.f32 s4, s18;
	s17 =	spop (v2sf)  }
0x401: {  	s7 =	sadd.f32 s7, s17  }
0x402: {  	s4 =	sadd.f32 s4, s19;
	s18 =	spop (v2sf)  }
0x403: {  	s7 =	sadd.f32 s7, s18  }
0x404: {  	s4 =	sadd.f32 s4, s20;
	s19 =	spop (v2sf)  }
0x405: {  	s7 =	sadd.f32 s7, s19  }
0x406: {  	s4 =	sadd.f32 s4, s21;
	s20 =	spop (v2sf)  }
0x407: {  	s7 =	sadd.f32 s7, s20  }
0x408: {  	s4 =	sadd.f32 s4, s23;
	s21 =	spop (v2sf)  }
0x409: {  	v2 =	vld [tilespmem:$0x171A0];
	s7 =	sadd.f32 s7, s21  }
0x40a: {  	s23 =	sadd.f32 s4, s24;
	v3 =	vmov s0;
	s24 =	spop (v2sf)  }
0x40b: {  	vm1 =	veq.s32 v3, v0;
	v3 =	vmov s6;
	s4 =	sadd.f32 s7, s24  }
0x40c: {  	v1 =	vsel vm1, s23, v1;
	vm1 =	veq.s32 v3, v0  }
0x40d: {  	v1 =	vsel vm1, s4, v1  }
0x40e: {  	v1 =	vadd.f32 v2, v1;
	_ =	sdelay $0x1  }
0x40f: {  	v1 =	vsub.f32 $0.0e+00, v1;
	_ =	sdelay $0x1  }
0x410: {  	v1 =	vmul.f32 $1.442695020e+00, v1;
	_ =	sdelay $0x1  }
0x411: {  	(erf) = vpow2.f32 v1;
	_ =	sdelay $0x8  }
0x412: {  	v1 =	vpop (erf)  }
0x413: {  	v1 =	vadd.f32 $1.000000000e+00, v1;
	_ =	sdelay $0x1  }
0x414: {  	(erf) = vrcp.f32 v1;
	_ =	sdelay $0x3  }
0x415: {  	s22 =	sadd.s32 $0x1, s22  }
0x416: {  	p0 =	sne.s32 s22, $0x10  }
.Ltmp2:
0x417: {  	_ = 	snop;
	(pc) =	sbr.rel @p0 .LBB2_2-.Ltmp2, $4  }
0x418: {  	_ = 	snop  }
0x419: {  	s29 =	sshll.u32 s25, $0x4  }
0x41a: {  	s0 =	sand.u32 $0x3FFFFFF0, s29;
	v1 =	vpop (erf)  }
0x41b: {  	[tilespmem:s0+$0x16FA0] =	vst v1  }
0x41c: {  	s9 =	simm.s32 $0x0;
	s0 =	rddreg [dreg:$0x7];
	s4 =	simm.s32 $0x16FA0  }
0x41d: {  	[hbm4b:s0+s9] =	stream.linear.scatter [tilespmem:s4], [sflag:$0x3], $0x200, $0x38;
	[tilespmem:$0x171B0] =	vst v63  }
0x41e: {  	s4 =	simm.s32 $0x3  }
0x41f: {  	_ =	swait.ge [sflag:s4], $0x200  }
0x420: {  	s6 =	rddreg [dreg:$0x9]  }
0x421: {  	s29 =	rddreg [dreg:$0x8];
	s6 =	sadd.s32 $0x1, s6  }
0x422: {  	p0 =	sne.s32 s6, s29  }
.Ltmp3:
0x423: {  	_ = 	snop;
	(pc) =	sbr.rel @p0 .LBB2_1-.Ltmp3, $3  }
0x424: {  	_ =	sdelay $0x1  }
0x425: {  	[sflag:s4] =	ssyncset.done $0x0  }
0x426: {  	[sflag:s4] =	ssyncadd.s32 $0xFFFFFE00  }
0x427: {  	_ =	sfence.sel $0x180000  }
0x428: {  	[bflag:$0x0] =	sbarrier.arrive $0xFFFF  }
0x429: {  	_ =	strace $0x90000047  }
0x42a: {  	s0 =	stileid.u32;
	[bflag:$0x2] =	sbarrier.arrive $0xFFFF  }
0x42b: {  	p0 =	sne.s32 s0, $0x0;
	s0 =	rddreg [dreg:$0x5]  }
0x42c: {  	s0 =	sadd.s32 @!p0 $0x100000, s0  }
0x42d: {  	[sflag:s0] =	ssyncadd.tile.s32 @!p0 $0x1;
	_ =	shalt  }
.Lfunc_end2:
_tile_overlayer_lowered:
.L_overlay_start_2:
0x42e: {  	(tag) =	ssettag $0x2  }
0x42f: {  	s0 =	rddreg [dreg:$0x0];
	s2 =	stileid.u32  }
0x430: {  	s1 =	rddreg [dreg:$0x1];
	p0 =	sne.s32 s2, $0x0  }
0x431: {  	s3 =	rddreg [dreg:$0x2];
	[bflag:$0x3] =	sbarrier.arrive $0xFFFF;
	s2 =	simm.s32 @!p0 $0x1C03  }
0x432: {  	[timem:s3], [sflag:s2] =	dma.local @!p0 [hbm:s0], s1  }
0x433: {  	s0 =	simm.s32 @!p0 $0x3  }
0x434: {  	_ =	swait.ge @!p0 [sflag:s0], s1  }
0x435: {  	s1 =	ssub.s32 @!p0 $0x0, s1;
	[sflag:s0] =	ssyncset.done @!p0 $0x0  }
0x436: {  	[sflag:s0] =	ssyncadd.s32 @!p0 s1  }
0x437: {  	[bflag:$0x3] =	sbarrier.arrive $0xFFFF  }
0x438: {  	_ =	shalt  }

</sc_bundles>
